<compile_context>
chip_gen: v7x
topology: tpu7x:2x2x1
jax: 0.10.2.dev20260603
libtpu: 0.0.44.dev20260713+nightly
codegen_flags: <defaults>
</compile_context>

<pallas_src>
import functools

import jax
import jax.numpy as jnp
from jax import lax
from jax.experimental import pallas as pl
from jax.experimental.pallas import tpu as pltpu
from jax.experimental.pallas import tpu_sc as plsc

N_BUS = 10000
N_GEN = 2000
E_BB = 320000
F_IN = 128
D = 128
L = 4

NC = 2
NS = 16
NW = NC * NS
EPW = E_BB // NW
CH = 80
NCHUNK = EPW // CH
NBP = 10240
RPT = NBP // NS
GPAD = 2048
GPW = GPAD // NW
RB = 2000
NRB = N_BUS // RB

_f32 = jnp.float32



def _dot(a, b):
    return jnp.dot(a, b, preferred_element_type=_f32)


def _enc_bus_body(x_ref, m_ref, we_ref, be_ref, wh_ref, bm_ref, h_ref, p_ref):
    x = x_ref[...] * m_ref[...]
    h = jnp.maximum(_dot(x, we_ref[...]) + be_ref[...], 0.0)
    h_ref[...] = h
    p_ref[...] = _dot(h, wh_ref[...]) + bm_ref[...]


def _enc_bus(x, m, we, be, wh, bm):
    return pl.pallas_call(
        _enc_bus_body,
        grid=(NRB,),
        in_specs=[
            pl.BlockSpec((RB, F_IN), lambda i: (i, 0)),
            pl.BlockSpec((RB, F_IN), lambda i: (i, 0)),
            pl.BlockSpec((F_IN, D), lambda i: (0, 0)),
            pl.BlockSpec((1, D), lambda i: (0, 0)),
            pl.BlockSpec((D, D), lambda i: (0, 0)),
            pl.BlockSpec((1, D), lambda i: (0, 0)),
        ],
        out_specs=[
            pl.BlockSpec((RB, D), lambda i: (i, 0)),
            pl.BlockSpec((RB, D), lambda i: (i, 0)),
        ],
        out_shape=[
            jax.ShapeDtypeStruct((N_BUS, D), _f32),
            jax.ShapeDtypeStruct((N_BUS, D), _f32),
        ],
    )(x, m, we, be, wh, bm)


def _enc_gen_body(x_ref, m_ref, we_ref, be_ref, h_ref):
    x = x_ref[...] * m_ref[...]
    h = jnp.maximum(_dot(x, we_ref[...]) + be_ref[...], 0.0)
    h_ref[pl.ds(0, N_GEN), :] = h
    h_ref[pl.ds(N_GEN, GPAD - N_GEN), :] = jnp.zeros((GPAD - N_GEN, D), _f32)


def _enc_gen(x, m, we, be):
    return pl.pallas_call(
        _enc_gen_body,
        grid=(1,),
        in_specs=[
            pl.BlockSpec((N_GEN, F_IN), lambda i: (0, 0)),
            pl.BlockSpec((N_GEN, F_IN), lambda i: (0, 0)),
            pl.BlockSpec((F_IN, D), lambda i: (0, 0)),
            pl.BlockSpec((1, D), lambda i: (0, 0)),
        ],
        out_specs=pl.BlockSpec((GPAD, D), lambda i: (0, 0)),
        out_shape=jax.ShapeDtypeStruct((GPAD, D), _f32),
    )(x, m, we, be)


_ABR = 6400


def _a_body(attr_ref, we_ref, a_ref):
    a_ref[...] = lax.dot_general(
        attr_ref[...], we_ref[...], (((0,), (0,)), ((), ())),
        preferred_element_type=_f32)


def _a_layer(attr_t, wel):
    return pl.pallas_call(
        _a_body,
        grid=(E_BB // _ABR,),
        in_specs=[
            pl.BlockSpec((4, _ABR), lambda j: (0, j)),
            pl.BlockSpec((4, D), lambda j: (0, 0)),
        ],
        out_specs=pl.BlockSpec((_ABR, D), lambda j: (j, 0)),
        out_shape=jax.ShapeDtypeStruct((E_BB, D), _f32),
    )(attr_t, wel)


def _gencnt_body(gd_ref, hg_ref, cnt_ref, ga_ref):
    i = pl.program_id(0)
    base = i * RB
    biota = base + lax.broadcasted_iota(jnp.int32, (RB, 1), 0)
    acc = jnp.zeros((RB, 1), _f32)
    gacc = jnp.zeros((RB, D), _f32)
    for k in range(GPAD // 128):
        row = gd_ref[k, :][None, :]
        m = (biota == row).astype(_f32)
        acc = acc + jnp.sum(m, axis=1, keepdims=True)
        gacc = gacc + _dot(m, hg_ref[pl.ds(k * 128, 128), :])
    cnt_ref[...] = jnp.broadcast_to(acc, (RB, D))
    ga_ref[...] = gacc


def _gencnt_kernel(gd, hgen):
    return pl.pallas_call(
        _gencnt_body,
        grid=(NRB,),
        in_specs=[
            pl.BlockSpec((GPAD // 128, 128), lambda i: (0, 0)),
            pl.BlockSpec((GPAD, D), lambda i: (0, 0)),
        ],
        out_specs=[pl.BlockSpec((RB, D), lambda i: (i, 0))] * 2,
        out_shape=[jax.ShapeDtypeStruct((N_BUS, D), _f32)] * 2,
    )(gd, hgen)


def _layer_core(h_ref, agg_ref, wuh, wua, bu, gam, bet):
    h = h_ref[...]
    agg = agg_ref[0] + agg_ref[1]
    hn = jnp.maximum(_dot(h, wuh[...]) + _dot(agg, wua[...]) + bu[...], 0.0)
    y = h + hn
    mu = jnp.mean(y, axis=-1, keepdims=True)
    var = jnp.mean((y - mu) ** 2, axis=-1, keepdims=True)
    return (y - mu) / jnp.sqrt(var + 1e-5) * gam[...] + bet[...]


def _upd_body(h_ref, agg_ref, r_ref, wuh, wua, bu, gam, bet, wb, whn, bmn,
              ho, ro, po):
    h2 = _layer_core(h_ref, agg_ref, wuh, wua, bu, gam, bet)
    ho[...] = h2
    ro[...] = r_ref[...] + jnp.maximum(_dot(h2, wb[...]), 0.0)
    po[...] = _dot(h2, whn[...]) + bmn[...]


def _upd(h, aggp, r, wuh, wua, bu, gam, bet, wb, whn, bmn):
    row = lambda i: (i, 0)
    rep2 = lambda i: (0, 0)
    agg3 = lambda i: (0, i, 0)
    return pl.pallas_call(
        _upd_body,
        grid=(NRB,),
        in_specs=[
            pl.BlockSpec((RB, D), row),
            pl.BlockSpec((NC, RB, D), agg3),
            pl.BlockSpec((RB, D), row),
            pl.BlockSpec((D, D), rep2),
            pl.BlockSpec((D, D), rep2),
            pl.BlockSpec((1, D), rep2),
            pl.BlockSpec((1, D), rep2),
            pl.BlockSpec((1, D), rep2),
            pl.BlockSpec((D, D), rep2),
            pl.BlockSpec((D, D), rep2),
            pl.BlockSpec((1, D), rep2),
        ],
        out_specs=[pl.BlockSpec((RB, D), row)] * 3,
        out_shape=[jax.ShapeDtypeStruct((N_BUS, D), _f32)] * 3,
    )(h, aggp, r, wuh, wua, bu, gam, bet, wb, whn, bmn)


def _upd_last_body(h_ref, agg_ref, r_ref, wuh, wua, bu, gam, bet, wb,
                   ga_ref, cnt_ref, oo):
    h2 = _layer_core(h_ref, agg_ref, wuh, wua, bu, gam, bet)
    rtot = r_ref[...] + jnp.maximum(_dot(h2, wb[...]), 0.0)
    oo[...] = h2 + ga_ref[...] + cnt_ref[...] * rtot


def _upd_last(h, aggp, r, wuh, wua, bu, gam, bet, wb, genagg_p, cnt_arr):
    row = lambda i: (i, 0)
    rep2 = lambda i: (0, 0)
    agg3 = lambda i: (0, i, 0)
    return pl.pallas_call(
        _upd_last_body,
        grid=(NRB,),
        in_specs=[
            pl.BlockSpec((RB, D), row),
            pl.BlockSpec((NC, RB, D), agg3),
            pl.BlockSpec((RB, D), row),
            pl.BlockSpec((D, D), rep2),
            pl.BlockSpec((D, D), rep2),
            pl.BlockSpec((1, D), rep2),
            pl.BlockSpec((1, D), rep2),
            pl.BlockSpec((1, D), rep2),
            pl.BlockSpec((D, D), rep2),
            pl.BlockSpec((RB, D), row),
            pl.BlockSpec((RB, D), row),
        ],
        out_specs=pl.BlockSpec((RB, D), row),
        out_shape=jax.ShapeDtypeStruct((N_BUS, D), _f32),
    )(h, aggp, r, wuh, wua, bu, gam, bet, wb, genagg_p, cnt_arr)



_NBI = 4
_NBR = 2


def _sc_edge(p, a_l, src_i, dst_i, zeros):
    mesh = plsc.VectorSubcoreMesh(core_axis_name="c", subcore_axis_name="s")

    @functools.partial(
        pl.kernel,
        mesh=mesh,
        out_type=jax.ShapeDtypeStruct((NC, NBP, D), _f32),
        scratch_types=[
            pltpu.VMEM((_NBI, CH), jnp.int32),
            pltpu.VMEM((_NBI, CH), jnp.int32),
            pltpu.VMEM((_NBR * CH, D), _f32),
            pltpu.VMEM((_NBR * CH, D), _f32),
            pltpu.VMEM_SHARED((NBP, D), _f32),
            pltpu.SemaphoreType.DMA,
            pltpu.SemaphoreType.DMA,
            pltpu.SemaphoreType.DMA,
            pltpu.SemaphoreType.DMA,
        ],
    )
    def k(p_hbm, a_hbm, src_hbm, dst_hbm, z_hbm, out_hbm,
          idxs4, idxd4, prow2, arow2, aggsh, s_is, s_id, s_g, s_a):
        c = lax.axis_index("c")
        s = lax.axis_index("s")
        wid = s * NC + c
        base = wid * EPW
        last = NCHUNK - 1

        def is_desc(i, bi):
            off = base + i * CH
            return pltpu.make_async_copy(src_hbm.at[pl.ds(off, CH)],
                                         idxs4.at[bi], s_is)

        def id_desc(i, bi):
            off = base + i * CH
            return pltpu.make_async_copy(dst_hbm.at[pl.ds(off, CH)],
                                         idxd4.at[bi], s_id)

        def g_desc(bi, br):
            return pltpu.make_async_copy(p_hbm.at[idxs4.at[bi]],
                                         prow2.at[pl.ds(br * CH, CH)], s_g)

        def a_desc(i, br):
            off = base + i * CH
            return pltpu.make_async_copy(a_hbm.at[pl.ds(off, CH)],
                                         arow2.at[pl.ds(br * CH, CH)], s_a)

        pltpu.sync_copy(z_hbm.at[pl.ds(s * RPT, RPT)],
                        aggsh.at[pl.ds(s * RPT, RPT)])
        plsc.subcore_barrier()

        is_desc(0, 0).start()
        id_desc(0, 0).start()
        is_desc(1, 1).start()
        id_desc(1, 1).start()
        is_desc(0, 0).wait()
        id_desc(0, 0).wait()
        g_desc(0, 0).start()
        a_desc(0, 0).start()

        def chunk_body(i, carry):
            br = lax.rem(i, _NBR)
            br1 = lax.rem(i + 1, _NBR)
            bi1 = lax.rem(i + 1, _NBI)
            bi2 = lax.rem(i + 2, _NBI)
            ip1 = jnp.minimum(i + 1, last)
            ip2 = jnp.minimum(i + 2, last)

            is_desc(ip2, bi2).start()
            id_desc(ip2, bi2).start()
            is_desc(ip1, bi1).wait()
            id_desc(ip1, bi1).wait()
            g_desc(bi1, br1).start()
            a_desc(ip1, br1).start()
            g_desc(lax.rem(i, _NBI), br).wait()
            a_desc(jnp.minimum(i, last), br).wait()

            eb = br * CH

            @plsc.parallel_loop(eb, eb + CH, unroll=4)
            def _(e):
                for j in range(D // 16):
                    sl = pl.ds(j * 16, 16)
                    prow2[e, sl] = jnp.maximum(
                        prow2[e, sl] + arow2[e, sl], 0.0)
            pltpu.sync_copy(prow2.at[pl.ds(eb, CH)],
                            aggsh.at[idxd4.at[lax.rem(i, _NBI)]], add=True)
            return carry

        lax.fori_loop(0, NCHUNK, chunk_body, 0, unroll=False)

        is_desc(last, (last + 2) % _NBI).wait()
        id_desc(last, (last + 2) % _NBI).wait()
        g_desc((last + 1) % _NBI, (last + 1) % _NBR).wait()
        a_desc(last, (last + 1) % _NBR).wait()


        plsc.subcore_barrier()
        pltpu.sync_copy(aggsh.at[pl.ds(s * RPT, RPT)],
                        out_hbm.at[c, pl.ds(s * RPT, RPT)])

    return k(p, a_l, src_i, dst_i, zeros)



def kernel(x_bus, x_gen, edge_index_bus, edge_attr_bus, edge_index_gen,
           mask_bus, mask_gen, W_enc_bus, b_enc_bus, W_enc_gen, b_enc_gen,
           W_msg, b_msg, W_upd, b_upd, gamma, beta, W_b2g):
    inv_mb = 1.0 - mask_bus.astype(_f32)
    inv_mg = 1.0 - mask_gen.astype(_f32)
    src_i = edge_index_bus[0].astype(jnp.int32)
    dst_i = edge_index_bus[1].astype(jnp.int32)
    g_dst = edge_index_gen[1].astype(jnp.int32)

    W_h = W_msg[:, :F_IN, :]
    W_e = W_msg[:, F_IN:, :]
    Wu_h = W_upd[:, :D, :]
    Wu_a = W_upd[:, D:, :]
    b2 = lambda v: v.reshape(1, -1)

    zeros_hbm = jnp.zeros((NBP, D), _f32)
    zeros_bus = jnp.zeros((N_BUS, D), _f32)
    gd_cnt = jnp.concatenate(
        [g_dst, jnp.full((GPAD - N_GEN,), -1, jnp.int32)]).reshape(
            GPAD // 128, 128)

    h_bus, P = _enc_bus(x_bus, inv_mb, W_enc_bus, b2(b_enc_bus),
                        W_h[0], b2(b_msg[0]))
    h_gen_pad = _enc_gen(x_gen, inv_mg, W_enc_gen, b2(b_enc_gen))
    cnt_arr, genagg = _gencnt_kernel(gd_cnt, h_gen_pad)

    R = zeros_bus
    out = None
    attr_t = edge_attr_bus.T
    A_layers = [_a_layer(attr_t, W_e[l]) for l in range(L)]
    for l in range(L):
        aggp = _sc_edge(P, A_layers[l], src_i, dst_i, zeros_hbm)
        if l < L - 1:
            h_bus, R, P = _upd(h_bus, aggp, R, Wu_h[l], Wu_a[l], b2(b_upd[l]),
                               b2(gamma[l]), b2(beta[l]), W_b2g[l],
                               W_h[l + 1], b2(b_msg[l + 1]))
        else:
            out = _upd_last(h_bus, aggp, R, Wu_h[l], Wu_a[l], b2(b_upd[l]),
                            b2(gamma[l]), b2(beta[l]), W_b2g[l],
                            genagg, cnt_arr)
    return out

# --- scband reference (transcript-rebuilt; emitter-appended) ---
"""Pipeline reference for scband-grid-fmencoder-11605001634025 (READ-ONLY COPY).

The authoritative reference and input builder live on the scoring server;
editing this copy changes nothing except your own understanding.
"""

import jax, jax.numpy as jnp
import numpy as np

N_BUS = 10000
N_GEN = 2000
E_BB = 320000
F_IN = 128
EDGE_DIM = 4
HIDDEN = 16
HEADS = 8
D = HIDDEN * HEADS  # 128
L = 4


def _layernorm(x, g, b):
    mu = jnp.mean(x, axis=-1, keepdims=True)
    var = jnp.mean((x - mu) ** 2, axis=-1, keepdims=True)
    return (x - mu) / jnp.sqrt(var + 1e-5) * g + b


def setup_inputs(seed: int = 0) -> dict:
    key = jax.random.key(seed)
    ks = jax.random.split(key, 32)
    s = 0.05
    inp = {}
    # forward args (flattened x_dict / edge_index_dict / edge_attr_dict / mask_dict)
    inp["x_bus"] = jax.random.normal(ks[0], (N_BUS, F_IN), jnp.float32)
    inp["x_gen"] = jax.random.normal(ks[1], (N_GEN, F_IN), jnp.float32)
    inp["edge_index_bus"] = jax.random.randint(ks[2], (2, E_BB), 0, N_BUS)
    inp["edge_attr_bus"] = jax.random.normal(ks[3], (E_BB, EDGE_DIM), jnp.float32)
    gen_ids = jnp.arange(N_GEN)
    bus_ids = jax.random.randint(ks[4], (N_GEN,), 0, N_BUS)
    inp["edge_index_gen"] = jnp.stack([gen_ids, bus_ids])
    inp["mask_bus"] = jax.random.randint(ks[5], (N_BUS, F_IN), 0, 2).astype(bool)
    inp["mask_gen"] = jax.random.randint(ks[6], (N_GEN, F_IN), 0, 2).astype(bool)
    # learned parameters of the wrapped GNS_heterogeneous model
    inp["W_enc_bus"] = jax.random.normal(ks[7], (F_IN, D), jnp.float32) * s
    inp["b_enc_bus"] = jnp.zeros((D,), jnp.float32)
    inp["W_enc_gen"] = jax.random.normal(ks[8], (F_IN, D), jnp.float32) * s
    inp["b_enc_gen"] = jnp.zeros((D,), jnp.float32)
    inp["W_msg"] = jax.random.normal(ks[9], (L, D + EDGE_DIM, D), jnp.float32) * s
    inp["b_msg"] = jnp.zeros((L, D), jnp.float32)
    inp["W_upd"] = jax.random.normal(ks[10], (L, 2 * D, D), jnp.float32) * s
    inp["b_upd"] = jnp.zeros((L, D), jnp.float32)
    inp["gamma"] = jnp.ones((L, D), jnp.float32)
    inp["beta"] = jnp.zeros((L, D), jnp.float32)
    inp["W_b2g"] = jax.random.normal(ks[11], (L, D, D), jnp.float32) * s
    return inp


def reference(x_bus, x_gen, edge_index_bus, edge_attr_bus, edge_index_gen,
              mask_bus, mask_gen, W_enc_bus, b_enc_bus, W_enc_gen, b_enc_gen,
              W_msg, b_msg, W_upd, b_upd, gamma, beta, W_b2g):
    # mask out values-to-predict, encode both node types
    xb = jnp.where(mask_bus, 0.0, x_bus)
    xg = jnp.where(mask_gen, 0.0, x_gen)
    h_bus = jax.nn.relu(xb @ W_enc_bus + b_enc_bus)
    h_gen = jax.nn.relu(xg @ W_enc_gen + b_enc_gen)
    src = edge_index_bus[0]
    dst = edge_index_bus[1]
    g_src = edge_index_gen[0]
    g_dst = edge_index_gen[1]
    # heterogeneous message-passing layers (GNS-style)
    for l in range(L):
        m_in = jnp.concatenate([h_bus[src], edge_attr_bus], axis=-1)
        m = jax.nn.relu(m_in @ W_msg[l] + b_msg[l])
        agg = jax.ops.segment_sum(m, dst, num_segments=N_BUS)
        u_in = jnp.concatenate([h_bus, agg], axis=-1)
        h_new = jax.nn.relu(u_in @ W_upd[l] + b_upd[l])
        h_bus = _layernorm(h_bus + h_new, gamma[l], beta[l])
        # bus -> gen update along gen-connectivity edges
        g_msg = jax.nn.relu(h_bus[g_dst] @ W_b2g[l])
        h_gen = h_gen + jnp.zeros_like(h_gen).at[g_src].add(g_msg)
    # _aggregate_gen_to_bus (Option C): scatter_add gen embeddings onto parent buses
    h_gen_agg = jax.ops.segment_sum(h_gen, g_dst, num_segments=N_BUS)
    h_merged = h_bus + h_gen_agg
    return h_merged

if __name__ == "__main__":
    import jax
    _d = setup_inputs()
    print(jax.jit(kernel)(*tuple(_d.values())))

</pallas_src>

<mosaic_0001>
#map = affine_map<(d0, d1) -> (0, 0)>
#map1 = affine_map<(d0, d1) -> (0)>
#map2 = affine_map<(d0, d1) -> (0, 0, 0)>
module attributes {stable_mosaic.version = 14 : i64} {
  func.func @k(%arg0: i32, %arg1: i32, %arg2: memref<10000x128xf32, #tpu.memory_space<hbm>>, %arg3: memref<320000x128xf32, #tpu.memory_space<hbm>>, %arg4: memref<320000xi32, #tpu.memory_space<hbm>>, %arg5: memref<320000xi32, #tpu.memory_space<hbm>>, %arg6: memref<10240x128xf32, #tpu.memory_space<hbm>>, %arg7: memref<2x10240x128xf32, #tpu.memory_space<hbm>>, %arg8: memref<4x80xi32, #tpu.memory_space<vmem>>, %arg9: memref<4x80xi32, #tpu.memory_space<vmem>>, %arg10: memref<160x128xf32, #tpu.memory_space<vmem>>, %arg11: memref<160x128xf32, #tpu.memory_space<vmem>>, %arg12: memref<10240x128xf32, #tpu.memory_space<vmem_shared>>, %arg13: memref<!tpu.dma_semaphore, #tpu.memory_space<semaphore_mem>>, %arg14: memref<!tpu.dma_semaphore, #tpu.memory_space<semaphore_mem>>, %arg15: memref<!tpu.dma_semaphore, #tpu.memory_space<semaphore_mem>>, %arg16: memref<!tpu.dma_semaphore, #tpu.memory_space<semaphore_mem>>) attributes {dimension_semantics = [#tpu.dimension_semantics<core_parallel>, #tpu.dimension_semantics<subcore_parallel>], iteration_bounds = array<i64: 2, 16>, scalar_prefetch = 0 : i64, scratch_operands = 9 : i64, tpu.core_type = #tpu.core_type<sc_vector_subcore>, window_params = [{transform_indices = #map}, {transform_indices = #map}, {transform_indices = #map1}, {transform_indices = #map1}, {transform_indices = #map}, {transform_indices = #map2}]} {
    %mul3A = arith.constant 2 : i32
    %mul3A_0 = arith.muli %arg1, %mul3A : i32
    %add3A = arith.addi %mul3A_0, %arg0 : i32
    %mul3A_1 = arith.constant 10000 : i32
    %mul3A_2 = arith.muli %add3A, %mul3A_1 : i32
    %mul3A_3 = arith.constant 640 : i32
    %mul3A_4 = arith.muli %arg1, %mul3A_3 : i32
    %mul3A_5 = arith.constant 640 : i32
    %mul3A_6 = arith.muli %arg1, %mul3A_5 : i32
    "tpu.region"() ({
      %run_scoped3A = tpu.sem_alloc : memref<!tpu.dma_semaphore, #tpu.memory_space<semaphore_mem>>
      %dma_start3A_147 = arith.constant 0 : i32
      %dma_start3A_148 = tpu.memref_slice %arg12[%mul3A_6, %dma_start3A_147] : memref<10240x128xf32, #tpu.memory_space<vmem_shared>> -> memref<640x128xf32, #tpu.memory_space<vmem_shared>>
      %dma_start3A_149 = arith.constant 0 : i32
      %dma_start3A_150 = tpu.memref_slice %arg6[%mul3A_4, %dma_start3A_149] : memref<10240x128xf32, #tpu.memory_space<hbm>> -> memref<640x128xf32, #tpu.memory_space<hbm>>
      tpu.enqueue_dma source(%dma_start3A_150 : memref<640x128xf32, #tpu.memory_space<hbm>>) target(%dma_start3A_148 : memref<640x128xf32, #tpu.memory_space<vmem_shared>>) target_semaphore(%run_scoped3A : memref<!tpu.dma_semaphore, #tpu.memory_space<semaphore_mem>>)
      %dma_wait3A_151 = arith.constant 0 : i32
      %dma_wait3A_152 = tpu.memref_slice %arg12[%mul3A_6, %dma_wait3A_151] : memref<10240x128xf32, #tpu.memory_space<vmem_shared>> -> memref<640x128xf32, #tpu.memory_space<vmem_shared>>
      %dma_wait3A_153 = arith.constant 0 : i32
      %dma_wait3A_154 = tpu.memref_slice %arg6[%mul3A_4, %dma_wait3A_153] : memref<10240x128xf32, #tpu.memory_space<hbm>> -> memref<640x128xf32, #tpu.memory_space<hbm>>
      tpu.wait_dma2 semaphore(%run_scoped3A : memref<!tpu.dma_semaphore, #tpu.memory_space<semaphore_mem>>) src(%dma_wait3A_154 : memref<640x128xf32, #tpu.memory_space<hbm>>) dst(%dma_wait3A_152 : memref<640x128xf32, #tpu.memory_space<vmem_shared>>)
      tpu.yield
    }) : () -> ()
    %barrier3A = arith.constant 0 : index
    tpu.barrier barrier_id(%barrier3A)
    %add3A_7 = arith.constant 0 : i32
    %add3A_8 = arith.addi %mul3A_2, %add3A_7 : i32
    %dma_start3A = arith.constant 0 : i32
    %dma_start3A_9 = arith.constant 0 : i32
    %dma_start3A_10 = tpu.memref_slice %arg8[%dma_start3A, %dma_start3A_9] : memref<4x80xi32, #tpu.memory_space<vmem>> -> memref<1x80xi32, #tpu.memory_space<vmem>>
    %dma_start3A_11 = tpu.memref_squeeze %dma_start3A_10 : memref<1x80xi32, #tpu.memory_space<vmem>> -> memref<80xi32, #tpu.memory_space<vmem>>
    %dma_start3A_12 = tpu.memref_slice %arg4[%add3A_8] : memref<320000xi32, #tpu.memory_space<hbm>> -> memref<80xi32, #tpu.memory_space<hbm>>
    %dma_start3A_13 = arith.constant 0 : i32
    %dma_start3A_14 = tpu.memref_slice %arg8[%dma_start3A, %dma_start3A_13] : memref<4x80xi32, #tpu.memory_space<vmem>> -> memref<1x80xi32, #tpu.memory_space<vmem>>
    %dma_start3A_15 = tpu.memref_squeeze %dma_start3A_14 : memref<1x80xi32, #tpu.memory_space<vmem>> -> memref<80xi32, #tpu.memory_space<vmem>>
    %dma_start3A_16 = tpu.memref_slice %arg4[%add3A_8] : memref<320000xi32, #tpu.memory_space<hbm>> -> memref<80xi32, #tpu.memory_space<hbm>>
    tpu.enqueue_dma source(%dma_start3A_16 : memref<80xi32, #tpu.memory_space<hbm>>) target(%dma_start3A_15 : memref<80xi32, #tpu.memory_space<vmem>>) target_semaphore(%arg13 : memref<!tpu.dma_semaphore, #tpu.memory_space<semaphore_mem>>)
    %add3A_17 = arith.constant 0 : i32
    %add3A_18 = arith.addi %mul3A_2, %add3A_17 : i32
    %dma_start3A_19 = arith.constant 0 : i32
    %dma_start3A_20 = arith.constant 0 : i32
    %dma_start3A_21 = tpu.memref_slice %arg9[%dma_start3A_19, %dma_start3A_20] : memref<4x80xi32, #tpu.memory_space<vmem>> -> memref<1x80xi32, #tpu.memory_space<vmem>>
    %dma_start3A_22 = tpu.memref_squeeze %dma_start3A_21 : memref<1x80xi32, #tpu.memory_space<vmem>> -> memref<80xi32, #tpu.memory_space<vmem>>
    %dma_start3A_23 = tpu.memref_slice %arg5[%add3A_18] : memref<320000xi32, #tpu.memory_space<hbm>> -> memref<80xi32, #tpu.memory_space<hbm>>
    %dma_start3A_24 = arith.constant 0 : i32
    %dma_start3A_25 = tpu.memref_slice %arg9[%dma_start3A_19, %dma_start3A_24] : memref<4x80xi32, #tpu.memory_space<vmem>> -> memref<1x80xi32, #tpu.memory_space<vmem>>
    %dma_start3A_26 = tpu.memref_squeeze %dma_start3A_25 : memref<1x80xi32, #tpu.memory_space<vmem>> -> memref<80xi32, #tpu.memory_space<vmem>>
    %dma_start3A_27 = tpu.memref_slice %arg5[%add3A_18] : memref<320000xi32, #tpu.memory_space<hbm>> -> memref<80xi32, #tpu.memory_space<hbm>>
    tpu.enqueue_dma source(%dma_start3A_27 : memref<80xi32, #tpu.memory_space<hbm>>) target(%dma_start3A_26 : memref<80xi32, #tpu.memory_space<vmem>>) target_semaphore(%arg14 : memref<!tpu.dma_semaphore, #tpu.memory_space<semaphore_mem>>)
    %add3A_28 = arith.constant 80 : i32
    %add3A_29 = arith.addi %mul3A_2, %add3A_28 : i32
    %dma_start3A_30 = arith.constant 1 : i32
    %dma_start3A_31 = arith.constant 0 : i32
    %dma_start3A_32 = tpu.memref_slice %arg8[%dma_start3A_30, %dma_start3A_31] : memref<4x80xi32, #tpu.memory_space<vmem>> -> memref<1x80xi32, #tpu.memory_space<vmem>>
    %dma_start3A_33 = tpu.memref_squeeze %dma_start3A_32 : memref<1x80xi32, #tpu.memory_space<vmem>> -> memref<80xi32, #tpu.memory_space<vmem>>
    %dma_start3A_34 = tpu.memref_slice %arg4[%add3A_29] : memref<320000xi32, #tpu.memory_space<hbm>> -> memref<80xi32, #tpu.memory_space<hbm>>
    %dma_start3A_35 = arith.constant 0 : i32
    %dma_start3A_36 = tpu.memref_slice %arg8[%dma_start3A_30, %dma_start3A_35] : memref<4x80xi32, #tpu.memory_space<vmem>> -> memref<1x80xi32, #tpu.memory_space<vmem>>
    %dma_start3A_37 = tpu.memref_squeeze %dma_start3A_36 : memref<1x80xi32, #tpu.memory_space<vmem>> -> memref<80xi32, #tpu.memory_space<vmem>>
    %dma_start3A_38 = tpu.memref_slice %arg4[%add3A_29] : memref<320000xi32, #tpu.memory_space<hbm>> -> memref<80xi32, #tpu.memory_space<hbm>>
    tpu.enqueue_dma source(%dma_start3A_38 : memref<80xi32, #tpu.memory_space<hbm>>) target(%dma_start3A_37 : memref<80xi32, #tpu.memory_space<vmem>>) target_semaphore(%arg13 : memref<!tpu.dma_semaphore, #tpu.memory_space<semaphore_mem>>)
    %add3A_39 = arith.constant 80 : i32
    %add3A_40 = arith.addi %mul3A_2, %add3A_39 : i32
    %dma_start3A_41 = arith.constant 1 : i32
    %dma_start3A_42 = arith.constant 0 : i32
    %dma_start3A_43 = tpu.memref_slice %arg9[%dma_start3A_41, %dma_start3A_42] : memref<4x80xi32, #tpu.memory_space<vmem>> -> memref<1x80xi32, #tpu.memory_space<vmem>>
    %dma_start3A_44 = tpu.memref_squeeze %dma_start3A_43 : memref<1x80xi32, #tpu.memory_space<vmem>> -> memref<80xi32, #tpu.memory_space<vmem>>
    %dma_start3A_45 = tpu.memref_slice %arg5[%add3A_40] : memref<320000xi32, #tpu.memory_space<hbm>> -> memref<80xi32, #tpu.memory_space<hbm>>
    %dma_start3A_46 = arith.constant 0 : i32
    %dma_start3A_47 = tpu.memref_slice %arg9[%dma_start3A_41, %dma_start3A_46] : memref<4x80xi32, #tpu.memory_space<vmem>> -> memref<1x80xi32, #tpu.memory_space<vmem>>
    %dma_start3A_48 = tpu.memref_squeeze %dma_start3A_47 : memref<1x80xi32, #tpu.memory_space<vmem>> -> memref<80xi32, #tpu.memory_space<vmem>>
    %dma_start3A_49 = tpu.memref_slice %arg5[%add3A_40] : memref<320000xi32, #tpu.memory_space<hbm>> -> memref<80xi32, #tpu.memory_space<hbm>>
    tpu.enqueue_dma source(%dma_start3A_49 : memref<80xi32, #tpu.memory_space<hbm>>) target(%dma_start3A_48 : memref<80xi32, #tpu.memory_space<vmem>>) target_semaphore(%arg14 : memref<!tpu.dma_semaphore, #tpu.memory_space<semaphore_mem>>)
    %add3A_50 = arith.constant 0 : i32
    %add3A_51 = arith.addi %mul3A_2, %add3A_50 : i32
    %dma_wait3A = arith.constant 0 : i32
    %dma_wait3A_52 = arith.constant 0 : i32
    %dma_wait3A_53 = tpu.memref_slice %arg8[%dma_wait3A, %dma_wait3A_52] : memref<4x80xi32, #tpu.memory_space<vmem>> -> memref<1x80xi32, #tpu.memory_space<vmem>>
    %dma_wait3A_54 = tpu.memref_squeeze %dma_wait3A_53 : memref<1x80xi32, #tpu.memory_space<vmem>> -> memref<80xi32, #tpu.memory_space<vmem>>
    %dma_wait3A_55 = tpu.memref_slice %arg4[%add3A_51] : memref<320000xi32, #tpu.memory_space<hbm>> -> memref<80xi32, #tpu.memory_space<hbm>>
    %dma_wait3A_56 = arith.constant 0 : i32
    %dma_wait3A_57 = tpu.memref_slice %arg8[%dma_wait3A, %dma_wait3A_56] : memref<4x80xi32, #tpu.memory_space<vmem>> -> memref<1x80xi32, #tpu.memory_space<vmem>>
    %dma_wait3A_58 = tpu.memref_squeeze %dma_wait3A_57 : memref<1x80xi32, #tpu.memory_space<vmem>> -> memref<80xi32, #tpu.memory_space<vmem>>
    %dma_wait3A_59 = tpu.memref_slice %arg4[%add3A_51] : memref<320000xi32, #tpu.memory_space<hbm>> -> memref<80xi32, #tpu.memory_space<hbm>>
    tpu.wait_dma2 semaphore(%arg13 : memref<!tpu.dma_semaphore, #tpu.memory_space<semaphore_mem>>) src(%dma_wait3A_59 : memref<80xi32, #tpu.memory_space<hbm>>) dst(%dma_wait3A_58 : memref<80xi32, #tpu.memory_space<vmem>>)
    %add3A_60 = arith.constant 0 : i32
    %add3A_61 = arith.addi %mul3A_2, %add3A_60 : i32
    %dma_wait3A_62 = arith.constant 0 : i32
    %dma_wait3A_63 = arith.constant 0 : i32
    %dma_wait3A_64 = tpu.memref_slice %arg9[%dma_wait3A_62, %dma_wait3A_63] : memref<4x80xi32, #tpu.memory_space<vmem>> -> memref<1x80xi32, #tpu.memory_space<vmem>>
    %dma_wait3A_65 = tpu.memref_squeeze %dma_wait3A_64 : memref<1x80xi32, #tpu.memory_space<vmem>> -> memref<80xi32, #tpu.memory_space<vmem>>
    %dma_wait3A_66 = tpu.memref_slice %arg5[%add3A_61] : memref<320000xi32, #tpu.memory_space<hbm>> -> memref<80xi32, #tpu.memory_space<hbm>>
    %dma_wait3A_67 = arith.constant 0 : i32
    %dma_wait3A_68 = tpu.memref_slice %arg9[%dma_wait3A_62, %dma_wait3A_67] : memref<4x80xi32, #tpu.memory_space<vmem>> -> memref<1x80xi32, #tpu.memory_space<vmem>>
    %dma_wait3A_69 = tpu.memref_squeeze %dma_wait3A_68 : memref<1x80xi32, #tpu.memory_space<vmem>> -> memref<80xi32, #tpu.memory_space<vmem>>
    %dma_wait3A_70 = tpu.memref_slice %arg5[%add3A_61] : memref<320000xi32, #tpu.memory_space<hbm>> -> memref<80xi32, #tpu.memory_space<hbm>>
    tpu.wait_dma2 semaphore(%arg14 : memref<!tpu.dma_semaphore, #tpu.memory_space<semaphore_mem>>) src(%dma_wait3A_70 : memref<80xi32, #tpu.memory_space<hbm>>) dst(%dma_wait3A_69 : memref<80xi32, #tpu.memory_space<vmem>>)
    %dma_start3A_71 = arith.constant 0 : i32
    %dma_start3A_72 = arith.constant 0 : i32
    %dma_start3A_73 = arith.constant 0 : i32
    %dma_start3A_74 = tpu.memref_slice %arg10[%dma_start3A_72, %dma_start3A_73] : memref<160x128xf32, #tpu.memory_space<vmem>> -> memref<80x128xf32, #tpu.memory_space<vmem>>
    %dma_start3A_75 = arith.constant 0 : i32
    %dma_start3A_76 = tpu.memref_slice %arg8[%dma_start3A_71, %dma_start3A_75] : memref<4x80xi32, #tpu.memory_space<vmem>> -> memref<1x80xi32, #tpu.memory_space<vmem>>
    %dma_start3A_77 = tpu.memref_squeeze %dma_start3A_76 : memref<1x80xi32, #tpu.memory_space<vmem>> -> memref<80xi32, #tpu.memory_space<vmem>>
    %dma_start3A_78 = arith.constant 0 : i32
    %dma_start3A_79 = arith.constant 0 : i32
    %dma_start3A_80 = tpu.memref_slice %arg2[%dma_start3A_78, %dma_start3A_79] : memref<10000x128xf32, #tpu.memory_space<hbm>> -> memref<10000x128xf32, #tpu.memory_space<hbm>>
    tpu.enqueue_indirect_dma source(%dma_start3A_80 : memref<10000x128xf32, #tpu.memory_space<hbm>>) target(%dma_start3A_74 : memref<80x128xf32, #tpu.memory_space<vmem>>) offsets(%dma_start3A_77 : memref<80xi32, #tpu.memory_space<vmem>>) semaphore(%arg15 : memref<!tpu.dma_semaphore, #tpu.memory_space<semaphore_mem>>)
    %add3A_81 = arith.constant 0 : i32
    %add3A_82 = arith.addi %mul3A_2, %add3A_81 : i32
    %dma_start3A_83 = arith.constant 0 : i32
    %dma_start3A_84 = arith.constant 0 : i32
    %dma_start3A_85 = tpu.memref_slice %arg11[%dma_start3A_83, %dma_start3A_84] : memref<160x128xf32, #tpu.memory_space<vmem>> -> memref<80x128xf32, #tpu.memory_space<vmem>>
    %dma_start3A_86 = arith.constant 0 : i32
    %dma_start3A_87 = tpu.memref_slice %arg3[%add3A_82, %dma_start3A_86] : memref<320000x128xf32, #tpu.memory_space<hbm>> -> memref<80x128xf32, #tpu.memory_space<hbm>>
    %dma_start3A_88 = arith.constant 0 : i32
    %dma_start3A_89 = arith.constant 0 : i32
    %dma_start3A_90 = tpu.memref_slice %arg11[%dma_start3A_88, %dma_start3A_89] : memref<160x128xf32, #tpu.memory_space<vmem>> -> memref<80x128xf32, #tpu.memory_space<vmem>>
    %dma_start3A_91 = arith.constant 0 : i32
    %dma_start3A_92 = tpu.memref_slice %arg3[%add3A_82, %dma_start3A_91] : memref<320000x128xf32, #tpu.memory_space<hbm>> -> memref<80x128xf32, #tpu.memory_space<hbm>>
    tpu.enqueue_dma source(%dma_start3A_92 : memref<80x128xf32, #tpu.memory_space<hbm>>) target(%dma_start3A_90 : memref<80x128xf32, #tpu.memory_space<vmem>>) target_semaphore(%arg16 : memref<!tpu.dma_semaphore, #tpu.memory_space<semaphore_mem>>)
    %scan3A = arith.constant 0 : i32
    %scan3A_93 = arith.constant 0 : i32
    %scan3A_94 = arith.constant 125 : i32
    %scan3A_95 = arith.addi %scan3A_93, %scan3A_94 : i32
    %scan3A_96 = arith.constant 1 : i32
    scf.for %scan3A_147 = %scan3A_93 to %scan3A_95 step %scan3A_96  : i32 {
      %rem3A = arith.constant 2 : i32
      %rem3A_148 = arith.remsi %scan3A_147, %rem3A : i32
      %add3A_149 = arith.constant 1 : i32
      %add3A_150 = arith.addi %scan3A_147, %add3A_149 : i32
      %rem3A_151 = arith.constant 2 : i32
      %rem3A_152 = arith.remsi %add3A_150, %rem3A_151 : i32
      %add3A_153 = arith.constant 1 : i32
      %add3A_154 = arith.addi %scan3A_147, %add3A_153 : i32
      %rem3A_155 = arith.constant 4 : i32
      %rem3A_156 = arith.remsi %add3A_154, %rem3A_155 : i32
      %add3A_157 = arith.constant 2 : i32
      %add3A_158 = arith.addi %scan3A_147, %add3A_157 : i32
      %rem3A_159 = arith.constant 4 : i32
      %rem3A_160 = arith.remsi %add3A_158, %rem3A_159 : i32
      %add3A_161 = arith.constant 1 : i32
      %add3A_162 = arith.addi %scan3A_147, %add3A_161 : i32
      %min3A = arith.constant 124 : i32
      %min3A_163 = arith.minsi %add3A_162, %min3A : i32
      %add3A_164 = arith.constant 2 : i32
      %add3A_165 = arith.addi %scan3A_147, %add3A_164 : i32
      %min3A_166 = arith.constant 124 : i32
      %min3A_167 = arith.minsi %add3A_165, %min3A_166 : i32
      %mul3A_168 = arith.constant 80 : i32
      %mul3A_169 = arith.muli %min3A_167, %mul3A_168 : i32
      %add3A_170 = arith.addi %mul3A_2, %mul3A_169 : i32
      %dma_start3A_171 = arith.constant 0 : i32
      %dma_start3A_172 = tpu.memref_slice %arg8[%rem3A_160, %dma_start3A_171] : memref<4x80xi32, #tpu.memory_space<vmem>> -> memref<1x80xi32, #tpu.memory_space<vmem>>
      %dma_start3A_173 = tpu.memref_squeeze %dma_start3A_172 : memref<1x80xi32, #tpu.memory_space<vmem>> -> memref<80xi32, #tpu.memory_space<vmem>>
      %dma_start3A_174 = tpu.memref_slice %arg4[%add3A_170] : memref<320000xi32, #tpu.memory_space<hbm>> -> memref<80xi32, #tpu.memory_space<hbm>>
      %dma_start3A_175 = arith.constant 0 : i32
      %dma_start3A_176 = tpu.memref_slice %arg8[%rem3A_160, %dma_start3A_175] : memref<4x80xi32, #tpu.memory_space<vmem>> -> memref<1x80xi32, #tpu.memory_space<vmem>>
      %dma_start3A_177 = tpu.memref_squeeze %dma_start3A_176 : memref<1x80xi32, #tpu.memory_space<vmem>> -> memref<80xi32, #tpu.memory_space<vmem>>
      %dma_start3A_178 = tpu.memref_slice %arg4[%add3A_170] : memref<320000xi32, #tpu.memory_space<hbm>> -> memref<80xi32, #tpu.memory_space<hbm>>
      tpu.enqueue_dma source(%dma_start3A_178 : memref<80xi32, #tpu.memory_space<hbm>>) target(%dma_start3A_177 : memref<80xi32, #tpu.memory_space<vmem>>) target_semaphore(%arg13 : memref<!tpu.dma_semaphore, #tpu.memory_space<semaphore_mem>>)
      %mul3A_179 = arith.constant 80 : i32
      %mul3A_180 = arith.muli %min3A_167, %mul3A_179 : i32
      %add3A_181 = arith.addi %mul3A_2, %mul3A_180 : i32
      %dma_start3A_182 = arith.constant 0 : i32
      %dma_start3A_183 = tpu.memref_slice %arg9[%rem3A_160, %dma_start3A_182] : memref<4x80xi32, #tpu.memory_space<vmem>> -> memref<1x80xi32, #tpu.memory_space<vmem>>
      %dma_start3A_184 = tpu.memref_squeeze %dma_start3A_183 : memref<1x80xi32, #tpu.memory_space<vmem>> -> memref<80xi32, #tpu.memory_space<vmem>>
      %dma_start3A_185 = tpu.memref_slice %arg5[%add3A_181] : memref<320000xi32, #tpu.memory_space<hbm>> -> memref<80xi32, #tpu.memory_space<hbm>>
      %dma_start3A_186 = arith.constant 0 : i32
      %dma_start3A_187 = tpu.memref_slice %arg9[%rem3A_160, %dma_start3A_186] : memref<4x80xi32, #tpu.memory_space<vmem>> -> memref<1x80xi32, #tpu.memory_space<vmem>>
      %dma_start3A_188 = tpu.memref_squeeze %dma_start3A_187 : memref<1x80xi32, #tpu.memory_space<vmem>> -> memref<80xi32, #tpu.memory_space<vmem>>
      %dma_start3A_189 = tpu.memref_slice %arg5[%add3A_181] : memref<320000xi32, #tpu.memory_space<hbm>> -> memref<80xi32, #tpu.memory_space<hbm>>
      tpu.enqueue_dma source(%dma_start3A_189 : memref<80xi32, #tpu.memory_space<hbm>>) target(%dma_start3A_188 : memref<80xi32, #tpu.memory_space<vmem>>) target_semaphore(%arg14 : memref<!tpu.dma_semaphore, #tpu.memory_space<semaphore_mem>>)
      %mul3A_190 = arith.constant 80 : i32
      %mul3A_191 = arith.muli %min3A_163, %mul3A_190 : i32
      %add3A_192 = arith.addi %mul3A_2, %mul3A_191 : i32
      %dma_wait3A_193 = arith.constant 0 : i32
      %dma_wait3A_194 = tpu.memref_slice %arg8[%rem3A_156, %dma_wait3A_193] : memref<4x80xi32, #tpu.memory_space<vmem>> -> memref<1x80xi32, #tpu.memory_space<vmem>>
      %dma_wait3A_195 = tpu.memref_squeeze %dma_wait3A_194 : memref<1x80xi32, #tpu.memory_space<vmem>> -> memref<80xi32, #tpu.memory_space<vmem>>
      %dma_wait3A_196 = tpu.memref_slice %arg4[%add3A_192] : memref<320000xi32, #tpu.memory_space<hbm>> -> memref<80xi32, #tpu.memory_space<hbm>>
      %dma_wait3A_197 = arith.constant 0 : i32
      %dma_wait3A_198 = tpu.memref_slice %arg8[%rem3A_156, %dma_wait3A_197] : memref<4x80xi32, #tpu.memory_space<vmem>> -> memref<1x80xi32, #tpu.memory_space<vmem>>
      %dma_wait3A_199 = tpu.memref_squeeze %dma_wait3A_198 : memref<1x80xi32, #tpu.memory_space<vmem>> -> memref<80xi32, #tpu.memory_space<vmem>>
      %dma_wait3A_200 = tpu.memref_slice %arg4[%add3A_192] : memref<320000xi32, #tpu.memory_space<hbm>> -> memref<80xi32, #tpu.memory_space<hbm>>
      tpu.wait_dma2 semaphore(%arg13 : memref<!tpu.dma_semaphore, #tpu.memory_space<semaphore_mem>>) src(%dma_wait3A_200 : memref<80xi32, #tpu.memory_space<hbm>>) dst(%dma_wait3A_199 : memref<80xi32, #tpu.memory_space<vmem>>)
      %mul3A_201 = arith.constant 80 : i32
      %mul3A_202 = arith.muli %min3A_163, %mul3A_201 : i32
      %add3A_203 = arith.addi %mul3A_2, %mul3A_202 : i32
      %dma_wait3A_204 = arith.constant 0 : i32
      %dma_wait3A_205 = tpu.memref_slice %arg9[%rem3A_156, %dma_wait3A_204] : memref<4x80xi32, #tpu.memory_space<vmem>> -> memref<1x80xi32, #tpu.memory_space<vmem>>
      %dma_wait3A_206 = tpu.memref_squeeze %dma_wait3A_205 : memref<1x80xi32, #tpu.memory_space<vmem>> -> memref<80xi32, #tpu.memory_space<vmem>>
      %dma_wait3A_207 = tpu.memref_slice %arg5[%add3A_203] : memref<320000xi32, #tpu.memory_space<hbm>> -> memref<80xi32, #tpu.memory_space<hbm>>
      %dma_wait3A_208 = arith.constant 0 : i32
      %dma_wait3A_209 = tpu.memref_slice %arg9[%rem3A_156, %dma_wait3A_208] : memref<4x80xi32, #tpu.memory_space<vmem>> -> memref<1x80xi32, #tpu.memory_space<vmem>>
      %dma_wait3A_210 = tpu.memref_squeeze %dma_wait3A_209 : memref<1x80xi32, #tpu.memory_space<vmem>> -> memref<80xi32, #tpu.memory_space<vmem>>
      %dma_wait3A_211 = tpu.memref_slice %arg5[%add3A_203] : memref<320000xi32, #tpu.memory_space<hbm>> -> memref<80xi32, #tpu.memory_space<hbm>>
      tpu.wait_dma2 semaphore(%arg14 : memref<!tpu.dma_semaphore, #tpu.memory_space<semaphore_mem>>) src(%dma_wait3A_211 : memref<80xi32, #tpu.memory_space<hbm>>) dst(%dma_wait3A_210 : memref<80xi32, #tpu.memory_space<vmem>>)
      %mul3A_212 = arith.constant 80 : i32
      %mul3A_213 = arith.muli %rem3A_152, %mul3A_212 : i32
      %dma_start3A_214 = arith.constant 0 : i32
      %dma_start3A_215 = tpu.memref_slice %arg10[%mul3A_213, %dma_start3A_214] : memref<160x128xf32, #tpu.memory_space<vmem>> -> memref<80x128xf32, #tpu.memory_space<vmem>>
      %dma_start3A_216 = arith.constant 0 : i32
      %dma_start3A_217 = tpu.memref_slice %arg8[%rem3A_156, %dma_start3A_216] : memref<4x80xi32, #tpu.memory_space<vmem>> -> memref<1x80xi32, #tpu.memory_space<vmem>>
      %dma_start3A_218 = tpu.memref_squeeze %dma_start3A_217 : memref<1x80xi32, #tpu.memory_space<vmem>> -> memref<80xi32, #tpu.memory_space<vmem>>
      %dma_start3A_219 = arith.constant 0 : i32
      %dma_start3A_220 = arith.constant 0 : i32
      %dma_start3A_221 = tpu.memref_slice %arg2[%dma_start3A_219, %dma_start3A_220] : memref<10000x128xf32, #tpu.memory_space<hbm>> -> memref<10000x128xf32, #tpu.memory_space<hbm>>
      tpu.enqueue_indirect_dma source(%dma_start3A_221 : memref<10000x128xf32, #tpu.memory_space<hbm>>) target(%dma_start3A_215 : memref<80x128xf32, #tpu.memory_space<vmem>>) offsets(%dma_start3A_218 : memref<80xi32, #tpu.memory_space<vmem>>) semaphore(%arg15 : memref<!tpu.dma_semaphore, #tpu.memory_space<semaphore_mem>>)
      %mul3A_222 = arith.constant 80 : i32
      %mul3A_223 = arith.muli %min3A_163, %mul3A_222 : i32
      %add3A_224 = arith.addi %mul3A_2, %mul3A_223 : i32
      %mul3A_225 = arith.constant 80 : i32
      %mul3A_226 = arith.muli %rem3A_152, %mul3A_225 : i32
      %dma_start3A_227 = arith.constant 0 : i32
      %dma_start3A_228 = tpu.memref_slice %arg11[%mul3A_226, %dma_start3A_227] : memref<160x128xf32, #tpu.memory_space<vmem>> -> memref<80x128xf32, #tpu.memory_space<vmem>>
      %dma_start3A_229 = arith.constant 0 : i32
      %dma_start3A_230 = tpu.memref_slice %arg3[%add3A_224, %dma_start3A_229] : memref<320000x128xf32, #tpu.memory_space<hbm>> -> memref<80x128xf32, #tpu.memory_space<hbm>>
      %dma_start3A_231 = arith.constant 0 : i32
      %dma_start3A_232 = tpu.memref_slice %arg11[%mul3A_226, %dma_start3A_231] : memref<160x128xf32, #tpu.memory_space<vmem>> -> memref<80x128xf32, #tpu.memory_space<vmem>>
      %dma_start3A_233 = arith.constant 0 : i32
      %dma_start3A_234 = tpu.memref_slice %arg3[%add3A_224, %dma_start3A_233] : memref<320000x128xf32, #tpu.memory_space<hbm>> -> memref<80x128xf32, #tpu.memory_space<hbm>>
      tpu.enqueue_dma source(%dma_start3A_234 : memref<80x128xf32, #tpu.memory_space<hbm>>) target(%dma_start3A_232 : memref<80x128xf32, #tpu.memory_space<vmem>>) target_semaphore(%arg16 : memref<!tpu.dma_semaphore, #tpu.memory_space<semaphore_mem>>)
      %rem3A_235 = arith.constant 4 : i32
      %rem3A_236 = arith.remsi %scan3A_147, %rem3A_235 : i32
      %mul3A_237 = arith.constant 80 : i32
      %mul3A_238 = arith.muli %rem3A_148, %mul3A_237 : i32
      %dma_wait3A_239 = arith.constant 0 : i32
      %dma_wait3A_240 = tpu.memref_slice %arg10[%mul3A_238, %dma_wait3A_239] : memref<160x128xf32, #tpu.memory_space<vmem>> -> memref<80x128xf32, #tpu.memory_space<vmem>>
      %dma_wait3A_241 = arith.constant 0 : i32
      %dma_wait3A_242 = tpu.memref_slice %arg8[%rem3A_236, %dma_wait3A_241] : memref<4x80xi32, #tpu.memory_space<vmem>> -> memref<1x80xi32, #tpu.memory_space<vmem>>
      %dma_wait3A_243 = tpu.memref_squeeze %dma_wait3A_242 : memref<1x80xi32, #tpu.memory_space<vmem>> -> memref<80xi32, #tpu.memory_space<vmem>>
      %dma_wait3A_244 = arith.constant 0 : i32
      %dma_wait3A_245 = arith.constant 0 : i32
      %dma_wait3A_246 = tpu.memref_slice %arg2[%dma_wait3A_244, %dma_wait3A_245] : memref<10000x128xf32, #tpu.memory_space<hbm>> -> memref<10000x128xf32, #tpu.memory_space<hbm>>
      tpu.wait_indirect_dma semaphore(%arg15 : memref<!tpu.dma_semaphore, #tpu.memory_space<semaphore_mem>>) src(%dma_wait3A_246 : memref<10000x128xf32, #tpu.memory_space<hbm>>) dst(%dma_wait3A_240 : memref<80x128xf32, #tpu.memory_space<vmem>>)
      %min3A_247 = arith.constant 124 : i32
      %min3A_248 = arith.minsi %scan3A_147, %min3A_247 : i32
      %mul3A_249 = arith.constant 80 : i32
      %mul3A_250 = arith.muli %min3A_248, %mul3A_249 : i32
      %add3A_251 = arith.addi %mul3A_2, %mul3A_250 : i32
      %mul3A_252 = arith.constant 80 : i32
      %mul3A_253 = arith.muli %rem3A_148, %mul3A_252 : i32
      %dma_wait3A_254 = arith.constant 0 : i32
      %dma_wait3A_255 = tpu.memref_slice %arg11[%mul3A_253, %dma_wait3A_254] : memref<160x128xf32, #tpu.memory_space<vmem>> -> memref<80x128xf32, #tpu.memory_space<vmem>>
      %dma_wait3A_256 = arith.constant 0 : i32
      %dma_wait3A_257 = tpu.memref_slice %arg3[%add3A_251, %dma_wait3A_256] : memref<320000x128xf32, #tpu.memory_space<hbm>> -> memref<80x128xf32, #tpu.memory_space<hbm>>
      %dma_wait3A_258 = arith.constant 0 : i32
      %dma_wait3A_259 = tpu.memref_slice %arg11[%mul3A_253, %dma_wait3A_258] : memref<160x128xf32, #tpu.memory_space<vmem>> -> memref<80x128xf32, #tpu.memory_space<vmem>>
      %dma_wait3A_260 = arith.constant 0 : i32
      %dma_wait3A_261 = tpu.memref_slice %arg3[%add3A_251, %dma_wait3A_260] : memref<320000x128xf32, #tpu.memory_space<hbm>> -> memref<80x128xf32, #tpu.memory_space<hbm>>
      tpu.wait_dma2 semaphore(%arg16 : memref<!tpu.dma_semaphore, #tpu.memory_space<semaphore_mem>>) src(%dma_wait3A_261 : memref<80x128xf32, #tpu.memory_space<hbm>>) dst(%dma_wait3A_259 : memref<80x128xf32, #tpu.memory_space<vmem>>)
      %mul3A_262 = arith.constant 80 : i32
      %mul3A_263 = arith.muli %rem3A_148, %mul3A_262 : i32
      %add3A_264 = arith.constant 80 : i32
      %add3A_265 = arith.addi %mul3A_263, %add3A_264 : i32
      %parallel_loop3A = arith.constant 1 : i32
      scf.for %parallel_loop3A_268 = %mul3A_263 to %add3A_265 step %parallel_loop3A  : i32 {
        %parallel_loop3A_269 = arith.index_cast %parallel_loop3A_268 : i32 to index
        %parallel_loop3A_270 = arith.constant 0 : index
        %parallel_loop3A_271 = tpu.vector_load %arg10[%parallel_loop3A_269, %parallel_loop3A_270] {strides = array<i32>} : memref<160x128xf32, #tpu.memory_space<vmem>>, vector<1x16xf32>,
        %parallel_loop3A_272 = vector.shape_cast %parallel_loop3A_271 : vector<1x16xf32> to vector<16xf32>
        %parallel_loop3A_273 = arith.index_cast %parallel_loop3A_268 : i32 to index
        %parallel_loop3A_274 = arith.constant 0 : index
        %parallel_loop3A_275 = tpu.vector_load %arg11[%parallel_loop3A_273, %parallel_loop3A_274] {strides = array<i32>} : memref<160x128xf32, #tpu.memory_space<vmem>>, vector<1x16xf32>,
        %parallel_loop3A_276 = vector.shape_cast %parallel_loop3A_275 : vector<1x16xf32> to vector<16xf32>
        %parallel_loop3A_277 = arith.addf %parallel_loop3A_272, %parallel_loop3A_276 : vector<16xf32>
        %parallel_loop3A_278 = arith.constant 0.000000e+00 : f32
        %parallel_loop3A_279 = vector.broadcast %parallel_loop3A_278 : f32 to vector<16xf32>
        %parallel_loop3A_280 = arith.maximumf %parallel_loop3A_277, %parallel_loop3A_279 : vector<16xf32>
        %parallel_loop3A_281 = arith.index_cast %parallel_loop3A_268 : i32 to index
        %parallel_loop3A_282 = arith.constant 0 : index
        %parallel_loop3A_283 = tpu.vector_load %arg10[%parallel_loop3A_281, %parallel_loop3A_282] {strides = array<i32>} : memref<160x128xf32, #tpu.memory_space<vmem>>, vector<1x16xf32>,
        %parallel_loop3A_284 = vector.shape_cast %parallel_loop3A_283 : vector<1x16xf32> to vector<16xf32>
        %parallel_loop3A_285 = vector.shape_cast %parallel_loop3A_280 : vector<16xf32> to vector<1x16xf32>
        tpu.vector_store %arg10[%parallel_loop3A_281, %parallel_loop3A_282], %parallel_loop3A_285 {strides = array<i32>} : memref<160x128xf32, #tpu.memory_space<vmem>>, vector<1x16xf32>,
        %parallel_loop3A_286 = arith.index_cast %parallel_loop3A_268 : i32 to index
        %parallel_loop3A_287 = arith.constant 16 : index
        %parallel_loop3A_288 = tpu.vector_load %arg10[%parallel_loop3A_286, %parallel_loop3A_287] {strides = array<i32>} : memref<160x128xf32, #tpu.memory_space<vmem>>, vector<1x16xf32>,
        %parallel_loop3A_289 = vector.shape_cast %parallel_loop3A_288 : vector<1x16xf32> to vector<16xf32>
        %parallel_loop3A_290 = arith.index_cast %parallel_loop3A_268 : i32 to index
        %parallel_loop3A_291 = arith.constant 16 : index
        %parallel_loop3A_292 = tpu.vector_load %arg11[%parallel_loop3A_290, %parallel_loop3A_291] {strides = array<i32>} : memref<160x128xf32, #tpu.memory_space<vmem>>, vector<1x16xf32>,
        %parallel_loop3A_293 = vector.shape_cast %parallel_loop3A_292 : vector<1x16xf32> to vector<16xf32>
        %parallel_loop3A_294 = arith.addf %parallel_loop3A_289, %parallel_loop3A_293 : vector<16xf32>
        %parallel_loop3A_295 = arith.constant 0.000000e+00 : f32
        %parallel_loop3A_296 = vector.broadcast %parallel_loop3A_295 : f32 to vector<16xf32>
        %parallel_loop3A_297 = arith.maximumf %parallel_loop3A_294, %parallel_loop3A_296 : vector<16xf32>
        %parallel_loop3A_298 = arith.index_cast %parallel_loop3A_268 : i32 to index
        %parallel_loop3A_299 = arith.constant 16 : index
        %parallel_loop3A_300 = tpu.vector_load %arg10[%parallel_loop3A_298, %parallel_loop3A_299] {strides = array<i32>} : memref<160x128xf32, #tpu.memory_space<vmem>>, vector<1x16xf32>,
        %parallel_loop3A_301 = vector.shape_cast %parallel_loop3A_300 : vector<1x16xf32> to vector<16xf32>
        %parallel_loop3A_302 = vector.shape_cast %parallel_loop3A_297 : vector<16xf32> to vector<1x16xf32>
        tpu.vector_store %arg10[%parallel_loop3A_298, %parallel_loop3A_299], %parallel_loop3A_302 {strides = array<i32>} : memref<160x128xf32, #tpu.memory_space<vmem>>, vector<1x16xf32>,
        %parallel_loop3A_303 = arith.index_cast %parallel_loop3A_268 : i32 to index
        %parallel_loop3A_304 = arith.constant 32 : index
        %parallel_loop3A_305 = tpu.vector_load %arg10[%parallel_loop3A_303, %parallel_loop3A_304] {strides = array<i32>} : memref<160x128xf32, #tpu.memory_space<vmem>>, vector<1x16xf32>,
        %parallel_loop3A_306 = vector.shape_cast %parallel_loop3A_305 : vector<1x16xf32> to vector<16xf32>
        %parallel_loop3A_307 = arith.index_cast %parallel_loop3A_268 : i32 to index
        %parallel_loop3A_308 = arith.constant 32 : index
        %parallel_loop3A_309 = tpu.vector_load %arg11[%parallel_loop3A_307, %parallel_loop3A_308] {strides = array<i32>} : memref<160x128xf32, #tpu.memory_space<vmem>>, vector<1x16xf32>,
        %parallel_loop3A_310 = vector.shape_cast %parallel_loop3A_309 : vector<1x16xf32> to vector<16xf32>
        %parallel_loop3A_311 = arith.addf %parallel_loop3A_306, %parallel_loop3A_310 : vector<16xf32>
        %parallel_loop3A_312 = arith.constant 0.000000e+00 : f32
        %parallel_loop3A_313 = vector.broadcast %parallel_loop3A_312 : f32 to vector<16xf32>
        %parallel_loop3A_314 = arith.maximumf %parallel_loop3A_311, %parallel_loop3A_313 : vector<16xf32>
        %parallel_loop3A_315 = arith.index_cast %parallel_loop3A_268 : i32 to index
        %parallel_loop3A_316 = arith.constant 32 : index
        %parallel_loop3A_317 = tpu.vector_load %arg10[%parallel_loop3A_315, %parallel_loop3A_316] {strides = array<i32>} : memref<160x128xf32, #tpu.memory_space<vmem>>, vector<1x16xf32>,
        %parallel_loop3A_318 = vector.shape_cast %parallel_loop3A_317 : vector<1x16xf32> to vector<16xf32>
        %parallel_loop3A_319 = vector.shape_cast %parallel_loop3A_314 : vector<16xf32> to vector<1x16xf32>
        tpu.vector_store %arg10[%parallel_loop3A_315, %parallel_loop3A_316], %parallel_loop3A_319 {strides = array<i32>} : memref<160x128xf32, #tpu.memory_space<vmem>>, vector<1x16xf32>,
        %parallel_loop3A_320 = arith.index_cast %parallel_loop3A_268 : i32 to index
        %parallel_loop3A_321 = arith.constant 48 : index
        %parallel_loop3A_322 = tpu.vector_load %arg10[%parallel_loop3A_320, %parallel_loop3A_321] {strides = array<i32>} : memref<160x128xf32, #tpu.memory_space<vmem>>, vector<1x16xf32>,
        %parallel_loop3A_323 = vector.shape_cast %parallel_loop3A_322 : vector<1x16xf32> to vector<16xf32>
        %parallel_loop3A_324 = arith.index_cast %parallel_loop3A_268 : i32 to index
        %parallel_loop3A_325 = arith.constant 48 : index
        %parallel_loop3A_326 = tpu.vector_load %arg11[%parallel_loop3A_324, %parallel_loop3A_325] {strides = array<i32>} : memref<160x128xf32, #tpu.memory_space<vmem>>, vector<1x16xf32>,
        %parallel_loop3A_327 = vector.shape_cast %parallel_loop3A_326 : vector<1x16xf32> to vector<16xf32>
        %parallel_loop3A_328 = arith.addf %parallel_loop3A_323, %parallel_loop3A_327 : vector<16xf32>
        %parallel_loop3A_329 = arith.constant 0.000000e+00 : f32
        %parallel_loop3A_330 = vector.broadcast %parallel_loop3A_329 : f32 to vector<16xf32>
        %parallel_loop3A_331 = arith.maximumf %parallel_loop3A_328, %parallel_loop3A_330 : vector<16xf32>
        %parallel_loop3A_332 = arith.index_cast %parallel_loop3A_268 : i32 to index
        %parallel_loop3A_333 = arith.constant 48 : index
        %parallel_loop3A_334 = tpu.vector_load %arg10[%parallel_loop3A_332, %parallel_loop3A_333] {strides = array<i32>} : memref<160x128xf32, #tpu.memory_space<vmem>>, vector<1x16xf32>,
        %parallel_loop3A_335 = vector.shape_cast %parallel_loop3A_334 : vector<1x16xf32> to vector<16xf32>
        %parallel_loop3A_336 = vector.shape_cast %parallel_loop3A_331 : vector<16xf32> to vector<1x16xf32>
        tpu.vector_store %arg10[%parallel_loop3A_332, %parallel_loop3A_333], %parallel_loop3A_336 {strides = array<i32>} : memref<160x128xf32, #tpu.memory_space<vmem>>, vector<1x16xf32>,
        %parallel_loop3A_337 = arith.index_cast %parallel_loop3A_268 : i32 to index
        %parallel_loop3A_338 = arith.constant 64 : index
        %parallel_loop3A_339 = tpu.vector_load %arg10[%parallel_loop3A_337, %parallel_loop3A_338] {strides = array<i32>} : memref<160x128xf32, #tpu.memory_space<vmem>>, vector<1x16xf32>,
        %parallel_loop3A_340 = vector.shape_cast %parallel_loop3A_339 : vector<1x16xf32> to vector<16xf32>
        %parallel_loop3A_341 = arith.index_cast %parallel_loop3A_268 : i32 to index
        %parallel_loop3A_342 = arith.constant 64 : index
        %parallel_loop3A_343 = tpu.vector_load %arg11[%parallel_loop3A_341, %parallel_loop3A_342] {strides = array<i32>} : memref<160x128xf32, #tpu.memory_space<vmem>>, vector<1x16xf32>,
        %parallel_loop3A_344 = vector.shape_cast %parallel_loop3A_343 : vector<1x16xf32> to vector<16xf32>
        %parallel_loop3A_345 = arith.addf %parallel_loop3A_340, %parallel_loop3A_344 : vector<16xf32>
        %parallel_loop3A_346 = arith.constant 0.000000e+00 : f32
        %parallel_loop3A_347 = vector.broadcast %parallel_loop3A_346 : f32 to vector<16xf32>
        %parallel_loop3A_348 = arith.maximumf %parallel_loop3A_345, %parallel_loop3A_347 : vector<16xf32>
        %parallel_loop3A_349 = arith.index_cast %parallel_loop3A_268 : i32 to index
        %parallel_loop3A_350 = arith.constant 64 : index
        %parallel_loop3A_351 = tpu.vector_load %arg10[%parallel_loop3A_349, %parallel_loop3A_350] {strides = array<i32>} : memref<160x128xf32, #tpu.memory_space<vmem>>, vector<1x16xf32>,
        %parallel_loop3A_352 = vector.shape_cast %parallel_loop3A_351 : vector<1x16xf32> to vector<16xf32>
        %parallel_loop3A_353 = vector.shape_cast %parallel_loop3A_348 : vector<16xf32> to vector<1x16xf32>
        tpu.vector_store %arg10[%parallel_loop3A_349, %parallel_loop3A_350], %parallel_loop3A_353 {strides = array<i32>} : memref<160x128xf32, #tpu.memory_space<vmem>>, vector<1x16xf32>,
        %parallel_loop3A_354 = arith.index_cast %parallel_loop3A_268 : i32 to index
        %parallel_loop3A_355 = arith.constant 80 : index
        %parallel_loop3A_356 = tpu.vector_load %arg10[%parallel_loop3A_354, %parallel_loop3A_355] {strides = array<i32>} : memref<160x128xf32, #tpu.memory_space<vmem>>, vector<1x16xf32>,
        %parallel_loop3A_357 = vector.shape_cast %parallel_loop3A_356 : vector<1x16xf32> to vector<16xf32>
        %parallel_loop3A_358 = arith.index_cast %parallel_loop3A_268 : i32 to index
        %parallel_loop3A_359 = arith.constant 80 : index
        %parallel_loop3A_360 = tpu.vector_load %arg11[%parallel_loop3A_358, %parallel_loop3A_359] {strides = array<i32>} : memref<160x128xf32, #tpu.memory_space<vmem>>, vector<1x16xf32>,
        %parallel_loop3A_361 = vector.shape_cast %parallel_loop3A_360 : vector<1x16xf32> to vector<16xf32>
        %parallel_loop3A_362 = arith.addf %parallel_loop3A_357, %parallel_loop3A_361 : vector<16xf32>
        %parallel_loop3A_363 = arith.constant 0.000000e+00 : f32
        %parallel_loop3A_364 = vector.broadcast %parallel_loop3A_363 : f32 to vector<16xf32>
        %parallel_loop3A_365 = arith.maximumf %parallel_loop3A_362, %parallel_loop3A_364 : vector<16xf32>
        %parallel_loop3A_366 = arith.index_cast %parallel_loop3A_268 : i32 to index
        %parallel_loop3A_367 = arith.constant 80 : index
        %parallel_loop3A_368 = tpu.vector_load %arg10[%parallel_loop3A_366, %parallel_loop3A_367] {strides = array<i32>} : memref<160x128xf32, #tpu.memory_space<vmem>>, vector<1x16xf32>,
        %parallel_loop3A_369 = vector.shape_cast %parallel_loop3A_368 : vector<1x16xf32> to vector<16xf32>
        %parallel_loop3A_370 = vector.shape_cast %parallel_loop3A_365 : vector<16xf32> to vector<1x16xf32>
        tpu.vector_store %arg10[%parallel_loop3A_366, %parallel_loop3A_367], %parallel_loop3A_370 {strides = array<i32>} : memref<160x128xf32, #tpu.memory_space<vmem>>, vector<1x16xf32>,
        %parallel_loop3A_371 = arith.index_cast %parallel_loop3A_268 : i32 to index
        %parallel_loop3A_372 = arith.constant 96 : index
        %parallel_loop3A_373 = tpu.vector_load %arg10[%parallel_loop3A_371, %parallel_loop3A_372] {strides = array<i32>} : memref<160x128xf32, #tpu.memory_space<vmem>>, vector<1x16xf32>,
        %parallel_loop3A_374 = vector.shape_cast %parallel_loop3A_373 : vector<1x16xf32> to vector<16xf32>
        %parallel_loop3A_375 = arith.index_cast %parallel_loop3A_268 : i32 to index
        %parallel_loop3A_376 = arith.constant 96 : index
        %parallel_loop3A_377 = tpu.vector_load %arg11[%parallel_loop3A_375, %parallel_loop3A_376] {strides = array<i32>} : memref<160x128xf32, #tpu.memory_space<vmem>>, vector<1x16xf32>,
        %parallel_loop3A_378 = vector.shape_cast %parallel_loop3A_377 : vector<1x16xf32> to vector<16xf32>
        %parallel_loop3A_379 = arith.addf %parallel_loop3A_374, %parallel_loop3A_378 : vector<16xf32>
        %parallel_loop3A_380 = arith.constant 0.000000e+00 : f32
        %parallel_loop3A_381 = vector.broadcast %parallel_loop3A_380 : f32 to vector<16xf32>
        %parallel_loop3A_382 = arith.maximumf %parallel_loop3A_379, %parallel_loop3A_381 : vector<16xf32>
        %parallel_loop3A_383 = arith.index_cast %parallel_loop3A_268 : i32 to index
        %parallel_loop3A_384 = arith.constant 96 : index
        %parallel_loop3A_385 = tpu.vector_load %arg10[%parallel_loop3A_383, %parallel_loop3A_384] {strides = array<i32>} : memref<160x128xf32, #tpu.memory_space<vmem>>, vector<1x16xf32>,
        %parallel_loop3A_386 = vector.shape_cast %parallel_loop3A_385 : vector<1x16xf32> to vector<16xf32>
        %parallel_loop3A_387 = vector.shape_cast %parallel_loop3A_382 : vector<16xf32> to vector<1x16xf32>
        tpu.vector_store %arg10[%parallel_loop3A_383, %parallel_loop3A_384], %parallel_loop3A_387 {strides = array<i32>} : memref<160x128xf32, #tpu.memory_space<vmem>>, vector<1x16xf32>,
        %parallel_loop3A_388 = arith.index_cast %parallel_loop3A_268 : i32 to index
        %parallel_loop3A_389 = arith.constant 112 : index
        %parallel_loop3A_390 = tpu.vector_load %arg10[%parallel_loop3A_388, %parallel_loop3A_389] {strides = array<i32>} : memref<160x128xf32, #tpu.memory_space<vmem>>, vector<1x16xf32>,
        %parallel_loop3A_391 = vector.shape_cast %parallel_loop3A_390 : vector<1x16xf32> to vector<16xf32>
        %parallel_loop3A_392 = arith.index_cast %parallel_loop3A_268 : i32 to index
        %parallel_loop3A_393 = arith.constant 112 : index
        %parallel_loop3A_394 = tpu.vector_load %arg11[%parallel_loop3A_392, %parallel_loop3A_393] {strides = array<i32>} : memref<160x128xf32, #tpu.memory_space<vmem>>, vector<1x16xf32>,
        %parallel_loop3A_395 = vector.shape_cast %parallel_loop3A_394 : vector<1x16xf32> to vector<16xf32>
        %parallel_loop3A_396 = arith.addf %parallel_loop3A_391, %parallel_loop3A_395 : vector<16xf32>
        %parallel_loop3A_397 = arith.constant 0.000000e+00 : f32
        %parallel_loop3A_398 = vector.broadcast %parallel_loop3A_397 : f32 to vector<16xf32>
        %parallel_loop3A_399 = arith.maximumf %parallel_loop3A_396, %parallel_loop3A_398 : vector<16xf32>
        %parallel_loop3A_400 = arith.index_cast %parallel_loop3A_268 : i32 to index
        %parallel_loop3A_401 = arith.constant 112 : index
        %parallel_loop3A_402 = tpu.vector_load %arg10[%parallel_loop3A_400, %parallel_loop3A_401] {strides = array<i32>} : memref<160x128xf32, #tpu.memory_space<vmem>>, vector<1x16xf32>,
        %parallel_loop3A_403 = vector.shape_cast %parallel_loop3A_402 : vector<1x16xf32> to vector<16xf32>
        %parallel_loop3A_404 = vector.shape_cast %parallel_loop3A_399 : vector<16xf32> to vector<1x16xf32>
        tpu.vector_store %arg10[%parallel_loop3A_400, %parallel_loop3A_401], %parallel_loop3A_404 {strides = array<i32>} : memref<160x128xf32, #tpu.memory_space<vmem>>, vector<1x16xf32>,
      } {sc.loop_unroll_factor = 4 : i64, sc.parallel_access}
      %rem3A_266 = arith.constant 4 : i32
      %rem3A_267 = arith.remsi %scan3A_147, %rem3A_266 : i32
      "tpu.region"() ({
        %run_scoped3A = tpu.sem_alloc : memref<!tpu.dma_semaphore, #tpu.memory_space<semaphore_mem>>
        %dma_start3A_268 = arith.constant 0 : i32
        %dma_start3A_269 = tpu.memref_slice %arg10[%mul3A_263, %dma_start3A_268] : memref<160x128xf32, #tpu.memory_space<vmem>> -> memref<80x128xf32, #tpu.memory_space<vmem>>
        %dma_start3A_270 = arith.constant 0 : i32
        %dma_start3A_271 = tpu.memref_slice %arg9[%rem3A_267, %dma_start3A_270] : memref<4x80xi32, #tpu.memory_space<vmem>> -> memref<1x80xi32, #tpu.memory_space<vmem>>
        %dma_start3A_272 = tpu.memref_squeeze %dma_start3A_271 : memref<1x80xi32, #tpu.memory_space<vmem>> -> memref<80xi32, #tpu.memory_space<vmem>>
        %dma_start3A_273 = arith.constant 0 : i32
        %dma_start3A_274 = arith.constant 0 : i32
        %dma_start3A_275 = tpu.memref_slice %arg12[%dma_start3A_273, %dma_start3A_274] : memref<10240x128xf32, #tpu.memory_space<vmem_shared>> -> memref<10240x128xf32, #tpu.memory_space<vmem_shared>>
        tpu.enqueue_indirect_dma source(%dma_start3A_269 : memref<80x128xf32, #tpu.memory_space<vmem>>) target(%dma_start3A_275 : memref<10240x128xf32, #tpu.memory_space<vmem_shared>>) offsets(%dma_start3A_272 : memref<80xi32, #tpu.memory_space<vmem>>) semaphore(%run_scoped3A : memref<!tpu.dma_semaphore, #tpu.memory_space<semaphore_mem>>) {add = true}
        %dma_wait3A_276 = arith.constant 0 : i32
        %dma_wait3A_277 = tpu.memref_slice %arg10[%mul3A_263, %dma_wait3A_276] : memref<160x128xf32, #tpu.memory_space<vmem>> -> memref<80x128xf32, #tpu.memory_space<vmem>>
        %dma_wait3A_278 = arith.constant 0 : i32
        %dma_wait3A_279 = tpu.memref_slice %arg9[%rem3A_267, %dma_wait3A_278] : memref<4x80xi32, #tpu.memory_space<vmem>> -> memref<1x80xi32, #tpu.memory_space<vmem>>
        %dma_wait3A_280 = tpu.memref_squeeze %dma_wait3A_279 : memref<1x80xi32, #tpu.memory_space<vmem>> -> memref<80xi32, #tpu.memory_space<vmem>>
        %dma_wait3A_281 = arith.constant 0 : i32
        %dma_wait3A_282 = arith.constant 0 : i32
        %dma_wait3A_283 = tpu.memref_slice %arg12[%dma_wait3A_281, %dma_wait3A_282] : memref<10240x128xf32, #tpu.memory_space<vmem_shared>> -> memref<10240x128xf32, #tpu.memory_space<vmem_shared>>
        tpu.wait_indirect_dma semaphore(%run_scoped3A : memref<!tpu.dma_semaphore, #tpu.memory_space<semaphore_mem>>) src(%dma_wait3A_277 : memref<80x128xf32, #tpu.memory_space<vmem>>) dst(%dma_wait3A_283 : memref<10240x128xf32, #tpu.memory_space<vmem_shared>>)
        tpu.yield
      }) : () -> ()
    }
    %scan3A_97 = arith.constant 125 : i32
    %add3A_98 = arith.constant 9920 : i32
    %add3A_99 = arith.addi %mul3A_2, %add3A_98 : i32
    %dma_wait3A_100 = arith.constant 2 : i32
    %dma_wait3A_101 = arith.constant 0 : i32
    %dma_wait3A_102 = tpu.memref_slice %arg8[%dma_wait3A_100, %dma_wait3A_101] : memref<4x80xi32, #tpu.memory_space<vmem>> -> memref<1x80xi32, #tpu.memory_space<vmem>>
    %dma_wait3A_103 = tpu.memref_squeeze %dma_wait3A_102 : memref<1x80xi32, #tpu.memory_space<vmem>> -> memref<80xi32, #tpu.memory_space<vmem>>
    %dma_wait3A_104 = tpu.memref_slice %arg4[%add3A_99] : memref<320000xi32, #tpu.memory_space<hbm>> -> memref<80xi32, #tpu.memory_space<hbm>>
    %dma_wait3A_105 = arith.constant 0 : i32
    %dma_wait3A_106 = tpu.memref_slice %arg8[%dma_wait3A_100, %dma_wait3A_105] : memref<4x80xi32, #tpu.memory_space<vmem>> -> memref<1x80xi32, #tpu.memory_space<vmem>>
    %dma_wait3A_107 = tpu.memref_squeeze %dma_wait3A_106 : memref<1x80xi32, #tpu.memory_space<vmem>> -> memref<80xi32, #tpu.memory_space<vmem>>
    %dma_wait3A_108 = tpu.memref_slice %arg4[%add3A_99] : memref<320000xi32, #tpu.memory_space<hbm>> -> memref<80xi32, #tpu.memory_space<hbm>>
    tpu.wait_dma2 semaphore(%arg13 : memref<!tpu.dma_semaphore, #tpu.memory_space<semaphore_mem>>) src(%dma_wait3A_108 : memref<80xi32, #tpu.memory_space<hbm>>) dst(%dma_wait3A_107 : memref<80xi32, #tpu.memory_space<vmem>>)
    %add3A_109 = arith.constant 9920 : i32
    %add3A_110 = arith.addi %mul3A_2, %add3A_109 : i32
    %dma_wait3A_111 = arith.constant 2 : i32
    %dma_wait3A_112 = arith.constant 0 : i32
    %dma_wait3A_113 = tpu.memref_slice %arg9[%dma_wait3A_111, %dma_wait3A_112] : memref<4x80xi32, #tpu.memory_space<vmem>> -> memref<1x80xi32, #tpu.memory_space<vmem>>
    %dma_wait3A_114 = tpu.memref_squeeze %dma_wait3A_113 : memref<1x80xi32, #tpu.memory_space<vmem>> -> memref<80xi32, #tpu.memory_space<vmem>>
    %dma_wait3A_115 = tpu.memref_slice %arg5[%add3A_110] : memref<320000xi32, #tpu.memory_space<hbm>> -> memref<80xi32, #tpu.memory_space<hbm>>
    %dma_wait3A_116 = arith.constant 0 : i32
    %dma_wait3A_117 = tpu.memref_slice %arg9[%dma_wait3A_111, %dma_wait3A_116] : memref<4x80xi32, #tpu.memory_space<vmem>> -> memref<1x80xi32, #tpu.memory_space<vmem>>
    %dma_wait3A_118 = tpu.memref_squeeze %dma_wait3A_117 : memref<1x80xi32, #tpu.memory_space<vmem>> -> memref<80xi32, #tpu.memory_space<vmem>>
    %dma_wait3A_119 = tpu.memref_slice %arg5[%add3A_110] : memref<320000xi32, #tpu.memory_space<hbm>> -> memref<80xi32, #tpu.memory_space<hbm>>
    tpu.wait_dma2 semaphore(%arg14 : memref<!tpu.dma_semaphore, #tpu.memory_space<semaphore_mem>>) src(%dma_wait3A_119 : memref<80xi32, #tpu.memory_space<hbm>>) dst(%dma_wait3A_118 : memref<80xi32, #tpu.memory_space<vmem>>)
    %dma_wait3A_120 = arith.constant 1 : i32
    %dma_wait3A_121 = arith.constant 80 : i32
    %dma_wait3A_122 = arith.constant 0 : i32
    %dma_wait3A_123 = tpu.memref_slice %arg10[%dma_wait3A_121, %dma_wait3A_122] : memref<160x128xf32, #tpu.memory_space<vmem>> -> memref<80x128xf32, #tpu.memory_space<vmem>>
    %dma_wait3A_124 = arith.constant 0 : i32
    %dma_wait3A_125 = tpu.memref_slice %arg8[%dma_wait3A_120, %dma_wait3A_124] : memref<4x80xi32, #tpu.memory_space<vmem>> -> memref<1x80xi32, #tpu.memory_space<vmem>>
    %dma_wait3A_126 = tpu.memref_squeeze %dma_wait3A_125 : memref<1x80xi32, #tpu.memory_space<vmem>> -> memref<80xi32, #tpu.memory_space<vmem>>
    %dma_wait3A_127 = arith.constant 0 : i32
    %dma_wait3A_128 = arith.constant 0 : i32
    %dma_wait3A_129 = tpu.memref_slice %arg2[%dma_wait3A_127, %dma_wait3A_128] : memref<10000x128xf32, #tpu.memory_space<hbm>> -> memref<10000x128xf32, #tpu.memory_space<hbm>>
    tpu.wait_indirect_dma semaphore(%arg15 : memref<!tpu.dma_semaphore, #tpu.memory_space<semaphore_mem>>) src(%dma_wait3A_129 : memref<10000x128xf32, #tpu.memory_space<hbm>>) dst(%dma_wait3A_123 : memref<80x128xf32, #tpu.memory_space<vmem>>)
    %add3A_130 = arith.constant 9920 : i32
    %add3A_131 = arith.addi %mul3A_2, %add3A_130 : i32
    %dma_wait3A_132 = arith.constant 80 : i32
    %dma_wait3A_133 = arith.constant 0 : i32
    %dma_wait3A_134 = tpu.memref_slice %arg11[%dma_wait3A_132, %dma_wait3A_133] : memref<160x128xf32, #tpu.memory_space<vmem>> -> memref<80x128xf32, #tpu.memory_space<vmem>>
    %dma_wait3A_135 = arith.constant 0 : i32
    %dma_wait3A_136 = tpu.memref_slice %arg3[%add3A_131, %dma_wait3A_135] : memref<320000x128xf32, #tpu.memory_space<hbm>> -> memref<80x128xf32, #tpu.memory_space<hbm>>
    %dma_wait3A_137 = arith.constant 80 : i32
    %dma_wait3A_138 = arith.constant 0 : i32
    %dma_wait3A_139 = tpu.memref_slice %arg11[%dma_wait3A_137, %dma_wait3A_138] : memref<160x128xf32, #tpu.memory_space<vmem>> -> memref<80x128xf32, #tpu.memory_space<vmem>>
    %dma_wait3A_140 = arith.constant 0 : i32
    %dma_wait3A_141 = tpu.memref_slice %arg3[%add3A_131, %dma_wait3A_140] : memref<320000x128xf32, #tpu.memory_space<hbm>> -> memref<80x128xf32, #tpu.memory_space<hbm>>
    tpu.wait_dma2 semaphore(%arg16 : memref<!tpu.dma_semaphore, #tpu.memory_space<semaphore_mem>>) src(%dma_wait3A_141 : memref<80x128xf32, #tpu.memory_space<hbm>>) dst(%dma_wait3A_139 : memref<80x128xf32, #tpu.memory_space<vmem>>)
    %barrier3A_142 = arith.constant 0 : index
    tpu.barrier barrier_id(%barrier3A_142)
    %mul3A_143 = arith.constant 640 : i32
    %mul3A_144 = arith.muli %arg1, %mul3A_143 : i32
    %mul3A_145 = arith.constant 640 : i32
    %mul3A_146 = arith.muli %arg1, %mul3A_145 : i32
    "tpu.region"() ({
      %run_scoped3A = tpu.sem_alloc : memref<!tpu.dma_semaphore, #tpu.memory_space<semaphore_mem>>
      %dma_start3A_147 = arith.constant 0 : i32
      %dma_start3A_148 = tpu.memref_slice %arg7[%arg0, %mul3A_146, %dma_start3A_147] : memref<2x10240x128xf32, #tpu.memory_space<hbm>> -> memref<1x640x128xf32, #tpu.memory_space<hbm>>
      %dma_start3A_149 = tpu.memref_squeeze %dma_start3A_148 : memref<1x640x128xf32, #tpu.memory_space<hbm>> -> memref<640x128xf32, #tpu.memory_space<hbm>>
      %dma_start3A_150 = arith.constant 0 : i32
      %dma_start3A_151 = tpu.memref_slice %arg12[%mul3A_144, %dma_start3A_150] : memref<10240x128xf32, #tpu.memory_space<vmem_shared>> -> memref<640x128xf32, #tpu.memory_space<vmem_shared>>
      tpu.enqueue_dma source(%dma_start3A_151 : memref<640x128xf32, #tpu.memory_space<vmem_shared>>) target(%dma_start3A_149 : memref<640x128xf32, #tpu.memory_space<hbm>>) target_semaphore(%run_scoped3A : memref<!tpu.dma_semaphore, #tpu.memory_space<semaphore_mem>>)
      %dma_wait3A_152 = arith.constant 0 : i32
      %dma_wait3A_153 = tpu.memref_slice %arg7[%arg0, %mul3A_146, %dma_wait3A_152] : memref<2x10240x128xf32, #tpu.memory_space<hbm>> -> memref<1x640x128xf32, #tpu.memory_space<hbm>>
      %dma_wait3A_154 = tpu.memref_squeeze %dma_wait3A_153 : memref<1x640x128xf32, #tpu.memory_space<hbm>> -> memref<640x128xf32, #tpu.memory_space<hbm>>
      %dma_wait3A_155 = arith.constant 0 : i32
      %dma_wait3A_156 = tpu.memref_slice %arg12[%mul3A_144, %dma_wait3A_155] : memref<10240x128xf32, #tpu.memory_space<vmem_shared>> -> memref<640x128xf32, #tpu.memory_space<vmem_shared>>
      tpu.wait_dma2 semaphore(%run_scoped3A : memref<!tpu.dma_semaphore, #tpu.memory_space<semaphore_mem>>) src(%dma_wait3A_156 : memref<640x128xf32, #tpu.memory_space<vmem_shared>>) dst(%dma_wait3A_154 : memref<640x128xf32, #tpu.memory_space<hbm>>)
      tpu.yield
    }) : () -> ()
    return
  }
}

#map = affine_map<(d0, d1) -> (0, 0)>
#map1 = affine_map<(d0, d1) -> (0)>
#map2 = affine_map<(d0, d1) -> (0, 0, 0)>
module attributes {stable_mosaic.version = 14 : i64} {
  func.func @k(%arg0: i32, %arg1: i32, %arg2: memref<10000x128xf32, #tpu.memory_space<hbm>>, %arg3: memref<320000x128xf32, #tpu.memory_space<hbm>>, %arg4: memref<320000xi32, #tpu.memory_space<hbm>>, %arg5: memref<320000xi32, #tpu.memory_space<hbm>>, %arg6: memref<10240x128xf32, #tpu.memory_space<hbm>>, %arg7: memref<2x10240x128xf32, #tpu.memory_space<hbm>>, %arg8: memref<4x80xi32, #tpu.memory_space<vmem>>, %arg9: memref<4x80xi32, #tpu.memory_space<vmem>>, %arg10: memref<160x128xf32, #tpu.memory_space<vmem>>, %arg11: memref<160x128xf32, #tpu.memory_space<vmem>>, %arg12: memref<10240x128xf32, #tpu.memory_space<vmem_shared>>, %arg13: memref<!tpu.dma_semaphore, #tpu.memory_space<semaphore_mem>>, %arg14: memref<!tpu.dma_semaphore, #tpu.memory_space<semaphore_mem>>, %arg15: memref<!tpu.dma_semaphore, #tpu.memory_space<semaphore_mem>>, %arg16: memref<!tpu.dma_semaphore, #tpu.memory_space<semaphore_mem>>) attributes {dimension_semantics = [#tpu.dimension_semantics<core_parallel>, #tpu.dimension_semantics<subcore_parallel>], iteration_bounds = array<i64: 2, 16>, scalar_prefetch = 0 : i64, scratch_operands = 9 : i64, tpu.core_type = #tpu.core_type<sc_vector_subcore>, window_params = [{transform_indices = #map}, {transform_indices = #map}, {transform_indices = #map1}, {transform_indices = #map1}, {transform_indices = #map}, {transform_indices = #map2}]} {
    %mul3A = arith.constant 2 : i32
    %mul3A_0 = arith.muli %arg1, %mul3A : i32
    %add3A = arith.addi %mul3A_0, %arg0 : i32
    %mul3A_1 = arith.constant 10000 : i32
    %mul3A_2 = arith.muli %add3A, %mul3A_1 : i32
    %mul3A_3 = arith.constant 640 : i32
    %mul3A_4 = arith.muli %arg1, %mul3A_3 : i32
    %mul3A_5 = arith.constant 640 : i32
    %mul3A_6 = arith.muli %arg1, %mul3A_5 : i32
    "tpu.region"() ({
      %run_scoped3A = tpu.sem_alloc : memref<!tpu.dma_semaphore, #tpu.memory_space<semaphore_mem>>
      %dma_start3A_147 = arith.constant 0 : i32
      %dma_start3A_148 = tpu.memref_slice %arg12[%mul3A_6, %dma_start3A_147] : memref<10240x128xf32, #tpu.memory_space<vmem_shared>> -> memref<640x128xf32, #tpu.memory_space<vmem_shared>>
      %dma_start3A_149 = arith.constant 0 : i32
      %dma_start3A_150 = tpu.memref_slice %arg6[%mul3A_4, %dma_start3A_149] : memref<10240x128xf32, #tpu.memory_space<hbm>> -> memref<640x128xf32, #tpu.memory_space<hbm>>
      tpu.enqueue_dma source(%dma_start3A_150 : memref<640x128xf32, #tpu.memory_space<hbm>>) target(%dma_start3A_148 : memref<640x128xf32, #tpu.memory_space<vmem_shared>>) target_semaphore(%run_scoped3A : memref<!tpu.dma_semaphore, #tpu.memory_space<semaphore_mem>>)
      %dma_wait3A_151 = arith.constant 0 : i32
      %dma_wait3A_152 = tpu.memref_slice %arg12[%mul3A_6, %dma_wait3A_151] : memref<10240x128xf32, #tpu.memory_space<vmem_shared>> -> memref<640x128xf32, #tpu.memory_space<vmem_shared>>
      %dma_wait3A_153 = arith.constant 0 : i32
      %dma_wait3A_154 = tpu.memref_slice %arg6[%mul3A_4, %dma_wait3A_153] : memref<10240x128xf32, #tpu.memory_space<hbm>> -> memref<640x128xf32, #tpu.memory_space<hbm>>
      tpu.wait_dma2 semaphore(%run_scoped3A : memref<!tpu.dma_semaphore, #tpu.memory_space<semaphore_mem>>) src(%dma_wait3A_154 : memref<640x128xf32, #tpu.memory_space<hbm>>) dst(%dma_wait3A_152 : memref<640x128xf32, #tpu.memory_space<vmem_shared>>)
      tpu.yield
    }) : () -> ()
    %barrier3A = arith.constant 0 : index
    tpu.barrier barrier_id(%barrier3A)
    %add3A_7 = arith.constant 0 : i32
    %add3A_8 = arith.addi %mul3A_2, %add3A_7 : i32
    %dma_start3A = arith.constant 0 : i32
    %dma_start3A_9 = arith.constant 0 : i32
    %dma_start3A_10 = tpu.memref_slice %arg8[%dma_start3A, %dma_start3A_9] : memref<4x80xi32, #tpu.memory_space<vmem>> -> memref<1x80xi32, #tpu.memory_space<vmem>>
    %dma_start3A_11 = tpu.memref_squeeze %dma_start3A_10 : memref<1x80xi32, #tpu.memory_space<vmem>> -> memref<80xi32, #tpu.memory_space<vmem>>
    %dma_start3A_12 = tpu.memref_slice %arg4[%add3A_8] : memref<320000xi32, #tpu.memory_space<hbm>> -> memref<80xi32, #tpu.memory_space<hbm>>
    %dma_start3A_13 = arith.constant 0 : i32
    %dma_start3A_14 = tpu.memref_slice %arg8[%dma_start3A, %dma_start3A_13] : memref<4x80xi32, #tpu.memory_space<vmem>> -> memref<1x80xi32, #tpu.memory_space<vmem>>
    %dma_start3A_15 = tpu.memref_squeeze %dma_start3A_14 : memref<1x80xi32, #tpu.memory_space<vmem>> -> memref<80xi32, #tpu.memory_space<vmem>>
    %dma_start3A_16 = tpu.memref_slice %arg4[%add3A_8] : memref<320000xi32, #tpu.memory_space<hbm>> -> memref<80xi32, #tpu.memory_space<hbm>>
    tpu.enqueue_dma source(%dma_start3A_16 : memref<80xi32, #tpu.memory_space<hbm>>) target(%dma_start3A_15 : memref<80xi32, #tpu.memory_space<vmem>>) target_semaphore(%arg13 : memref<!tpu.dma_semaphore, #tpu.memory_space<semaphore_mem>>)
    %add3A_17 = arith.constant 0 : i32
    %add3A_18 = arith.addi %mul3A_2, %add3A_17 : i32
    %dma_start3A_19 = arith.constant 0 : i32
    %dma_start3A_20 = arith.constant 0 : i32
    %dma_start3A_21 = tpu.memref_slice %arg9[%dma_start3A_19, %dma_start3A_20] : memref<4x80xi32, #tpu.memory_space<vmem>> -> memref<1x80xi32, #tpu.memory_space<vmem>>
    %dma_start3A_22 = tpu.memref_squeeze %dma_start3A_21 : memref<1x80xi32, #tpu.memory_space<vmem>> -> memref<80xi32, #tpu.memory_space<vmem>>
    %dma_start3A_23 = tpu.memref_slice %arg5[%add3A_18] : memref<320000xi32, #tpu.memory_space<hbm>> -> memref<80xi32, #tpu.memory_space<hbm>>
    %dma_start3A_24 = arith.constant 0 : i32
    %dma_start3A_25 = tpu.memref_slice %arg9[%dma_start3A_19, %dma_start3A_24] : memref<4x80xi32, #tpu.memory_space<vmem>> -> memref<1x80xi32, #tpu.memory_space<vmem>>
    %dma_start3A_26 = tpu.memref_squeeze %dma_start3A_25 : memref<1x80xi32, #tpu.memory_space<vmem>> -> memref<80xi32, #tpu.memory_space<vmem>>
    %dma_start3A_27 = tpu.memref_slice %arg5[%add3A_18] : memref<320000xi32, #tpu.memory_space<hbm>> -> memref<80xi32, #tpu.memory_space<hbm>>
    tpu.enqueue_dma source(%dma_start3A_27 : memref<80xi32, #tpu.memory_space<hbm>>) target(%dma_start3A_26 : memref<80xi32, #tpu.memory_space<vmem>>) target_semaphore(%arg14 : memref<!tpu.dma_semaphore, #tpu.memory_space<semaphore_mem>>)
    %add3A_28 = arith.constant 80 : i32
    %add3A_29 = arith.addi %mul3A_2, %add3A_28 : i32
    %dma_start3A_30 = arith.constant 1 : i32
    %dma_start3A_31 = arith.constant 0 : i32
    %dma_start3A_32 = tpu.memref_slice %arg8[%dma_start3A_30, %dma_start3A_31] : memref<4x80xi32, #tpu.memory_space<vmem>> -> memref<1x80xi32, #tpu.memory_space<vmem>>
    %dma_start3A_33 = tpu.memref_squeeze %dma_start3A_32 : memref<1x80xi32, #tpu.memory_space<vmem>> -> memref<80xi32, #tpu.memory_space<vmem>>
    %dma_start3A_34 = tpu.memref_slice %arg4[%add3A_29] : memref<320000xi32, #tpu.memory_space<hbm>> -> memref<80xi32, #tpu.memory_space<hbm>>
    %dma_start3A_35 = arith.constant 0 : i32
    %dma_start3A_36 = tpu.memref_slice %arg8[%dma_start3A_30, %dma_start3A_35] : memref<4x80xi32, #tpu.memory_space<vmem>> -> memref<1x80xi32, #tpu.memory_space<vmem>>
    %dma_start3A_37 = tpu.memref_squeeze %dma_start3A_36 : memref<1x80xi32, #tpu.memory_space<vmem>> -> memref<80xi32, #tpu.memory_space<vmem>>
    %dma_start3A_38 = tpu.memref_slice %arg4[%add3A_29] : memref<320000xi32, #tpu.memory_space<hbm>> -> memref<80xi32, #tpu.memory_space<hbm>>
    tpu.enqueue_dma source(%dma_start3A_38 : memref<80xi32, #tpu.memory_space<hbm>>) target(%dma_start3A_37 : memref<80xi32, #tpu.memory_space<vmem>>) target_semaphore(%arg13 : memref<!tpu.dma_semaphore, #tpu.memory_space<semaphore_mem>>)
    %add3A_39 = arith.constant 80 : i32
    %add3A_40 = arith.addi %mul3A_2, %add3A_39 : i32
    %dma_start3A_41 = arith.constant 1 : i32
    %dma_start3A_42 = arith.constant 0 : i32
    %dma_start3A_43 = tpu.memref_slice %arg9[%dma_start3A_41, %dma_start3A_42] : memref<4x80xi32, #tpu.memory_space<vmem>> -> memref<1x80xi32, #tpu.memory_space<vmem>>
    %dma_start3A_44 = tpu.memref_squeeze %dma_start3A_43 : memref<1x80xi32, #tpu.memory_space<vmem>> -> memref<80xi32, #tpu.memory_space<vmem>>
    %dma_start3A_45 = tpu.memref_slice %arg5[%add3A_40] : memref<320000xi32, #tpu.memory_space<hbm>> -> memref<80xi32, #tpu.memory_space<hbm>>
    %dma_start3A_46 = arith.constant 0 : i32
    %dma_start3A_47 = tpu.memref_slice %arg9[%dma_start3A_41, %dma_start3A_46] : memref<4x80xi32, #tpu.memory_space<vmem>> -> memref<1x80xi32, #tpu.memory_space<vmem>>
    %dma_start3A_48 = tpu.memref_squeeze %dma_start3A_47 : memref<1x80xi32, #tpu.memory_space<vmem>> -> memref<80xi32, #tpu.memory_space<vmem>>
    %dma_start3A_49 = tpu.memref_slice %arg5[%add3A_40] : memref<320000xi32, #tpu.memory_space<hbm>> -> memref<80xi32, #tpu.memory_space<hbm>>
    tpu.enqueue_dma source(%dma_start3A_49 : memref<80xi32, #tpu.memory_space<hbm>>) target(%dma_start3A_48 : memref<80xi32, #tpu.memory_space<vmem>>) target_semaphore(%arg14 : memref<!tpu.dma_semaphore, #tpu.memory_space<semaphore_mem>>)
    %add3A_50 = arith.constant 0 : i32
    %add3A_51 = arith.addi %mul3A_2, %add3A_50 : i32
    %dma_wait3A = arith.constant 0 : i32
    %dma_wait3A_52 = arith.constant 0 : i32
    %dma_wait3A_53 = tpu.memref_slice %arg8[%dma_wait3A, %dma_wait3A_52] : memref<4x80xi32, #tpu.memory_space<vmem>> -> memref<1x80xi32, #tpu.memory_space<vmem>>
    %dma_wait3A_54 = tpu.memref_squeeze %dma_wait3A_53 : memref<1x80xi32, #tpu.memory_space<vmem>> -> memref<80xi32, #tpu.memory_space<vmem>>
    %dma_wait3A_55 = tpu.memref_slice %arg4[%add3A_51] : memref<320000xi32, #tpu.memory_space<hbm>> -> memref<80xi32, #tpu.memory_space<hbm>>
    %dma_wait3A_56 = arith.constant 0 : i32
    %dma_wait3A_57 = tpu.memref_slice %arg8[%dma_wait3A, %dma_wait3A_56] : memref<4x80xi32, #tpu.memory_space<vmem>> -> memref<1x80xi32, #tpu.memory_space<vmem>>
    %dma_wait3A_58 = tpu.memref_squeeze %dma_wait3A_57 : memref<1x80xi32, #tpu.memory_space<vmem>> -> memref<80xi32, #tpu.memory_space<vmem>>
    %dma_wait3A_59 = tpu.memref_slice %arg4[%add3A_51] : memref<320000xi32, #tpu.memory_space<hbm>> -> memref<80xi32, #tpu.memory_space<hbm>>
    tpu.wait_dma2 semaphore(%arg13 : memref<!tpu.dma_semaphore, #tpu.memory_space<semaphore_mem>>) src(%dma_wait3A_59 : memref<80xi32, #tpu.memory_space<hbm>>) dst(%dma_wait3A_58 : memref<80xi32, #tpu.memory_space<vmem>>)
    %add3A_60 = arith.constant 0 : i32
    %add3A_61 = arith.addi %mul3A_2, %add3A_60 : i32
    %dma_wait3A_62 = arith.constant 0 : i32
    %dma_wait3A_63 = arith.constant 0 : i32
    %dma_wait3A_64 = tpu.memref_slice %arg9[%dma_wait3A_62, %dma_wait3A_63] : memref<4x80xi32, #tpu.memory_space<vmem>> -> memref<1x80xi32, #tpu.memory_space<vmem>>
    %dma_wait3A_65 = tpu.memref_squeeze %dma_wait3A_64 : memref<1x80xi32, #tpu.memory_space<vmem>> -> memref<80xi32, #tpu.memory_space<vmem>>
    %dma_wait3A_66 = tpu.memref_slice %arg5[%add3A_61] : memref<320000xi32, #tpu.memory_space<hbm>> -> memref<80xi32, #tpu.memory_space<hbm>>
    %dma_wait3A_67 = arith.constant 0 : i32
    %dma_wait3A_68 = tpu.memref_slice %arg9[%dma_wait3A_62, %dma_wait3A_67] : memref<4x80xi32, #tpu.memory_space<vmem>> -> memref<1x80xi32, #tpu.memory_space<vmem>>
    %dma_wait3A_69 = tpu.memref_squeeze %dma_wait3A_68 : memref<1x80xi32, #tpu.memory_space<vmem>> -> memref<80xi32, #tpu.memory_space<vmem>>
    %dma_wait3A_70 = tpu.memref_slice %arg5[%add3A_61] : memref<320000xi32, #tpu.memory_space<hbm>> -> memref<80xi32, #tpu.memory_space<hbm>>
    tpu.wait_dma2 semaphore(%arg14 : memref<!tpu.dma_semaphore, #tpu.memory_space<semaphore_mem>>) src(%dma_wait3A_70 : memref<80xi32, #tpu.memory_space<hbm>>) dst(%dma_wait3A_69 : memref<80xi32, #tpu.memory_space<vmem>>)
    %dma_start3A_71 = arith.constant 0 : i32
    %dma_start3A_72 = arith.constant 0 : i32
    %dma_start3A_73 = arith.constant 0 : i32
    %dma_start3A_74 = tpu.memref_slice %arg10[%dma_start3A_72, %dma_start3A_73] : memref<160x128xf32, #tpu.memory_space<vmem>> -> memref<80x128xf32, #tpu.memory_space<vmem>>
    %dma_start3A_75 = arith.constant 0 : i32
    %dma_start3A_76 = tpu.memref_slice %arg8[%dma_start3A_71, %dma_start3A_75] : memref<4x80xi32, #tpu.memory_space<vmem>> -> memref<1x80xi32, #tpu.memory_space<vmem>>
    %dma_start3A_77 = tpu.memref_squeeze %dma_start3A_76 : memref<1x80xi32, #tpu.memory_space<vmem>> -> memref<80xi32, #tpu.memory_space<vmem>>
    %dma_start3A_78 = arith.constant 0 : i32
    %dma_start3A_79 = arith.constant 0 : i32
    %dma_start3A_80 = tpu.memref_slice %arg2[%dma_start3A_78, %dma_start3A_79] : memref<10000x128xf32, #tpu.memory_space<hbm>> -> memref<10000x128xf32, #tpu.memory_space<hbm>>
    tpu.enqueue_indirect_dma source(%dma_start3A_80 : memref<10000x128xf32, #tpu.memory_space<hbm>>) target(%dma_start3A_74 : memref<80x128xf32, #tpu.memory_space<vmem>>) offsets(%dma_start3A_77 : memref<80xi32, #tpu.memory_space<vmem>>) semaphore(%arg15 : memref<!tpu.dma_semaphore, #tpu.memory_space<semaphore_mem>>)
    %add3A_81 = arith.constant 0 : i32
    %add3A_82 = arith.addi %mul3A_2, %add3A_81 : i32
    %dma_start3A_83 = arith.constant 0 : i32
    %dma_start3A_84 = arith.constant 0 : i32
    %dma_start3A_85 = tpu.memref_slice %arg11[%dma_start3A_83, %dma_start3A_84] : memref<160x128xf32, #tpu.memory_space<vmem>> -> memref<80x128xf32, #tpu.memory_space<vmem>>
    %dma_start3A_86 = arith.constant 0 : i32
    %dma_start3A_87 = tpu.memref_slice %arg3[%add3A_82, %dma_start3A_86] : memref<320000x128xf32, #tpu.memory_space<hbm>> -> memref<80x128xf32, #tpu.memory_space<hbm>>
    %dma_start3A_88 = arith.constant 0 : i32
    %dma_start3A_89 = arith.constant 0 : i32
    %dma_start3A_90 = tpu.memref_slice %arg11[%dma_start3A_88, %dma_start3A_89] : memref<160x128xf32, #tpu.memory_space<vmem>> -> memref<80x128xf32, #tpu.memory_space<vmem>>
    %dma_start3A_91 = arith.constant 0 : i32
    %dma_start3A_92 = tpu.memref_slice %arg3[%add3A_82, %dma_start3A_91] : memref<320000x128xf32, #tpu.memory_space<hbm>> -> memref<80x128xf32, #tpu.memory_space<hbm>>
    tpu.enqueue_dma source(%dma_start3A_92 : memref<80x128xf32, #tpu.memory_space<hbm>>) target(%dma_start3A_90 : memref<80x128xf32, #tpu.memory_space<vmem>>) target_semaphore(%arg16 : memref<!tpu.dma_semaphore, #tpu.memory_space<semaphore_mem>>)
    %scan3A = arith.constant 0 : i32
    %scan3A_93 = arith.constant 0 : i32
    %scan3A_94 = arith.constant 125 : i32
    %scan3A_95 = arith.addi %scan3A_93, %scan3A_94 : i32
    %scan3A_96 = arith.constant 1 : i32
    scf.for %scan3A_147 = %scan3A_93 to %scan3A_95 step %scan3A_96  : i32 {
      %rem3A = arith.constant 2 : i32
      %rem3A_148 = arith.remsi %scan3A_147, %rem3A : i32
      %add3A_149 = arith.constant 1 : i32
      %add3A_150 = arith.addi %scan3A_147, %add3A_149 : i32
      %rem3A_151 = arith.constant 2 : i32
      %rem3A_152 = arith.remsi %add3A_150, %rem3A_151 : i32
      %add3A_153 = arith.constant 1 : i32
      %add3A_154 = arith.addi %scan3A_147, %add3A_153 : i32
      %rem3A_155 = arith.constant 4 : i32
      %rem3A_156 = arith.remsi %add3A_154, %rem3A_155 : i32
      %add3A_157 = arith.constant 2 : i32
      %add3A_158 = arith.addi %scan3A_147, %add3A_157 : i32
      %rem3A_159 = arith.constant 4 : i32
      %rem3A_160 = arith.remsi %add3A_158, %rem3A_159 : i32
      %add3A_161 = arith.constant 1 : i32
      %add3A_162 = arith.addi %scan3A_147, %add3A_161 : i32
      %min3A = arith.constant 124 : i32
      %min3A_163 = arith.minsi %add3A_162, %min3A : i32
      %add3A_164 = arith.constant 2 : i32
      %add3A_165 = arith.addi %scan3A_147, %add3A_164 : i32
      %min3A_166 = arith.constant 124 : i32
      %min3A_167 = arith.minsi %add3A_165, %min3A_166 : i32
      %mul3A_168 = arith.constant 80 : i32
      %mul3A_169 = arith.muli %min3A_167, %mul3A_168 : i32
      %add3A_170 = arith.addi %mul3A_2, %mul3A_169 : i32
      %dma_start3A_171 = arith.constant 0 : i32
      %dma_start3A_172 = tpu.memref_slice %arg8[%rem3A_160, %dma_start3A_171] : memref<4x80xi32, #tpu.memory_space<vmem>> -> memref<1x80xi32, #tpu.memory_space<vmem>>
      %dma_start3A_173 = tpu.memref_squeeze %dma_start3A_172 : memref<1x80xi32, #tpu.memory_space<vmem>> -> memref<80xi32, #tpu.memory_space<vmem>>
      %dma_start3A_174 = tpu.memref_slice %arg4[%add3A_170] : memref<320000xi32, #tpu.memory_space<hbm>> -> memref<80xi32, #tpu.memory_space<hbm>>
      %dma_start3A_175 = arith.constant 0 : i32
      %dma_start3A_176 = tpu.memref_slice %arg8[%rem3A_160, %dma_start3A_175] : memref<4x80xi32, #tpu.memory_space<vmem>> -> memref<1x80xi32, #tpu.memory_space<vmem>>
      %dma_start3A_177 = tpu.memref_squeeze %dma_start3A_176 : memref<1x80xi32, #tpu.memory_space<vmem>> -> memref<80xi32, #tpu.memory_space<vmem>>
      %dma_start3A_178 = tpu.memref_slice %arg4[%add3A_170] : memref<320000xi32, #tpu.memory_space<hbm>> -> memref<80xi32, #tpu.memory_space<hbm>>
      tpu.enqueue_dma source(%dma_start3A_178 : memref<80xi32, #tpu.memory_space<hbm>>) target(%dma_start3A_177 : memref<80xi32, #tpu.memory_space<vmem>>) target_semaphore(%arg13 : memref<!tpu.dma_semaphore, #tpu.memory_space<semaphore_mem>>)
      %mul3A_179 = arith.constant 80 : i32
      %mul3A_180 = arith.muli %min3A_167, %mul3A_179 : i32
      %add3A_181 = arith.addi %mul3A_2, %mul3A_180 : i32
      %dma_start3A_182 = arith.constant 0 : i32
      %dma_start3A_183 = tpu.memref_slice %arg9[%rem3A_160, %dma_start3A_182] : memref<4x80xi32, #tpu.memory_space<vmem>> -> memref<1x80xi32, #tpu.memory_space<vmem>>
      %dma_start3A_184 = tpu.memref_squeeze %dma_start3A_183 : memref<1x80xi32, #tpu.memory_space<vmem>> -> memref<80xi32, #tpu.memory_space<vmem>>
      %dma_start3A_185 = tpu.memref_slice %arg5[%add3A_181] : memref<320000xi32, #tpu.memory_space<hbm>> -> memref<80xi32, #tpu.memory_space<hbm>>
      %dma_start3A_186 = arith.constant 0 : i32
      %dma_start3A_187 = tpu.memref_slice %arg9[%rem3A_160, %dma_start3A_186] : memref<4x80xi32, #tpu.memory_space<vmem>> -> memref<1x80xi32, #tpu.memory_space<vmem>>
      %dma_start3A_188 = tpu.memref_squeeze %dma_start3A_187 : memref<1x80xi32, #tpu.memory_space<vmem>> -> memref<80xi32, #tpu.memory_space<vmem>>
      %dma_start3A_189 = tpu.memref_slice %arg5[%add3A_181] : memref<320000xi32, #tpu.memory_space<hbm>> -> memref<80xi32, #tpu.memory_space<hbm>>
      tpu.enqueue_dma source(%dma_start3A_189 : memref<80xi32, #tpu.memory_space<hbm>>) target(%dma_start3A_188 : memref<80xi32, #tpu.memory_space<vmem>>) target_semaphore(%arg14 : memref<!tpu.dma_semaphore, #tpu.memory_space<semaphore_mem>>)
      %mul3A_190 = arith.constant 80 : i32
      %mul3A_191 = arith.muli %min3A_163, %mul3A_190 : i32
      %add3A_192 = arith.addi %mul3A_2, %mul3A_191 : i32
      %dma_wait3A_193 = arith.constant 0 : i32
      %dma_wait3A_194 = tpu.memref_slice %arg8[%rem3A_156, %dma_wait3A_193] : memref<4x80xi32, #tpu.memory_space<vmem>> -> memref<1x80xi32, #tpu.memory_space<vmem>>
      %dma_wait3A_195 = tpu.memref_squeeze %dma_wait3A_194 : memref<1x80xi32, #tpu.memory_space<vmem>> -> memref<80xi32, #tpu.memory_space<vmem>>
      %dma_wait3A_196 = tpu.memref_slice %arg4[%add3A_192] : memref<320000xi32, #tpu.memory_space<hbm>> -> memref<80xi32, #tpu.memory_space<hbm>>
      %dma_wait3A_197 = arith.constant 0 : i32
      %dma_wait3A_198 = tpu.memref_slice %arg8[%rem3A_156, %dma_wait3A_197] : memref<4x80xi32, #tpu.memory_space<vmem>> -> memref<1x80xi32, #tpu.memory_space<vmem>>
      %dma_wait3A_199 = tpu.memref_squeeze %dma_wait3A_198 : memref<1x80xi32, #tpu.memory_space<vmem>> -> memref<80xi32, #tpu.memory_space<vmem>>
      %dma_wait3A_200 = tpu.memref_slice %arg4[%add3A_192] : memref<320000xi32, #tpu.memory_space<hbm>> -> memref<80xi32, #tpu.memory_space<hbm>>
      tpu.wait_dma2 semaphore(%arg13 : memref<!tpu.dma_semaphore, #tpu.memory_space<semaphore_mem>>) src(%dma_wait3A_200 : memref<80xi32, #tpu.memory_space<hbm>>) dst(%dma_wait3A_199 : memref<80xi32, #tpu.memory_space<vmem>>)
      %mul3A_201 = arith.constant 80 : i32
      %mul3A_202 = arith.muli %min3A_163, %mul3A_201 : i32
      %add3A_203 = arith.addi %mul3A_2, %mul3A_202 : i32
      %dma_wait3A_204 = arith.constant 0 : i32
      %dma_wait3A_205 = tpu.memref_slice %arg9[%rem3A_156, %dma_wait3A_204] : memref<4x80xi32, #tpu.memory_space<vmem>> -> memref<1x80xi32, #tpu.memory_space<vmem>>
      %dma_wait3A_206 = tpu.memref_squeeze %dma_wait3A_205 : memref<1x80xi32, #tpu.memory_space<vmem>> -> memref<80xi32, #tpu.memory_space<vmem>>
      %dma_wait3A_207 = tpu.memref_slice %arg5[%add3A_203] : memref<320000xi32, #tpu.memory_space<hbm>> -> memref<80xi32, #tpu.memory_space<hbm>>
      %dma_wait3A_208 = arith.constant 0 : i32
      %dma_wait3A_209 = tpu.memref_slice %arg9[%rem3A_156, %dma_wait3A_208] : memref<4x80xi32, #tpu.memory_space<vmem>> -> memref<1x80xi32, #tpu.memory_space<vmem>>
      %dma_wait3A_210 = tpu.memref_squeeze %dma_wait3A_209 : memref<1x80xi32, #tpu.memory_space<vmem>> -> memref<80xi32, #tpu.memory_space<vmem>>
      %dma_wait3A_211 = tpu.memref_slice %arg5[%add3A_203] : memref<320000xi32, #tpu.memory_space<hbm>> -> memref<80xi32, #tpu.memory_space<hbm>>
      tpu.wait_dma2 semaphore(%arg14 : memref<!tpu.dma_semaphore, #tpu.memory_space<semaphore_mem>>) src(%dma_wait3A_211 : memref<80xi32, #tpu.memory_space<hbm>>) dst(%dma_wait3A_210 : memref<80xi32, #tpu.memory_space<vmem>>)
      %mul3A_212 = arith.constant 80 : i32
      %mul3A_213 = arith.muli %rem3A_152, %mul3A_212 : i32
      %dma_start3A_214 = arith.constant 0 : i32
      %dma_start3A_215 = tpu.memref_slice %arg10[%mul3A_213, %dma_start3A_214] : memref<160x128xf32, #tpu.memory_space<vmem>> -> memref<80x128xf32, #tpu.memory_space<vmem>>
      %dma_start3A_216 = arith.constant 0 : i32
      %dma_start3A_217 = tpu.memref_slice %arg8[%rem3A_156, %dma_start3A_216] : memref<4x80xi32, #tpu.memory_space<vmem>> -> memref<1x80xi32, #tpu.memory_space<vmem>>
      %dma_start3A_218 = tpu.memref_squeeze %dma_start3A_217 : memref<1x80xi32, #tpu.memory_space<vmem>> -> memref<80xi32, #tpu.memory_space<vmem>>
      %dma_start3A_219 = arith.constant 0 : i32
      %dma_start3A_220 = arith.constant 0 : i32
      %dma_start3A_221 = tpu.memref_slice %arg2[%dma_start3A_219, %dma_start3A_220] : memref<10000x128xf32, #tpu.memory_space<hbm>> -> memref<10000x128xf32, #tpu.memory_space<hbm>>
      tpu.enqueue_indirect_dma source(%dma_start3A_221 : memref<10000x128xf32, #tpu.memory_space<hbm>>) target(%dma_start3A_215 : memref<80x128xf32, #tpu.memory_space<vmem>>) offsets(%dma_start3A_218 : memref<80xi32, #tpu.memory_space<vmem>>) semaphore(%arg15 : memref<!tpu.dma_semaphore, #tpu.memory_space<semaphore_mem>>)
      %mul3A_222 = arith.constant 80 : i32
      %mul3A_223 = arith.muli %min3A_163, %mul3A_222 : i32
      %add3A_224 = arith.addi %mul3A_2, %mul3A_223 : i32
      %mul3A_225 = arith.constant 80 : i32
      %mul3A_226 = arith.muli %rem3A_152, %mul3A_225 : i32
      %dma_start3A_227 = arith.constant 0 : i32
      %dma_start3A_228 = tpu.memref_slice %arg11[%mul3A_226, %dma_start3A_227] : memref<160x128xf32, #tpu.memory_space<vmem>> -> memref<80x128xf32, #tpu.memory_space<vmem>>
      %dma_start3A_229 = arith.constant 0 : i32
      %dma_start3A_230 = tpu.memref_slice %arg3[%add3A_224, %dma_start3A_229] : memref<320000x128xf32, #tpu.memory_space<hbm>> -> memref<80x128xf32, #tpu.memory_space<hbm>>
      %dma_start3A_231 = arith.constant 0 : i32
      %dma_start3A_232 = tpu.memref_slice %arg11[%mul3A_226, %dma_start3A_231] : memref<160x128xf32, #tpu.memory_space<vmem>> -> memref<80x128xf32, #tpu.memory_space<vmem>>
      %dma_start3A_233 = arith.constant 0 : i32
      %dma_start3A_234 = tpu.memref_slice %arg3[%add3A_224, %dma_start3A_233] : memref<320000x128xf32, #tpu.memory_space<hbm>> -> memref<80x128xf32, #tpu.memory_space<hbm>>
      tpu.enqueue_dma source(%dma_start3A_234 : memref<80x128xf32, #tpu.memory_space<hbm>>) target(%dma_start3A_232 : memref<80x128xf32, #tpu.memory_space<vmem>>) target_semaphore(%arg16 : memref<!tpu.dma_semaphore, #tpu.memory_space<semaphore_mem>>)
      %rem3A_235 = arith.constant 4 : i32
      %rem3A_236 = arith.remsi %scan3A_147, %rem3A_235 : i32
      %mul3A_237 = arith.constant 80 : i32
      %mul3A_238 = arith.muli %rem3A_148, %mul3A_237 : i32
      %dma_wait3A_239 = arith.constant 0 : i32
      %dma_wait3A_240 = tpu.memref_slice %arg10[%mul3A_238, %dma_wait3A_239] : memref<160x128xf32, #tpu.memory_space<vmem>> -> memref<80x128xf32, #tpu.memory_space<vmem>>
      %dma_wait3A_241 = arith.constant 0 : i32
      %dma_wait3A_242 = tpu.memref_slice %arg8[%rem3A_236, %dma_wait3A_241] : memref<4x80xi32, #tpu.memory_space<vmem>> -> memref<1x80xi32, #tpu.memory_space<vmem>>
      %dma_wait3A_243 = tpu.memref_squeeze %dma_wait3A_242 : memref<1x80xi32, #tpu.memory_space<vmem>> -> memref<80xi32, #tpu.memory_space<vmem>>
      %dma_wait3A_244 = arith.constant 0 : i32
      %dma_wait3A_245 = arith.constant 0 : i32
      %dma_wait3A_246 = tpu.memref_slice %arg2[%dma_wait3A_244, %dma_wait3A_245] : memref<10000x128xf32, #tpu.memory_space<hbm>> -> memref<10000x128xf32, #tpu.memory_space<hbm>>
      tpu.wait_indirect_dma semaphore(%arg15 : memref<!tpu.dma_semaphore, #tpu.memory_space<semaphore_mem>>) src(%dma_wait3A_246 : memref<10000x128xf32, #tpu.memory_space<hbm>>) dst(%dma_wait3A_240 : memref<80x128xf32, #tpu.memory_space<vmem>>)
      %min3A_247 = arith.constant 124 : i32
      %min3A_248 = arith.minsi %scan3A_147, %min3A_247 : i32
      %mul3A_249 = arith.constant 80 : i32
      %mul3A_250 = arith.muli %min3A_248, %mul3A_249 : i32
      %add3A_251 = arith.addi %mul3A_2, %mul3A_250 : i32
      %mul3A_252 = arith.constant 80 : i32
      %mul3A_253 = arith.muli %rem3A_148, %mul3A_252 : i32
      %dma_wait3A_254 = arith.constant 0 : i32
      %dma_wait3A_255 = tpu.memref_slice %arg11[%mul3A_253, %dma_wait3A_254] : memref<160x128xf32, #tpu.memory_space<vmem>> -> memref<80x128xf32, #tpu.memory_space<vmem>>
      %dma_wait3A_256 = arith.constant 0 : i32
      %dma_wait3A_257 = tpu.memref_slice %arg3[%add3A_251, %dma_wait3A_256] : memref<320000x128xf32, #tpu.memory_space<hbm>> -> memref<80x128xf32, #tpu.memory_space<hbm>>
      %dma_wait3A_258 = arith.constant 0 : i32
      %dma_wait3A_259 = tpu.memref_slice %arg11[%mul3A_253, %dma_wait3A_258] : memref<160x128xf32, #tpu.memory_space<vmem>> -> memref<80x128xf32, #tpu.memory_space<vmem>>
      %dma_wait3A_260 = arith.constant 0 : i32
      %dma_wait3A_261 = tpu.memref_slice %arg3[%add3A_251, %dma_wait3A_260] : memref<320000x128xf32, #tpu.memory_space<hbm>> -> memref<80x128xf32, #tpu.memory_space<hbm>>
      tpu.wait_dma2 semaphore(%arg16 : memref<!tpu.dma_semaphore, #tpu.memory_space<semaphore_mem>>) src(%dma_wait3A_261 : memref<80x128xf32, #tpu.memory_space<hbm>>) dst(%dma_wait3A_259 : memref<80x128xf32, #tpu.memory_space<vmem>>)
      %mul3A_262 = arith.constant 80 : i32
      %mul3A_263 = arith.muli %rem3A_148, %mul3A_262 : i32
      %add3A_264 = arith.constant 80 : i32
      %add3A_265 = arith.addi %mul3A_263, %add3A_264 : i32
      %parallel_loop3A = arith.constant 1 : i32
      scf.for %parallel_loop3A_268 = %mul3A_263 to %add3A_265 step %parallel_loop3A  : i32 {
        %parallel_loop3A_269 = arith.index_cast %parallel_loop3A_268 : i32 to index
        %parallel_loop3A_270 = arith.constant 0 : index
        %parallel_loop3A_271 = tpu.vector_load %arg10[%parallel_loop3A_269, %parallel_loop3A_270] {strides = array<i32>} : memref<160x128xf32, #tpu.memory_space<vmem>>, vector<1x16xf32>,
        %parallel_loop3A_272 = vector.shape_cast %parallel_loop3A_271 : vector<1x16xf32> to vector<16xf32>
        %parallel_loop3A_273 = arith.index_cast %parallel_loop3A_268 : i32 to index
        %parallel_loop3A_274 = arith.constant 0 : index
        %parallel_loop3A_275 = tpu.vector_load %arg11[%parallel_loop3A_273, %parallel_loop3A_274] {strides = array<i32>} : memref<160x128xf32, #tpu.memory_space<vmem>>, vector<1x16xf32>,
        %parallel_loop3A_276 = vector.shape_cast %parallel_loop3A_275 : vector<1x16xf32> to vector<16xf32>
        %parallel_loop3A_277 = arith.addf %parallel_loop3A_272, %parallel_loop3A_276 : vector<16xf32>
        %parallel_loop3A_278 = arith.constant 0.000000e+00 : f32
        %parallel_loop3A_279 = vector.broadcast %parallel_loop3A_278 : f32 to vector<16xf32>
        %parallel_loop3A_280 = arith.maximumf %parallel_loop3A_277, %parallel_loop3A_279 : vector<16xf32>
        %parallel_loop3A_281 = arith.index_cast %parallel_loop3A_268 : i32 to index
        %parallel_loop3A_282 = arith.constant 0 : index
        %parallel_loop3A_283 = tpu.vector_load %arg10[%parallel_loop3A_281, %parallel_loop3A_282] {strides = array<i32>} : memref<160x128xf32, #tpu.memory_space<vmem>>, vector<1x16xf32>,
        %parallel_loop3A_284 = vector.shape_cast %parallel_loop3A_283 : vector<1x16xf32> to vector<16xf32>
        %parallel_loop3A_285 = vector.shape_cast %parallel_loop3A_280 : vector<16xf32> to vector<1x16xf32>
        tpu.vector_store %arg10[%parallel_loop3A_281, %parallel_loop3A_282], %parallel_loop3A_285 {strides = array<i32>} : memref<160x128xf32, #tpu.memory_space<vmem>>, vector<1x16xf32>,
        %parallel_loop3A_286 = arith.index_cast %parallel_loop3A_268 : i32 to index
        %parallel_loop3A_287 = arith.constant 16 : index
        %parallel_loop3A_288 = tpu.vector_load %arg10[%parallel_loop3A_286, %parallel_loop3A_287] {strides = array<i32>} : memref<160x128xf32, #tpu.memory_space<vmem>>, vector<1x16xf32>,
        %parallel_loop3A_289 = vector.shape_cast %parallel_loop3A_288 : vector<1x16xf32> to vector<16xf32>
        %parallel_loop3A_290 = arith.index_cast %parallel_loop3A_268 : i32 to index
        %parallel_loop3A_291 = arith.constant 16 : index
        %parallel_loop3A_292 = tpu.vector_load %arg11[%parallel_loop3A_290, %parallel_loop3A_291] {strides = array<i32>} : memref<160x128xf32, #tpu.memory_space<vmem>>, vector<1x16xf32>,
        %parallel_loop3A_293 = vector.shape_cast %parallel_loop3A_292 : vector<1x16xf32> to vector<16xf32>
        %parallel_loop3A_294 = arith.addf %parallel_loop3A_289, %parallel_loop3A_293 : vector<16xf32>
        %parallel_loop3A_295 = arith.constant 0.000000e+00 : f32
        %parallel_loop3A_296 = vector.broadcast %parallel_loop3A_295 : f32 to vector<16xf32>
        %parallel_loop3A_297 = arith.maximumf %parallel_loop3A_294, %parallel_loop3A_296 : vector<16xf32>
        %parallel_loop3A_298 = arith.index_cast %parallel_loop3A_268 : i32 to index
        %parallel_loop3A_299 = arith.constant 16 : index
        %parallel_loop3A_300 = tpu.vector_load %arg10[%parallel_loop3A_298, %parallel_loop3A_299] {strides = array<i32>} : memref<160x128xf32, #tpu.memory_space<vmem>>, vector<1x16xf32>,
        %parallel_loop3A_301 = vector.shape_cast %parallel_loop3A_300 : vector<1x16xf32> to vector<16xf32>
        %parallel_loop3A_302 = vector.shape_cast %parallel_loop3A_297 : vector<16xf32> to vector<1x16xf32>
        tpu.vector_store %arg10[%parallel_loop3A_298, %parallel_loop3A_299], %parallel_loop3A_302 {strides = array<i32>} : memref<160x128xf32, #tpu.memory_space<vmem>>, vector<1x16xf32>,
        %parallel_loop3A_303 = arith.index_cast %parallel_loop3A_268 : i32 to index
        %parallel_loop3A_304 = arith.constant 32 : index
        %parallel_loop3A_305 = tpu.vector_load %arg10[%parallel_loop3A_303, %parallel_loop3A_304] {strides = array<i32>} : memref<160x128xf32, #tpu.memory_space<vmem>>, vector<1x16xf32>,
        %parallel_loop3A_306 = vector.shape_cast %parallel_loop3A_305 : vector<1x16xf32> to vector<16xf32>
        %parallel_loop3A_307 = arith.index_cast %parallel_loop3A_268 : i32 to index
        %parallel_loop3A_308 = arith.constant 32 : index
        %parallel_loop3A_309 = tpu.vector_load %arg11[%parallel_loop3A_307, %parallel_loop3A_308] {strides = array<i32>} : memref<160x128xf32, #tpu.memory_space<vmem>>, vector<1x16xf32>,
        %parallel_loop3A_310 = vector.shape_cast %parallel_loop3A_309 : vector<1x16xf32> to vector<16xf32>
        %parallel_loop3A_311 = arith.addf %parallel_loop3A_306, %parallel_loop3A_310 : vector<16xf32>
        %parallel_loop3A_312 = arith.constant 0.000000e+00 : f32
        %parallel_loop3A_313 = vector.broadcast %parallel_loop3A_312 : f32 to vector<16xf32>
        %parallel_loop3A_314 = arith.maximumf %parallel_loop3A_311, %parallel_loop3A_313 : vector<16xf32>
        %parallel_loop3A_315 = arith.index_cast %parallel_loop3A_268 : i32 to index
        %parallel_loop3A_316 = arith.constant 32 : index
        %parallel_loop3A_317 = tpu.vector_load %arg10[%parallel_loop3A_315, %parallel_loop3A_316] {strides = array<i32>} : memref<160x128xf32, #tpu.memory_space<vmem>>, vector<1x16xf32>,
        %parallel_loop3A_318 = vector.shape_cast %parallel_loop3A_317 : vector<1x16xf32> to vector<16xf32>
        %parallel_loop3A_319 = vector.shape_cast %parallel_loop3A_314 : vector<16xf32> to vector<1x16xf32>
        tpu.vector_store %arg10[%parallel_loop3A_315, %parallel_loop3A_316], %parallel_loop3A_319 {strides = array<i32>} : memref<160x128xf32, #tpu.memory_space<vmem>>, vector<1x16xf32>,
        %parallel_loop3A_320 = arith.index_cast %parallel_loop3A_268 : i32 to index
        %parallel_loop3A_321 = arith.constant 48 : index
        %parallel_loop3A_322 = tpu.vector_load %arg10[%parallel_loop3A_320, %parallel_loop3A_321] {strides = array<i32>} : memref<160x128xf32, #tpu.memory_space<vmem>>, vector<1x16xf32>,
        %parallel_loop3A_323 = vector.shape_cast %parallel_loop3A_322 : vector<1x16xf32> to vector<16xf32>
        %parallel_loop3A_324 = arith.index_cast %parallel_loop3A_268 : i32 to index
        %parallel_loop3A_325 = arith.constant 48 : index
        %parallel_loop3A_326 = tpu.vector_load %arg11[%parallel_loop3A_324, %parallel_loop3A_325] {strides = array<i32>} : memref<160x128xf32, #tpu.memory_space<vmem>>, vector<1x16xf32>,
        %parallel_loop3A_327 = vector.shape_cast %parallel_loop3A_326 : vector<1x16xf32> to vector<16xf32>
        %parallel_loop3A_328 = arith.addf %parallel_loop3A_323, %parallel_loop3A_327 : vector<16xf32>
        %parallel_loop3A_329 = arith.constant 0.000000e+00 : f32
        %parallel_loop3A_330 = vector.broadcast %parallel_loop3A_329 : f32 to vector<16xf32>
        %parallel_loop3A_331 = arith.maximumf %parallel_loop3A_328, %parallel_loop3A_330 : vector<16xf32>
        %parallel_loop3A_332 = arith.index_cast %parallel_loop3A_268 : i32 to index
        %parallel_loop3A_333 = arith.constant 48 : index
        %parallel_loop3A_334 = tpu.vector_load %arg10[%parallel_loop3A_332, %parallel_loop3A_333] {strides = array<i32>} : memref<160x128xf32, #tpu.memory_space<vmem>>, vector<1x16xf32>,
        %parallel_loop3A_335 = vector.shape_cast %parallel_loop3A_334 : vector<1x16xf32> to vector<16xf32>
        %parallel_loop3A_336 = vector.shape_cast %parallel_loop3A_331 : vector<16xf32> to vector<1x16xf32>
        tpu.vector_store %arg10[%parallel_loop3A_332, %parallel_loop3A_333], %parallel_loop3A_336 {strides = array<i32>} : memref<160x128xf32, #tpu.memory_space<vmem>>, vector<1x16xf32>,
        %parallel_loop3A_337 = arith.index_cast %parallel_loop3A_268 : i32 to index
        %parallel_loop3A_338 = arith.constant 64 : index
        %parallel_loop3A_339 = tpu.vector_load %arg10[%parallel_loop3A_337, %parallel_loop3A_338] {strides = array<i32>} : memref<160x128xf32, #tpu.memory_space<vmem>>, vector<1x16xf32>,
        %parallel_loop3A_340 = vector.shape_cast %parallel_loop3A_339 : vector<1x16xf32> to vector<16xf32>
        %parallel_loop3A_341 = arith.index_cast %parallel_loop3A_268 : i32 to index
        %parallel_loop3A_342 = arith.constant 64 : index
        %parallel_loop3A_343 = tpu.vector_load %arg11[%parallel_loop3A_341, %parallel_loop3A_342] {strides = array<i32>} : memref<160x128xf32, #tpu.memory_space<vmem>>, vector<1x16xf32>,
        %parallel_loop3A_344 = vector.shape_cast %parallel_loop3A_343 : vector<1x16xf32> to vector<16xf32>
        %parallel_loop3A_345 = arith.addf %parallel_loop3A_340, %parallel_loop3A_344 : vector<16xf32>
        %parallel_loop3A_346 = arith.constant 0.000000e+00 : f32
        %parallel_loop3A_347 = vector.broadcast %parallel_loop3A_346 : f32 to vector<16xf32>
        %parallel_loop3A_348 = arith.maximumf %parallel_loop3A_345, %parallel_loop3A_347 : vector<16xf32>
        %parallel_loop3A_349 = arith.index_cast %parallel_loop3A_268 : i32 to index
        %parallel_loop3A_350 = arith.constant 64 : index
        %parallel_loop3A_351 = tpu.vector_load %arg10[%parallel_loop3A_349, %parallel_loop3A_350] {strides = array<i32>} : memref<160x128xf32, #tpu.memory_space<vmem>>, vector<1x16xf32>,
        %parallel_loop3A_352 = vector.shape_cast %parallel_loop3A_351 : vector<1x16xf32> to vector<16xf32>
        %parallel_loop3A_353 = vector.shape_cast %parallel_loop3A_348 : vector<16xf32> to vector<1x16xf32>
        tpu.vector_store %arg10[%parallel_loop3A_349, %parallel_loop3A_350], %parallel_loop3A_353 {strides = array<i32>} : memref<160x128xf32, #tpu.memory_space<vmem>>, vector<1x16xf32>,
        %parallel_loop3A_354 = arith.index_cast %parallel_loop3A_268 : i32 to index
        %parallel_loop3A_355 = arith.constant 80 : index
        %parallel_loop3A_356 = tpu.vector_load %arg10[%parallel_loop3A_354, %parallel_loop3A_355] {strides = array<i32>} : memref<160x128xf32, #tpu.memory_space<vmem>>, vector<1x16xf32>,
        %parallel_loop3A_357 = vector.shape_cast %parallel_loop3A_356 : vector<1x16xf32> to vector<16xf32>
        %parallel_loop3A_358 = arith.index_cast %parallel_loop3A_268 : i32 to index
        %parallel_loop3A_359 = arith.constant 80 : index
        %parallel_loop3A_360 = tpu.vector_load %arg11[%parallel_loop3A_358, %parallel_loop3A_359] {strides = array<i32>} : memref<160x128xf32, #tpu.memory_space<vmem>>, vector<1x16xf32>,
        %parallel_loop3A_361 = vector.shape_cast %parallel_loop3A_360 : vector<1x16xf32> to vector<16xf32>
        %parallel_loop3A_362 = arith.addf %parallel_loop3A_357, %parallel_loop3A_361 : vector<16xf32>
        %parallel_loop3A_363 = arith.constant 0.000000e+00 : f32
        %parallel_loop3A_364 = vector.broadcast %parallel_loop3A_363 : f32 to vector<16xf32>
        %parallel_loop3A_365 = arith.maximumf %parallel_loop3A_362, %parallel_loop3A_364 : vector<16xf32>
        %parallel_loop3A_366 = arith.index_cast %parallel_loop3A_268 : i32 to index
        %parallel_loop3A_367 = arith.constant 80 : index
        %parallel_loop3A_368 = tpu.vector_load %arg10[%parallel_loop3A_366, %parallel_loop3A_367] {strides = array<i32>} : memref<160x128xf32, #tpu.memory_space<vmem>>, vector<1x16xf32>,
        %parallel_loop3A_369 = vector.shape_cast %parallel_loop3A_368 : vector<1x16xf32> to vector<16xf32>
        %parallel_loop3A_370 = vector.shape_cast %parallel_loop3A_365 : vector<16xf32> to vector<1x16xf32>
        tpu.vector_store %arg10[%parallel_loop3A_366, %parallel_loop3A_367], %parallel_loop3A_370 {strides = array<i32>} : memref<160x128xf32, #tpu.memory_space<vmem>>, vector<1x16xf32>,
        %parallel_loop3A_371 = arith.index_cast %parallel_loop3A_268 : i32 to index
        %parallel_loop3A_372 = arith.constant 96 : index
        %parallel_loop3A_373 = tpu.vector_load %arg10[%parallel_loop3A_371, %parallel_loop3A_372] {strides = array<i32>} : memref<160x128xf32, #tpu.memory_space<vmem>>, vector<1x16xf32>,
        %parallel_loop3A_374 = vector.shape_cast %parallel_loop3A_373 : vector<1x16xf32> to vector<16xf32>
        %parallel_loop3A_375 = arith.index_cast %parallel_loop3A_268 : i32 to index
        %parallel_loop3A_376 = arith.constant 96 : index
        %parallel_loop3A_377 = tpu.vector_load %arg11[%parallel_loop3A_375, %parallel_loop3A_376] {strides = array<i32>} : memref<160x128xf32, #tpu.memory_space<vmem>>, vector<1x16xf32>,
        %parallel_loop3A_378 = vector.shape_cast %parallel_loop3A_377 : vector<1x16xf32> to vector<16xf32>
        %parallel_loop3A_379 = arith.addf %parallel_loop3A_374, %parallel_loop3A_378 : vector<16xf32>
        %parallel_loop3A_380 = arith.constant 0.000000e+00 : f32
        %parallel_loop3A_381 = vector.broadcast %parallel_loop3A_380 : f32 to vector<16xf32>
        %parallel_loop3A_382 = arith.maximumf %parallel_loop3A_379, %parallel_loop3A_381 : vector<16xf32>
        %parallel_loop3A_383 = arith.index_cast %parallel_loop3A_268 : i32 to index
        %parallel_loop3A_384 = arith.constant 96 : index
        %parallel_loop3A_385 = tpu.vector_load %arg10[%parallel_loop3A_383, %parallel_loop3A_384] {strides = array<i32>} : memref<160x128xf32, #tpu.memory_space<vmem>>, vector<1x16xf32>,
        %parallel_loop3A_386 = vector.shape_cast %parallel_loop3A_385 : vector<1x16xf32> to vector<16xf32>
        %parallel_loop3A_387 = vector.shape_cast %parallel_loop3A_382 : vector<16xf32> to vector<1x16xf32>
        tpu.vector_store %arg10[%parallel_loop3A_383, %parallel_loop3A_384], %parallel_loop3A_387 {strides = array<i32>} : memref<160x128xf32, #tpu.memory_space<vmem>>, vector<1x16xf32>,
        %parallel_loop3A_388 = arith.index_cast %parallel_loop3A_268 : i32 to index
        %parallel_loop3A_389 = arith.constant 112 : index
        %parallel_loop3A_390 = tpu.vector_load %arg10[%parallel_loop3A_388, %parallel_loop3A_389] {strides = array<i32>} : memref<160x128xf32, #tpu.memory_space<vmem>>, vector<1x16xf32>,
        %parallel_loop3A_391 = vector.shape_cast %parallel_loop3A_390 : vector<1x16xf32> to vector<16xf32>
        %parallel_loop3A_392 = arith.index_cast %parallel_loop3A_268 : i32 to index
        %parallel_loop3A_393 = arith.constant 112 : index
        %parallel_loop3A_394 = tpu.vector_load %arg11[%parallel_loop3A_392, %parallel_loop3A_393] {strides = array<i32>} : memref<160x128xf32, #tpu.memory_space<vmem>>, vector<1x16xf32>,
        %parallel_loop3A_395 = vector.shape_cast %parallel_loop3A_394 : vector<1x16xf32> to vector<16xf32>
        %parallel_loop3A_396 = arith.addf %parallel_loop3A_391, %parallel_loop3A_395 : vector<16xf32>
        %parallel_loop3A_397 = arith.constant 0.000000e+00 : f32
        %parallel_loop3A_398 = vector.broadcast %parallel_loop3A_397 : f32 to vector<16xf32>
        %parallel_loop3A_399 = arith.maximumf %parallel_loop3A_396, %parallel_loop3A_398 : vector<16xf32>
        %parallel_loop3A_400 = arith.index_cast %parallel_loop3A_268 : i32 to index
        %parallel_loop3A_401 = arith.constant 112 : index
        %parallel_loop3A_402 = tpu.vector_load %arg10[%parallel_loop3A_400, %parallel_loop3A_401] {strides = array<i32>} : memref<160x128xf32, #tpu.memory_space<vmem>>, vector<1x16xf32>,
        %parallel_loop3A_403 = vector.shape_cast %parallel_loop3A_402 : vector<1x16xf32> to vector<16xf32>
        %parallel_loop3A_404 = vector.shape_cast %parallel_loop3A_399 : vector<16xf32> to vector<1x16xf32>
        tpu.vector_store %arg10[%parallel_loop3A_400, %parallel_loop3A_401], %parallel_loop3A_404 {strides = array<i32>} : memref<160x128xf32, #tpu.memory_space<vmem>>, vector<1x16xf32>,
      } {sc.loop_unroll_factor = 4 : i64, sc.parallel_access}
      %rem3A_266 = arith.constant 4 : i32
      %rem3A_267 = arith.remsi %scan3A_147, %rem3A_266 : i32
      "tpu.region"() ({
        %run_scoped3A = tpu.sem_alloc : memref<!tpu.dma_semaphore, #tpu.memory_space<semaphore_mem>>
        %dma_start3A_268 = arith.constant 0 : i32
        %dma_start3A_269 = tpu.memref_slice %arg10[%mul3A_263, %dma_start3A_268] : memref<160x128xf32, #tpu.memory_space<vmem>> -> memref<80x128xf32, #tpu.memory_space<vmem>>
        %dma_start3A_270 = arith.constant 0 : i32
        %dma_start3A_271 = tpu.memref_slice %arg9[%rem3A_267, %dma_start3A_270] : memref<4x80xi32, #tpu.memory_space<vmem>> -> memref<1x80xi32, #tpu.memory_space<vmem>>
        %dma_start3A_272 = tpu.memref_squeeze %dma_start3A_271 : memref<1x80xi32, #tpu.memory_space<vmem>> -> memref<80xi32, #tpu.memory_space<vmem>>
        %dma_start3A_273 = arith.constant 0 : i32
        %dma_start3A_274 = arith.constant 0 : i32
        %dma_start3A_275 = tpu.memref_slice %arg12[%dma_start3A_273, %dma_start3A_274] : memref<10240x128xf32, #tpu.memory_space<vmem_shared>> -> memref<10240x128xf32, #tpu.memory_space<vmem_shared>>
        tpu.enqueue_indirect_dma source(%dma_start3A_269 : memref<80x128xf32, #tpu.memory_space<vmem>>) target(%dma_start3A_275 : memref<10240x128xf32, #tpu.memory_space<vmem_shared>>) offsets(%dma_start3A_272 : memref<80xi32, #tpu.memory_space<vmem>>) semaphore(%run_scoped3A : memref<!tpu.dma_semaphore, #tpu.memory_space<semaphore_mem>>) {add = true}
        %dma_wait3A_276 = arith.constant 0 : i32
        %dma_wait3A_277 = tpu.memref_slice %arg10[%mul3A_263, %dma_wait3A_276] : memref<160x128xf32, #tpu.memory_space<vmem>> -> memref<80x128xf32, #tpu.memory_space<vmem>>
        %dma_wait3A_278 = arith.constant 0 : i32
        %dma_wait3A_279 = tpu.memref_slice %arg9[%rem3A_267, %dma_wait3A_278] : memref<4x80xi32, #tpu.memory_space<vmem>> -> memref<1x80xi32, #tpu.memory_space<vmem>>
        %dma_wait3A_280 = tpu.memref_squeeze %dma_wait3A_279 : memref<1x80xi32, #tpu.memory_space<vmem>> -> memref<80xi32, #tpu.memory_space<vmem>>
        %dma_wait3A_281 = arith.constant 0 : i32
        %dma_wait3A_282 = arith.constant 0 : i32
        %dma_wait3A_283 = tpu.memref_slice %arg12[%dma_wait3A_281, %dma_wait3A_282] : memref<10240x128xf32, #tpu.memory_space<vmem_shared>> -> memref<10240x128xf32, #tpu.memory_space<vmem_shared>>
        tpu.wait_indirect_dma semaphore(%run_scoped3A : memref<!tpu.dma_semaphore, #tpu.memory_space<semaphore_mem>>) src(%dma_wait3A_277 : memref<80x128xf32, #tpu.memory_space<vmem>>) dst(%dma_wait3A_283 : memref<10240x128xf32, #tpu.memory_space<vmem_shared>>)
        tpu.yield
      }) : () -> ()
    }
    %scan3A_97 = arith.constant 125 : i32
    %add3A_98 = arith.constant 9920 : i32
    %add3A_99 = arith.addi %mul3A_2, %add3A_98 : i32
    %dma_wait3A_100 = arith.constant 2 : i32
    %dma_wait3A_101 = arith.constant 0 : i32
    %dma_wait3A_102 = tpu.memref_slice %arg8[%dma_wait3A_100, %dma_wait3A_101] : memref<4x80xi32, #tpu.memory_space<vmem>> -> memref<1x80xi32, #tpu.memory_space<vmem>>
    %dma_wait3A_103 = tpu.memref_squeeze %dma_wait3A_102 : memref<1x80xi32, #tpu.memory_space<vmem>> -> memref<80xi32, #tpu.memory_space<vmem>>
    %dma_wait3A_104 = tpu.memref_slice %arg4[%add3A_99] : memref<320000xi32, #tpu.memory_space<hbm>> -> memref<80xi32, #tpu.memory_space<hbm>>
    %dma_wait3A_105 = arith.constant 0 : i32
    %dma_wait3A_106 = tpu.memref_slice %arg8[%dma_wait3A_100, %dma_wait3A_105] : memref<4x80xi32, #tpu.memory_space<vmem>> -> memref<1x80xi32, #tpu.memory_space<vmem>>
    %dma_wait3A_107 = tpu.memref_squeeze %dma_wait3A_106 : memref<1x80xi32, #tpu.memory_space<vmem>> -> memref<80xi32, #tpu.memory_space<vmem>>
    %dma_wait3A_108 = tpu.memref_slice %arg4[%add3A_99] : memref<320000xi32, #tpu.memory_space<hbm>> -> memref<80xi32, #tpu.memory_space<hbm>>
    tpu.wait_dma2 semaphore(%arg13 : memref<!tpu.dma_semaphore, #tpu.memory_space<semaphore_mem>>) src(%dma_wait3A_108 : memref<80xi32, #tpu.memory_space<hbm>>) dst(%dma_wait3A_107 : memref<80xi32, #tpu.memory_space<vmem>>)
    %add3A_109 = arith.constant 9920 : i32
    %add3A_110 = arith.addi %mul3A_2, %add3A_109 : i32
    %dma_wait3A_111 = arith.constant 2 : i32
    %dma_wait3A_112 = arith.constant 0 : i32
    %dma_wait3A_113 = tpu.memref_slice %arg9[%dma_wait3A_111, %dma_wait3A_112] : memref<4x80xi32, #tpu.memory_space<vmem>> -> memref<1x80xi32, #tpu.memory_space<vmem>>
    %dma_wait3A_114 = tpu.memref_squeeze %dma_wait3A_113 : memref<1x80xi32, #tpu.memory_space<vmem>> -> memref<80xi32, #tpu.memory_space<vmem>>
    %dma_wait3A_115 = tpu.memref_slice %arg5[%add3A_110] : memref<320000xi32, #tpu.memory_space<hbm>> -> memref<80xi32, #tpu.memory_space<hbm>>
    %dma_wait3A_116 = arith.constant 0 : i32
    %dma_wait3A_117 = tpu.memref_slice %arg9[%dma_wait3A_111, %dma_wait3A_116] : memref<4x80xi32, #tpu.memory_space<vmem>> -> memref<1x80xi32, #tpu.memory_space<vmem>>
    %dma_wait3A_118 = tpu.memref_squeeze %dma_wait3A_117 : memref<1x80xi32, #tpu.memory_space<vmem>> -> memref<80xi32, #tpu.memory_space<vmem>>
    %dma_wait3A_119 = tpu.memref_slice %arg5[%add3A_110] : memref<320000xi32, #tpu.memory_space<hbm>> -> memref<80xi32, #tpu.memory_space<hbm>>
    tpu.wait_dma2 semaphore(%arg14 : memref<!tpu.dma_semaphore, #tpu.memory_space<semaphore_mem>>) src(%dma_wait3A_119 : memref<80xi32, #tpu.memory_space<hbm>>) dst(%dma_wait3A_118 : memref<80xi32, #tpu.memory_space<vmem>>)
    %dma_wait3A_120 = arith.constant 1 : i32
    %dma_wait3A_121 = arith.constant 80 : i32
    %dma_wait3A_122 = arith.constant 0 : i32
    %dma_wait3A_123 = tpu.memref_slice %arg10[%dma_wait3A_121, %dma_wait3A_122] : memref<160x128xf32, #tpu.memory_space<vmem>> -> memref<80x128xf32, #tpu.memory_space<vmem>>
    %dma_wait3A_124 = arith.constant 0 : i32
    %dma_wait3A_125 = tpu.memref_slice %arg8[%dma_wait3A_120, %dma_wait3A_124] : memref<4x80xi32, #tpu.memory_space<vmem>> -> memref<1x80xi32, #tpu.memory_space<vmem>>
    %dma_wait3A_126 = tpu.memref_squeeze %dma_wait3A_125 : memref<1x80xi32, #tpu.memory_space<vmem>> -> memref<80xi32, #tpu.memory_space<vmem>>
    %dma_wait3A_127 = arith.constant 0 : i32
    %dma_wait3A_128 = arith.constant 0 : i32
    %dma_wait3A_129 = tpu.memref_slice %arg2[%dma_wait3A_127, %dma_wait3A_128] : memref<10000x128xf32, #tpu.memory_space<hbm>> -> memref<10000x128xf32, #tpu.memory_space<hbm>>
    tpu.wait_indirect_dma semaphore(%arg15 : memref<!tpu.dma_semaphore, #tpu.memory_space<semaphore_mem>>) src(%dma_wait3A_129 : memref<10000x128xf32, #tpu.memory_space<hbm>>) dst(%dma_wait3A_123 : memref<80x128xf32, #tpu.memory_space<vmem>>)
    %add3A_130 = arith.constant 9920 : i32
    %add3A_131 = arith.addi %mul3A_2, %add3A_130 : i32
    %dma_wait3A_132 = arith.constant 80 : i32
    %dma_wait3A_133 = arith.constant 0 : i32
    %dma_wait3A_134 = tpu.memref_slice %arg11[%dma_wait3A_132, %dma_wait3A_133] : memref<160x128xf32, #tpu.memory_space<vmem>> -> memref<80x128xf32, #tpu.memory_space<vmem>>
    %dma_wait3A_135 = arith.constant 0 : i32
    %dma_wait3A_136 = tpu.memref_slice %arg3[%add3A_131, %dma_wait3A_135] : memref<320000x128xf32, #tpu.memory_space<hbm>> -> memref<80x128xf32, #tpu.memory_space<hbm>>
    %dma_wait3A_137 = arith.constant 80 : i32
    %dma_wait3A_138 = arith.constant 0 : i32
    %dma_wait3A_139 = tpu.memref_slice %arg11[%dma_wait3A_137, %dma_wait3A_138] : memref<160x128xf32, #tpu.memory_space<vmem>> -> memref<80x128xf32, #tpu.memory_space<vmem>>
    %dma_wait3A_140 = arith.constant 0 : i32
    %dma_wait3A_141 = tpu.memref_slice %arg3[%add3A_131, %dma_wait3A_140] : memref<320000x128xf32, #tpu.memory_space<hbm>> -> memref<80x128xf32, #tpu.memory_space<hbm>>
    tpu.wait_dma2 semaphore(%arg16 : memref<!tpu.dma_semaphore, #tpu.memory_space<semaphore_mem>>) src(%dma_wait3A_141 : memref<80x128xf32, #tpu.memory_space<hbm>>) dst(%dma_wait3A_139 : memref<80x128xf32, #tpu.memory_space<vmem>>)
    %barrier3A_142 = arith.constant 0 : index
    tpu.barrier barrier_id(%barrier3A_142)
    %mul3A_143 = arith.constant 640 : i32
    %mul3A_144 = arith.muli %arg1, %mul3A_143 : i32
    %mul3A_145 = arith.constant 640 : i32
    %mul3A_146 = arith.muli %arg1, %mul3A_145 : i32
    "tpu.region"() ({
      %run_scoped3A = tpu.sem_alloc : memref<!tpu.dma_semaphore, #tpu.memory_space<semaphore_mem>>
      %dma_start3A_147 = arith.constant 0 : i32
      %dma_start3A_148 = tpu.memref_slice %arg7[%arg0, %mul3A_146, %dma_start3A_147] : memref<2x10240x128xf32, #tpu.memory_space<hbm>> -> memref<1x640x128xf32, #tpu.memory_space<hbm>>
      %dma_start3A_149 = tpu.memref_squeeze %dma_start3A_148 : memref<1x640x128xf32, #tpu.memory_space<hbm>> -> memref<640x128xf32, #tpu.memory_space<hbm>>
      %dma_start3A_150 = arith.constant 0 : i32
      %dma_start3A_151 = tpu.memref_slice %arg12[%mul3A_144, %dma_start3A_150] : memref<10240x128xf32, #tpu.memory_space<vmem_shared>> -> memref<640x128xf32, #tpu.memory_space<vmem_shared>>
      tpu.enqueue_dma source(%dma_start3A_151 : memref<640x128xf32, #tpu.memory_space<vmem_shared>>) target(%dma_start3A_149 : memref<640x128xf32, #tpu.memory_space<hbm>>) target_semaphore(%run_scoped3A : memref<!tpu.dma_semaphore, #tpu.memory_space<semaphore_mem>>)
      %dma_wait3A_152 = arith.constant 0 : i32
      %dma_wait3A_153 = tpu.memref_slice %arg7[%arg0, %mul3A_146, %dma_wait3A_152] : memref<2x10240x128xf32, #tpu.memory_space<hbm>> -> memref<1x640x128xf32, #tpu.memory_space<hbm>>
      %dma_wait3A_154 = tpu.memref_squeeze %dma_wait3A_153 : memref<1x640x128xf32, #tpu.memory_space<hbm>> -> memref<640x128xf32, #tpu.memory_space<hbm>>
      %dma_wait3A_155 = arith.constant 0 : i32
      %dma_wait3A_156 = tpu.memref_slice %arg12[%mul3A_144, %dma_wait3A_155] : memref<10240x128xf32, #tpu.memory_space<vmem_shared>> -> memref<640x128xf32, #tpu.memory_space<vmem_shared>>
      tpu.wait_dma2 semaphore(%run_scoped3A : memref<!tpu.dma_semaphore, #tpu.memory_space<semaphore_mem>>) src(%dma_wait3A_156 : memref<640x128xf32, #tpu.memory_space<vmem_shared>>) dst(%dma_wait3A_154 : memref<640x128xf32, #tpu.memory_space<hbm>>)
      tpu.yield
    }) : () -> ()
    return
  }
}

#map = affine_map<(d0, d1) -> (0, 0)>
#map1 = affine_map<(d0, d1) -> (0)>
#map2 = affine_map<(d0, d1) -> (0, 0, 0)>
module attributes {stable_mosaic.version = 14 : i64} {
  func.func @k(%arg0: i32, %arg1: i32, %arg2: memref<10000x128xf32, #tpu.memory_space<hbm>>, %arg3: memref<320000x128xf32, #tpu.memory_space<hbm>>, %arg4: memref<320000xi32, #tpu.memory_space<hbm>>, %arg5: memref<320000xi32, #tpu.memory_space<hbm>>, %arg6: memref<10240x128xf32, #tpu.memory_space<hbm>>, %arg7: memref<2x10240x128xf32, #tpu.memory_space<hbm>>, %arg8: memref<4x80xi32, #tpu.memory_space<vmem>>, %arg9: memref<4x80xi32, #tpu.memory_space<vmem>>, %arg10: memref<160x128xf32, #tpu.memory_space<vmem>>, %arg11: memref<160x128xf32, #tpu.memory_space<vmem>>, %arg12: memref<10240x128xf32, #tpu.memory_space<vmem_shared>>, %arg13: memref<!tpu.dma_semaphore, #tpu.memory_space<semaphore_mem>>, %arg14: memref<!tpu.dma_semaphore, #tpu.memory_space<semaphore_mem>>, %arg15: memref<!tpu.dma_semaphore, #tpu.memory_space<semaphore_mem>>, %arg16: memref<!tpu.dma_semaphore, #tpu.memory_space<semaphore_mem>>) attributes {dimension_semantics = [#tpu.dimension_semantics<core_parallel>, #tpu.dimension_semantics<subcore_parallel>], iteration_bounds = array<i64: 2, 16>, scalar_prefetch = 0 : i64, scratch_operands = 9 : i64, tpu.core_type = #tpu.core_type<sc_vector_subcore>, window_params = [{transform_indices = #map}, {transform_indices = #map}, {transform_indices = #map1}, {transform_indices = #map1}, {transform_indices = #map}, {transform_indices = #map2}]} {
    %mul3A = arith.constant 2 : i32
    %mul3A_0 = arith.muli %arg1, %mul3A : i32
    %add3A = arith.addi %mul3A_0, %arg0 : i32
    %mul3A_1 = arith.constant 10000 : i32
    %mul3A_2 = arith.muli %add3A, %mul3A_1 : i32
    %mul3A_3 = arith.constant 640 : i32
    %mul3A_4 = arith.muli %arg1, %mul3A_3 : i32
    %mul3A_5 = arith.constant 640 : i32
    %mul3A_6 = arith.muli %arg1, %mul3A_5 : i32
    "tpu.region"() ({
      %run_scoped3A = tpu.sem_alloc : memref<!tpu.dma_semaphore, #tpu.memory_space<semaphore_mem>>
      %dma_start3A_147 = arith.constant 0 : i32
      %dma_start3A_148 = tpu.memref_slice %arg12[%mul3A_6, %dma_start3A_147] : memref<10240x128xf32, #tpu.memory_space<vmem_shared>> -> memref<640x128xf32, #tpu.memory_space<vmem_shared>>
      %dma_start3A_149 = arith.constant 0 : i32
      %dma_start3A_150 = tpu.memref_slice %arg6[%mul3A_4, %dma_start3A_149] : memref<10240x128xf32, #tpu.memory_space<hbm>> -> memref<640x128xf32, #tpu.memory_space<hbm>>
      tpu.enqueue_dma source(%dma_start3A_150 : memref<640x128xf32, #tpu.memory_space<hbm>>) target(%dma_start3A_148 : memref<640x128xf32, #tpu.memory_space<vmem_shared>>) target_semaphore(%run_scoped3A : memref<!tpu.dma_semaphore, #tpu.memory_space<semaphore_mem>>)
      %dma_wait3A_151 = arith.constant 0 : i32
      %dma_wait3A_152 = tpu.memref_slice %arg12[%mul3A_6, %dma_wait3A_151] : memref<10240x128xf32, #tpu.memory_space<vmem_shared>> -> memref<640x128xf32, #tpu.memory_space<vmem_shared>>
      %dma_wait3A_153 = arith.constant 0 : i32
      %dma_wait3A_154 = tpu.memref_slice %arg6[%mul3A_4, %dma_wait3A_153] : memref<10240x128xf32, #tpu.memory_space<hbm>> -> memref<640x128xf32, #tpu.memory_space<hbm>>
      tpu.wait_dma2 semaphore(%run_scoped3A : memref<!tpu.dma_semaphore, #tpu.memory_space<semaphore_mem>>) src(%dma_wait3A_154 : memref<640x128xf32, #tpu.memory_space<hbm>>) dst(%dma_wait3A_152 : memref<640x128xf32, #tpu.memory_space<vmem_shared>>)
      tpu.yield
    }) : () -> ()
    %barrier3A = arith.constant 0 : index
    tpu.barrier barrier_id(%barrier3A)
    %add3A_7 = arith.constant 0 : i32
    %add3A_8 = arith.addi %mul3A_2, %add3A_7 : i32
    %dma_start3A = arith.constant 0 : i32
    %dma_start3A_9 = arith.constant 0 : i32
    %dma_start3A_10 = tpu.memref_slice %arg8[%dma_start3A, %dma_start3A_9] : memref<4x80xi32, #tpu.memory_space<vmem>> -> memref<1x80xi32, #tpu.memory_space<vmem>>
    %dma_start3A_11 = tpu.memref_squeeze %dma_start3A_10 : memref<1x80xi32, #tpu.memory_space<vmem>> -> memref<80xi32, #tpu.memory_space<vmem>>
    %dma_start3A_12 = tpu.memref_slice %arg4[%add3A_8] : memref<320000xi32, #tpu.memory_space<hbm>> -> memref<80xi32, #tpu.memory_space<hbm>>
    %dma_start3A_13 = arith.constant 0 : i32
    %dma_start3A_14 = tpu.memref_slice %arg8[%dma_start3A, %dma_start3A_13] : memref<4x80xi32, #tpu.memory_space<vmem>> -> memref<1x80xi32, #tpu.memory_space<vmem>>
    %dma_start3A_15 = tpu.memref_squeeze %dma_start3A_14 : memref<1x80xi32, #tpu.memory_space<vmem>> -> memref<80xi32, #tpu.memory_space<vmem>>
    %dma_start3A_16 = tpu.memref_slice %arg4[%add3A_8] : memref<320000xi32, #tpu.memory_space<hbm>> -> memref<80xi32, #tpu.memory_space<hbm>>
    tpu.enqueue_dma source(%dma_start3A_16 : memref<80xi32, #tpu.memory_space<hbm>>) target(%dma_start3A_15 : memref<80xi32, #tpu.memory_space<vmem>>) target_semaphore(%arg13 : memref<!tpu.dma_semaphore, #tpu.memory_space<semaphore_mem>>)
    %add3A_17 = arith.constant 0 : i32
    %add3A_18 = arith.addi %mul3A_2, %add3A_17 : i32
    %dma_start3A_19 = arith.constant 0 : i32
    %dma_start3A_20 = arith.constant 0 : i32
    %dma_start3A_21 = tpu.memref_slice %arg9[%dma_start3A_19, %dma_start3A_20] : memref<4x80xi32, #tpu.memory_space<vmem>> -> memref<1x80xi32, #tpu.memory_space<vmem>>
    %dma_start3A_22 = tpu.memref_squeeze %dma_start3A_21 : memref<1x80xi32, #tpu.memory_space<vmem>> -> memref<80xi32, #tpu.memory_space<vmem>>
    %dma_start3A_23 = tpu.memref_slice %arg5[%add3A_18] : memref<320000xi32, #tpu.memory_space<hbm>> -> memref<80xi32, #tpu.memory_space<hbm>>
    %dma_start3A_24 = arith.constant 0 : i32
    %dma_start3A_25 = tpu.memref_slice %arg9[%dma_start3A_19, %dma_start3A_24] : memref<4x80xi32, #tpu.memory_space<vmem>> -> memref<1x80xi32, #tpu.memory_space<vmem>>
    %dma_start3A_26 = tpu.memref_squeeze %dma_start3A_25 : memref<1x80xi32, #tpu.memory_space<vmem>> -> memref<80xi32, #tpu.memory_space<vmem>>
    %dma_start3A_27 = tpu.memref_slice %arg5[%add3A_18] : memref<320000xi32, #tpu.memory_space<hbm>> -> memref<80xi32, #tpu.memory_space<hbm>>
    tpu.enqueue_dma source(%dma_start3A_27 : memref<80xi32, #tpu.memory_space<hbm>>) target(%dma_start3A_26 : memref<80xi32, #tpu.memory_space<vmem>>) target_semaphore(%arg14 : memref<!tpu.dma_semaphore, #tpu.memory_space<semaphore_mem>>)
    %add3A_28 = arith.constant 80 : i32
    %add3A_29 = arith.addi %mul3A_2, %add3A_28 : i32
    %dma_start3A_30 = arith.constant 1 : i32
    %dma_start3A_31 = arith.constant 0 : i32
    %dma_start3A_32 = tpu.memref_slice %arg8[%dma_start3A_30, %dma_start3A_31] : memref<4x80xi32, #tpu.memory_space<vmem>> -> memref<1x80xi32, #tpu.memory_space<vmem>>
    %dma_start3A_33 = tpu.memref_squeeze %dma_start3A_32 : memref<1x80xi32, #tpu.memory_space<vmem>> -> memref<80xi32, #tpu.memory_space<vmem>>
    %dma_start3A_34 = tpu.memref_slice %arg4[%add3A_29] : memref<320000xi32, #tpu.memory_space<hbm>> -> memref<80xi32, #tpu.memory_space<hbm>>
    %dma_start3A_35 = arith.constant 0 : i32
    %dma_start3A_36 = tpu.memref_slice %arg8[%dma_start3A_30, %dma_start3A_35] : memref<4x80xi32, #tpu.memory_space<vmem>> -> memref<1x80xi32, #tpu.memory_space<vmem>>
    %dma_start3A_37 = tpu.memref_squeeze %dma_start3A_36 : memref<1x80xi32, #tpu.memory_space<vmem>> -> memref<80xi32, #tpu.memory_space<vmem>>
    %dma_start3A_38 = tpu.memref_slice %arg4[%add3A_29] : memref<320000xi32, #tpu.memory_space<hbm>> -> memref<80xi32, #tpu.memory_space<hbm>>
    tpu.enqueue_dma source(%dma_start3A_38 : memref<80xi32, #tpu.memory_space<hbm>>) target(%dma_start3A_37 : memref<80xi32, #tpu.memory_space<vmem>>) target_semaphore(%arg13 : memref<!tpu.dma_semaphore, #tpu.memory_space<semaphore_mem>>)
    %add3A_39 = arith.constant 80 : i32
    %add3A_40 = arith.addi %mul3A_2, %add3A_39 : i32
    %dma_start3A_41 = arith.constant 1 : i32
    %dma_start3A_42 = arith.constant 0 : i32
    %dma_start3A_43 = tpu.memref_slice %arg9[%dma_start3A_41, %dma_start3A_42] : memref<4x80xi32, #tpu.memory_space<vmem>> -> memref<1x80xi32, #tpu.memory_space<vmem>>
    %dma_start3A_44 = tpu.memref_squeeze %dma_start3A_43 : memref<1x80xi32, #tpu.memory_space<vmem>> -> memref<80xi32, #tpu.memory_space<vmem>>
    %dma_start3A_45 = tpu.memref_slice %arg5[%add3A_40] : memref<320000xi32, #tpu.memory_space<hbm>> -> memref<80xi32, #tpu.memory_space<hbm>>
    %dma_start3A_46 = arith.constant 0 : i32
    %dma_start3A_47 = tpu.memref_slice %arg9[%dma_start3A_41, %dma_start3A_46] : memref<4x80xi32, #tpu.memory_space<vmem>> -> memref<1x80xi32, #tpu.memory_space<vmem>>
    %dma_start3A_48 = tpu.memref_squeeze %dma_start3A_47 : memref<1x80xi32, #tpu.memory_space<vmem>> -> memref<80xi32, #tpu.memory_space<vmem>>
    %dma_start3A_49 = tpu.memref_slice %arg5[%add3A_40] : memref<320000xi32, #tpu.memory_space<hbm>> -> memref<80xi32, #tpu.memory_space<hbm>>
    tpu.enqueue_dma source(%dma_start3A_49 : memref<80xi32, #tpu.memory_space<hbm>>) target(%dma_start3A_48 : memref<80xi32, #tpu.memory_space<vmem>>) target_semaphore(%arg14 : memref<!tpu.dma_semaphore, #tpu.memory_space<semaphore_mem>>)
    %add3A_50 = arith.constant 0 : i32
    %add3A_51 = arith.addi %mul3A_2, %add3A_50 : i32
    %dma_wait3A = arith.constant 0 : i32
    %dma_wait3A_52 = arith.constant 0 : i32
    %dma_wait3A_53 = tpu.memref_slice %arg8[%dma_wait3A, %dma_wait3A_52] : memref<4x80xi32, #tpu.memory_space<vmem>> -> memref<1x80xi32, #tpu.memory_space<vmem>>
    %dma_wait3A_54 = tpu.memref_squeeze %dma_wait3A_53 : memref<1x80xi32, #tpu.memory_space<vmem>> -> memref<80xi32, #tpu.memory_space<vmem>>
    %dma_wait3A_55 = tpu.memref_slice %arg4[%add3A_51] : memref<320000xi32, #tpu.memory_space<hbm>> -> memref<80xi32, #tpu.memory_space<hbm>>
    %dma_wait3A_56 = arith.constant 0 : i32
    %dma_wait3A_57 = tpu.memref_slice %arg8[%dma_wait3A, %dma_wait3A_56] : memref<4x80xi32, #tpu.memory_space<vmem>> -> memref<1x80xi32, #tpu.memory_space<vmem>>
    %dma_wait3A_58 = tpu.memref_squeeze %dma_wait3A_57 : memref<1x80xi32, #tpu.memory_space<vmem>> -> memref<80xi32, #tpu.memory_space<vmem>>
    %dma_wait3A_59 = tpu.memref_slice %arg4[%add3A_51] : memref<320000xi32, #tpu.memory_space<hbm>> -> memref<80xi32, #tpu.memory_space<hbm>>
    tpu.wait_dma2 semaphore(%arg13 : memref<!tpu.dma_semaphore, #tpu.memory_space<semaphore_mem>>) src(%dma_wait3A_59 : memref<80xi32, #tpu.memory_space<hbm>>) dst(%dma_wait3A_58 : memref<80xi32, #tpu.memory_space<vmem>>)
    %add3A_60 = arith.constant 0 : i32
    %add3A_61 = arith.addi %mul3A_2, %add3A_60 : i32
    %dma_wait3A_62 = arith.constant 0 : i32
    %dma_wait3A_63 = arith.constant 0 : i32
    %dma_wait3A_64 = tpu.memref_slice %arg9[%dma_wait3A_62, %dma_wait3A_63] : memref<4x80xi32, #tpu.memory_space<vmem>> -> memref<1x80xi32, #tpu.memory_space<vmem>>
    %dma_wait3A_65 = tpu.memref_squeeze %dma_wait3A_64 : memref<1x80xi32, #tpu.memory_space<vmem>> -> memref<80xi32, #tpu.memory_space<vmem>>
    %dma_wait3A_66 = tpu.memref_slice %arg5[%add3A_61] : memref<320000xi32, #tpu.memory_space<hbm>> -> memref<80xi32, #tpu.memory_space<hbm>>
    %dma_wait3A_67 = arith.constant 0 : i32
    %dma_wait3A_68 = tpu.memref_slice %arg9[%dma_wait3A_62, %dma_wait3A_67] : memref<4x80xi32, #tpu.memory_space<vmem>> -> memref<1x80xi32, #tpu.memory_space<vmem>>
    %dma_wait3A_69 = tpu.memref_squeeze %dma_wait3A_68 : memref<1x80xi32, #tpu.memory_space<vmem>> -> memref<80xi32, #tpu.memory_space<vmem>>
    %dma_wait3A_70 = tpu.memref_slice %arg5[%add3A_61] : memref<320000xi32, #tpu.memory_space<hbm>> -> memref<80xi32, #tpu.memory_space<hbm>>
    tpu.wait_dma2 semaphore(%arg14 : memref<!tpu.dma_semaphore, #tpu.memory_space<semaphore_mem>>) src(%dma_wait3A_70 : memref<80xi32, #tpu.memory_space<hbm>>) dst(%dma_wait3A_69 : memref<80xi32, #tpu.memory_space<vmem>>)
    %dma_start3A_71 = arith.constant 0 : i32
    %dma_start3A_72 = arith.constant 0 : i32
    %dma_start3A_73 = arith.constant 0 : i32
    %dma_start3A_74 = tpu.memref_slice %arg10[%dma_start3A_72, %dma_start3A_73] : memref<160x128xf32, #tpu.memory_space<vmem>> -> memref<80x128xf32, #tpu.memory_space<vmem>>
    %dma_start3A_75 = arith.constant 0 : i32
    %dma_start3A_76 = tpu.memref_slice %arg8[%dma_start3A_71, %dma_start3A_75] : memref<4x80xi32, #tpu.memory_space<vmem>> -> memref<1x80xi32, #tpu.memory_space<vmem>>
    %dma_start3A_77 = tpu.memref_squeeze %dma_start3A_76 : memref<1x80xi32, #tpu.memory_space<vmem>> -> memref<80xi32, #tpu.memory_space<vmem>>
    %dma_start3A_78 = arith.constant 0 : i32
    %dma_start3A_79 = arith.constant 0 : i32
    %dma_start3A_80 = tpu.memref_slice %arg2[%dma_start3A_78, %dma_start3A_79] : memref<10000x128xf32, #tpu.memory_space<hbm>> -> memref<10000x128xf32, #tpu.memory_space<hbm>>
    tpu.enqueue_indirect_dma source(%dma_start3A_80 : memref<10000x128xf32, #tpu.memory_space<hbm>>) target(%dma_start3A_74 : memref<80x128xf32, #tpu.memory_space<vmem>>) offsets(%dma_start3A_77 : memref<80xi32, #tpu.memory_space<vmem>>) semaphore(%arg15 : memref<!tpu.dma_semaphore, #tpu.memory_space<semaphore_mem>>)
    %add3A_81 = arith.constant 0 : i32
    %add3A_82 = arith.addi %mul3A_2, %add3A_81 : i32
    %dma_start3A_83 = arith.constant 0 : i32
    %dma_start3A_84 = arith.constant 0 : i32
    %dma_start3A_85 = tpu.memref_slice %arg11[%dma_start3A_83, %dma_start3A_84] : memref<160x128xf32, #tpu.memory_space<vmem>> -> memref<80x128xf32, #tpu.memory_space<vmem>>
    %dma_start3A_86 = arith.constant 0 : i32
    %dma_start3A_87 = tpu.memref_slice %arg3[%add3A_82, %dma_start3A_86] : memref<320000x128xf32, #tpu.memory_space<hbm>> -> memref<80x128xf32, #tpu.memory_space<hbm>>
    %dma_start3A_88 = arith.constant 0 : i32
    %dma_start3A_89 = arith.constant 0 : i32
    %dma_start3A_90 = tpu.memref_slice %arg11[%dma_start3A_88, %dma_start3A_89] : memref<160x128xf32, #tpu.memory_space<vmem>> -> memref<80x128xf32, #tpu.memory_space<vmem>>
    %dma_start3A_91 = arith.constant 0 : i32
    %dma_start3A_92 = tpu.memref_slice %arg3[%add3A_82, %dma_start3A_91] : memref<320000x128xf32, #tpu.memory_space<hbm>> -> memref<80x128xf32, #tpu.memory_space<hbm>>
    tpu.enqueue_dma source(%dma_start3A_92 : memref<80x128xf32, #tpu.memory_space<hbm>>) target(%dma_start3A_90 : memref<80x128xf32, #tpu.memory_space<vmem>>) target_semaphore(%arg16 : memref<!tpu.dma_semaphore, #tpu.memory_space<semaphore_mem>>)
    %scan3A = arith.constant 0 : i32
    %scan3A_93 = arith.constant 0 : i32
    %scan3A_94 = arith.constant 125 : i32
    %scan3A_95 = arith.addi %scan3A_93, %scan3A_94 : i32
    %scan3A_96 = arith.constant 1 : i32
    scf.for %scan3A_147 = %scan3A_93 to %scan3A_95 step %scan3A_96  : i32 {
      %rem3A = arith.constant 2 : i32
      %rem3A_148 = arith.remsi %scan3A_147, %rem3A : i32
      %add3A_149 = arith.constant 1 : i32
      %add3A_150 = arith.addi %scan3A_147, %add3A_149 : i32
      %rem3A_151 = arith.constant 2 : i32
      %rem3A_152 = arith.remsi %add3A_150, %rem3A_151 : i32
      %add3A_153 = arith.constant 1 : i32
      %add3A_154 = arith.addi %scan3A_147, %add3A_153 : i32
      %rem3A_155 = arith.constant 4 : i32
      %rem3A_156 = arith.remsi %add3A_154, %rem3A_155 : i32
      %add3A_157 = arith.constant 2 : i32
      %add3A_158 = arith.addi %scan3A_147, %add3A_157 : i32
      %rem3A_159 = arith.constant 4 : i32
      %rem3A_160 = arith.remsi %add3A_158, %rem3A_159 : i32
      %add3A_161 = arith.constant 1 : i32
      %add3A_162 = arith.addi %scan3A_147, %add3A_161 : i32
      %min3A = arith.constant 124 : i32
      %min3A_163 = arith.minsi %add3A_162, %min3A : i32
      %add3A_164 = arith.constant 2 : i32
      %add3A_165 = arith.addi %scan3A_147, %add3A_164 : i32
      %min3A_166 = arith.constant 124 : i32
      %min3A_167 = arith.minsi %add3A_165, %min3A_166 : i32
      %mul3A_168 = arith.constant 80 : i32
      %mul3A_169 = arith.muli %min3A_167, %mul3A_168 : i32
      %add3A_170 = arith.addi %mul3A_2, %mul3A_169 : i32
      %dma_start3A_171 = arith.constant 0 : i32
      %dma_start3A_172 = tpu.memref_slice %arg8[%rem3A_160, %dma_start3A_171] : memref<4x80xi32, #tpu.memory_space<vmem>> -> memref<1x80xi32, #tpu.memory_space<vmem>>
      %dma_start3A_173 = tpu.memref_squeeze %dma_start3A_172 : memref<1x80xi32, #tpu.memory_space<vmem>> -> memref<80xi32, #tpu.memory_space<vmem>>
      %dma_start3A_174 = tpu.memref_slice %arg4[%add3A_170] : memref<320000xi32, #tpu.memory_space<hbm>> -> memref<80xi32, #tpu.memory_space<hbm>>
      %dma_start3A_175 = arith.constant 0 : i32
      %dma_start3A_176 = tpu.memref_slice %arg8[%rem3A_160, %dma_start3A_175] : memref<4x80xi32, #tpu.memory_space<vmem>> -> memref<1x80xi32, #tpu.memory_space<vmem>>
      %dma_start3A_177 = tpu.memref_squeeze %dma_start3A_176 : memref<1x80xi32, #tpu.memory_space<vmem>> -> memref<80xi32, #tpu.memory_space<vmem>>
      %dma_start3A_178 = tpu.memref_slice %arg4[%add3A_170] : memref<320000xi32, #tpu.memory_space<hbm>> -> memref<80xi32, #tpu.memory_space<hbm>>
      tpu.enqueue_dma source(%dma_start3A_178 : memref<80xi32, #tpu.memory_space<hbm>>) target(%dma_start3A_177 : memref<80xi32, #tpu.memory_space<vmem>>) target_semaphore(%arg13 : memref<!tpu.dma_semaphore, #tpu.memory_space<semaphore_mem>>)
      %mul3A_179 = arith.constant 80 : i32
      %mul3A_180 = arith.muli %min3A_167, %mul3A_179 : i32
      %add3A_181 = arith.addi %mul3A_2, %mul3A_180 : i32
      %dma_start3A_182 = arith.constant 0 : i32
      %dma_start3A_183 = tpu.memref_slice %arg9[%rem3A_160, %dma_start3A_182] : memref<4x80xi32, #tpu.memory_space<vmem>> -> memref<1x80xi32, #tpu.memory_space<vmem>>
      %dma_start3A_184 = tpu.memref_squeeze %dma_start3A_183 : memref<1x80xi32, #tpu.memory_space<vmem>> -> memref<80xi32, #tpu.memory_space<vmem>>
      %dma_start3A_185 = tpu.memref_slice %arg5[%add3A_181] : memref<320000xi32, #tpu.memory_space<hbm>> -> memref<80xi32, #tpu.memory_space<hbm>>
      %dma_start3A_186 = arith.constant 0 : i32
      %dma_start3A_187 = tpu.memref_slice %arg9[%rem3A_160, %dma_start3A_186] : memref<4x80xi32, #tpu.memory_space<vmem>> -> memref<1x80xi32, #tpu.memory_space<vmem>>
      %dma_start3A_188 = tpu.memref_squeeze %dma_start3A_187 : memref<1x80xi32, #tpu.memory_space<vmem>> -> memref<80xi32, #tpu.memory_space<vmem>>
      %dma_start3A_189 = tpu.memref_slice %arg5[%add3A_181] : memref<320000xi32, #tpu.memory_space<hbm>> -> memref<80xi32, #tpu.memory_space<hbm>>
      tpu.enqueue_dma source(%dma_start3A_189 : memref<80xi32, #tpu.memory_space<hbm>>) target(%dma_start3A_188 : memref<80xi32, #tpu.memory_space<vmem>>) target_semaphore(%arg14 : memref<!tpu.dma_semaphore, #tpu.memory_space<semaphore_mem>>)
      %mul3A_190 = arith.constant 80 : i32
      %mul3A_191 = arith.muli %min3A_163, %mul3A_190 : i32
      %add3A_192 = arith.addi %mul3A_2, %mul3A_191 : i32
      %dma_wait3A_193 = arith.constant 0 : i32
      %dma_wait3A_194 = tpu.memref_slice %arg8[%rem3A_156, %dma_wait3A_193] : memref<4x80xi32, #tpu.memory_space<vmem>> -> memref<1x80xi32, #tpu.memory_space<vmem>>
      %dma_wait3A_195 = tpu.memref_squeeze %dma_wait3A_194 : memref<1x80xi32, #tpu.memory_space<vmem>> -> memref<80xi32, #tpu.memory_space<vmem>>
      %dma_wait3A_196 = tpu.memref_slice %arg4[%add3A_192] : memref<320000xi32, #tpu.memory_space<hbm>> -> memref<80xi32, #tpu.memory_space<hbm>>
      %dma_wait3A_197 = arith.constant 0 : i32
      %dma_wait3A_198 = tpu.memref_slice %arg8[%rem3A_156, %dma_wait3A_197] : memref<4x80xi32, #tpu.memory_space<vmem>> -> memref<1x80xi32, #tpu.memory_space<vmem>>
      %dma_wait3A_199 = tpu.memref_squeeze %dma_wait3A_198 : memref<1x80xi32, #tpu.memory_space<vmem>> -> memref<80xi32, #tpu.memory_space<vmem>>
      %dma_wait3A_200 = tpu.memref_slice %arg4[%add3A_192] : memref<320000xi32, #tpu.memory_space<hbm>> -> memref<80xi32, #tpu.memory_space<hbm>>
      tpu.wait_dma2 semaphore(%arg13 : memref<!tpu.dma_semaphore, #tpu.memory_space<semaphore_mem>>) src(%dma_wait3A_200 : memref<80xi32, #tpu.memory_space<hbm>>) dst(%dma_wait3A_199 : memref<80xi32, #tpu.memory_space<vmem>>)
      %mul3A_201 = arith.constant 80 : i32
      %mul3A_202 = arith.muli %min3A_163, %mul3A_201 : i32
      %add3A_203 = arith.addi %mul3A_2, %mul3A_202 : i32
      %dma_wait3A_204 = arith.constant 0 : i32
      %dma_wait3A_205 = tpu.memref_slice %arg9[%rem3A_156, %dma_wait3A_204] : memref<4x80xi32, #tpu.memory_space<vmem>> -> memref<1x80xi32, #tpu.memory_space<vmem>>
      %dma_wait3A_206 = tpu.memref_squeeze %dma_wait3A_205 : memref<1x80xi32, #tpu.memory_space<vmem>> -> memref<80xi32, #tpu.memory_space<vmem>>
      %dma_wait3A_207 = tpu.memref_slice %arg5[%add3A_203] : memref<320000xi32, #tpu.memory_space<hbm>> -> memref<80xi32, #tpu.memory_space<hbm>>
      %dma_wait3A_208 = arith.constant 0 : i32
      %dma_wait3A_209 = tpu.memref_slice %arg9[%rem3A_156, %dma_wait3A_208] : memref<4x80xi32, #tpu.memory_space<vmem>> -> memref<1x80xi32, #tpu.memory_space<vmem>>
      %dma_wait3A_210 = tpu.memref_squeeze %dma_wait3A_209 : memref<1x80xi32, #tpu.memory_space<vmem>> -> memref<80xi32, #tpu.memory_space<vmem>>
      %dma_wait3A_211 = tpu.memref_slice %arg5[%add3A_203] : memref<320000xi32, #tpu.memory_space<hbm>> -> memref<80xi32, #tpu.memory_space<hbm>>
      tpu.wait_dma2 semaphore(%arg14 : memref<!tpu.dma_semaphore, #tpu.memory_space<semaphore_mem>>) src(%dma_wait3A_211 : memref<80xi32, #tpu.memory_space<hbm>>) dst(%dma_wait3A_210 : memref<80xi32, #tpu.memory_space<vmem>>)
      %mul3A_212 = arith.constant 80 : i32
      %mul3A_213 = arith.muli %rem3A_152, %mul3A_212 : i32
      %dma_start3A_214 = arith.constant 0 : i32
      %dma_start3A_215 = tpu.memref_slice %arg10[%mul3A_213, %dma_start3A_214] : memref<160x128xf32, #tpu.memory_space<vmem>> -> memref<80x128xf32, #tpu.memory_space<vmem>>
      %dma_start3A_216 = arith.constant 0 : i32
      %dma_start3A_217 = tpu.memref_slice %arg8[%rem3A_156, %dma_start3A_216] : memref<4x80xi32, #tpu.memory_space<vmem>> -> memref<1x80xi32, #tpu.memory_space<vmem>>
      %dma_start3A_218 = tpu.memref_squeeze %dma_start3A_217 : memref<1x80xi32, #tpu.memory_space<vmem>> -> memref<80xi32, #tpu.memory_space<vmem>>
      %dma_start3A_219 = arith.constant 0 : i32
      %dma_start3A_220 = arith.constant 0 : i32
      %dma_start3A_221 = tpu.memref_slice %arg2[%dma_start3A_219, %dma_start3A_220] : memref<10000x128xf32, #tpu.memory_space<hbm>> -> memref<10000x128xf32, #tpu.memory_space<hbm>>
      tpu.enqueue_indirect_dma source(%dma_start3A_221 : memref<10000x128xf32, #tpu.memory_space<hbm>>) target(%dma_start3A_215 : memref<80x128xf32, #tpu.memory_space<vmem>>) offsets(%dma_start3A_218 : memref<80xi32, #tpu.memory_space<vmem>>) semaphore(%arg15 : memref<!tpu.dma_semaphore, #tpu.memory_space<semaphore_mem>>)
      %mul3A_222 = arith.constant 80 : i32
      %mul3A_223 = arith.muli %min3A_163, %mul3A_222 : i32
      %add3A_224 = arith.addi %mul3A_2, %mul3A_223 : i32
      %mul3A_225 = arith.constant 80 : i32
      %mul3A_226 = arith.muli %rem3A_152, %mul3A_225 : i32
      %dma_start3A_227 = arith.constant 0 : i32
      %dma_start3A_228 = tpu.memref_slice %arg11[%mul3A_226, %dma_start3A_227] : memref<160x128xf32, #tpu.memory_space<vmem>> -> memref<80x128xf32, #tpu.memory_space<vmem>>
      %dma_start3A_229 = arith.constant 0 : i32
      %dma_start3A_230 = tpu.memref_slice %arg3[%add3A_224, %dma_start3A_229] : memref<320000x128xf32, #tpu.memory_space<hbm>> -> memref<80x128xf32, #tpu.memory_space<hbm>>
      %dma_start3A_231 = arith.constant 0 : i32
      %dma_start3A_232 = tpu.memref_slice %arg11[%mul3A_226, %dma_start3A_231] : memref<160x128xf32, #tpu.memory_space<vmem>> -> memref<80x128xf32, #tpu.memory_space<vmem>>
      %dma_start3A_233 = arith.constant 0 : i32
      %dma_start3A_234 = tpu.memref_slice %arg3[%add3A_224, %dma_start3A_233] : memref<320000x128xf32, #tpu.memory_space<hbm>> -> memref<80x128xf32, #tpu.memory_space<hbm>>
      tpu.enqueue_dma source(%dma_start3A_234 : memref<80x128xf32, #tpu.memory_space<hbm>>) target(%dma_start3A_232 : memref<80x128xf32, #tpu.memory_space<vmem>>) target_semaphore(%arg16 : memref<!tpu.dma_semaphore, #tpu.memory_space<semaphore_mem>>)
      %rem3A_235 = arith.constant 4 : i32
      %rem3A_236 = arith.remsi %scan3A_147, %rem3A_235 : i32
      %mul3A_237 = arith.constant 80 : i32
      %mul3A_238 = arith.muli %rem3A_148, %mul3A_237 : i32
      %dma_wait3A_239 = arith.constant 0 : i32
      %dma_wait3A_240 = tpu.memref_slice %arg10[%mul3A_238, %dma_wait3A_239] : memref<160x128xf32, #tpu.memory_space<vmem>> -> memref<80x128xf32, #tpu.memory_space<vmem>>
      %dma_wait3A_241 = arith.constant 0 : i32
      %dma_wait3A_242 = tpu.memref_slice %arg8[%rem3A_236, %dma_wait3A_241] : memref<4x80xi32, #tpu.memory_space<vmem>> -> memref<1x80xi32, #tpu.memory_space<vmem>>
      %dma_wait3A_243 = tpu.memref_squeeze %dma_wait3A_242 : memref<1x80xi32, #tpu.memory_space<vmem>> -> memref<80xi32, #tpu.memory_space<vmem>>
      %dma_wait3A_244 = arith.constant 0 : i32
      %dma_wait3A_245 = arith.constant 0 : i32
      %dma_wait3A_246 = tpu.memref_slice %arg2[%dma_wait3A_244, %dma_wait3A_245] : memref<10000x128xf32, #tpu.memory_space<hbm>> -> memref<10000x128xf32, #tpu.memory_space<hbm>>
      tpu.wait_indirect_dma semaphore(%arg15 : memref<!tpu.dma_semaphore, #tpu.memory_space<semaphore_mem>>) src(%dma_wait3A_246 : memref<10000x128xf32, #tpu.memory_space<hbm>>) dst(%dma_wait3A_240 : memref<80x128xf32, #tpu.memory_space<vmem>>)
      %min3A_247 = arith.constant 124 : i32
      %min3A_248 = arith.minsi %scan3A_147, %min3A_247 : i32
      %mul3A_249 = arith.constant 80 : i32
      %mul3A_250 = arith.muli %min3A_248, %mul3A_249 : i32
      %add3A_251 = arith.addi %mul3A_2, %mul3A_250 : i32
      %mul3A_252 = arith.constant 80 : i32
      %mul3A_253 = arith.muli %rem3A_148, %mul3A_252 : i32
      %dma_wait3A_254 = arith.constant 0 : i32
      %dma_wait3A_255 = tpu.memref_slice %arg11[%mul3A_253, %dma_wait3A_254] : memref<160x128xf32, #tpu.memory_space<vmem>> -> memref<80x128xf32, #tpu.memory_space<vmem>>
      %dma_wait3A_256 = arith.constant 0 : i32
      %dma_wait3A_257 = tpu.memref_slice %arg3[%add3A_251, %dma_wait3A_256] : memref<320000x128xf32, #tpu.memory_space<hbm>> -> memref<80x128xf32, #tpu.memory_space<hbm>>
      %dma_wait3A_258 = arith.constant 0 : i32
      %dma_wait3A_259 = tpu.memref_slice %arg11[%mul3A_253, %dma_wait3A_258] : memref<160x128xf32, #tpu.memory_space<vmem>> -> memref<80x128xf32, #tpu.memory_space<vmem>>
      %dma_wait3A_260 = arith.constant 0 : i32
      %dma_wait3A_261 = tpu.memref_slice %arg3[%add3A_251, %dma_wait3A_260] : memref<320000x128xf32, #tpu.memory_space<hbm>> -> memref<80x128xf32, #tpu.memory_space<hbm>>
      tpu.wait_dma2 semaphore(%arg16 : memref<!tpu.dma_semaphore, #tpu.memory_space<semaphore_mem>>) src(%dma_wait3A_261 : memref<80x128xf32, #tpu.memory_space<hbm>>) dst(%dma_wait3A_259 : memref<80x128xf32, #tpu.memory_space<vmem>>)
      %mul3A_262 = arith.constant 80 : i32
      %mul3A_263 = arith.muli %rem3A_148, %mul3A_262 : i32
      %add3A_264 = arith.constant 80 : i32
      %add3A_265 = arith.addi %mul3A_263, %add3A_264 : i32
      %parallel_loop3A = arith.constant 1 : i32
      scf.for %parallel_loop3A_268 = %mul3A_263 to %add3A_265 step %parallel_loop3A  : i32 {
        %parallel_loop3A_269 = arith.index_cast %parallel_loop3A_268 : i32 to index
        %parallel_loop3A_270 = arith.constant 0 : index
        %parallel_loop3A_271 = tpu.vector_load %arg10[%parallel_loop3A_269, %parallel_loop3A_270] {strides = array<i32>} : memref<160x128xf32, #tpu.memory_space<vmem>>, vector<1x16xf32>,
        %parallel_loop3A_272 = vector.shape_cast %parallel_loop3A_271 : vector<1x16xf32> to vector<16xf32>
        %parallel_loop3A_273 = arith.index_cast %parallel_loop3A_268 : i32 to index
        %parallel_loop3A_274 = arith.constant 0 : index
        %parallel_loop3A_275 = tpu.vector_load %arg11[%parallel_loop3A_273, %parallel_loop3A_274] {strides = array<i32>} : memref<160x128xf32, #tpu.memory_space<vmem>>, vector<1x16xf32>,
        %parallel_loop3A_276 = vector.shape_cast %parallel_loop3A_275 : vector<1x16xf32> to vector<16xf32>
        %parallel_loop3A_277 = arith.addf %parallel_loop3A_272, %parallel_loop3A_276 : vector<16xf32>
        %parallel_loop3A_278 = arith.constant 0.000000e+00 : f32
        %parallel_loop3A_279 = vector.broadcast %parallel_loop3A_278 : f32 to vector<16xf32>
        %parallel_loop3A_280 = arith.maximumf %parallel_loop3A_277, %parallel_loop3A_279 : vector<16xf32>
        %parallel_loop3A_281 = arith.index_cast %parallel_loop3A_268 : i32 to index
        %parallel_loop3A_282 = arith.constant 0 : index
        %parallel_loop3A_283 = tpu.vector_load %arg10[%parallel_loop3A_281, %parallel_loop3A_282] {strides = array<i32>} : memref<160x128xf32, #tpu.memory_space<vmem>>, vector<1x16xf32>,
        %parallel_loop3A_284 = vector.shape_cast %parallel_loop3A_283 : vector<1x16xf32> to vector<16xf32>
        %parallel_loop3A_285 = vector.shape_cast %parallel_loop3A_280 : vector<16xf32> to vector<1x16xf32>
        tpu.vector_store %arg10[%parallel_loop3A_281, %parallel_loop3A_282], %parallel_loop3A_285 {strides = array<i32>} : memref<160x128xf32, #tpu.memory_space<vmem>>, vector<1x16xf32>,
        %parallel_loop3A_286 = arith.index_cast %parallel_loop3A_268 : i32 to index
        %parallel_loop3A_287 = arith.constant 16 : index
        %parallel_loop3A_288 = tpu.vector_load %arg10[%parallel_loop3A_286, %parallel_loop3A_287] {strides = array<i32>} : memref<160x128xf32, #tpu.memory_space<vmem>>, vector<1x16xf32>,
        %parallel_loop3A_289 = vector.shape_cast %parallel_loop3A_288 : vector<1x16xf32> to vector<16xf32>
        %parallel_loop3A_290 = arith.index_cast %parallel_loop3A_268 : i32 to index
        %parallel_loop3A_291 = arith.constant 16 : index
        %parallel_loop3A_292 = tpu.vector_load %arg11[%parallel_loop3A_290, %parallel_loop3A_291] {strides = array<i32>} : memref<160x128xf32, #tpu.memory_space<vmem>>, vector<1x16xf32>,
        %parallel_loop3A_293 = vector.shape_cast %parallel_loop3A_292 : vector<1x16xf32> to vector<16xf32>
        %parallel_loop3A_294 = arith.addf %parallel_loop3A_289, %parallel_loop3A_293 : vector<16xf32>
        %parallel_loop3A_295 = arith.constant 0.000000e+00 : f32
        %parallel_loop3A_296 = vector.broadcast %parallel_loop3A_295 : f32 to vector<16xf32>
        %parallel_loop3A_297 = arith.maximumf %parallel_loop3A_294, %parallel_loop3A_296 : vector<16xf32>
        %parallel_loop3A_298 = arith.index_cast %parallel_loop3A_268 : i32 to index
        %parallel_loop3A_299 = arith.constant 16 : index
        %parallel_loop3A_300 = tpu.vector_load %arg10[%parallel_loop3A_298, %parallel_loop3A_299] {strides = array<i32>} : memref<160x128xf32, #tpu.memory_space<vmem>>, vector<1x16xf32>,
        %parallel_loop3A_301 = vector.shape_cast %parallel_loop3A_300 : vector<1x16xf32> to vector<16xf32>
        %parallel_loop3A_302 = vector.shape_cast %parallel_loop3A_297 : vector<16xf32> to vector<1x16xf32>
        tpu.vector_store %arg10[%parallel_loop3A_298, %parallel_loop3A_299], %parallel_loop3A_302 {strides = array<i32>} : memref<160x128xf32, #tpu.memory_space<vmem>>, vector<1x16xf32>,
        %parallel_loop3A_303 = arith.index_cast %parallel_loop3A_268 : i32 to index
        %parallel_loop3A_304 = arith.constant 32 : index
        %parallel_loop3A_305 = tpu.vector_load %arg10[%parallel_loop3A_303, %parallel_loop3A_304] {strides = array<i32>} : memref<160x128xf32, #tpu.memory_space<vmem>>, vector<1x16xf32>,
        %parallel_loop3A_306 = vector.shape_cast %parallel_loop3A_305 : vector<1x16xf32> to vector<16xf32>
        %parallel_loop3A_307 = arith.index_cast %parallel_loop3A_268 : i32 to index
        %parallel_loop3A_308 = arith.constant 32 : index
        %parallel_loop3A_309 = tpu.vector_load %arg11[%parallel_loop3A_307, %parallel_loop3A_308] {strides = array<i32>} : memref<160x128xf32, #tpu.memory_space<vmem>>, vector<1x16xf32>,
        %parallel_loop3A_310 = vector.shape_cast %parallel_loop3A_309 : vector<1x16xf32> to vector<16xf32>
        %parallel_loop3A_311 = arith.addf %parallel_loop3A_306, %parallel_loop3A_310 : vector<16xf32>
        %parallel_loop3A_312 = arith.constant 0.000000e+00 : f32
        %parallel_loop3A_313 = vector.broadcast %parallel_loop3A_312 : f32 to vector<16xf32>
        %parallel_loop3A_314 = arith.maximumf %parallel_loop3A_311, %parallel_loop3A_313 : vector<16xf32>
        %parallel_loop3A_315 = arith.index_cast %parallel_loop3A_268 : i32 to index
        %parallel_loop3A_316 = arith.constant 32 : index
        %parallel_loop3A_317 = tpu.vector_load %arg10[%parallel_loop3A_315, %parallel_loop3A_316] {strides = array<i32>} : memref<160x128xf32, #tpu.memory_space<vmem>>, vector<1x16xf32>,
        %parallel_loop3A_318 = vector.shape_cast %parallel_loop3A_317 : vector<1x16xf32> to vector<16xf32>
        %parallel_loop3A_319 = vector.shape_cast %parallel_loop3A_314 : vector<16xf32> to vector<1x16xf32>
        tpu.vector_store %arg10[%parallel_loop3A_315, %parallel_loop3A_316], %parallel_loop3A_319 {strides = array<i32>} : memref<160x128xf32, #tpu.memory_space<vmem>>, vector<1x16xf32>,
        %parallel_loop3A_320 = arith.index_cast %parallel_loop3A_268 : i32 to index
        %parallel_loop3A_321 = arith.constant 48 : index
        %parallel_loop3A_322 = tpu.vector_load %arg10[%parallel_loop3A_320, %parallel_loop3A_321] {strides = array<i32>} : memref<160x128xf32, #tpu.memory_space<vmem>>, vector<1x16xf32>,
        %parallel_loop3A_323 = vector.shape_cast %parallel_loop3A_322 : vector<1x16xf32> to vector<16xf32>
        %parallel_loop3A_324 = arith.index_cast %parallel_loop3A_268 : i32 to index
        %parallel_loop3A_325 = arith.constant 48 : index
        %parallel_loop3A_326 = tpu.vector_load %arg11[%parallel_loop3A_324, %parallel_loop3A_325] {strides = array<i32>} : memref<160x128xf32, #tpu.memory_space<vmem>>, vector<1x16xf32>,
        %parallel_loop3A_327 = vector.shape_cast %parallel_loop3A_326 : vector<1x16xf32> to vector<16xf32>
        %parallel_loop3A_328 = arith.addf %parallel_loop3A_323, %parallel_loop3A_327 : vector<16xf32>
        %parallel_loop3A_329 = arith.constant 0.000000e+00 : f32
        %parallel_loop3A_330 = vector.broadcast %parallel_loop3A_329 : f32 to vector<16xf32>
        %parallel_loop3A_331 = arith.maximumf %parallel_loop3A_328, %parallel_loop3A_330 : vector<16xf32>
        %parallel_loop3A_332 = arith.index_cast %parallel_loop3A_268 : i32 to index
        %parallel_loop3A_333 = arith.constant 48 : index
        %parallel_loop3A_334 = tpu.vector_load %arg10[%parallel_loop3A_332, %parallel_loop3A_333] {strides = array<i32>} : memref<160x128xf32, #tpu.memory_space<vmem>>, vector<1x16xf32>,
        %parallel_loop3A_335 = vector.shape_cast %parallel_loop3A_334 : vector<1x16xf32> to vector<16xf32>
        %parallel_loop3A_336 = vector.shape_cast %parallel_loop3A_331 : vector<16xf32> to vector<1x16xf32>
        tpu.vector_store %arg10[%parallel_loop3A_332, %parallel_loop3A_333], %parallel_loop3A_336 {strides = array<i32>} : memref<160x128xf32, #tpu.memory_space<vmem>>, vector<1x16xf32>,
        %parallel_loop3A_337 = arith.index_cast %parallel_loop3A_268 : i32 to index
        %parallel_loop3A_338 = arith.constant 64 : index
        %parallel_loop3A_339 = tpu.vector_load %arg10[%parallel_loop3A_337, %parallel_loop3A_338] {strides = array<i32>} : memref<160x128xf32, #tpu.memory_space<vmem>>, vector<1x16xf32>,
        %parallel_loop3A_340 = vector.shape_cast %parallel_loop3A_339 : vector<1x16xf32> to vector<16xf32>
        %parallel_loop3A_341 = arith.index_cast %parallel_loop3A_268 : i32 to index
        %parallel_loop3A_342 = arith.constant 64 : index
        %parallel_loop3A_343 = tpu.vector_load %arg11[%parallel_loop3A_341, %parallel_loop3A_342] {strides = array<i32>} : memref<160x128xf32, #tpu.memory_space<vmem>>, vector<1x16xf32>,
        %parallel_loop3A_344 = vector.shape_cast %parallel_loop3A_343 : vector<1x16xf32> to vector<16xf32>
        %parallel_loop3A_345 = arith.addf %parallel_loop3A_340, %parallel_loop3A_344 : vector<16xf32>
        %parallel_loop3A_346 = arith.constant 0.000000e+00 : f32
        %parallel_loop3A_347 = vector.broadcast %parallel_loop3A_346 : f32 to vector<16xf32>
        %parallel_loop3A_348 = arith.maximumf %parallel_loop3A_345, %parallel_loop3A_347 : vector<16xf32>
        %parallel_loop3A_349 = arith.index_cast %parallel_loop3A_268 : i32 to index
        %parallel_loop3A_350 = arith.constant 64 : index
        %parallel_loop3A_351 = tpu.vector_load %arg10[%parallel_loop3A_349, %parallel_loop3A_350] {strides = array<i32>} : memref<160x128xf32, #tpu.memory_space<vmem>>, vector<1x16xf32>,
        %parallel_loop3A_352 = vector.shape_cast %parallel_loop3A_351 : vector<1x16xf32> to vector<16xf32>
        %parallel_loop3A_353 = vector.shape_cast %parallel_loop3A_348 : vector<16xf32> to vector<1x16xf32>
        tpu.vector_store %arg10[%parallel_loop3A_349, %parallel_loop3A_350], %parallel_loop3A_353 {strides = array<i32>} : memref<160x128xf32, #tpu.memory_space<vmem>>, vector<1x16xf32>,
        %parallel_loop3A_354 = arith.index_cast %parallel_loop3A_268 : i32 to index
        %parallel_loop3A_355 = arith.constant 80 : index
        %parallel_loop3A_356 = tpu.vector_load %arg10[%parallel_loop3A_354, %parallel_loop3A_355] {strides = array<i32>} : memref<160x128xf32, #tpu.memory_space<vmem>>, vector<1x16xf32>,
        %parallel_loop3A_357 = vector.shape_cast %parallel_loop3A_356 : vector<1x16xf32> to vector<16xf32>
        %parallel_loop3A_358 = arith.index_cast %parallel_loop3A_268 : i32 to index
        %parallel_loop3A_359 = arith.constant 80 : index
        %parallel_loop3A_360 = tpu.vector_load %arg11[%parallel_loop3A_358, %parallel_loop3A_359] {strides = array<i32>} : memref<160x128xf32, #tpu.memory_space<vmem>>, vector<1x16xf32>,
        %parallel_loop3A_361 = vector.shape_cast %parallel_loop3A_360 : vector<1x16xf32> to vector<16xf32>
        %parallel_loop3A_362 = arith.addf %parallel_loop3A_357, %parallel_loop3A_361 : vector<16xf32>
        %parallel_loop3A_363 = arith.constant 0.000000e+00 : f32
        %parallel_loop3A_364 = vector.broadcast %parallel_loop3A_363 : f32 to vector<16xf32>
        %parallel_loop3A_365 = arith.maximumf %parallel_loop3A_362, %parallel_loop3A_364 : vector<16xf32>
        %parallel_loop3A_366 = arith.index_cast %parallel_loop3A_268 : i32 to index
        %parallel_loop3A_367 = arith.constant 80 : index
        %parallel_loop3A_368 = tpu.vector_load %arg10[%parallel_loop3A_366, %parallel_loop3A_367] {strides = array<i32>} : memref<160x128xf32, #tpu.memory_space<vmem>>, vector<1x16xf32>,
        %parallel_loop3A_369 = vector.shape_cast %parallel_loop3A_368 : vector<1x16xf32> to vector<16xf32>
        %parallel_loop3A_370 = vector.shape_cast %parallel_loop3A_365 : vector<16xf32> to vector<1x16xf32>
        tpu.vector_store %arg10[%parallel_loop3A_366, %parallel_loop3A_367], %parallel_loop3A_370 {strides = array<i32>} : memref<160x128xf32, #tpu.memory_space<vmem>>, vector<1x16xf32>,
        %parallel_loop3A_371 = arith.index_cast %parallel_loop3A_268 : i32 to index
        %parallel_loop3A_372 = arith.constant 96 : index
        %parallel_loop3A_373 = tpu.vector_load %arg10[%parallel_loop3A_371, %parallel_loop3A_372] {strides = array<i32>} : memref<160x128xf32, #tpu.memory_space<vmem>>, vector<1x16xf32>,
        %parallel_loop3A_374 = vector.shape_cast %parallel_loop3A_373 : vector<1x16xf32> to vector<16xf32>
        %parallel_loop3A_375 = arith.index_cast %parallel_loop3A_268 : i32 to index
        %parallel_loop3A_376 = arith.constant 96 : index
        %parallel_loop3A_377 = tpu.vector_load %arg11[%parallel_loop3A_375, %parallel_loop3A_376] {strides = array<i32>} : memref<160x128xf32, #tpu.memory_space<vmem>>, vector<1x16xf32>,
        %parallel_loop3A_378 = vector.shape_cast %parallel_loop3A_377 : vector<1x16xf32> to vector<16xf32>
        %parallel_loop3A_379 = arith.addf %parallel_loop3A_374, %parallel_loop3A_378 : vector<16xf32>
        %parallel_loop3A_380 = arith.constant 0.000000e+00 : f32
        %parallel_loop3A_381 = vector.broadcast %parallel_loop3A_380 : f32 to vector<16xf32>
        %parallel_loop3A_382 = arith.maximumf %parallel_loop3A_379, %parallel_loop3A_381 : vector<16xf32>
        %parallel_loop3A_383 = arith.index_cast %parallel_loop3A_268 : i32 to index
        %parallel_loop3A_384 = arith.constant 96 : index
        %parallel_loop3A_385 = tpu.vector_load %arg10[%parallel_loop3A_383, %parallel_loop3A_384] {strides = array<i32>} : memref<160x128xf32, #tpu.memory_space<vmem>>, vector<1x16xf32>,
        %parallel_loop3A_386 = vector.shape_cast %parallel_loop3A_385 : vector<1x16xf32> to vector<16xf32>
        %parallel_loop3A_387 = vector.shape_cast %parallel_loop3A_382 : vector<16xf32> to vector<1x16xf32>
        tpu.vector_store %arg10[%parallel_loop3A_383, %parallel_loop3A_384], %parallel_loop3A_387 {strides = array<i32>} : memref<160x128xf32, #tpu.memory_space<vmem>>, vector<1x16xf32>,
        %parallel_loop3A_388 = arith.index_cast %parallel_loop3A_268 : i32 to index
        %parallel_loop3A_389 = arith.constant 112 : index
        %parallel_loop3A_390 = tpu.vector_load %arg10[%parallel_loop3A_388, %parallel_loop3A_389] {strides = array<i32>} : memref<160x128xf32, #tpu.memory_space<vmem>>, vector<1x16xf32>,
        %parallel_loop3A_391 = vector.shape_cast %parallel_loop3A_390 : vector<1x16xf32> to vector<16xf32>
        %parallel_loop3A_392 = arith.index_cast %parallel_loop3A_268 : i32 to index
        %parallel_loop3A_393 = arith.constant 112 : index
        %parallel_loop3A_394 = tpu.vector_load %arg11[%parallel_loop3A_392, %parallel_loop3A_393] {strides = array<i32>} : memref<160x128xf32, #tpu.memory_space<vmem>>, vector<1x16xf32>,
        %parallel_loop3A_395 = vector.shape_cast %parallel_loop3A_394 : vector<1x16xf32> to vector<16xf32>
        %parallel_loop3A_396 = arith.addf %parallel_loop3A_391, %parallel_loop3A_395 : vector<16xf32>
        %parallel_loop3A_397 = arith.constant 0.000000e+00 : f32
        %parallel_loop3A_398 = vector.broadcast %parallel_loop3A_397 : f32 to vector<16xf32>
        %parallel_loop3A_399 = arith.maximumf %parallel_loop3A_396, %parallel_loop3A_398 : vector<16xf32>
        %parallel_loop3A_400 = arith.index_cast %parallel_loop3A_268 : i32 to index
        %parallel_loop3A_401 = arith.constant 112 : index
        %parallel_loop3A_402 = tpu.vector_load %arg10[%parallel_loop3A_400, %parallel_loop3A_401] {strides = array<i32>} : memref<160x128xf32, #tpu.memory_space<vmem>>, vector<1x16xf32>,
        %parallel_loop3A_403 = vector.shape_cast %parallel_loop3A_402 : vector<1x16xf32> to vector<16xf32>
        %parallel_loop3A_404 = vector.shape_cast %parallel_loop3A_399 : vector<16xf32> to vector<1x16xf32>
        tpu.vector_store %arg10[%parallel_loop3A_400, %parallel_loop3A_401], %parallel_loop3A_404 {strides = array<i32>} : memref<160x128xf32, #tpu.memory_space<vmem>>, vector<1x16xf32>,
      } {sc.loop_unroll_factor = 4 : i64, sc.parallel_access}
      %rem3A_266 = arith.constant 4 : i32
      %rem3A_267 = arith.remsi %scan3A_147, %rem3A_266 : i32
      "tpu.region"() ({
        %run_scoped3A = tpu.sem_alloc : memref<!tpu.dma_semaphore, #tpu.memory_space<semaphore_mem>>
        %dma_start3A_268 = arith.constant 0 : i32
        %dma_start3A_269 = tpu.memref_slice %arg10[%mul3A_263, %dma_start3A_268] : memref<160x128xf32, #tpu.memory_space<vmem>> -> memref<80x128xf32, #tpu.memory_space<vmem>>
        %dma_start3A_270 = arith.constant 0 : i32
        %dma_start3A_271 = tpu.memref_slice %arg9[%rem3A_267, %dma_start3A_270] : memref<4x80xi32, #tpu.memory_space<vmem>> -> memref<1x80xi32, #tpu.memory_space<vmem>>
        %dma_start3A_272 = tpu.memref_squeeze %dma_start3A_271 : memref<1x80xi32, #tpu.memory_space<vmem>> -> memref<80xi32, #tpu.memory_space<vmem>>
        %dma_start3A_273 = arith.constant 0 : i32
        %dma_start3A_274 = arith.constant 0 : i32
        %dma_start3A_275 = tpu.memref_slice %arg12[%dma_start3A_273, %dma_start3A_274] : memref<10240x128xf32, #tpu.memory_space<vmem_shared>> -> memref<10240x128xf32, #tpu.memory_space<vmem_shared>>
        tpu.enqueue_indirect_dma source(%dma_start3A_269 : memref<80x128xf32, #tpu.memory_space<vmem>>) target(%dma_start3A_275 : memref<10240x128xf32, #tpu.memory_space<vmem_shared>>) offsets(%dma_start3A_272 : memref<80xi32, #tpu.memory_space<vmem>>) semaphore(%run_scoped3A : memref<!tpu.dma_semaphore, #tpu.memory_space<semaphore_mem>>) {add = true}
        %dma_wait3A_276 = arith.constant 0 : i32
        %dma_wait3A_277 = tpu.memref_slice %arg10[%mul3A_263, %dma_wait3A_276] : memref<160x128xf32, #tpu.memory_space<vmem>> -> memref<80x128xf32, #tpu.memory_space<vmem>>
        %dma_wait3A_278 = arith.constant 0 : i32
        %dma_wait3A_279 = tpu.memref_slice %arg9[%rem3A_267, %dma_wait3A_278] : memref<4x80xi32, #tpu.memory_space<vmem>> -> memref<1x80xi32, #tpu.memory_space<vmem>>
        %dma_wait3A_280 = tpu.memref_squeeze %dma_wait3A_279 : memref<1x80xi32, #tpu.memory_space<vmem>> -> memref<80xi32, #tpu.memory_space<vmem>>
        %dma_wait3A_281 = arith.constant 0 : i32
        %dma_wait3A_282 = arith.constant 0 : i32
        %dma_wait3A_283 = tpu.memref_slice %arg12[%dma_wait3A_281, %dma_wait3A_282] : memref<10240x128xf32, #tpu.memory_space<vmem_shared>> -> memref<10240x128xf32, #tpu.memory_space<vmem_shared>>
        tpu.wait_indirect_dma semaphore(%run_scoped3A : memref<!tpu.dma_semaphore, #tpu.memory_space<semaphore_mem>>) src(%dma_wait3A_277 : memref<80x128xf32, #tpu.memory_space<vmem>>) dst(%dma_wait3A_283 : memref<10240x128xf32, #tpu.memory_space<vmem_shared>>)
        tpu.yield
      }) : () -> ()
    }
    %scan3A_97 = arith.constant 125 : i32
    %add3A_98 = arith.constant 9920 : i32
    %add3A_99 = arith.addi %mul3A_2, %add3A_98 : i32
    %dma_wait3A_100 = arith.constant 2 : i32
    %dma_wait3A_101 = arith.constant 0 : i32
    %dma_wait3A_102 = tpu.memref_slice %arg8[%dma_wait3A_100, %dma_wait3A_101] : memref<4x80xi32, #tpu.memory_space<vmem>> -> memref<1x80xi32, #tpu.memory_space<vmem>>
    %dma_wait3A_103 = tpu.memref_squeeze %dma_wait3A_102 : memref<1x80xi32, #tpu.memory_space<vmem>> -> memref<80xi32, #tpu.memory_space<vmem>>
    %dma_wait3A_104 = tpu.memref_slice %arg4[%add3A_99] : memref<320000xi32, #tpu.memory_space<hbm>> -> memref<80xi32, #tpu.memory_space<hbm>>
    %dma_wait3A_105 = arith.constant 0 : i32
    %dma_wait3A_106 = tpu.memref_slice %arg8[%dma_wait3A_100, %dma_wait3A_105] : memref<4x80xi32, #tpu.memory_space<vmem>> -> memref<1x80xi32, #tpu.memory_space<vmem>>
    %dma_wait3A_107 = tpu.memref_squeeze %dma_wait3A_106 : memref<1x80xi32, #tpu.memory_space<vmem>> -> memref<80xi32, #tpu.memory_space<vmem>>
    %dma_wait3A_108 = tpu.memref_slice %arg4[%add3A_99] : memref<320000xi32, #tpu.memory_space<hbm>> -> memref<80xi32, #tpu.memory_space<hbm>>
    tpu.wait_dma2 semaphore(%arg13 : memref<!tpu.dma_semaphore, #tpu.memory_space<semaphore_mem>>) src(%dma_wait3A_108 : memref<80xi32, #tpu.memory_space<hbm>>) dst(%dma_wait3A_107 : memref<80xi32, #tpu.memory_space<vmem>>)
    %add3A_109 = arith.constant 9920 : i32
    %add3A_110 = arith.addi %mul3A_2, %add3A_109 : i32
    %dma_wait3A_111 = arith.constant 2 : i32
    %dma_wait3A_112 = arith.constant 0 : i32
    %dma_wait3A_113 = tpu.memref_slice %arg9[%dma_wait3A_111, %dma_wait3A_112] : memref<4x80xi32, #tpu.memory_space<vmem>> -> memref<1x80xi32, #tpu.memory_space<vmem>>
    %dma_wait3A_114 = tpu.memref_squeeze %dma_wait3A_113 : memref<1x80xi32, #tpu.memory_space<vmem>> -> memref<80xi32, #tpu.memory_space<vmem>>
    %dma_wait3A_115 = tpu.memref_slice %arg5[%add3A_110] : memref<320000xi32, #tpu.memory_space<hbm>> -> memref<80xi32, #tpu.memory_space<hbm>>
    %dma_wait3A_116 = arith.constant 0 : i32
    %dma_wait3A_117 = tpu.memref_slice %arg9[%dma_wait3A_111, %dma_wait3A_116] : memref<4x80xi32, #tpu.memory_space<vmem>> -> memref<1x80xi32, #tpu.memory_space<vmem>>
    %dma_wait3A_118 = tpu.memref_squeeze %dma_wait3A_117 : memref<1x80xi32, #tpu.memory_space<vmem>> -> memref<80xi32, #tpu.memory_space<vmem>>
    %dma_wait3A_119 = tpu.memref_slice %arg5[%add3A_110] : memref<320000xi32, #tpu.memory_space<hbm>> -> memref<80xi32, #tpu.memory_space<hbm>>
    tpu.wait_dma2 semaphore(%arg14 : memref<!tpu.dma_semaphore, #tpu.memory_space<semaphore_mem>>) src(%dma_wait3A_119 : memref<80xi32, #tpu.memory_space<hbm>>) dst(%dma_wait3A_118 : memref<80xi32, #tpu.memory_space<vmem>>)
    %dma_wait3A_120 = arith.constant 1 : i32
    %dma_wait3A_121 = arith.constant 80 : i32
    %dma_wait3A_122 = arith.constant 0 : i32
    %dma_wait3A_123 = tpu.memref_slice %arg10[%dma_wait3A_121, %dma_wait3A_122] : memref<160x128xf32, #tpu.memory_space<vmem>> -> memref<80x128xf32, #tpu.memory_space<vmem>>
    %dma_wait3A_124 = arith.constant 0 : i32
    %dma_wait3A_125 = tpu.memref_slice %arg8[%dma_wait3A_120, %dma_wait3A_124] : memref<4x80xi32, #tpu.memory_space<vmem>> -> memref<1x80xi32, #tpu.memory_space<vmem>>
    %dma_wait3A_126 = tpu.memref_squeeze %dma_wait3A_125 : memref<1x80xi32, #tpu.memory_space<vmem>> -> memref<80xi32, #tpu.memory_space<vmem>>
    %dma_wait3A_127 = arith.constant 0 : i32
    %dma_wait3A_128 = arith.constant 0 : i32
    %dma_wait3A_129 = tpu.memref_slice %arg2[%dma_wait3A_127, %dma_wait3A_128] : memref<10000x128xf32, #tpu.memory_space<hbm>> -> memref<10000x128xf32, #tpu.memory_space<hbm>>
    tpu.wait_indirect_dma semaphore(%arg15 : memref<!tpu.dma_semaphore, #tpu.memory_space<semaphore_mem>>) src(%dma_wait3A_129 : memref<10000x128xf32, #tpu.memory_space<hbm>>) dst(%dma_wait3A_123 : memref<80x128xf32, #tpu.memory_space<vmem>>)
    %add3A_130 = arith.constant 9920 : i32
    %add3A_131 = arith.addi %mul3A_2, %add3A_130 : i32
    %dma_wait3A_132 = arith.constant 80 : i32
    %dma_wait3A_133 = arith.constant 0 : i32
    %dma_wait3A_134 = tpu.memref_slice %arg11[%dma_wait3A_132, %dma_wait3A_133] : memref<160x128xf32, #tpu.memory_space<vmem>> -> memref<80x128xf32, #tpu.memory_space<vmem>>
    %dma_wait3A_135 = arith.constant 0 : i32
    %dma_wait3A_136 = tpu.memref_slice %arg3[%add3A_131, %dma_wait3A_135] : memref<320000x128xf32, #tpu.memory_space<hbm>> -> memref<80x128xf32, #tpu.memory_space<hbm>>
    %dma_wait3A_137 = arith.constant 80 : i32
    %dma_wait3A_138 = arith.constant 0 : i32
    %dma_wait3A_139 = tpu.memref_slice %arg11[%dma_wait3A_137, %dma_wait3A_138] : memref<160x128xf32, #tpu.memory_space<vmem>> -> memref<80x128xf32, #tpu.memory_space<vmem>>
    %dma_wait3A_140 = arith.constant 0 : i32
    %dma_wait3A_141 = tpu.memref_slice %arg3[%add3A_131, %dma_wait3A_140] : memref<320000x128xf32, #tpu.memory_space<hbm>> -> memref<80x128xf32, #tpu.memory_space<hbm>>
    tpu.wait_dma2 semaphore(%arg16 : memref<!tpu.dma_semaphore, #tpu.memory_space<semaphore_mem>>) src(%dma_wait3A_141 : memref<80x128xf32, #tpu.memory_space<hbm>>) dst(%dma_wait3A_139 : memref<80x128xf32, #tpu.memory_space<vmem>>)
    %barrier3A_142 = arith.constant 0 : index
    tpu.barrier barrier_id(%barrier3A_142)
    %mul3A_143 = arith.constant 640 : i32
    %mul3A_144 = arith.muli %arg1, %mul3A_143 : i32
    %mul3A_145 = arith.constant 640 : i32
    %mul3A_146 = arith.muli %arg1, %mul3A_145 : i32
    "tpu.region"() ({
      %run_scoped3A = tpu.sem_alloc : memref<!tpu.dma_semaphore, #tpu.memory_space<semaphore_mem>>
      %dma_start3A_147 = arith.constant 0 : i32
      %dma_start3A_148 = tpu.memref_slice %arg7[%arg0, %mul3A_146, %dma_start3A_147] : memref<2x10240x128xf32, #tpu.memory_space<hbm>> -> memref<1x640x128xf32, #tpu.memory_space<hbm>>
      %dma_start3A_149 = tpu.memref_squeeze %dma_start3A_148 : memref<1x640x128xf32, #tpu.memory_space<hbm>> -> memref<640x128xf32, #tpu.memory_space<hbm>>
      %dma_start3A_150 = arith.constant 0 : i32
      %dma_start3A_151 = tpu.memref_slice %arg12[%mul3A_144, %dma_start3A_150] : memref<10240x128xf32, #tpu.memory_space<vmem_shared>> -> memref<640x128xf32, #tpu.memory_space<vmem_shared>>
      tpu.enqueue_dma source(%dma_start3A_151 : memref<640x128xf32, #tpu.memory_space<vmem_shared>>) target(%dma_start3A_149 : memref<640x128xf32, #tpu.memory_space<hbm>>) target_semaphore(%run_scoped3A : memref<!tpu.dma_semaphore, #tpu.memory_space<semaphore_mem>>)
      %dma_wait3A_152 = arith.constant 0 : i32
      %dma_wait3A_153 = tpu.memref_slice %arg7[%arg0, %mul3A_146, %dma_wait3A_152] : memref<2x10240x128xf32, #tpu.memory_space<hbm>> -> memref<1x640x128xf32, #tpu.memory_space<hbm>>
      %dma_wait3A_154 = tpu.memref_squeeze %dma_wait3A_153 : memref<1x640x128xf32, #tpu.memory_space<hbm>> -> memref<640x128xf32, #tpu.memory_space<hbm>>
      %dma_wait3A_155 = arith.constant 0 : i32
      %dma_wait3A_156 = tpu.memref_slice %arg12[%mul3A_144, %dma_wait3A_155] : memref<10240x128xf32, #tpu.memory_space<vmem_shared>> -> memref<640x128xf32, #tpu.memory_space<vmem_shared>>
      tpu.wait_dma2 semaphore(%run_scoped3A : memref<!tpu.dma_semaphore, #tpu.memory_space<semaphore_mem>>) src(%dma_wait3A_156 : memref<640x128xf32, #tpu.memory_space<vmem_shared>>) dst(%dma_wait3A_154 : memref<640x128xf32, #tpu.memory_space<hbm>>)
      tpu.yield
    }) : () -> ()
    return
  }
}

#map = affine_map<(d0, d1) -> (0, 0)>
#map1 = affine_map<(d0, d1) -> (0)>
#map2 = affine_map<(d0, d1) -> (0, 0, 0)>
module attributes {stable_mosaic.version = 14 : i64} {
  func.func @k(%arg0: i32, %arg1: i32, %arg2: memref<10000x128xf32, #tpu.memory_space<hbm>>, %arg3: memref<320000x128xf32, #tpu.memory_space<hbm>>, %arg4: memref<320000xi32, #tpu.memory_space<hbm>>, %arg5: memref<320000xi32, #tpu.memory_space<hbm>>, %arg6: memref<10240x128xf32, #tpu.memory_space<hbm>>, %arg7: memref<2x10240x128xf32, #tpu.memory_space<hbm>>, %arg8: memref<4x80xi32, #tpu.memory_space<vmem>>, %arg9: memref<4x80xi32, #tpu.memory_space<vmem>>, %arg10: memref<160x128xf32, #tpu.memory_space<vmem>>, %arg11: memref<160x128xf32, #tpu.memory_space<vmem>>, %arg12: memref<10240x128xf32, #tpu.memory_space<vmem_shared>>, %arg13: memref<!tpu.dma_semaphore, #tpu.memory_space<semaphore_mem>>, %arg14: memref<!tpu.dma_semaphore, #tpu.memory_space<semaphore_mem>>, %arg15: memref<!tpu.dma_semaphore, #tpu.memory_space<semaphore_mem>>, %arg16: memref<!tpu.dma_semaphore, #tpu.memory_space<semaphore_mem>>) attributes {dimension_semantics = [#tpu.dimension_semantics<core_parallel>, #tpu.dimension_semantics<subcore_parallel>], iteration_bounds = array<i64: 2, 16>, scalar_prefetch = 0 : i64, scratch_operands = 9 : i64, tpu.core_type = #tpu.core_type<sc_vector_subcore>, window_params = [{transform_indices = #map}, {transform_indices = #map}, {transform_indices = #map1}, {transform_indices = #map1}, {transform_indices = #map}, {transform_indices = #map2}]} {
    %mul3A = arith.constant 2 : i32
    %mul3A_0 = arith.muli %arg1, %mul3A : i32
    %add3A = arith.addi %mul3A_0, %arg0 : i32
    %mul3A_1 = arith.constant 10000 : i32
    %mul3A_2 = arith.muli %add3A, %mul3A_1 : i32
    %mul3A_3 = arith.constant 640 : i32
    %mul3A_4 = arith.muli %arg1, %mul3A_3 : i32
    %mul3A_5 = arith.constant 640 : i32
    %mul3A_6 = arith.muli %arg1, %mul3A_5 : i32
    "tpu.region"() ({
      %run_scoped3A = tpu.sem_alloc : memref<!tpu.dma_semaphore, #tpu.memory_space<semaphore_mem>>
      %dma_start3A_147 = arith.constant 0 : i32
      %dma_start3A_148 = tpu.memref_slice %arg12[%mul3A_6, %dma_start3A_147] : memref<10240x128xf32, #tpu.memory_space<vmem_shared>> -> memref<640x128xf32, #tpu.memory_space<vmem_shared>>
      %dma_start3A_149 = arith.constant 0 : i32
      %dma_start3A_150 = tpu.memref_slice %arg6[%mul3A_4, %dma_start3A_149] : memref<10240x128xf32, #tpu.memory_space<hbm>> -> memref<640x128xf32, #tpu.memory_space<hbm>>
      tpu.enqueue_dma source(%dma_start3A_150 : memref<640x128xf32, #tpu.memory_space<hbm>>) target(%dma_start3A_148 : memref<640x128xf32, #tpu.memory_space<vmem_shared>>) target_semaphore(%run_scoped3A : memref<!tpu.dma_semaphore, #tpu.memory_space<semaphore_mem>>)
      %dma_wait3A_151 = arith.constant 0 : i32
      %dma_wait3A_152 = tpu.memref_slice %arg12[%mul3A_6, %dma_wait3A_151] : memref<10240x128xf32, #tpu.memory_space<vmem_shared>> -> memref<640x128xf32, #tpu.memory_space<vmem_shared>>
      %dma_wait3A_153 = arith.constant 0 : i32
      %dma_wait3A_154 = tpu.memref_slice %arg6[%mul3A_4, %dma_wait3A_153] : memref<10240x128xf32, #tpu.memory_space<hbm>> -> memref<640x128xf32, #tpu.memory_space<hbm>>
      tpu.wait_dma2 semaphore(%run_scoped3A : memref<!tpu.dma_semaphore, #tpu.memory_space<semaphore_mem>>) src(%dma_wait3A_154 : memref<640x128xf32, #tpu.memory_space<hbm>>) dst(%dma_wait3A_152 : memref<640x128xf32, #tpu.memory_space<vmem_shared>>)
      tpu.yield
    }) : () -> ()
    %barrier3A = arith.constant 0 : index
    tpu.barrier barrier_id(%barrier3A)
    %add3A_7 = arith.constant 0 : i32
    %add3A_8 = arith.addi %mul3A_2, %add3A_7 : i32
    %dma_start3A = arith.constant 0 : i32
    %dma_start3A_9 = arith.constant 0 : i32
    %dma_start3A_10 = tpu.memref_slice %arg8[%dma_start3A, %dma_start3A_9] : memref<4x80xi32, #tpu.memory_space<vmem>> -> memref<1x80xi32, #tpu.memory_space<vmem>>
    %dma_start3A_11 = tpu.memref_squeeze %dma_start3A_10 : memref<1x80xi32, #tpu.memory_space<vmem>> -> memref<80xi32, #tpu.memory_space<vmem>>
    %dma_start3A_12 = tpu.memref_slice %arg4[%add3A_8] : memref<320000xi32, #tpu.memory_space<hbm>> -> memref<80xi32, #tpu.memory_space<hbm>>
    %dma_start3A_13 = arith.constant 0 : i32
    %dma_start3A_14 = tpu.memref_slice %arg8[%dma_start3A, %dma_start3A_13] : memref<4x80xi32, #tpu.memory_space<vmem>> -> memref<1x80xi32, #tpu.memory_space<vmem>>
    %dma_start3A_15 = tpu.memref_squeeze %dma_start3A_14 : memref<1x80xi32, #tpu.memory_space<vmem>> -> memref<80xi32, #tpu.memory_space<vmem>>
    %dma_start3A_16 = tpu.memref_slice %arg4[%add3A_8] : memref<320000xi32, #tpu.memory_space<hbm>> -> memref<80xi32, #tpu.memory_space<hbm>>
    tpu.enqueue_dma source(%dma_start3A_16 : memref<80xi32, #tpu.memory_space<hbm>>) target(%dma_start3A_15 : memref<80xi32, #tpu.memory_space<vmem>>) target_semaphore(%arg13 : memref<!tpu.dma_semaphore, #tpu.memory_space<semaphore_mem>>)
    %add3A_17 = arith.constant 0 : i32
    %add3A_18 = arith.addi %mul3A_2, %add3A_17 : i32
    %dma_start3A_19 = arith.constant 0 : i32
    %dma_start3A_20 = arith.constant 0 : i32
    %dma_start3A_21 = tpu.memref_slice %arg9[%dma_start3A_19, %dma_start3A_20] : memref<4x80xi32, #tpu.memory_space<vmem>> -> memref<1x80xi32, #tpu.memory_space<vmem>>
    %dma_start3A_22 = tpu.memref_squeeze %dma_start3A_21 : memref<1x80xi32, #tpu.memory_space<vmem>> -> memref<80xi32, #tpu.memory_space<vmem>>
    %dma_start3A_23 = tpu.memref_slice %arg5[%add3A_18] : memref<320000xi32, #tpu.memory_space<hbm>> -> memref<80xi32, #tpu.memory_space<hbm>>
    %dma_start3A_24 = arith.constant 0 : i32
    %dma_start3A_25 = tpu.memref_slice %arg9[%dma_start3A_19, %dma_start3A_24] : memref<4x80xi32, #tpu.memory_space<vmem>> -> memref<1x80xi32, #tpu.memory_space<vmem>>
    %dma_start3A_26 = tpu.memref_squeeze %dma_start3A_25 : memref<1x80xi32, #tpu.memory_space<vmem>> -> memref<80xi32, #tpu.memory_space<vmem>>
    %dma_start3A_27 = tpu.memref_slice %arg5[%add3A_18] : memref<320000xi32, #tpu.memory_space<hbm>> -> memref<80xi32, #tpu.memory_space<hbm>>
    tpu.enqueue_dma source(%dma_start3A_27 : memref<80xi32, #tpu.memory_space<hbm>>) target(%dma_start3A_26 : memref<80xi32, #tpu.memory_space<vmem>>) target_semaphore(%arg14 : memref<!tpu.dma_semaphore, #tpu.memory_space<semaphore_mem>>)
    %add3A_28 = arith.constant 80 : i32
    %add3A_29 = arith.addi %mul3A_2, %add3A_28 : i32
    %dma_start3A_30 = arith.constant 1 : i32
    %dma_start3A_31 = arith.constant 0 : i32
    %dma_start3A_32 = tpu.memref_slice %arg8[%dma_start3A_30, %dma_start3A_31] : memref<4x80xi32, #tpu.memory_space<vmem>> -> memref<1x80xi32, #tpu.memory_space<vmem>>
    %dma_start3A_33 = tpu.memref_squeeze %dma_start3A_32 : memref<1x80xi32, #tpu.memory_space<vmem>> -> memref<80xi32, #tpu.memory_space<vmem>>
    %dma_start3A_34 = tpu.memref_slice %arg4[%add3A_29] : memref<320000xi32, #tpu.memory_space<hbm>> -> memref<80xi32, #tpu.memory_space<hbm>>
    %dma_start3A_35 = arith.constant 0 : i32
    %dma_start3A_36 = tpu.memref_slice %arg8[%dma_start3A_30, %dma_start3A_35] : memref<4x80xi32, #tpu.memory_space<vmem>> -> memref<1x80xi32, #tpu.memory_space<vmem>>
    %dma_start3A_37 = tpu.memref_squeeze %dma_start3A_36 : memref<1x80xi32, #tpu.memory_space<vmem>> -> memref<80xi32, #tpu.memory_space<vmem>>
    %dma_start3A_38 = tpu.memref_slice %arg4[%add3A_29] : memref<320000xi32, #tpu.memory_space<hbm>> -> memref<80xi32, #tpu.memory_space<hbm>>
    tpu.enqueue_dma source(%dma_start3A_38 : memref<80xi32, #tpu.memory_space<hbm>>) target(%dma_start3A_37 : memref<80xi32, #tpu.memory_space<vmem>>) target_semaphore(%arg13 : memref<!tpu.dma_semaphore, #tpu.memory_space<semaphore_mem>>)
    %add3A_39 = arith.constant 80 : i32
    %add3A_40 = arith.addi %mul3A_2, %add3A_39 : i32
    %dma_start3A_41 = arith.constant 1 : i32
    %dma_start3A_42 = arith.constant 0 : i32
    %dma_start3A_43 = tpu.memref_slice %arg9[%dma_start3A_41, %dma_start3A_42] : memref<4x80xi32, #tpu.memory_space<vmem>> -> memref<1x80xi32, #tpu.memory_space<vmem>>
    %dma_start3A_44 = tpu.memref_squeeze %dma_start3A_43 : memref<1x80xi32, #tpu.memory_space<vmem>> -> memref<80xi32, #tpu.memory_space<vmem>>
    %dma_start3A_45 = tpu.memref_slice %arg5[%add3A_40] : memref<320000xi32, #tpu.memory_space<hbm>> -> memref<80xi32, #tpu.memory_space<hbm>>
    %dma_start3A_46 = arith.constant 0 : i32
    %dma_start3A_47 = tpu.memref_slice %arg9[%dma_start3A_41, %dma_start3A_46] : memref<4x80xi32, #tpu.memory_space<vmem>> -> memref<1x80xi32, #tpu.memory_space<vmem>>
    %dma_start3A_48 = tpu.memref_squeeze %dma_start3A_47 : memref<1x80xi32, #tpu.memory_space<vmem>> -> memref<80xi32, #tpu.memory_space<vmem>>
    %dma_start3A_49 = tpu.memref_slice %arg5[%add3A_40] : memref<320000xi32, #tpu.memory_space<hbm>> -> memref<80xi32, #tpu.memory_space<hbm>>
    tpu.enqueue_dma source(%dma_start3A_49 : memref<80xi32, #tpu.memory_space<hbm>>) target(%dma_start3A_48 : memref<80xi32, #tpu.memory_space<vmem>>) target_semaphore(%arg14 : memref<!tpu.dma_semaphore, #tpu.memory_space<semaphore_mem>>)
    %add3A_50 = arith.constant 0 : i32
    %add3A_51 = arith.addi %mul3A_2, %add3A_50 : i32
    %dma_wait3A = arith.constant 0 : i32
    %dma_wait3A_52 = arith.constant 0 : i32
    %dma_wait3A_53 = tpu.memref_slice %arg8[%dma_wait3A, %dma_wait3A_52] : memref<4x80xi32, #tpu.memory_space<vmem>> -> memref<1x80xi32, #tpu.memory_space<vmem>>
    %dma_wait3A_54 = tpu.memref_squeeze %dma_wait3A_53 : memref<1x80xi32, #tpu.memory_space<vmem>> -> memref<80xi32, #tpu.memory_space<vmem>>
    %dma_wait3A_55 = tpu.memref_slice %arg4[%add3A_51] : memref<320000xi32, #tpu.memory_space<hbm>> -> memref<80xi32, #tpu.memory_space<hbm>>
    %dma_wait3A_56 = arith.constant 0 : i32
    %dma_wait3A_57 = tpu.memref_slice %arg8[%dma_wait3A, %dma_wait3A_56] : memref<4x80xi32, #tpu.memory_space<vmem>> -> memref<1x80xi32, #tpu.memory_space<vmem>>
    %dma_wait3A_58 = tpu.memref_squeeze %dma_wait3A_57 : memref<1x80xi32, #tpu.memory_space<vmem>> -> memref<80xi32, #tpu.memory_space<vmem>>
    %dma_wait3A_59 = tpu.memref_slice %arg4[%add3A_51] : memref<320000xi32, #tpu.memory_space<hbm>> -> memref<80xi32, #tpu.memory_space<hbm>>
    tpu.wait_dma2 semaphore(%arg13 : memref<!tpu.dma_semaphore, #tpu.memory_space<semaphore_mem>>) src(%dma_wait3A_59 : memref<80xi32, #tpu.memory_space<hbm>>) dst(%dma_wait3A_58 : memref<80xi32, #tpu.memory_space<vmem>>)
    %add3A_60 = arith.constant 0 : i32
    %add3A_61 = arith.addi %mul3A_2, %add3A_60 : i32
    %dma_wait3A_62 = arith.constant 0 : i32
    %dma_wait3A_63 = arith.constant 0 : i32
    %dma_wait3A_64 = tpu.memref_slice %arg9[%dma_wait3A_62, %dma_wait3A_63] : memref<4x80xi32, #tpu.memory_space<vmem>> -> memref<1x80xi32, #tpu.memory_space<vmem>>
    %dma_wait3A_65 = tpu.memref_squeeze %dma_wait3A_64 : memref<1x80xi32, #tpu.memory_space<vmem>> -> memref<80xi32, #tpu.memory_space<vmem>>
    %dma_wait3A_66 = tpu.memref_slice %arg5[%add3A_61] : memref<320000xi32, #tpu.memory_space<hbm>> -> memref<80xi32, #tpu.memory_space<hbm>>
    %dma_wait3A_67 = arith.constant 0 : i32
    %dma_wait3A_68 = tpu.memref_slice %arg9[%dma_wait3A_62, %dma_wait3A_67] : memref<4x80xi32, #tpu.memory_space<vmem>> -> memref<1x80xi32, #tpu.memory_space<vmem>>
    %dma_wait3A_69 = tpu.memref_squeeze %dma_wait3A_68 : memref<1x80xi32, #tpu.memory_space<vmem>> -> memref<80xi32, #tpu.memory_space<vmem>>
    %dma_wait3A_70 = tpu.memref_slice %arg5[%add3A_61] : memref<320000xi32, #tpu.memory_space<hbm>> -> memref<80xi32, #tpu.memory_space<hbm>>
    tpu.wait_dma2 semaphore(%arg14 : memref<!tpu.dma_semaphore, #tpu.memory_space<semaphore_mem>>) src(%dma_wait3A_70 : memref<80xi32, #tpu.memory_space<hbm>>) dst(%dma_wait3A_69 : memref<80xi32, #tpu.memory_space<vmem>>)
    %dma_start3A_71 = arith.constant 0 : i32
    %dma_start3A_72 = arith.constant 0 : i32
    %dma_start3A_73 = arith.constant 0 : i32
    %dma_start3A_74 = tpu.memref_slice %arg10[%dma_start3A_72, %dma_start3A_73] : memref<160x128xf32, #tpu.memory_space<vmem>> -> memref<80x128xf32, #tpu.memory_space<vmem>>
    %dma_start3A_75 = arith.constant 0 : i32
    %dma_start3A_76 = tpu.memref_slice %arg8[%dma_start3A_71, %dma_start3A_75] : memref<4x80xi32, #tpu.memory_space<vmem>> -> memref<1x80xi32, #tpu.memory_space<vmem>>
    %dma_start3A_77 = tpu.memref_squeeze %dma_start3A_76 : memref<1x80xi32, #tpu.memory_space<vmem>> -> memref<80xi32, #tpu.memory_space<vmem>>
    %dma_start3A_78 = arith.constant 0 : i32
    %dma_start3A_79 = arith.constant 0 : i32
    %dma_start3A_80 = tpu.memref_slice %arg2[%dma_start3A_78, %dma_start3A_79] : memref<10000x128xf32, #tpu.memory_space<hbm>> -> memref<10000x128xf32, #tpu.memory_space<hbm>>
    tpu.enqueue_indirect_dma source(%dma_start3A_80 : memref<10000x128xf32, #tpu.memory_space<hbm>>) target(%dma_start3A_74 : memref<80x128xf32, #tpu.memory_space<vmem>>) offsets(%dma_start3A_77 : memref<80xi32, #tpu.memory_space<vmem>>) semaphore(%arg15 : memref<!tpu.dma_semaphore, #tpu.memory_space<semaphore_mem>>)
    %add3A_81 = arith.constant 0 : i32
    %add3A_82 = arith.addi %mul3A_2, %add3A_81 : i32
    %dma_start3A_83 = arith.constant 0 : i32
    %dma_start3A_84 = arith.constant 0 : i32
    %dma_start3A_85 = tpu.memref_slice %arg11[%dma_start3A_83, %dma_start3A_84] : memref<160x128xf32, #tpu.memory_space<vmem>> -> memref<80x128xf32, #tpu.memory_space<vmem>>
    %dma_start3A_86 = arith.constant 0 : i32
    %dma_start3A_87 = tpu.memref_slice %arg3[%add3A_82, %dma_start3A_86] : memref<320000x128xf32, #tpu.memory_space<hbm>> -> memref<80x128xf32, #tpu.memory_space<hbm>>
    %dma_start3A_88 = arith.constant 0 : i32
    %dma_start3A_89 = arith.constant 0 : i32
    %dma_start3A_90 = tpu.memref_slice %arg11[%dma_start3A_88, %dma_start3A_89] : memref<160x128xf32, #tpu.memory_space<vmem>> -> memref<80x128xf32, #tpu.memory_space<vmem>>
    %dma_start3A_91 = arith.constant 0 : i32
    %dma_start3A_92 = tpu.memref_slice %arg3[%add3A_82, %dma_start3A_91] : memref<320000x128xf32, #tpu.memory_space<hbm>> -> memref<80x128xf32, #tpu.memory_space<hbm>>
    tpu.enqueue_dma source(%dma_start3A_92 : memref<80x128xf32, #tpu.memory_space<hbm>>) target(%dma_start3A_90 : memref<80x128xf32, #tpu.memory_space<vmem>>) target_semaphore(%arg16 : memref<!tpu.dma_semaphore, #tpu.memory_space<semaphore_mem>>)
    %scan3A = arith.constant 0 : i32
    %scan3A_93 = arith.constant 0 : i32
    %scan3A_94 = arith.constant 125 : i32
    %scan3A_95 = arith.addi %scan3A_93, %scan3A_94 : i32
    %scan3A_96 = arith.constant 1 : i32
    scf.for %scan3A_147 = %scan3A_93 to %scan3A_95 step %scan3A_96  : i32 {
      %rem3A = arith.constant 2 : i32
      %rem3A_148 = arith.remsi %scan3A_147, %rem3A : i32
      %add3A_149 = arith.constant 1 : i32
      %add3A_150 = arith.addi %scan3A_147, %add3A_149 : i32
      %rem3A_151 = arith.constant 2 : i32
      %rem3A_152 = arith.remsi %add3A_150, %rem3A_151 : i32
      %add3A_153 = arith.constant 1 : i32
      %add3A_154 = arith.addi %scan3A_147, %add3A_153 : i32
      %rem3A_155 = arith.constant 4 : i32
      %rem3A_156 = arith.remsi %add3A_154, %rem3A_155 : i32
      %add3A_157 = arith.constant 2 : i32
      %add3A_158 = arith.addi %scan3A_147, %add3A_157 : i32
      %rem3A_159 = arith.constant 4 : i32
      %rem3A_160 = arith.remsi %add3A_158, %rem3A_159 : i32
      %add3A_161 = arith.constant 1 : i32
      %add3A_162 = arith.addi %scan3A_147, %add3A_161 : i32
      %min3A = arith.constant 124 : i32
      %min3A_163 = arith.minsi %add3A_162, %min3A : i32
      %add3A_164 = arith.constant 2 : i32
      %add3A_165 = arith.addi %scan3A_147, %add3A_164 : i32
      %min3A_166 = arith.constant 124 : i32
      %min3A_167 = arith.minsi %add3A_165, %min3A_166 : i32
      %mul3A_168 = arith.constant 80 : i32
      %mul3A_169 = arith.muli %min3A_167, %mul3A_168 : i32
      %add3A_170 = arith.addi %mul3A_2, %mul3A_169 : i32
      %dma_start3A_171 = arith.constant 0 : i32
      %dma_start3A_172 = tpu.memref_slice %arg8[%rem3A_160, %dma_start3A_171] : memref<4x80xi32, #tpu.memory_space<vmem>> -> memref<1x80xi32, #tpu.memory_space<vmem>>
      %dma_start3A_173 = tpu.memref_squeeze %dma_start3A_172 : memref<1x80xi32, #tpu.memory_space<vmem>> -> memref<80xi32, #tpu.memory_space<vmem>>
      %dma_start3A_174 = tpu.memref_slice %arg4[%add3A_170] : memref<320000xi32, #tpu.memory_space<hbm>> -> memref<80xi32, #tpu.memory_space<hbm>>
      %dma_start3A_175 = arith.constant 0 : i32
      %dma_start3A_176 = tpu.memref_slice %arg8[%rem3A_160, %dma_start3A_175] : memref<4x80xi32, #tpu.memory_space<vmem>> -> memref<1x80xi32, #tpu.memory_space<vmem>>
      %dma_start3A_177 = tpu.memref_squeeze %dma_start3A_176 : memref<1x80xi32, #tpu.memory_space<vmem>> -> memref<80xi32, #tpu.memory_space<vmem>>
      %dma_start3A_178 = tpu.memref_slice %arg4[%add3A_170] : memref<320000xi32, #tpu.memory_space<hbm>> -> memref<80xi32, #tpu.memory_space<hbm>>
      tpu.enqueue_dma source(%dma_start3A_178 : memref<80xi32, #tpu.memory_space<hbm>>) target(%dma_start3A_177 : memref<80xi32, #tpu.memory_space<vmem>>) target_semaphore(%arg13 : memref<!tpu.dma_semaphore, #tpu.memory_space<semaphore_mem>>)
      %mul3A_179 = arith.constant 80 : i32
      %mul3A_180 = arith.muli %min3A_167, %mul3A_179 : i32
      %add3A_181 = arith.addi %mul3A_2, %mul3A_180 : i32
      %dma_start3A_182 = arith.constant 0 : i32
      %dma_start3A_183 = tpu.memref_slice %arg9[%rem3A_160, %dma_start3A_182] : memref<4x80xi32, #tpu.memory_space<vmem>> -> memref<1x80xi32, #tpu.memory_space<vmem>>
      %dma_start3A_184 = tpu.memref_squeeze %dma_start3A_183 : memref<1x80xi32, #tpu.memory_space<vmem>> -> memref<80xi32, #tpu.memory_space<vmem>>
      %dma_start3A_185 = tpu.memref_slice %arg5[%add3A_181] : memref<320000xi32, #tpu.memory_space<hbm>> -> memref<80xi32, #tpu.memory_space<hbm>>
      %dma_start3A_186 = arith.constant 0 : i32
      %dma_start3A_187 = tpu.memref_slice %arg9[%rem3A_160, %dma_start3A_186] : memref<4x80xi32, #tpu.memory_space<vmem>> -> memref<1x80xi32, #tpu.memory_space<vmem>>
      %dma_start3A_188 = tpu.memref_squeeze %dma_start3A_187 : memref<1x80xi32, #tpu.memory_space<vmem>> -> memref<80xi32, #tpu.memory_space<vmem>>
      %dma_start3A_189 = tpu.memref_slice %arg5[%add3A_181] : memref<320000xi32, #tpu.memory_space<hbm>> -> memref<80xi32, #tpu.memory_space<hbm>>
      tpu.enqueue_dma source(%dma_start3A_189 : memref<80xi32, #tpu.memory_space<hbm>>) target(%dma_start3A_188 : memref<80xi32, #tpu.memory_space<vmem>>) target_semaphore(%arg14 : memref<!tpu.dma_semaphore, #tpu.memory_space<semaphore_mem>>)
      %mul3A_190 = arith.constant 80 : i32
      %mul3A_191 = arith.muli %min3A_163, %mul3A_190 : i32
      %add3A_192 = arith.addi %mul3A_2, %mul3A_191 : i32
      %dma_wait3A_193 = arith.constant 0 : i32
      %dma_wait3A_194 = tpu.memref_slice %arg8[%rem3A_156, %dma_wait3A_193] : memref<4x80xi32, #tpu.memory_space<vmem>> -> memref<1x80xi32, #tpu.memory_space<vmem>>
      %dma_wait3A_195 = tpu.memref_squeeze %dma_wait3A_194 : memref<1x80xi32, #tpu.memory_space<vmem>> -> memref<80xi32, #tpu.memory_space<vmem>>
      %dma_wait3A_196 = tpu.memref_slice %arg4[%add3A_192] : memref<320000xi32, #tpu.memory_space<hbm>> -> memref<80xi32, #tpu.memory_space<hbm>>
      %dma_wait3A_197 = arith.constant 0 : i32
      %dma_wait3A_198 = tpu.memref_slice %arg8[%rem3A_156, %dma_wait3A_197] : memref<4x80xi32, #tpu.memory_space<vmem>> -> memref<1x80xi32, #tpu.memory_space<vmem>>
      %dma_wait3A_199 = tpu.memref_squeeze %dma_wait3A_198 : memref<1x80xi32, #tpu.memory_space<vmem>> -> memref<80xi32, #tpu.memory_space<vmem>>
      %dma_wait3A_200 = tpu.memref_slice %arg4[%add3A_192] : memref<320000xi32, #tpu.memory_space<hbm>> -> memref<80xi32, #tpu.memory_space<hbm>>
      tpu.wait_dma2 semaphore(%arg13 : memref<!tpu.dma_semaphore, #tpu.memory_space<semaphore_mem>>) src(%dma_wait3A_200 : memref<80xi32, #tpu.memory_space<hbm>>) dst(%dma_wait3A_199 : memref<80xi32, #tpu.memory_space<vmem>>)
      %mul3A_201 = arith.constant 80 : i32
      %mul3A_202 = arith.muli %min3A_163, %mul3A_201 : i32
      %add3A_203 = arith.addi %mul3A_2, %mul3A_202 : i32
      %dma_wait3A_204 = arith.constant 0 : i32
      %dma_wait3A_205 = tpu.memref_slice %arg9[%rem3A_156, %dma_wait3A_204] : memref<4x80xi32, #tpu.memory_space<vmem>> -> memref<1x80xi32, #tpu.memory_space<vmem>>
      %dma_wait3A_206 = tpu.memref_squeeze %dma_wait3A_205 : memref<1x80xi32, #tpu.memory_space<vmem>> -> memref<80xi32, #tpu.memory_space<vmem>>
      %dma_wait3A_207 = tpu.memref_slice %arg5[%add3A_203] : memref<320000xi32, #tpu.memory_space<hbm>> -> memref<80xi32, #tpu.memory_space<hbm>>
      %dma_wait3A_208 = arith.constant 0 : i32
      %dma_wait3A_209 = tpu.memref_slice %arg9[%rem3A_156, %dma_wait3A_208] : memref<4x80xi32, #tpu.memory_space<vmem>> -> memref<1x80xi32, #tpu.memory_space<vmem>>
      %dma_wait3A_210 = tpu.memref_squeeze %dma_wait3A_209 : memref<1x80xi32, #tpu.memory_space<vmem>> -> memref<80xi32, #tpu.memory_space<vmem>>
      %dma_wait3A_211 = tpu.memref_slice %arg5[%add3A_203] : memref<320000xi32, #tpu.memory_space<hbm>> -> memref<80xi32, #tpu.memory_space<hbm>>
      tpu.wait_dma2 semaphore(%arg14 : memref<!tpu.dma_semaphore, #tpu.memory_space<semaphore_mem>>) src(%dma_wait3A_211 : memref<80xi32, #tpu.memory_space<hbm>>) dst(%dma_wait3A_210 : memref<80xi32, #tpu.memory_space<vmem>>)
      %mul3A_212 = arith.constant 80 : i32
      %mul3A_213 = arith.muli %rem3A_152, %mul3A_212 : i32
      %dma_start3A_214 = arith.constant 0 : i32
      %dma_start3A_215 = tpu.memref_slice %arg10[%mul3A_213, %dma_start3A_214] : memref<160x128xf32, #tpu.memory_space<vmem>> -> memref<80x128xf32, #tpu.memory_space<vmem>>
      %dma_start3A_216 = arith.constant 0 : i32
      %dma_start3A_217 = tpu.memref_slice %arg8[%rem3A_156, %dma_start3A_216] : memref<4x80xi32, #tpu.memory_space<vmem>> -> memref<1x80xi32, #tpu.memory_space<vmem>>
      %dma_start3A_218 = tpu.memref_squeeze %dma_start3A_217 : memref<1x80xi32, #tpu.memory_space<vmem>> -> memref<80xi32, #tpu.memory_space<vmem>>
      %dma_start3A_219 = arith.constant 0 : i32
      %dma_start3A_220 = arith.constant 0 : i32
      %dma_start3A_221 = tpu.memref_slice %arg2[%dma_start3A_219, %dma_start3A_220] : memref<10000x128xf32, #tpu.memory_space<hbm>> -> memref<10000x128xf32, #tpu.memory_space<hbm>>
      tpu.enqueue_indirect_dma source(%dma_start3A_221 : memref<10000x128xf32, #tpu.memory_space<hbm>>) target(%dma_start3A_215 : memref<80x128xf32, #tpu.memory_space<vmem>>) offsets(%dma_start3A_218 : memref<80xi32, #tpu.memory_space<vmem>>) semaphore(%arg15 : memref<!tpu.dma_semaphore, #tpu.memory_space<semaphore_mem>>)
      %mul3A_222 = arith.constant 80 : i32
      %mul3A_223 = arith.muli %min3A_163, %mul3A_222 : i32
      %add3A_224 = arith.addi %mul3A_2, %mul3A_223 : i32
      %mul3A_225 = arith.constant 80 : i32
      %mul3A_226 = arith.muli %rem3A_152, %mul3A_225 : i32
      %dma_start3A_227 = arith.constant 0 : i32
      %dma_start3A_228 = tpu.memref_slice %arg11[%mul3A_226, %dma_start3A_227] : memref<160x128xf32, #tpu.memory_space<vmem>> -> memref<80x128xf32, #tpu.memory_space<vmem>>
      %dma_start3A_229 = arith.constant 0 : i32
      %dma_start3A_230 = tpu.memref_slice %arg3[%add3A_224, %dma_start3A_229] : memref<320000x128xf32, #tpu.memory_space<hbm>> -> memref<80x128xf32, #tpu.memory_space<hbm>>
      %dma_start3A_231 = arith.constant 0 : i32
      %dma_start3A_232 = tpu.memref_slice %arg11[%mul3A_226, %dma_start3A_231] : memref<160x128xf32, #tpu.memory_space<vmem>> -> memref<80x128xf32, #tpu.memory_space<vmem>>
      %dma_start3A_233 = arith.constant 0 : i32
      %dma_start3A_234 = tpu.memref_slice %arg3[%add3A_224, %dma_start3A_233] : memref<320000x128xf32, #tpu.memory_space<hbm>> -> memref<80x128xf32, #tpu.memory_space<hbm>>
      tpu.enqueue_dma source(%dma_start3A_234 : memref<80x128xf32, #tpu.memory_space<hbm>>) target(%dma_start3A_232 : memref<80x128xf32, #tpu.memory_space<vmem>>) target_semaphore(%arg16 : memref<!tpu.dma_semaphore, #tpu.memory_space<semaphore_mem>>)
      %rem3A_235 = arith.constant 4 : i32
      %rem3A_236 = arith.remsi %scan3A_147, %rem3A_235 : i32
      %mul3A_237 = arith.constant 80 : i32
      %mul3A_238 = arith.muli %rem3A_148, %mul3A_237 : i32
      %dma_wait3A_239 = arith.constant 0 : i32
      %dma_wait3A_240 = tpu.memref_slice %arg10[%mul3A_238, %dma_wait3A_239] : memref<160x128xf32, #tpu.memory_space<vmem>> -> memref<80x128xf32, #tpu.memory_space<vmem>>
      %dma_wait3A_241 = arith.constant 0 : i32
      %dma_wait3A_242 = tpu.memref_slice %arg8[%rem3A_236, %dma_wait3A_241] : memref<4x80xi32, #tpu.memory_space<vmem>> -> memref<1x80xi32, #tpu.memory_space<vmem>>
      %dma_wait3A_243 = tpu.memref_squeeze %dma_wait3A_242 : memref<1x80xi32, #tpu.memory_space<vmem>> -> memref<80xi32, #tpu.memory_space<vmem>>
      %dma_wait3A_244 = arith.constant 0 : i32
      %dma_wait3A_245 = arith.constant 0 : i32
      %dma_wait3A_246 = tpu.memref_slice %arg2[%dma_wait3A_244, %dma_wait3A_245] : memref<10000x128xf32, #tpu.memory_space<hbm>> -> memref<10000x128xf32, #tpu.memory_space<hbm>>
      tpu.wait_indirect_dma semaphore(%arg15 : memref<!tpu.dma_semaphore, #tpu.memory_space<semaphore_mem>>) src(%dma_wait3A_246 : memref<10000x128xf32, #tpu.memory_space<hbm>>) dst(%dma_wait3A_240 : memref<80x128xf32, #tpu.memory_space<vmem>>)
      %min3A_247 = arith.constant 124 : i32
      %min3A_248 = arith.minsi %scan3A_147, %min3A_247 : i32
      %mul3A_249 = arith.constant 80 : i32
      %mul3A_250 = arith.muli %min3A_248, %mul3A_249 : i32
      %add3A_251 = arith.addi %mul3A_2, %mul3A_250 : i32
      %mul3A_252 = arith.constant 80 : i32
      %mul3A_253 = arith.muli %rem3A_148, %mul3A_252 : i32
      %dma_wait3A_254 = arith.constant 0 : i32
      %dma_wait3A_255 = tpu.memref_slice %arg11[%mul3A_253, %dma_wait3A_254] : memref<160x128xf32, #tpu.memory_space<vmem>> -> memref<80x128xf32, #tpu.memory_space<vmem>>
      %dma_wait3A_256 = arith.constant 0 : i32
      %dma_wait3A_257 = tpu.memref_slice %arg3[%add3A_251, %dma_wait3A_256] : memref<320000x128xf32, #tpu.memory_space<hbm>> -> memref<80x128xf32, #tpu.memory_space<hbm>>
      %dma_wait3A_258 = arith.constant 0 : i32
      %dma_wait3A_259 = tpu.memref_slice %arg11[%mul3A_253, %dma_wait3A_258] : memref<160x128xf32, #tpu.memory_space<vmem>> -> memref<80x128xf32, #tpu.memory_space<vmem>>
      %dma_wait3A_260 = arith.constant 0 : i32
      %dma_wait3A_261 = tpu.memref_slice %arg3[%add3A_251, %dma_wait3A_260] : memref<320000x128xf32, #tpu.memory_space<hbm>> -> memref<80x128xf32, #tpu.memory_space<hbm>>
      tpu.wait_dma2 semaphore(%arg16 : memref<!tpu.dma_semaphore, #tpu.memory_space<semaphore_mem>>) src(%dma_wait3A_261 : memref<80x128xf32, #tpu.memory_space<hbm>>) dst(%dma_wait3A_259 : memref<80x128xf32, #tpu.memory_space<vmem>>)
      %mul3A_262 = arith.constant 80 : i32
      %mul3A_263 = arith.muli %rem3A_148, %mul3A_262 : i32
      %add3A_264 = arith.constant 80 : i32
      %add3A_265 = arith.addi %mul3A_263, %add3A_264 : i32
      %parallel_loop3A = arith.constant 1 : i32
      scf.for %parallel_loop3A_268 = %mul3A_263 to %add3A_265 step %parallel_loop3A  : i32 {
        %parallel_loop3A_269 = arith.index_cast %parallel_loop3A_268 : i32 to index
        %parallel_loop3A_270 = arith.constant 0 : index
        %parallel_loop3A_271 = tpu.vector_load %arg10[%parallel_loop3A_269, %parallel_loop3A_270] {strides = array<i32>} : memref<160x128xf32, #tpu.memory_space<vmem>>, vector<1x16xf32>,
        %parallel_loop3A_272 = vector.shape_cast %parallel_loop3A_271 : vector<1x16xf32> to vector<16xf32>
        %parallel_loop3A_273 = arith.index_cast %parallel_loop3A_268 : i32 to index
        %parallel_loop3A_274 = arith.constant 0 : index
        %parallel_loop3A_275 = tpu.vector_load %arg11[%parallel_loop3A_273, %parallel_loop3A_274] {strides = array<i32>} : memref<160x128xf32, #tpu.memory_space<vmem>>, vector<1x16xf32>,
        %parallel_loop3A_276 = vector.shape_cast %parallel_loop3A_275 : vector<1x16xf32> to vector<16xf32>
        %parallel_loop3A_277 = arith.addf %parallel_loop3A_272, %parallel_loop3A_276 : vector<16xf32>
        %parallel_loop3A_278 = arith.constant 0.000000e+00 : f32
        %parallel_loop3A_279 = vector.broadcast %parallel_loop3A_278 : f32 to vector<16xf32>
        %parallel_loop3A_280 = arith.maximumf %parallel_loop3A_277, %parallel_loop3A_279 : vector<16xf32>
        %parallel_loop3A_281 = arith.index_cast %parallel_loop3A_268 : i32 to index
        %parallel_loop3A_282 = arith.constant 0 : index
        %parallel_loop3A_283 = tpu.vector_load %arg10[%parallel_loop3A_281, %parallel_loop3A_282] {strides = array<i32>} : memref<160x128xf32, #tpu.memory_space<vmem>>, vector<1x16xf32>,
        %parallel_loop3A_284 = vector.shape_cast %parallel_loop3A_283 : vector<1x16xf32> to vector<16xf32>
        %parallel_loop3A_285 = vector.shape_cast %parallel_loop3A_280 : vector<16xf32> to vector<1x16xf32>
        tpu.vector_store %arg10[%parallel_loop3A_281, %parallel_loop3A_282], %parallel_loop3A_285 {strides = array<i32>} : memref<160x128xf32, #tpu.memory_space<vmem>>, vector<1x16xf32>,
        %parallel_loop3A_286 = arith.index_cast %parallel_loop3A_268 : i32 to index
        %parallel_loop3A_287 = arith.constant 16 : index
        %parallel_loop3A_288 = tpu.vector_load %arg10[%parallel_loop3A_286, %parallel_loop3A_287] {strides = array<i32>} : memref<160x128xf32, #tpu.memory_space<vmem>>, vector<1x16xf32>,
        %parallel_loop3A_289 = vector.shape_cast %parallel_loop3A_288 : vector<1x16xf32> to vector<16xf32>
        %parallel_loop3A_290 = arith.index_cast %parallel_loop3A_268 : i32 to index
        %parallel_loop3A_291 = arith.constant 16 : index
        %parallel_loop3A_292 = tpu.vector_load %arg11[%parallel_loop3A_290, %parallel_loop3A_291] {strides = array<i32>} : memref<160x128xf32, #tpu.memory_space<vmem>>, vector<1x16xf32>,
        %parallel_loop3A_293 = vector.shape_cast %parallel_loop3A_292 : vector<1x16xf32> to vector<16xf32>
        %parallel_loop3A_294 = arith.addf %parallel_loop3A_289, %parallel_loop3A_293 : vector<16xf32>
        %parallel_loop3A_295 = arith.constant 0.000000e+00 : f32
        %parallel_loop3A_296 = vector.broadcast %parallel_loop3A_295 : f32 to vector<16xf32>
        %parallel_loop3A_297 = arith.maximumf %parallel_loop3A_294, %parallel_loop3A_296 : vector<16xf32>
        %parallel_loop3A_298 = arith.index_cast %parallel_loop3A_268 : i32 to index
        %parallel_loop3A_299 = arith.constant 16 : index
        %parallel_loop3A_300 = tpu.vector_load %arg10[%parallel_loop3A_298, %parallel_loop3A_299] {strides = array<i32>} : memref<160x128xf32, #tpu.memory_space<vmem>>, vector<1x16xf32>,
        %parallel_loop3A_301 = vector.shape_cast %parallel_loop3A_300 : vector<1x16xf32> to vector<16xf32>
        %parallel_loop3A_302 = vector.shape_cast %parallel_loop3A_297 : vector<16xf32> to vector<1x16xf32>
        tpu.vector_store %arg10[%parallel_loop3A_298, %parallel_loop3A_299], %parallel_loop3A_302 {strides = array<i32>} : memref<160x128xf32, #tpu.memory_space<vmem>>, vector<1x16xf32>,
        %parallel_loop3A_303 = arith.index_cast %parallel_loop3A_268 : i32 to index
        %parallel_loop3A_304 = arith.constant 32 : index
        %parallel_loop3A_305 = tpu.vector_load %arg10[%parallel_loop3A_303, %parallel_loop3A_304] {strides = array<i32>} : memref<160x128xf32, #tpu.memory_space<vmem>>, vector<1x16xf32>,
        %parallel_loop3A_306 = vector.shape_cast %parallel_loop3A_305 : vector<1x16xf32> to vector<16xf32>
        %parallel_loop3A_307 = arith.index_cast %parallel_loop3A_268 : i32 to index
        %parallel_loop3A_308 = arith.constant 32 : index
        %parallel_loop3A_309 = tpu.vector_load %arg11[%parallel_loop3A_307, %parallel_loop3A_308] {strides = array<i32>} : memref<160x128xf32, #tpu.memory_space<vmem>>, vector<1x16xf32>,
        %parallel_loop3A_310 = vector.shape_cast %parallel_loop3A_309 : vector<1x16xf32> to vector<16xf32>
        %parallel_loop3A_311 = arith.addf %parallel_loop3A_306, %parallel_loop3A_310 : vector<16xf32>
        %parallel_loop3A_312 = arith.constant 0.000000e+00 : f32
        %parallel_loop3A_313 = vector.broadcast %parallel_loop3A_312 : f32 to vector<16xf32>
        %parallel_loop3A_314 = arith.maximumf %parallel_loop3A_311, %parallel_loop3A_313 : vector<16xf32>
        %parallel_loop3A_315 = arith.index_cast %parallel_loop3A_268 : i32 to index
        %parallel_loop3A_316 = arith.constant 32 : index
        %parallel_loop3A_317 = tpu.vector_load %arg10[%parallel_loop3A_315, %parallel_loop3A_316] {strides = array<i32>} : memref<160x128xf32, #tpu.memory_space<vmem>>, vector<1x16xf32>,
        %parallel_loop3A_318 = vector.shape_cast %parallel_loop3A_317 : vector<1x16xf32> to vector<16xf32>
        %parallel_loop3A_319 = vector.shape_cast %parallel_loop3A_314 : vector<16xf32> to vector<1x16xf32>
        tpu.vector_store %arg10[%parallel_loop3A_315, %parallel_loop3A_316], %parallel_loop3A_319 {strides = array<i32>} : memref<160x128xf32, #tpu.memory_space<vmem>>, vector<1x16xf32>,
        %parallel_loop3A_320 = arith.index_cast %parallel_loop3A_268 : i32 to index
        %parallel_loop3A_321 = arith.constant 48 : index
        %parallel_loop3A_322 = tpu.vector_load %arg10[%parallel_loop3A_320, %parallel_loop3A_321] {strides = array<i32>} : memref<160x128xf32, #tpu.memory_space<vmem>>, vector<1x16xf32>,
        %parallel_loop3A_323 = vector.shape_cast %parallel_loop3A_322 : vector<1x16xf32> to vector<16xf32>
        %parallel_loop3A_324 = arith.index_cast %parallel_loop3A_268 : i32 to index
        %parallel_loop3A_325 = arith.constant 48 : index
        %parallel_loop3A_326 = tpu.vector_load %arg11[%parallel_loop3A_324, %parallel_loop3A_325] {strides = array<i32>} : memref<160x128xf32, #tpu.memory_space<vmem>>, vector<1x16xf32>,
        %parallel_loop3A_327 = vector.shape_cast %parallel_loop3A_326 : vector<1x16xf32> to vector<16xf32>
        %parallel_loop3A_328 = arith.addf %parallel_loop3A_323, %parallel_loop3A_327 : vector<16xf32>
        %parallel_loop3A_329 = arith.constant 0.000000e+00 : f32
        %parallel_loop3A_330 = vector.broadcast %parallel_loop3A_329 : f32 to vector<16xf32>
        %parallel_loop3A_331 = arith.maximumf %parallel_loop3A_328, %parallel_loop3A_330 : vector<16xf32>
        %parallel_loop3A_332 = arith.index_cast %parallel_loop3A_268 : i32 to index
        %parallel_loop3A_333 = arith.constant 48 : index
        %parallel_loop3A_334 = tpu.vector_load %arg10[%parallel_loop3A_332, %parallel_loop3A_333] {strides = array<i32>} : memref<160x128xf32, #tpu.memory_space<vmem>>, vector<1x16xf32>,
        %parallel_loop3A_335 = vector.shape_cast %parallel_loop3A_334 : vector<1x16xf32> to vector<16xf32>
        %parallel_loop3A_336 = vector.shape_cast %parallel_loop3A_331 : vector<16xf32> to vector<1x16xf32>
        tpu.vector_store %arg10[%parallel_loop3A_332, %parallel_loop3A_333], %parallel_loop3A_336 {strides = array<i32>} : memref<160x128xf32, #tpu.memory_space<vmem>>, vector<1x16xf32>,
        %parallel_loop3A_337 = arith.index_cast %parallel_loop3A_268 : i32 to index
        %parallel_loop3A_338 = arith.constant 64 : index
        %parallel_loop3A_339 = tpu.vector_load %arg10[%parallel_loop3A_337, %parallel_loop3A_338] {strides = array<i32>} : memref<160x128xf32, #tpu.memory_space<vmem>>, vector<1x16xf32>,
        %parallel_loop3A_340 = vector.shape_cast %parallel_loop3A_339 : vector<1x16xf32> to vector<16xf32>
        %parallel_loop3A_341 = arith.index_cast %parallel_loop3A_268 : i32 to index
        %parallel_loop3A_342 = arith.constant 64 : index
        %parallel_loop3A_343 = tpu.vector_load %arg11[%parallel_loop3A_341, %parallel_loop3A_342] {strides = array<i32>} : memref<160x128xf32, #tpu.memory_space<vmem>>, vector<1x16xf32>,
        %parallel_loop3A_344 = vector.shape_cast %parallel_loop3A_343 : vector<1x16xf32> to vector<16xf32>
        %parallel_loop3A_345 = arith.addf %parallel_loop3A_340, %parallel_loop3A_344 : vector<16xf32>
        %parallel_loop3A_346 = arith.constant 0.000000e+00 : f32
        %parallel_loop3A_347 = vector.broadcast %parallel_loop3A_346 : f32 to vector<16xf32>
        %parallel_loop3A_348 = arith.maximumf %parallel_loop3A_345, %parallel_loop3A_347 : vector<16xf32>
        %parallel_loop3A_349 = arith.index_cast %parallel_loop3A_268 : i32 to index
        %parallel_loop3A_350 = arith.constant 64 : index
        %parallel_loop3A_351 = tpu.vector_load %arg10[%parallel_loop3A_349, %parallel_loop3A_350] {strides = array<i32>} : memref<160x128xf32, #tpu.memory_space<vmem>>, vector<1x16xf32>,
        %parallel_loop3A_352 = vector.shape_cast %parallel_loop3A_351 : vector<1x16xf32> to vector<16xf32>
        %parallel_loop3A_353 = vector.shape_cast %parallel_loop3A_348 : vector<16xf32> to vector<1x16xf32>
        tpu.vector_store %arg10[%parallel_loop3A_349, %parallel_loop3A_350], %parallel_loop3A_353 {strides = array<i32>} : memref<160x128xf32, #tpu.memory_space<vmem>>, vector<1x16xf32>,
        %parallel_loop3A_354 = arith.index_cast %parallel_loop3A_268 : i32 to index
        %parallel_loop3A_355 = arith.constant 80 : index
        %parallel_loop3A_356 = tpu.vector_load %arg10[%parallel_loop3A_354, %parallel_loop3A_355] {strides = array<i32>} : memref<160x128xf32, #tpu.memory_space<vmem>>, vector<1x16xf32>,
        %parallel_loop3A_357 = vector.shape_cast %parallel_loop3A_356 : vector<1x16xf32> to vector<16xf32>
        %parallel_loop3A_358 = arith.index_cast %parallel_loop3A_268 : i32 to index
        %parallel_loop3A_359 = arith.constant 80 : index
        %parallel_loop3A_360 = tpu.vector_load %arg11[%parallel_loop3A_358, %parallel_loop3A_359] {strides = array<i32>} : memref<160x128xf32, #tpu.memory_space<vmem>>, vector<1x16xf32>,
        %parallel_loop3A_361 = vector.shape_cast %parallel_loop3A_360 : vector<1x16xf32> to vector<16xf32>
        %parallel_loop3A_362 = arith.addf %parallel_loop3A_357, %parallel_loop3A_361 : vector<16xf32>
        %parallel_loop3A_363 = arith.constant 0.000000e+00 : f32
        %parallel_loop3A_364 = vector.broadcast %parallel_loop3A_363 : f32 to vector<16xf32>
        %parallel_loop3A_365 = arith.maximumf %parallel_loop3A_362, %parallel_loop3A_364 : vector<16xf32>
        %parallel_loop3A_366 = arith.index_cast %parallel_loop3A_268 : i32 to index
        %parallel_loop3A_367 = arith.constant 80 : index
        %parallel_loop3A_368 = tpu.vector_load %arg10[%parallel_loop3A_366, %parallel_loop3A_367] {strides = array<i32>} : memref<160x128xf32, #tpu.memory_space<vmem>>, vector<1x16xf32>,
        %parallel_loop3A_369 = vector.shape_cast %parallel_loop3A_368 : vector<1x16xf32> to vector<16xf32>
        %parallel_loop3A_370 = vector.shape_cast %parallel_loop3A_365 : vector<16xf32> to vector<1x16xf32>
        tpu.vector_store %arg10[%parallel_loop3A_366, %parallel_loop3A_367], %parallel_loop3A_370 {strides = array<i32>} : memref<160x128xf32, #tpu.memory_space<vmem>>, vector<1x16xf32>,
        %parallel_loop3A_371 = arith.index_cast %parallel_loop3A_268 : i32 to index
        %parallel_loop3A_372 = arith.constant 96 : index
        %parallel_loop3A_373 = tpu.vector_load %arg10[%parallel_loop3A_371, %parallel_loop3A_372] {strides = array<i32>} : memref<160x128xf32, #tpu.memory_space<vmem>>, vector<1x16xf32>,
        %parallel_loop3A_374 = vector.shape_cast %parallel_loop3A_373 : vector<1x16xf32> to vector<16xf32>
        %parallel_loop3A_375 = arith.index_cast %parallel_loop3A_268 : i32 to index
        %parallel_loop3A_376 = arith.constant 96 : index
        %parallel_loop3A_377 = tpu.vector_load %arg11[%parallel_loop3A_375, %parallel_loop3A_376] {strides = array<i32>} : memref<160x128xf32, #tpu.memory_space<vmem>>, vector<1x16xf32>,
        %parallel_loop3A_378 = vector.shape_cast %parallel_loop3A_377 : vector<1x16xf32> to vector<16xf32>
        %parallel_loop3A_379 = arith.addf %parallel_loop3A_374, %parallel_loop3A_378 : vector<16xf32>
        %parallel_loop3A_380 = arith.constant 0.000000e+00 : f32
        %parallel_loop3A_381 = vector.broadcast %parallel_loop3A_380 : f32 to vector<16xf32>
        %parallel_loop3A_382 = arith.maximumf %parallel_loop3A_379, %parallel_loop3A_381 : vector<16xf32>
        %parallel_loop3A_383 = arith.index_cast %parallel_loop3A_268 : i32 to index
        %parallel_loop3A_384 = arith.constant 96 : index
        %parallel_loop3A_385 = tpu.vector_load %arg10[%parallel_loop3A_383, %parallel_loop3A_384] {strides = array<i32>} : memref<160x128xf32, #tpu.memory_space<vmem>>, vector<1x16xf32>,
        %parallel_loop3A_386 = vector.shape_cast %parallel_loop3A_385 : vector<1x16xf32> to vector<16xf32>
        %parallel_loop3A_387 = vector.shape_cast %parallel_loop3A_382 : vector<16xf32> to vector<1x16xf32>
        tpu.vector_store %arg10[%parallel_loop3A_383, %parallel_loop3A_384], %parallel_loop3A_387 {strides = array<i32>} : memref<160x128xf32, #tpu.memory_space<vmem>>, vector<1x16xf32>,
        %parallel_loop3A_388 = arith.index_cast %parallel_loop3A_268 : i32 to index
        %parallel_loop3A_389 = arith.constant 112 : index
        %parallel_loop3A_390 = tpu.vector_load %arg10[%parallel_loop3A_388, %parallel_loop3A_389] {strides = array<i32>} : memref<160x128xf32, #tpu.memory_space<vmem>>, vector<1x16xf32>,
        %parallel_loop3A_391 = vector.shape_cast %parallel_loop3A_390 : vector<1x16xf32> to vector<16xf32>
        %parallel_loop3A_392 = arith.index_cast %parallel_loop3A_268 : i32 to index
        %parallel_loop3A_393 = arith.constant 112 : index
        %parallel_loop3A_394 = tpu.vector_load %arg11[%parallel_loop3A_392, %parallel_loop3A_393] {strides = array<i32>} : memref<160x128xf32, #tpu.memory_space<vmem>>, vector<1x16xf32>,
        %parallel_loop3A_395 = vector.shape_cast %parallel_loop3A_394 : vector<1x16xf32> to vector<16xf32>
        %parallel_loop3A_396 = arith.addf %parallel_loop3A_391, %parallel_loop3A_395 : vector<16xf32>
        %parallel_loop3A_397 = arith.constant 0.000000e+00 : f32
        %parallel_loop3A_398 = vector.broadcast %parallel_loop3A_397 : f32 to vector<16xf32>
        %parallel_loop3A_399 = arith.maximumf %parallel_loop3A_396, %parallel_loop3A_398 : vector<16xf32>
        %parallel_loop3A_400 = arith.index_cast %parallel_loop3A_268 : i32 to index
        %parallel_loop3A_401 = arith.constant 112 : index
        %parallel_loop3A_402 = tpu.vector_load %arg10[%parallel_loop3A_400, %parallel_loop3A_401] {strides = array<i32>} : memref<160x128xf32, #tpu.memory_space<vmem>>, vector<1x16xf32>,
        %parallel_loop3A_403 = vector.shape_cast %parallel_loop3A_402 : vector<1x16xf32> to vector<16xf32>
        %parallel_loop3A_404 = vector.shape_cast %parallel_loop3A_399 : vector<16xf32> to vector<1x16xf32>
        tpu.vector_store %arg10[%parallel_loop3A_400, %parallel_loop3A_401], %parallel_loop3A_404 {strides = array<i32>} : memref<160x128xf32, #tpu.memory_space<vmem>>, vector<1x16xf32>,
      } {sc.loop_unroll_factor = 4 : i64, sc.parallel_access}
      %rem3A_266 = arith.constant 4 : i32
      %rem3A_267 = arith.remsi %scan3A_147, %rem3A_266 : i32
      "tpu.region"() ({
        %run_scoped3A = tpu.sem_alloc : memref<!tpu.dma_semaphore, #tpu.memory_space<semaphore_mem>>
        %dma_start3A_268 = arith.constant 0 : i32
        %dma_start3A_269 = tpu.memref_slice %arg10[%mul3A_263, %dma_start3A_268] : memref<160x128xf32, #tpu.memory_space<vmem>> -> memref<80x128xf32, #tpu.memory_space<vmem>>
        %dma_start3A_270 = arith.constant 0 : i32
        %dma_start3A_271 = tpu.memref_slice %arg9[%rem3A_267, %dma_start3A_270] : memref<4x80xi32, #tpu.memory_space<vmem>> -> memref<1x80xi32, #tpu.memory_space<vmem>>
        %dma_start3A_272 = tpu.memref_squeeze %dma_start3A_271 : memref<1x80xi32, #tpu.memory_space<vmem>> -> memref<80xi32, #tpu.memory_space<vmem>>
        %dma_start3A_273 = arith.constant 0 : i32
        %dma_start3A_274 = arith.constant 0 : i32
        %dma_start3A_275 = tpu.memref_slice %arg12[%dma_start3A_273, %dma_start3A_274] : memref<10240x128xf32, #tpu.memory_space<vmem_shared>> -> memref<10240x128xf32, #tpu.memory_space<vmem_shared>>
        tpu.enqueue_indirect_dma source(%dma_start3A_269 : memref<80x128xf32, #tpu.memory_space<vmem>>) target(%dma_start3A_275 : memref<10240x128xf32, #tpu.memory_space<vmem_shared>>) offsets(%dma_start3A_272 : memref<80xi32, #tpu.memory_space<vmem>>) semaphore(%run_scoped3A : memref<!tpu.dma_semaphore, #tpu.memory_space<semaphore_mem>>) {add = true}
        %dma_wait3A_276 = arith.constant 0 : i32
        %dma_wait3A_277 = tpu.memref_slice %arg10[%mul3A_263, %dma_wait3A_276] : memref<160x128xf32, #tpu.memory_space<vmem>> -> memref<80x128xf32, #tpu.memory_space<vmem>>
        %dma_wait3A_278 = arith.constant 0 : i32
        %dma_wait3A_279 = tpu.memref_slice %arg9[%rem3A_267, %dma_wait3A_278] : memref<4x80xi32, #tpu.memory_space<vmem>> -> memref<1x80xi32, #tpu.memory_space<vmem>>
        %dma_wait3A_280 = tpu.memref_squeeze %dma_wait3A_279 : memref<1x80xi32, #tpu.memory_space<vmem>> -> memref<80xi32, #tpu.memory_space<vmem>>
        %dma_wait3A_281 = arith.constant 0 : i32
        %dma_wait3A_282 = arith.constant 0 : i32
        %dma_wait3A_283 = tpu.memref_slice %arg12[%dma_wait3A_281, %dma_wait3A_282] : memref<10240x128xf32, #tpu.memory_space<vmem_shared>> -> memref<10240x128xf32, #tpu.memory_space<vmem_shared>>
        tpu.wait_indirect_dma semaphore(%run_scoped3A : memref<!tpu.dma_semaphore, #tpu.memory_space<semaphore_mem>>) src(%dma_wait3A_277 : memref<80x128xf32, #tpu.memory_space<vmem>>) dst(%dma_wait3A_283 : memref<10240x128xf32, #tpu.memory_space<vmem_shared>>)
        tpu.yield
      }) : () -> ()
    }
    %scan3A_97 = arith.constant 125 : i32
    %add3A_98 = arith.constant 9920 : i32
    %add3A_99 = arith.addi %mul3A_2, %add3A_98 : i32
    %dma_wait3A_100 = arith.constant 2 : i32
    %dma_wait3A_101 = arith.constant 0 : i32
    %dma_wait3A_102 = tpu.memref_slice %arg8[%dma_wait3A_100, %dma_wait3A_101] : memref<4x80xi32, #tpu.memory_space<vmem>> -> memref<1x80xi32, #tpu.memory_space<vmem>>
    %dma_wait3A_103 = tpu.memref_squeeze %dma_wait3A_102 : memref<1x80xi32, #tpu.memory_space<vmem>> -> memref<80xi32, #tpu.memory_space<vmem>>
    %dma_wait3A_104 = tpu.memref_slice %arg4[%add3A_99] : memref<320000xi32, #tpu.memory_space<hbm>> -> memref<80xi32, #tpu.memory_space<hbm>>
    %dma_wait3A_105 = arith.constant 0 : i32
    %dma_wait3A_106 = tpu.memref_slice %arg8[%dma_wait3A_100, %dma_wait3A_105] : memref<4x80xi32, #tpu.memory_space<vmem>> -> memref<1x80xi32, #tpu.memory_space<vmem>>
    %dma_wait3A_107 = tpu.memref_squeeze %dma_wait3A_106 : memref<1x80xi32, #tpu.memory_space<vmem>> -> memref<80xi32, #tpu.memory_space<vmem>>
    %dma_wait3A_108 = tpu.memref_slice %arg4[%add3A_99] : memref<320000xi32, #tpu.memory_space<hbm>> -> memref<80xi32, #tpu.memory_space<hbm>>
    tpu.wait_dma2 semaphore(%arg13 : memref<!tpu.dma_semaphore, #tpu.memory_space<semaphore_mem>>) src(%dma_wait3A_108 : memref<80xi32, #tpu.memory_space<hbm>>) dst(%dma_wait3A_107 : memref<80xi32, #tpu.memory_space<vmem>>)
    %add3A_109 = arith.constant 9920 : i32
    %add3A_110 = arith.addi %mul3A_2, %add3A_109 : i32
    %dma_wait3A_111 = arith.constant 2 : i32
    %dma_wait3A_112 = arith.constant 0 : i32
    %dma_wait3A_113 = tpu.memref_slice %arg9[%dma_wait3A_111, %dma_wait3A_112] : memref<4x80xi32, #tpu.memory_space<vmem>> -> memref<1x80xi32, #tpu.memory_space<vmem>>
    %dma_wait3A_114 = tpu.memref_squeeze %dma_wait3A_113 : memref<1x80xi32, #tpu.memory_space<vmem>> -> memref<80xi32, #tpu.memory_space<vmem>>
    %dma_wait3A_115 = tpu.memref_slice %arg5[%add3A_110] : memref<320000xi32, #tpu.memory_space<hbm>> -> memref<80xi32, #tpu.memory_space<hbm>>
    %dma_wait3A_116 = arith.constant 0 : i32
    %dma_wait3A_117 = tpu.memref_slice %arg9[%dma_wait3A_111, %dma_wait3A_116] : memref<4x80xi32, #tpu.memory_space<vmem>> -> memref<1x80xi32, #tpu.memory_space<vmem>>
    %dma_wait3A_118 = tpu.memref_squeeze %dma_wait3A_117 : memref<1x80xi32, #tpu.memory_space<vmem>> -> memref<80xi32, #tpu.memory_space<vmem>>
    %dma_wait3A_119 = tpu.memref_slice %arg5[%add3A_110] : memref<320000xi32, #tpu.memory_space<hbm>> -> memref<80xi32, #tpu.memory_space<hbm>>
    tpu.wait_dma2 semaphore(%arg14 : memref<!tpu.dma_semaphore, #tpu.memory_space<semaphore_mem>>) src(%dma_wait3A_119 : memref<80xi32, #tpu.memory_space<hbm>>) dst(%dma_wait3A_118 : memref<80xi32, #tpu.memory_space<vmem>>)
    %dma_wait3A_120 = arith.constant 1 : i32
    %dma_wait3A_121 = arith.constant 80 : i32
    %dma_wait3A_122 = arith.constant 0 : i32
    %dma_wait3A_123 = tpu.memref_slice %arg10[%dma_wait3A_121, %dma_wait3A_122] : memref<160x128xf32, #tpu.memory_space<vmem>> -> memref<80x128xf32, #tpu.memory_space<vmem>>
    %dma_wait3A_124 = arith.constant 0 : i32
    %dma_wait3A_125 = tpu.memref_slice %arg8[%dma_wait3A_120, %dma_wait3A_124] : memref<4x80xi32, #tpu.memory_space<vmem>> -> memref<1x80xi32, #tpu.memory_space<vmem>>
    %dma_wait3A_126 = tpu.memref_squeeze %dma_wait3A_125 : memref<1x80xi32, #tpu.memory_space<vmem>> -> memref<80xi32, #tpu.memory_space<vmem>>
    %dma_wait3A_127 = arith.constant 0 : i32
    %dma_wait3A_128 = arith.constant 0 : i32
    %dma_wait3A_129 = tpu.memref_slice %arg2[%dma_wait3A_127, %dma_wait3A_128] : memref<10000x128xf32, #tpu.memory_space<hbm>> -> memref<10000x128xf32, #tpu.memory_space<hbm>>
    tpu.wait_indirect_dma semaphore(%arg15 : memref<!tpu.dma_semaphore, #tpu.memory_space<semaphore_mem>>) src(%dma_wait3A_129 : memref<10000x128xf32, #tpu.memory_space<hbm>>) dst(%dma_wait3A_123 : memref<80x128xf32, #tpu.memory_space<vmem>>)
    %add3A_130 = arith.constant 9920 : i32
    %add3A_131 = arith.addi %mul3A_2, %add3A_130 : i32
    %dma_wait3A_132 = arith.constant 80 : i32
    %dma_wait3A_133 = arith.constant 0 : i32
    %dma_wait3A_134 = tpu.memref_slice %arg11[%dma_wait3A_132, %dma_wait3A_133] : memref<160x128xf32, #tpu.memory_space<vmem>> -> memref<80x128xf32, #tpu.memory_space<vmem>>
    %dma_wait3A_135 = arith.constant 0 : i32
    %dma_wait3A_136 = tpu.memref_slice %arg3[%add3A_131, %dma_wait3A_135] : memref<320000x128xf32, #tpu.memory_space<hbm>> -> memref<80x128xf32, #tpu.memory_space<hbm>>
    %dma_wait3A_137 = arith.constant 80 : i32
    %dma_wait3A_138 = arith.constant 0 : i32
    %dma_wait3A_139 = tpu.memref_slice %arg11[%dma_wait3A_137, %dma_wait3A_138] : memref<160x128xf32, #tpu.memory_space<vmem>> -> memref<80x128xf32, #tpu.memory_space<vmem>>
    %dma_wait3A_140 = arith.constant 0 : i32
    %dma_wait3A_141 = tpu.memref_slice %arg3[%add3A_131, %dma_wait3A_140] : memref<320000x128xf32, #tpu.memory_space<hbm>> -> memref<80x128xf32, #tpu.memory_space<hbm>>
    tpu.wait_dma2 semaphore(%arg16 : memref<!tpu.dma_semaphore, #tpu.memory_space<semaphore_mem>>) src(%dma_wait3A_141 : memref<80x128xf32, #tpu.memory_space<hbm>>) dst(%dma_wait3A_139 : memref<80x128xf32, #tpu.memory_space<vmem>>)
    %barrier3A_142 = arith.constant 0 : index
    tpu.barrier barrier_id(%barrier3A_142)
    %mul3A_143 = arith.constant 640 : i32
    %mul3A_144 = arith.muli %arg1, %mul3A_143 : i32
    %mul3A_145 = arith.constant 640 : i32
    %mul3A_146 = arith.muli %arg1, %mul3A_145 : i32
    "tpu.region"() ({
      %run_scoped3A = tpu.sem_alloc : memref<!tpu.dma_semaphore, #tpu.memory_space<semaphore_mem>>
      %dma_start3A_147 = arith.constant 0 : i32
      %dma_start3A_148 = tpu.memref_slice %arg7[%arg0, %mul3A_146, %dma_start3A_147] : memref<2x10240x128xf32, #tpu.memory_space<hbm>> -> memref<1x640x128xf32, #tpu.memory_space<hbm>>
      %dma_start3A_149 = tpu.memref_squeeze %dma_start3A_148 : memref<1x640x128xf32, #tpu.memory_space<hbm>> -> memref<640x128xf32, #tpu.memory_space<hbm>>
      %dma_start3A_150 = arith.constant 0 : i32
      %dma_start3A_151 = tpu.memref_slice %arg12[%mul3A_144, %dma_start3A_150] : memref<10240x128xf32, #tpu.memory_space<vmem_shared>> -> memref<640x128xf32, #tpu.memory_space<vmem_shared>>
      tpu.enqueue_dma source(%dma_start3A_151 : memref<640x128xf32, #tpu.memory_space<vmem_shared>>) target(%dma_start3A_149 : memref<640x128xf32, #tpu.memory_space<hbm>>) target_semaphore(%run_scoped3A : memref<!tpu.dma_semaphore, #tpu.memory_space<semaphore_mem>>)
      %dma_wait3A_152 = arith.constant 0 : i32
      %dma_wait3A_153 = tpu.memref_slice %arg7[%arg0, %mul3A_146, %dma_wait3A_152] : memref<2x10240x128xf32, #tpu.memory_space<hbm>> -> memref<1x640x128xf32, #tpu.memory_space<hbm>>
      %dma_wait3A_154 = tpu.memref_squeeze %dma_wait3A_153 : memref<1x640x128xf32, #tpu.memory_space<hbm>> -> memref<640x128xf32, #tpu.memory_space<hbm>>
      %dma_wait3A_155 = arith.constant 0 : i32
      %dma_wait3A_156 = tpu.memref_slice %arg12[%mul3A_144, %dma_wait3A_155] : memref<10240x128xf32, #tpu.memory_space<vmem_shared>> -> memref<640x128xf32, #tpu.memory_space<vmem_shared>>
      tpu.wait_dma2 semaphore(%run_scoped3A : memref<!tpu.dma_semaphore, #tpu.memory_space<semaphore_mem>>) src(%dma_wait3A_156 : memref<640x128xf32, #tpu.memory_space<vmem_shared>>) dst(%dma_wait3A_154 : memref<640x128xf32, #tpu.memory_space<hbm>>)
      tpu.yield
    }) : () -> ()
    return
  }
}

module attributes {stable_mosaic.version = 14 : i64} {
  func.func @_a_body(%arg0: i32, %arg1: memref<4x6400xf32, #tpu.memory_space<vmem>>, %arg2: memref<4x128xf32, #tpu.memory_space<vmem>>, %arg3: memref<6400x128xf32, #tpu.memory_space<vmem>>) attributes {dimension_semantics = [#tpu.dimension_semantics<arbitrary>], iteration_bounds = array<i64: 50>, scalar_prefetch = 0 : i64, scratch_operands = 0 : i64, tpu.core_type = #tpu.core_type<tc>, window_params = [{transform_indices = @transform_0, window_bounds = array<i64: 4, 6400>}, {pipeline_mode = #tpu.pipeline_mode<synchronous>, transform_indices = @transform_1, window_bounds = array<i64: 4, 128>}, {transform_indices = @transform_2, window_bounds = array<i64: 6400, 128>}]} {
    %get3A = arith.constant 0 : index
    %get3A_0 = arith.constant 0 : index
    %get3A_1 = vector.load %arg1[%get3A, %get3A_0] : memref<4x6400xf32, #tpu.memory_space<vmem>>, vector<4x6400xf32>
    %get3A_2 = arith.constant 0 : index
    %get3A_3 = arith.constant 0 : index
    %get3A_4 = vector.load %arg2[%get3A_2, %get3A_3] : memref<4x128xf32, #tpu.memory_space<vmem>>, vector<4x128xf32>
    %dot_general3A = arith.constant dense<0.000000e+00> : vector<6400x128xf32>
    %dot_general3A_5 = tpu.matmul %get3A_1, %get3A_4, %dot_general3A {dimension_numbers = #tpu.dot_dimension_numbers<[0], [0], [1], [1], [0, 1, 1, 1], [], []>, transpose_lhs_hint = false} : vector<4x6400xf32>, vector<4x128xf32>, vector<6400x128xf32> -> vector<6400x128xf32>
    %swap3A = arith.constant 0 : index
    %swap3A_6 = arith.constant 0 : index
    %swap3A_7 = vector.load %arg3[%swap3A, %swap3A_6] : memref<6400x128xf32, #tpu.memory_space<vmem>>, vector<6400x128xf32>
    tpu.vector_store %arg3[%swap3A, %swap3A_6], %dot_general3A_5 {strides = array<i32>} : memref<6400x128xf32, #tpu.memory_space<vmem>>, vector<6400x128xf32>,
    return
  }
  func.func @transform_0(%arg0: i32) -> (i32, i32) {
    %c0_i32 = arith.constant 0 : i32
    %c0_i32_0 = arith.constant 0 : i32
    return %c0_i32, %arg0 : i32, i32
  }
  func.func @transform_1(%arg0: i32) -> (i32, i32) {
    %c0_i32 = arith.constant 0 : i32
    %c0_i32_0 = arith.constant 0 : i32
    %c0_i32_1 = arith.constant 0 : i32
    return %c0_i32, %c0_i32_0 : i32, i32
  }
  func.func @transform_2(%arg0: i32) -> (i32, i32) {
    %c0_i32 = arith.constant 0 : i32
    %c0_i32_0 = arith.constant 0 : i32
    return %arg0, %c0_i32 : i32, i32
  }
}

module attributes {stable_mosaic.version = 14 : i64} {
  func.func @_enc_bus_body(%arg0: i32, %arg1: memref<2000x128xf32, #tpu.memory_space<vmem>>, %arg2: memref<2000x128xf32, #tpu.memory_space<vmem>>, %arg3: memref<128x128xf32, #tpu.memory_space<vmem>>, %arg4: memref<1x128xf32, #tpu.memory_space<vmem>>, %arg5: memref<128x128xf32, #tpu.memory_space<vmem>>, %arg6: memref<1x128xf32, #tpu.memory_space<vmem>>, %arg7: memref<2000x128xf32, #tpu.memory_space<vmem>>, %arg8: memref<2000x128xf32, #tpu.memory_space<vmem>>) attributes {dimension_semantics = [#tpu.dimension_semantics<arbitrary>], iteration_bounds = array<i64: 5>, scalar_prefetch = 0 : i64, scratch_operands = 0 : i64, tpu.core_type = #tpu.core_type<tc>, window_params = [{transform_indices = @transform_0, window_bounds = array<i64: 2000, 128>}, {transform_indices = @transform_1, window_bounds = array<i64: 2000, 128>}, {pipeline_mode = #tpu.pipeline_mode<synchronous>, transform_indices = @transform_2, window_bounds = array<i64: 128, 128>}, {pipeline_mode = #tpu.pipeline_mode<synchronous>, transform_indices = @transform_3, window_bounds = array<i64: 1, 128>}, {pipeline_mode = #tpu.pipeline_mode<synchronous>, transform_indices = @transform_4, window_bounds = array<i64: 128, 128>}, {pipeline_mode = #tpu.pipeline_mode<synchronous>, transform_indices = @transform_5, window_bounds = array<i64: 1, 128>}, {transform_indices = @transform_6, window_bounds = array<i64: 2000, 128>}, {transform_indices = @transform_7, window_bounds = array<i64: 2000, 128>}]} {
    %get3A = arith.constant 0 : index
    %get3A_0 = arith.constant 0 : index
    %get3A_1 = vector.load %arg1[%get3A, %get3A_0] : memref<2000x128xf32, #tpu.memory_space<vmem>>, vector<2000x128xf32>
    %get3A_2 = arith.constant 0 : index
    %get3A_3 = arith.constant 0 : index
    %get3A_4 = vector.load %arg2[%get3A_2, %get3A_3] : memref<2000x128xf32, #tpu.memory_space<vmem>>, vector<2000x128xf32>
    %mul3A = arith.mulf %get3A_1, %get3A_4 : vector<2000x128xf32>
    %get3A_5 = arith.constant 0 : index
    %get3A_6 = arith.constant 0 : index
    %get3A_7 = vector.load %arg3[%get3A_5, %get3A_6] : memref<128x128xf32, #tpu.memory_space<vmem>>, vector<128x128xf32>
    %dot_general3A = arith.constant dense<0.000000e+00> : vector<2000x128xf32>
    %dot_general3A_8 = tpu.matmul %mul3A, %get3A_7, %dot_general3A {dimension_numbers = #tpu.dot_dimension_numbers<[1], [0], [0], [1], [0, 0, 1, 1], [], []>, transpose_lhs_hint = false} : vector<2000x128xf32>, vector<128x128xf32>, vector<2000x128xf32> -> vector<2000x128xf32>
    %get3A_9 = arith.constant 0 : index
    %get3A_10 = arith.constant 0 : index
    %get3A_11 = vector.load %arg4[%get3A_9, %get3A_10] : memref<1x128xf32, #tpu.memory_space<vmem>>, vector<1x128xf32>
    %add3A = vector.broadcast %get3A_11 : vector<1x128xf32> to vector<2000x128xf32>
    %add3A_12 = arith.addf %dot_general3A_8, %add3A : vector<2000x128xf32>
    %max3A = arith.constant 0.000000e+00 : f32
    %max3A_13 = vector.broadcast %max3A : f32 to vector<2000x128xf32>
    %max3A_14 = arith.maximumf %add3A_12, %max3A_13 : vector<2000x128xf32>
    %swap3A = arith.constant 0 : index
    %swap3A_15 = arith.constant 0 : index
    %swap3A_16 = vector.load %arg7[%swap3A, %swap3A_15] : memref<2000x128xf32, #tpu.memory_space<vmem>>, vector<2000x128xf32>
    tpu.vector_store %arg7[%swap3A, %swap3A_15], %max3A_14 {strides = array<i32>} : memref<2000x128xf32, #tpu.memory_space<vmem>>, vector<2000x128xf32>,
    %get3A_17 = arith.constant 0 : index
    %get3A_18 = arith.constant 0 : index
    %get3A_19 = vector.load %arg5[%get3A_17, %get3A_18] : memref<128x128xf32, #tpu.memory_space<vmem>>, vector<128x128xf32>
    %dot_general3A_20 = arith.constant dense<0.000000e+00> : vector<2000x128xf32>
    %dot_general3A_21 = tpu.matmul %max3A_14, %get3A_19, %dot_general3A_20 {dimension_numbers = #tpu.dot_dimension_numbers<[1], [0], [0], [1], [0, 0, 1, 1], [], []>, transpose_lhs_hint = false} : vector<2000x128xf32>, vector<128x128xf32>, vector<2000x128xf32> -> vector<2000x128xf32>
    %get3A_22 = arith.constant 0 : index
    %get3A_23 = arith.constant 0 : index
    %get3A_24 = vector.load %arg6[%get3A_22, %get3A_23] : memref<1x128xf32, #tpu.memory_space<vmem>>, vector<1x128xf32>
    %add3A_25 = vector.broadcast %get3A_24 : vector<1x128xf32> to vector<2000x128xf32>
    %add3A_26 = arith.addf %dot_general3A_21, %add3A_25 : vector<2000x128xf32>
    %swap3A_27 = arith.constant 0 : index
    %swap3A_28 = arith.constant 0 : index
    %swap3A_29 = vector.load %arg8[%swap3A_27, %swap3A_28] : memref<2000x128xf32, #tpu.memory_space<vmem>>, vector<2000x128xf32>
    tpu.vector_store %arg8[%swap3A_27, %swap3A_28], %add3A_26 {strides = array<i32>} : memref<2000x128xf32, #tpu.memory_space<vmem>>, vector<2000x128xf32>,
    return
  }
  func.func @transform_0(%arg0: i32) -> (i32, i32) {
    %c0_i32 = arith.constant 0 : i32
    %c0_i32_0 = arith.constant 0 : i32
    return %arg0, %c0_i32 : i32, i32
  }
  func.func @transform_1(%arg0: i32) -> (i32, i32) {
    %c0_i32 = arith.constant 0 : i32
    %c0_i32_0 = arith.constant 0 : i32
    return %arg0, %c0_i32 : i32, i32
  }
  func.func @transform_2(%arg0: i32) -> (i32, i32) {
    %c0_i32 = arith.constant 0 : i32
    %c0_i32_0 = arith.constant 0 : i32
    %c0_i32_1 = arith.constant 0 : i32
    return %c0_i32, %c0_i32_0 : i32, i32
  }
  func.func @transform_3(%arg0: i32) -> (i32, i32) {
    %c0_i32 = arith.constant 0 : i32
    %c0_i32_0 = arith.constant 0 : i32
    %c0_i32_1 = arith.constant 0 : i32
    return %c0_i32, %c0_i32_0 : i32, i32
  }
  func.func @transform_4(%arg0: i32) -> (i32, i32) {
    %c0_i32 = arith.constant 0 : i32
    %c0_i32_0 = arith.constant 0 : i32
    %c0_i32_1 = arith.constant 0 : i32
    return %c0_i32, %c0_i32_0 : i32, i32
  }
  func.func @transform_5(%arg0: i32) -> (i32, i32) {
    %c0_i32 = arith.constant 0 : i32
    %c0_i32_0 = arith.constant 0 : i32
    %c0_i32_1 = arith.constant 0 : i32
    return %c0_i32, %c0_i32_0 : i32, i32
  }
  func.func @transform_6(%arg0: i32) -> (i32, i32) {
    %c0_i32 = arith.constant 0 : i32
    %c0_i32_0 = arith.constant 0 : i32
    return %arg0, %c0_i32 : i32, i32
  }
  func.func @transform_7(%arg0: i32) -> (i32, i32) {
    %c0_i32 = arith.constant 0 : i32
    %c0_i32_0 = arith.constant 0 : i32
    return %arg0, %c0_i32 : i32, i32
  }
}

module attributes {stable_mosaic.version = 14 : i64} {
  func.func @_upd_body(%arg0: i32, %arg1: memref<2000x128xf32, #tpu.memory_space<vmem>>, %arg2: memref<2x2000x128xf32, #tpu.memory_space<vmem>>, %arg3: memref<2000x128xf32, #tpu.memory_space<vmem>>, %arg4: memref<128x128xf32, #tpu.memory_space<vmem>>, %arg5: memref<128x128xf32, #tpu.memory_space<vmem>>, %arg6: memref<1x128xf32, #tpu.memory_space<vmem>>, %arg7: memref<1x128xf32, #tpu.memory_space<vmem>>, %arg8: memref<1x128xf32, #tpu.memory_space<vmem>>, %arg9: memref<128x128xf32, #tpu.memory_space<vmem>>, %arg10: memref<128x128xf32, #tpu.memory_space<vmem>>, %arg11: memref<1x128xf32, #tpu.memory_space<vmem>>, %arg12: memref<2000x128xf32, #tpu.memory_space<vmem>>, %arg13: memref<2000x128xf32, #tpu.memory_space<vmem>>, %arg14: memref<2000x128xf32, #tpu.memory_space<vmem>>) attributes {dimension_semantics = [#tpu.dimension_semantics<arbitrary>], iteration_bounds = array<i64: 5>, scalar_prefetch = 0 : i64, scratch_operands = 0 : i64, tpu.core_type = #tpu.core_type<tc>, window_params = [{transform_indices = @transform_0, window_bounds = array<i64: 2000, 128>}, {transform_indices = @transform_1, window_bounds = array<i64: 2, 2000, 128>}, {transform_indices = @transform_2, window_bounds = array<i64: 2000, 128>}, {pipeline_mode = #tpu.pipeline_mode<synchronous>, transform_indices = @transform_3, window_bounds = array<i64: 128, 128>}, {pipeline_mode = #tpu.pipeline_mode<synchronous>, transform_indices = @transform_4, window_bounds = array<i64: 128, 128>}, {pipeline_mode = #tpu.pipeline_mode<synchronous>, transform_indices = @transform_5, window_bounds = array<i64: 1, 128>}, {pipeline_mode = #tpu.pipeline_mode<synchronous>, transform_indices = @transform_6, window_bounds = array<i64: 1, 128>}, {pipeline_mode = #tpu.pipeline_mode<synchronous>, transform_indices = @transform_7, window_bounds = array<i64: 1, 128>}, {pipeline_mode = #tpu.pipeline_mode<synchronous>, transform_indices = @transform_8, window_bounds = array<i64: 128, 128>}, {pipeline_mode = #tpu.pipeline_mode<synchronous>, transform_indices = @transform_9, window_bounds = array<i64: 128, 128>}, {pipeline_mode = #tpu.pipeline_mode<synchronous>, transform_indices = @transform_10, window_bounds = array<i64: 1, 128>}, {transform_indices = @transform_11, window_bounds = array<i64: 2000, 128>}, {transform_indices = @transform_12, window_bounds = array<i64: 2000, 128>}, {transform_indices = @transform_13, window_bounds = array<i64: 2000, 128>}]} {
    %get3A = arith.constant 0 : index
    %get3A_0 = arith.constant 0 : index
    %get3A_1 = vector.load %arg1[%get3A, %get3A_0] : memref<2000x128xf32, #tpu.memory_space<vmem>>, vector<2000x128xf32>
    %get3A_2 = arith.constant 0 : index
    %get3A_3 = arith.constant 0 : index
    %get3A_4 = arith.constant 0 : index
    %get3A_5 = vector.load %arg2[%get3A_2, %get3A_3, %get3A_4] : memref<2x2000x128xf32, #tpu.memory_space<vmem>>, vector<1x2000x128xf32>
    %get3A_6 = vector.shape_cast %get3A_5 : vector<1x2000x128xf32> to vector<2000x128xf32>
    %get3A_7 = arith.constant 1 : index
    %get3A_8 = arith.constant 0 : index
    %get3A_9 = arith.constant 0 : index
    %get3A_10 = vector.load %arg2[%get3A_7, %get3A_8, %get3A_9] : memref<2x2000x128xf32, #tpu.memory_space<vmem>>, vector<1x2000x128xf32>
    %get3A_11 = vector.shape_cast %get3A_10 : vector<1x2000x128xf32> to vector<2000x128xf32>
    %add3A = arith.addf %get3A_6, %get3A_11 : vector<2000x128xf32>
    %get3A_12 = arith.constant 0 : index
    %get3A_13 = arith.constant 0 : index
    %get3A_14 = vector.load %arg4[%get3A_12, %get3A_13] : memref<128x128xf32, #tpu.memory_space<vmem>>, vector<128x128xf32>
    %dot_general3A = arith.constant dense<0.000000e+00> : vector<2000x128xf32>
    %dot_general3A_15 = tpu.matmul %get3A_1, %get3A_14, %dot_general3A {dimension_numbers = #tpu.dot_dimension_numbers<[1], [0], [0], [1], [0, 0, 1, 1], [], []>, transpose_lhs_hint = false} : vector<2000x128xf32>, vector<128x128xf32>, vector<2000x128xf32> -> vector<2000x128xf32>
    %get3A_16 = arith.constant 0 : index
    %get3A_17 = arith.constant 0 : index
    %get3A_18 = vector.load %arg5[%get3A_16, %get3A_17] : memref<128x128xf32, #tpu.memory_space<vmem>>, vector<128x128xf32>
    %dot_general3A_19 = arith.constant dense<0.000000e+00> : vector<2000x128xf32>
    %dot_general3A_20 = tpu.matmul %add3A, %get3A_18, %dot_general3A_19 {dimension_numbers = #tpu.dot_dimension_numbers<[1], [0], [0], [1], [0, 0, 1, 1], [], []>, transpose_lhs_hint = false} : vector<2000x128xf32>, vector<128x128xf32>, vector<2000x128xf32> -> vector<2000x128xf32>
    %add3A_21 = arith.addf %dot_general3A_15, %dot_general3A_20 : vector<2000x128xf32>
    %get3A_22 = arith.constant 0 : index
    %get3A_23 = arith.constant 0 : index
    %get3A_24 = vector.load %arg6[%get3A_22, %get3A_23] : memref<1x128xf32, #tpu.memory_space<vmem>>, vector<1x128xf32>
    %add3A_25 = vector.broadcast %get3A_24 : vector<1x128xf32> to vector<2000x128xf32>
    %add3A_26 = arith.addf %add3A_21, %add3A_25 : vector<2000x128xf32>
    %max3A = arith.constant 0.000000e+00 : f32
    %max3A_27 = vector.broadcast %max3A : f32 to vector<2000x128xf32>
    %max3A_28 = arith.maximumf %add3A_26, %max3A_27 : vector<2000x128xf32>
    %add3A_29 = arith.addf %get3A_1, %max3A_28 : vector<2000x128xf32>
    %reduce_sum3A = arith.constant dense<0.000000e+00> : vector<2000xf32>
    %reduce_sum3A_30 = vector.multi_reduction <add>, %add3A_29, %reduce_sum3A [1] : vector<2000x128xf32> to vector<2000xf32>
    %broadcast_in_dim3A = vector.shape_cast %reduce_sum3A_30 : vector<2000xf32> to vector<2000x1xf32>
    %div3A = arith.constant 1.280000e+02 : f32
    %div3A_31 = vector.broadcast %div3A : f32 to vector<2000x1xf32>
    %div3A_32 = arith.divf %broadcast_in_dim3A, %div3A_31 : vector<2000x1xf32>
    %sub3A = vector.broadcast %div3A_32 : vector<2000x1xf32> to vector<2000x128xf32>
    %sub3A_33 = arith.subf %add3A_29, %sub3A : vector<2000x128xf32>
    %integer_pow3A = arith.mulf %sub3A_33, %sub3A_33 : vector<2000x128xf32>
    %reduce_sum3A_34 = arith.constant dense<0.000000e+00> : vector<2000xf32>
    %reduce_sum3A_35 = vector.multi_reduction <add>, %integer_pow3A, %reduce_sum3A_34 [1] : vector<2000x128xf32> to vector<2000xf32>
    %broadcast_in_dim3A_36 = vector.shape_cast %reduce_sum3A_35 : vector<2000xf32> to vector<2000x1xf32>
    %div3A_37 = arith.constant 1.280000e+02 : f32
    %div3A_38 = vector.broadcast %div3A_37 : f32 to vector<2000x1xf32>
    %div3A_39 = arith.divf %broadcast_in_dim3A_36, %div3A_38 : vector<2000x1xf32>
    %sub3A_40 = vector.broadcast %div3A_32 : vector<2000x1xf32> to vector<2000x128xf32>
    %sub3A_41 = arith.subf %add3A_29, %sub3A_40 : vector<2000x128xf32>
    %add3A_42 = arith.constant 9.99999974E-6 : f32
    %add3A_43 = vector.broadcast %add3A_42 : f32 to vector<2000x1xf32>
    %add3A_44 = arith.addf %div3A_39, %add3A_43 : vector<2000x1xf32>
    %sqrt3A = math.sqrt %add3A_44 : vector<2000x1xf32>
    %div3A_45 = vector.broadcast %sqrt3A : vector<2000x1xf32> to vector<2000x128xf32>
    %div3A_46 = arith.divf %sub3A_41, %div3A_45 : vector<2000x128xf32>
    %get3A_47 = arith.constant 0 : index
    %get3A_48 = arith.constant 0 : index
    %get3A_49 = vector.load %arg7[%get3A_47, %get3A_48] : memref<1x128xf32, #tpu.memory_space<vmem>>, vector<1x128xf32>
    %mul3A = vector.broadcast %get3A_49 : vector<1x128xf32> to vector<2000x128xf32>
    %mul3A_50 = arith.mulf %div3A_46, %mul3A : vector<2000x128xf32>
    %get3A_51 = arith.constant 0 : index
    %get3A_52 = arith.constant 0 : index
    %get3A_53 = vector.load %arg8[%get3A_51, %get3A_52] : memref<1x128xf32, #tpu.memory_space<vmem>>, vector<1x128xf32>
    %add3A_54 = vector.broadcast %get3A_53 : vector<1x128xf32> to vector<2000x128xf32>
    %add3A_55 = arith.addf %mul3A_50, %add3A_54 : vector<2000x128xf32>
    %swap3A = arith.constant 0 : index
    %swap3A_56 = arith.constant 0 : index
    %swap3A_57 = vector.load %arg12[%swap3A, %swap3A_56] : memref<2000x128xf32, #tpu.memory_space<vmem>>, vector<2000x128xf32>
    tpu.vector_store %arg12[%swap3A, %swap3A_56], %add3A_55 {strides = array<i32>} : memref<2000x128xf32, #tpu.memory_space<vmem>>, vector<2000x128xf32>,
    %get3A_58 = arith.constant 0 : index
    %get3A_59 = arith.constant 0 : index
    %get3A_60 = vector.load %arg3[%get3A_58, %get3A_59] : memref<2000x128xf32, #tpu.memory_space<vmem>>, vector<2000x128xf32>
    %get3A_61 = arith.constant 0 : index
    %get3A_62 = arith.constant 0 : index
    %get3A_63 = vector.load %arg9[%get3A_61, %get3A_62] : memref<128x128xf32, #tpu.memory_space<vmem>>, vector<128x128xf32>
    %dot_general3A_64 = arith.constant dense<0.000000e+00> : vector<2000x128xf32>
    %dot_general3A_65 = tpu.matmul %add3A_55, %get3A_63, %dot_general3A_64 {dimension_numbers = #tpu.dot_dimension_numbers<[1], [0], [0], [1], [0, 0, 1, 1], [], []>, transpose_lhs_hint = false} : vector<2000x128xf32>, vector<128x128xf32>, vector<2000x128xf32> -> vector<2000x128xf32>
    %max3A_66 = arith.constant 0.000000e+00 : f32
    %max3A_67 = vector.broadcast %max3A_66 : f32 to vector<2000x128xf32>
    %max3A_68 = arith.maximumf %dot_general3A_65, %max3A_67 : vector<2000x128xf32>
    %add3A_69 = arith.addf %get3A_60, %max3A_68 : vector<2000x128xf32>
    %swap3A_70 = arith.constant 0 : index
    %swap3A_71 = arith.constant 0 : index
    %swap3A_72 = vector.load %arg13[%swap3A_70, %swap3A_71] : memref<2000x128xf32, #tpu.memory_space<vmem>>, vector<2000x128xf32>
    tpu.vector_store %arg13[%swap3A_70, %swap3A_71], %add3A_69 {strides = array<i32>} : memref<2000x128xf32, #tpu.memory_space<vmem>>, vector<2000x128xf32>,
    %get3A_73 = arith.constant 0 : index
    %get3A_74 = arith.constant 0 : index
    %get3A_75 = vector.load %arg10[%get3A_73, %get3A_74] : memref<128x128xf32, #tpu.memory_space<vmem>>, vector<128x128xf32>
    %dot_general3A_76 = arith.constant dense<0.000000e+00> : vector<2000x128xf32>
    %dot_general3A_77 = tpu.matmul %add3A_55, %get3A_75, %dot_general3A_76 {dimension_numbers = #tpu.dot_dimension_numbers<[1], [0], [0], [1], [0, 0, 1, 1], [], []>, transpose_lhs_hint = false} : vector<2000x128xf32>, vector<128x128xf32>, vector<2000x128xf32> -> vector<2000x128xf32>
    %get3A_78 = arith.constant 0 : index
    %get3A_79 = arith.constant 0 : index
    %get3A_80 = vector.load %arg11[%get3A_78, %get3A_79] : memref<1x128xf32, #tpu.memory_space<vmem>>, vector<1x128xf32>
    %add3A_81 = vector.broadcast %get3A_80 : vector<1x128xf32> to vector<2000x128xf32>
    %add3A_82 = arith.addf %dot_general3A_77, %add3A_81 : vector<2000x128xf32>
    %swap3A_83 = arith.constant 0 : index
    %swap3A_84 = arith.constant 0 : index
    %swap3A_85 = vector.load %arg14[%swap3A_83, %swap3A_84] : memref<2000x128xf32, #tpu.memory_space<vmem>>, vector<2000x128xf32>
    tpu.vector_store %arg14[%swap3A_83, %swap3A_84], %add3A_82 {strides = array<i32>} : memref<2000x128xf32, #tpu.memory_space<vmem>>, vector<2000x128xf32>,
    return
  }
  func.func @transform_0(%arg0: i32) -> (i32, i32) {
    %c0_i32 = arith.constant 0 : i32
    %c0_i32_0 = arith.constant 0 : i32
    return %arg0, %c0_i32 : i32, i32
  }
  func.func @transform_1(%arg0: i32) -> (i32, i32, i32) {
    %c0_i32 = arith.constant 0 : i32
    %c0_i32_0 = arith.constant 0 : i32
    %c0_i32_1 = arith.constant 0 : i32
    return %c0_i32, %arg0, %c0_i32_0 : i32, i32, i32
  }
  func.func @transform_2(%arg0: i32) -> (i32, i32) {
    %c0_i32 = arith.constant 0 : i32
    %c0_i32_0 = arith.constant 0 : i32
    return %arg0, %c0_i32 : i32, i32
  }
  func.func @transform_3(%arg0: i32) -> (i32, i32) {
    %c0_i32 = arith.constant 0 : i32
    %c0_i32_0 = arith.constant 0 : i32
    %c0_i32_1 = arith.constant 0 : i32
    return %c0_i32, %c0_i32_0 : i32, i32
  }
  func.func @transform_4(%arg0: i32) -> (i32, i32) {
    %c0_i32 = arith.constant 0 : i32
    %c0_i32_0 = arith.constant 0 : i32
    %c0_i32_1 = arith.constant 0 : i32
    return %c0_i32, %c0_i32_0 : i32, i32
  }
  func.func @transform_5(%arg0: i32) -> (i32, i32) {
    %c0_i32 = arith.constant 0 : i32
    %c0_i32_0 = arith.constant 0 : i32
    %c0_i32_1 = arith.constant 0 : i32
    return %c0_i32, %c0_i32_0 : i32, i32
  }
  func.func @transform_6(%arg0: i32) -> (i32, i32) {
    %c0_i32 = arith.constant 0 : i32
    %c0_i32_0 = arith.constant 0 : i32
    %c0_i32_1 = arith.constant 0 : i32
    return %c0_i32, %c0_i32_0 : i32, i32
  }
  func.func @transform_7(%arg0: i32) -> (i32, i32) {
    %c0_i32 = arith.constant 0 : i32
    %c0_i32_0 = arith.constant 0 : i32
    %c0_i32_1 = arith.constant 0 : i32
    return %c0_i32, %c0_i32_0 : i32, i32
  }
  func.func @transform_8(%arg0: i32) -> (i32, i32) {
    %c0_i32 = arith.constant 0 : i32
    %c0_i32_0 = arith.constant 0 : i32
    %c0_i32_1 = arith.constant 0 : i32
    return %c0_i32, %c0_i32_0 : i32, i32
  }
  func.func @transform_9(%arg0: i32) -> (i32, i32) {
    %c0_i32 = arith.constant 0 : i32
    %c0_i32_0 = arith.constant 0 : i32
    %c0_i32_1 = arith.constant 0 : i32
    return %c0_i32, %c0_i32_0 : i32, i32
  }
  func.func @transform_10(%arg0: i32) -> (i32, i32) {
    %c0_i32 = arith.constant 0 : i32
    %c0_i32_0 = arith.constant 0 : i32
    %c0_i32_1 = arith.constant 0 : i32
    return %c0_i32, %c0_i32_0 : i32, i32
  }
  func.func @transform_11(%arg0: i32) -> (i32, i32) {
    %c0_i32 = arith.constant 0 : i32
    %c0_i32_0 = arith.constant 0 : i32
    return %arg0, %c0_i32 : i32, i32
  }
  func.func @transform_12(%arg0: i32) -> (i32, i32) {
    %c0_i32 = arith.constant 0 : i32
    %c0_i32_0 = arith.constant 0 : i32
    return %arg0, %c0_i32 : i32, i32
  }
  func.func @transform_13(%arg0: i32) -> (i32, i32) {
    %c0_i32 = arith.constant 0 : i32
    %c0_i32_0 = arith.constant 0 : i32
    return %arg0, %c0_i32 : i32, i32
  }
}

module attributes {stable_mosaic.version = 14 : i64} {
  func.func @_enc_gen_body(%arg0: i32, %arg1: memref<2000x128xf32, #tpu.memory_space<vmem>>, %arg2: memref<2000x128xf32, #tpu.memory_space<vmem>>, %arg3: memref<128x128xf32, #tpu.memory_space<vmem>>, %arg4: memref<1x128xf32, #tpu.memory_space<vmem>>, %arg5: memref<2048x128xf32, #tpu.memory_space<vmem>>) attributes {dimension_semantics = [#tpu.dimension_semantics<arbitrary>], iteration_bounds = array<i64: 1>, scalar_prefetch = 0 : i64, scratch_operands = 0 : i64, tpu.core_type = #tpu.core_type<tc>, window_params = [{pipeline_mode = #tpu.pipeline_mode<synchronous>, transform_indices = @transform_0, window_bounds = array<i64: 2000, 128>}, {pipeline_mode = #tpu.pipeline_mode<synchronous>, transform_indices = @transform_1, window_bounds = array<i64: 2000, 128>}, {pipeline_mode = #tpu.pipeline_mode<synchronous>, transform_indices = @transform_2, window_bounds = array<i64: 128, 128>}, {pipeline_mode = #tpu.pipeline_mode<synchronous>, transform_indices = @transform_3, window_bounds = array<i64: 1, 128>}, {pipeline_mode = #tpu.pipeline_mode<synchronous>, transform_indices = @transform_4, window_bounds = array<i64: 2048, 128>}]} {
    %get3A = arith.constant 0 : index
    %get3A_0 = arith.constant 0 : index
    %get3A_1 = vector.load %arg1[%get3A, %get3A_0] : memref<2000x128xf32, #tpu.memory_space<vmem>>, vector<2000x128xf32>
    %get3A_2 = arith.constant 0 : index
    %get3A_3 = arith.constant 0 : index
    %get3A_4 = vector.load %arg2[%get3A_2, %get3A_3] : memref<2000x128xf32, #tpu.memory_space<vmem>>, vector<2000x128xf32>
    %mul3A = arith.mulf %get3A_1, %get3A_4 : vector<2000x128xf32>
    %get3A_5 = arith.constant 0 : index
    %get3A_6 = arith.constant 0 : index
    %get3A_7 = vector.load %arg3[%get3A_5, %get3A_6] : memref<128x128xf32, #tpu.memory_space<vmem>>, vector<128x128xf32>
    %dot_general3A = arith.constant dense<0.000000e+00> : vector<2000x128xf32>
    %dot_general3A_8 = tpu.matmul %mul3A, %get3A_7, %dot_general3A {dimension_numbers = #tpu.dot_dimension_numbers<[1], [0], [0], [1], [0, 0, 1, 1], [], []>, transpose_lhs_hint = false} : vector<2000x128xf32>, vector<128x128xf32>, vector<2000x128xf32> -> vector<2000x128xf32>
    %get3A_9 = arith.constant 0 : index
    %get3A_10 = arith.constant 0 : index
    %get3A_11 = vector.load %arg4[%get3A_9, %get3A_10] : memref<1x128xf32, #tpu.memory_space<vmem>>, vector<1x128xf32>
    %add3A = vector.broadcast %get3A_11 : vector<1x128xf32> to vector<2000x128xf32>
    %add3A_12 = arith.addf %dot_general3A_8, %add3A : vector<2000x128xf32>
    %max3A = arith.constant 0.000000e+00 : f32
    %max3A_13 = vector.broadcast %max3A : f32 to vector<2000x128xf32>
    %max3A_14 = arith.maximumf %add3A_12, %max3A_13 : vector<2000x128xf32>
    %swap3A = arith.constant 0 : index
    %swap3A_15 = arith.constant 0 : index
    %swap3A_16 = vector.load %arg5[%swap3A, %swap3A_15] : memref<2048x128xf32, #tpu.memory_space<vmem>>, vector<2000x128xf32>
    tpu.vector_store %arg5[%swap3A, %swap3A_15], %max3A_14 {strides = array<i32>} : memref<2048x128xf32, #tpu.memory_space<vmem>>, vector<2000x128xf32>,
    %broadcast_in_dim3A = arith.constant 0.000000e+00 : f32
    %broadcast_in_dim3A_17 = vector.broadcast %broadcast_in_dim3A : f32 to vector<48x128xf32>
    %swap3A_18 = arith.constant 2000 : index
    %swap3A_19 = arith.constant 0 : index
    %swap3A_20 = vector.load %arg5[%swap3A_18, %swap3A_19] : memref<2048x128xf32, #tpu.memory_space<vmem>>, vector<48x128xf32>
    tpu.vector_store %arg5[%swap3A_18, %swap3A_19], %broadcast_in_dim3A_17 {strides = array<i32>} : memref<2048x128xf32, #tpu.memory_space<vmem>>, vector<48x128xf32>,
    return
  }
  func.func @transform_0(%arg0: i32) -> (i32, i32) {
    %c0_i32 = arith.constant 0 : i32
    %c0_i32_0 = arith.constant 0 : i32
    %c0_i32_1 = arith.constant 0 : i32
    return %c0_i32, %c0_i32_0 : i32, i32
  }
  func.func @transform_1(%arg0: i32) -> (i32, i32) {
    %c0_i32 = arith.constant 0 : i32
    %c0_i32_0 = arith.constant 0 : i32
    %c0_i32_1 = arith.constant 0 : i32
    return %c0_i32, %c0_i32_0 : i32, i32
  }
  func.func @transform_2(%arg0: i32) -> (i32, i32) {
    %c0_i32 = arith.constant 0 : i32
    %c0_i32_0 = arith.constant 0 : i32
    %c0_i32_1 = arith.constant 0 : i32
    return %c0_i32, %c0_i32_0 : i32, i32
  }
  func.func @transform_3(%arg0: i32) -> (i32, i32) {
    %c0_i32 = arith.constant 0 : i32
    %c0_i32_0 = arith.constant 0 : i32
    %c0_i32_1 = arith.constant 0 : i32
    return %c0_i32, %c0_i32_0 : i32, i32
  }
  func.func @transform_4(%arg0: i32) -> (i32, i32) {
    %c0_i32 = arith.constant 0 : i32
    %c0_i32_0 = arith.constant 0 : i32
    %c0_i32_1 = arith.constant 0 : i32
    return %c0_i32, %c0_i32_0 : i32, i32
  }
}

module attributes {stable_mosaic.version = 14 : i64} {
  func.func @_gencnt_body(%arg0: i32, %arg1: memref<16x128xi32, #tpu.memory_space<vmem>>, %arg2: memref<2048x128xf32, #tpu.memory_space<vmem>>, %arg3: memref<2000x128xf32, #tpu.memory_space<vmem>>, %arg4: memref<2000x128xf32, #tpu.memory_space<vmem>>) attributes {dimension_semantics = [#tpu.dimension_semantics<arbitrary>], iteration_bounds = array<i64: 5>, scalar_prefetch = 0 : i64, scratch_operands = 0 : i64, tpu.core_type = #tpu.core_type<tc>, window_params = [{pipeline_mode = #tpu.pipeline_mode<synchronous>, transform_indices = @transform_0, window_bounds = array<i64: 16, 128>}, {pipeline_mode = #tpu.pipeline_mode<synchronous>, transform_indices = @transform_1, window_bounds = array<i64: 2048, 128>}, {transform_indices = @transform_2, window_bounds = array<i64: 2000, 128>}, {transform_indices = @transform_3, window_bounds = array<i64: 2000, 128>}]} {
    %mul3A = arith.constant 2000 : i32
    %mul3A_0 = arith.muli %arg0, %mul3A : i32
    %iota3A = tpu.iota {dimensions = array<i32: 0>} : vector<2000x1xi32>
    %add3A = vector.broadcast %mul3A_0 : i32 to vector<2000x1xi32>
    %add3A_1 = arith.addi %add3A, %iota3A : vector<2000x1xi32>
    %broadcast_in_dim3A = arith.constant 0.000000e+00 : f32
    %broadcast_in_dim3A_2 = vector.broadcast %broadcast_in_dim3A : f32 to vector<2000x1xf32>
    %broadcast_in_dim3A_3 = arith.constant 0.000000e+00 : f32
    %broadcast_in_dim3A_4 = vector.broadcast %broadcast_in_dim3A_3 : f32 to vector<2000x128xf32>
    %get3A = arith.constant 0 : index
    %get3A_5 = arith.constant 0 : index
    %get3A_6 = vector.load %arg1[%get3A, %get3A_5] : memref<16x128xi32, #tpu.memory_space<vmem>>, vector<1x128xi32>
    %get3A_7 = vector.shape_cast %get3A_6 : vector<1x128xi32> to vector<128xi32>
    %broadcast_in_dim3A_8 = vector.shape_cast %get3A_7 : vector<128xi32> to vector<1x128xi32>
    %eq3A = vector.broadcast %add3A_1 : vector<2000x1xi32> to vector<2000x128xi32>
    %eq3A_9 = vector.broadcast %broadcast_in_dim3A_8 : vector<1x128xi32> to vector<2000x128xi32>
    %eq3A_10 = arith.cmpi eq, %eq3A, %eq3A_9 : vector<2000x128xi32>
    %convert_element_type3A = arith.extui %eq3A_10 : vector<2000x128xi1> to vector<2000x128xi32>
    %convert_element_type3A_11 = arith.sitofp %convert_element_type3A : vector<2000x128xi32> to vector<2000x128xf32>
    %reduce_sum3A = arith.constant dense<0.000000e+00> : vector<2000xf32>
    %reduce_sum3A_12 = vector.multi_reduction <add>, %convert_element_type3A_11, %reduce_sum3A [1] : vector<2000x128xf32> to vector<2000xf32>
    %broadcast_in_dim3A_13 = vector.shape_cast %reduce_sum3A_12 : vector<2000xf32> to vector<2000x1xf32>
    %add3A_14 = arith.addf %broadcast_in_dim3A_2, %broadcast_in_dim3A_13 : vector<2000x1xf32>
    %get3A_15 = arith.constant 0 : index
    %get3A_16 = arith.constant 0 : index
    %get3A_17 = vector.load %arg2[%get3A_15, %get3A_16] : memref<2048x128xf32, #tpu.memory_space<vmem>>, vector<128x128xf32>
    %dot_general3A = arith.constant dense<0.000000e+00> : vector<2000x128xf32>
    %dot_general3A_18 = tpu.matmul %convert_element_type3A_11, %get3A_17, %dot_general3A {dimension_numbers = #tpu.dot_dimension_numbers<[1], [0], [0], [1], [0, 0, 1, 1], [], []>, transpose_lhs_hint = false} : vector<2000x128xf32>, vector<128x128xf32>, vector<2000x128xf32> -> vector<2000x128xf32>
    %add3A_19 = arith.addf %broadcast_in_dim3A_4, %dot_general3A_18 : vector<2000x128xf32>
    %get3A_20 = arith.constant 1 : index
    %get3A_21 = arith.constant 0 : index
    %get3A_22 = vector.load %arg1[%get3A_20, %get3A_21] : memref<16x128xi32, #tpu.memory_space<vmem>>, vector<1x128xi32>
    %get3A_23 = vector.shape_cast %get3A_22 : vector<1x128xi32> to vector<128xi32>
    %broadcast_in_dim3A_24 = vector.shape_cast %get3A_23 : vector<128xi32> to vector<1x128xi32>
    %eq3A_25 = vector.broadcast %add3A_1 : vector<2000x1xi32> to vector<2000x128xi32>
    %eq3A_26 = vector.broadcast %broadcast_in_dim3A_24 : vector<1x128xi32> to vector<2000x128xi32>
    %eq3A_27 = arith.cmpi eq, %eq3A_25, %eq3A_26 : vector<2000x128xi32>
    %convert_element_type3A_28 = arith.extui %eq3A_27 : vector<2000x128xi1> to vector<2000x128xi32>
    %convert_element_type3A_29 = arith.sitofp %convert_element_type3A_28 : vector<2000x128xi32> to vector<2000x128xf32>
    %reduce_sum3A_30 = arith.constant dense<0.000000e+00> : vector<2000xf32>
    %reduce_sum3A_31 = vector.multi_reduction <add>, %convert_element_type3A_29, %reduce_sum3A_30 [1] : vector<2000x128xf32> to vector<2000xf32>
    %broadcast_in_dim3A_32 = vector.shape_cast %reduce_sum3A_31 : vector<2000xf32> to vector<2000x1xf32>
    %add3A_33 = arith.addf %add3A_14, %broadcast_in_dim3A_32 : vector<2000x1xf32>
    %get3A_34 = arith.constant 128 : index
    %get3A_35 = arith.constant 0 : index
    %get3A_36 = vector.load %arg2[%get3A_34, %get3A_35] : memref<2048x128xf32, #tpu.memory_space<vmem>>, vector<128x128xf32>
    %dot_general3A_37 = arith.constant dense<0.000000e+00> : vector<2000x128xf32>
    %dot_general3A_38 = tpu.matmul %convert_element_type3A_29, %get3A_36, %dot_general3A_37 {dimension_numbers = #tpu.dot_dimension_numbers<[1], [0], [0], [1], [0, 0, 1, 1], [], []>, transpose_lhs_hint = false} : vector<2000x128xf32>, vector<128x128xf32>, vector<2000x128xf32> -> vector<2000x128xf32>
    %add3A_39 = arith.addf %add3A_19, %dot_general3A_38 : vector<2000x128xf32>
    %get3A_40 = arith.constant 2 : index
    %get3A_41 = arith.constant 0 : index
    %get3A_42 = vector.load %arg1[%get3A_40, %get3A_41] : memref<16x128xi32, #tpu.memory_space<vmem>>, vector<1x128xi32>
    %get3A_43 = vector.shape_cast %get3A_42 : vector<1x128xi32> to vector<128xi32>
    %broadcast_in_dim3A_44 = vector.shape_cast %get3A_43 : vector<128xi32> to vector<1x128xi32>
    %eq3A_45 = vector.broadcast %add3A_1 : vector<2000x1xi32> to vector<2000x128xi32>
    %eq3A_46 = vector.broadcast %broadcast_in_dim3A_44 : vector<1x128xi32> to vector<2000x128xi32>
    %eq3A_47 = arith.cmpi eq, %eq3A_45, %eq3A_46 : vector<2000x128xi32>
    %convert_element_type3A_48 = arith.extui %eq3A_47 : vector<2000x128xi1> to vector<2000x128xi32>
    %convert_element_type3A_49 = arith.sitofp %convert_element_type3A_48 : vector<2000x128xi32> to vector<2000x128xf32>
    %reduce_sum3A_50 = arith.constant dense<0.000000e+00> : vector<2000xf32>
    %reduce_sum3A_51 = vector.multi_reduction <add>, %convert_element_type3A_49, %reduce_sum3A_50 [1] : vector<2000x128xf32> to vector<2000xf32>
    %broadcast_in_dim3A_52 = vector.shape_cast %reduce_sum3A_51 : vector<2000xf32> to vector<2000x1xf32>
    %add3A_53 = arith.addf %add3A_33, %broadcast_in_dim3A_52 : vector<2000x1xf32>
    %get3A_54 = arith.constant 256 : index
    %get3A_55 = arith.constant 0 : index
    %get3A_56 = vector.load %arg2[%get3A_54, %get3A_55] : memref<2048x128xf32, #tpu.memory_space<vmem>>, vector<128x128xf32>
    %dot_general3A_57 = arith.constant dense<0.000000e+00> : vector<2000x128xf32>
    %dot_general3A_58 = tpu.matmul %convert_element_type3A_49, %get3A_56, %dot_general3A_57 {dimension_numbers = #tpu.dot_dimension_numbers<[1], [0], [0], [1], [0, 0, 1, 1], [], []>, transpose_lhs_hint = false} : vector<2000x128xf32>, vector<128x128xf32>, vector<2000x128xf32> -> vector<2000x128xf32>
    %add3A_59 = arith.addf %add3A_39, %dot_general3A_58 : vector<2000x128xf32>
    %get3A_60 = arith.constant 3 : index
    %get3A_61 = arith.constant 0 : index
    %get3A_62 = vector.load %arg1[%get3A_60, %get3A_61] : memref<16x128xi32, #tpu.memory_space<vmem>>, vector<1x128xi32>
    %get3A_63 = vector.shape_cast %get3A_62 : vector<1x128xi32> to vector<128xi32>
    %broadcast_in_dim3A_64 = vector.shape_cast %get3A_63 : vector<128xi32> to vector<1x128xi32>
    %eq3A_65 = vector.broadcast %add3A_1 : vector<2000x1xi32> to vector<2000x128xi32>
    %eq3A_66 = vector.broadcast %broadcast_in_dim3A_64 : vector<1x128xi32> to vector<2000x128xi32>
    %eq3A_67 = arith.cmpi eq, %eq3A_65, %eq3A_66 : vector<2000x128xi32>
    %convert_element_type3A_68 = arith.extui %eq3A_67 : vector<2000x128xi1> to vector<2000x128xi32>
    %convert_element_type3A_69 = arith.sitofp %convert_element_type3A_68 : vector<2000x128xi32> to vector<2000x128xf32>
    %reduce_sum3A_70 = arith.constant dense<0.000000e+00> : vector<2000xf32>
    %reduce_sum3A_71 = vector.multi_reduction <add>, %convert_element_type3A_69, %reduce_sum3A_70 [1] : vector<2000x128xf32> to vector<2000xf32>
    %broadcast_in_dim3A_72 = vector.shape_cast %reduce_sum3A_71 : vector<2000xf32> to vector<2000x1xf32>
    %add3A_73 = arith.addf %add3A_53, %broadcast_in_dim3A_72 : vector<2000x1xf32>
    %get3A_74 = arith.constant 384 : index
    %get3A_75 = arith.constant 0 : index
    %get3A_76 = vector.load %arg2[%get3A_74, %get3A_75] : memref<2048x128xf32, #tpu.memory_space<vmem>>, vector<128x128xf32>
    %dot_general3A_77 = arith.constant dense<0.000000e+00> : vector<2000x128xf32>
    %dot_general3A_78 = tpu.matmul %convert_element_type3A_69, %get3A_76, %dot_general3A_77 {dimension_numbers = #tpu.dot_dimension_numbers<[1], [0], [0], [1], [0, 0, 1, 1], [], []>, transpose_lhs_hint = false} : vector<2000x128xf32>, vector<128x128xf32>, vector<2000x128xf32> -> vector<2000x128xf32>
    %add3A_79 = arith.addf %add3A_59, %dot_general3A_78 : vector<2000x128xf32>
    %get3A_80 = arith.constant 4 : index
    %get3A_81 = arith.constant 0 : index
    %get3A_82 = vector.load %arg1[%get3A_80, %get3A_81] : memref<16x128xi32, #tpu.memory_space<vmem>>, vector<1x128xi32>
    %get3A_83 = vector.shape_cast %get3A_82 : vector<1x128xi32> to vector<128xi32>
    %broadcast_in_dim3A_84 = vector.shape_cast %get3A_83 : vector<128xi32> to vector<1x128xi32>
    %eq3A_85 = vector.broadcast %add3A_1 : vector<2000x1xi32> to vector<2000x128xi32>
    %eq3A_86 = vector.broadcast %broadcast_in_dim3A_84 : vector<1x128xi32> to vector<2000x128xi32>
    %eq3A_87 = arith.cmpi eq, %eq3A_85, %eq3A_86 : vector<2000x128xi32>
    %convert_element_type3A_88 = arith.extui %eq3A_87 : vector<2000x128xi1> to vector<2000x128xi32>
    %convert_element_type3A_89 = arith.sitofp %convert_element_type3A_88 : vector<2000x128xi32> to vector<2000x128xf32>
    %reduce_sum3A_90 = arith.constant dense<0.000000e+00> : vector<2000xf32>
    %reduce_sum3A_91 = vector.multi_reduction <add>, %convert_element_type3A_89, %reduce_sum3A_90 [1] : vector<2000x128xf32> to vector<2000xf32>
    %broadcast_in_dim3A_92 = vector.shape_cast %reduce_sum3A_91 : vector<2000xf32> to vector<2000x1xf32>
    %add3A_93 = arith.addf %add3A_73, %broadcast_in_dim3A_92 : vector<2000x1xf32>
    %get3A_94 = arith.constant 512 : index
    %get3A_95 = arith.constant 0 : index
    %get3A_96 = vector.load %arg2[%get3A_94, %get3A_95] : memref<2048x128xf32, #tpu.memory_space<vmem>>, vector<128x128xf32>
    %dot_general3A_97 = arith.constant dense<0.000000e+00> : vector<2000x128xf32>
    %dot_general3A_98 = tpu.matmul %convert_element_type3A_89, %get3A_96, %dot_general3A_97 {dimension_numbers = #tpu.dot_dimension_numbers<[1], [0], [0], [1], [0, 0, 1, 1], [], []>, transpose_lhs_hint = false} : vector<2000x128xf32>, vector<128x128xf32>, vector<2000x128xf32> -> vector<2000x128xf32>
    %add3A_99 = arith.addf %add3A_79, %dot_general3A_98 : vector<2000x128xf32>
    %get3A_100 = arith.constant 5 : index
    %get3A_101 = arith.constant 0 : index
    %get3A_102 = vector.load %arg1[%get3A_100, %get3A_101] : memref<16x128xi32, #tpu.memory_space<vmem>>, vector<1x128xi32>
    %get3A_103 = vector.shape_cast %get3A_102 : vector<1x128xi32> to vector<128xi32>
    %broadcast_in_dim3A_104 = vector.shape_cast %get3A_103 : vector<128xi32> to vector<1x128xi32>
    %eq3A_105 = vector.broadcast %add3A_1 : vector<2000x1xi32> to vector<2000x128xi32>
    %eq3A_106 = vector.broadcast %broadcast_in_dim3A_104 : vector<1x128xi32> to vector<2000x128xi32>
    %eq3A_107 = arith.cmpi eq, %eq3A_105, %eq3A_106 : vector<2000x128xi32>
    %convert_element_type3A_108 = arith.extui %eq3A_107 : vector<2000x128xi1> to vector<2000x128xi32>
    %convert_element_type3A_109 = arith.sitofp %convert_element_type3A_108 : vector<2000x128xi32> to vector<2000x128xf32>
    %reduce_sum3A_110 = arith.constant dense<0.000000e+00> : vector<2000xf32>
    %reduce_sum3A_111 = vector.multi_reduction <add>, %convert_element_type3A_109, %reduce_sum3A_110 [1] : vector<2000x128xf32> to vector<2000xf32>
    %broadcast_in_dim3A_112 = vector.shape_cast %reduce_sum3A_111 : vector<2000xf32> to vector<2000x1xf32>
    %add3A_113 = arith.addf %add3A_93, %broadcast_in_dim3A_112 : vector<2000x1xf32>
    %get3A_114 = arith.constant 640 : index
    %get3A_115 = arith.constant 0 : index
    %get3A_116 = vector.load %arg2[%get3A_114, %get3A_115] : memref<2048x128xf32, #tpu.memory_space<vmem>>, vector<128x128xf32>
    %dot_general3A_117 = arith.constant dense<0.000000e+00> : vector<2000x128xf32>
    %dot_general3A_118 = tpu.matmul %convert_element_type3A_109, %get3A_116, %dot_general3A_117 {dimension_numbers = #tpu.dot_dimension_numbers<[1], [0], [0], [1], [0, 0, 1, 1], [], []>, transpose_lhs_hint = false} : vector<2000x128xf32>, vector<128x128xf32>, vector<2000x128xf32> -> vector<2000x128xf32>
    %add3A_119 = arith.addf %add3A_99, %dot_general3A_118 : vector<2000x128xf32>
    %get3A_120 = arith.constant 6 : index
    %get3A_121 = arith.constant 0 : index
    %get3A_122 = vector.load %arg1[%get3A_120, %get3A_121] : memref<16x128xi32, #tpu.memory_space<vmem>>, vector<1x128xi32>
    %get3A_123 = vector.shape_cast %get3A_122 : vector<1x128xi32> to vector<128xi32>
    %broadcast_in_dim3A_124 = vector.shape_cast %get3A_123 : vector<128xi32> to vector<1x128xi32>
    %eq3A_125 = vector.broadcast %add3A_1 : vector<2000x1xi32> to vector<2000x128xi32>
    %eq3A_126 = vector.broadcast %broadcast_in_dim3A_124 : vector<1x128xi32> to vector<2000x128xi32>
    %eq3A_127 = arith.cmpi eq, %eq3A_125, %eq3A_126 : vector<2000x128xi32>
    %convert_element_type3A_128 = arith.extui %eq3A_127 : vector<2000x128xi1> to vector<2000x128xi32>
    %convert_element_type3A_129 = arith.sitofp %convert_element_type3A_128 : vector<2000x128xi32> to vector<2000x128xf32>
    %reduce_sum3A_130 = arith.constant dense<0.000000e+00> : vector<2000xf32>
    %reduce_sum3A_131 = vector.multi_reduction <add>, %convert_element_type3A_129, %reduce_sum3A_130 [1] : vector<2000x128xf32> to vector<2000xf32>
    %broadcast_in_dim3A_132 = vector.shape_cast %reduce_sum3A_131 : vector<2000xf32> to vector<2000x1xf32>
    %add3A_133 = arith.addf %add3A_113, %broadcast_in_dim3A_132 : vector<2000x1xf32>
    %get3A_134 = arith.constant 768 : index
    %get3A_135 = arith.constant 0 : index
    %get3A_136 = vector.load %arg2[%get3A_134, %get3A_135] : memref<2048x128xf32, #tpu.memory_space<vmem>>, vector<128x128xf32>
    %dot_general3A_137 = arith.constant dense<0.000000e+00> : vector<2000x128xf32>
    %dot_general3A_138 = tpu.matmul %convert_element_type3A_129, %get3A_136, %dot_general3A_137 {dimension_numbers = #tpu.dot_dimension_numbers<[1], [0], [0], [1], [0, 0, 1, 1], [], []>, transpose_lhs_hint = false} : vector<2000x128xf32>, vector<128x128xf32>, vector<2000x128xf32> -> vector<2000x128xf32>
    %add3A_139 = arith.addf %add3A_119, %dot_general3A_138 : vector<2000x128xf32>
    %get3A_140 = arith.constant 7 : index
    %get3A_141 = arith.constant 0 : index
    %get3A_142 = vector.load %arg1[%get3A_140, %get3A_141] : memref<16x128xi32, #tpu.memory_space<vmem>>, vector<1x128xi32>
    %get3A_143 = vector.shape_cast %get3A_142 : vector<1x128xi32> to vector<128xi32>
    %broadcast_in_dim3A_144 = vector.shape_cast %get3A_143 : vector<128xi32> to vector<1x128xi32>
    %eq3A_145 = vector.broadcast %add3A_1 : vector<2000x1xi32> to vector<2000x128xi32>
    %eq3A_146 = vector.broadcast %broadcast_in_dim3A_144 : vector<1x128xi32> to vector<2000x128xi32>
    %eq3A_147 = arith.cmpi eq, %eq3A_145, %eq3A_146 : vector<2000x128xi32>
    %convert_element_type3A_148 = arith.extui %eq3A_147 : vector<2000x128xi1> to vector<2000x128xi32>
    %convert_element_type3A_149 = arith.sitofp %convert_element_type3A_148 : vector<2000x128xi32> to vector<2000x128xf32>
    %reduce_sum3A_150 = arith.constant dense<0.000000e+00> : vector<2000xf32>
    %reduce_sum3A_151 = vector.multi_reduction <add>, %convert_element_type3A_149, %reduce_sum3A_150 [1] : vector<2000x128xf32> to vector<2000xf32>
    %broadcast_in_dim3A_152 = vector.shape_cast %reduce_sum3A_151 : vector<2000xf32> to vector<2000x1xf32>
    %add3A_153 = arith.addf %add3A_133, %broadcast_in_dim3A_152 : vector<2000x1xf32>
    %get3A_154 = arith.constant 896 : index
    %get3A_155 = arith.constant 0 : index
    %get3A_156 = vector.load %arg2[%get3A_154, %get3A_155] : memref<2048x128xf32, #tpu.memory_space<vmem>>, vector<128x128xf32>
    %dot_general3A_157 = arith.constant dense<0.000000e+00> : vector<2000x128xf32>
    %dot_general3A_158 = tpu.matmul %convert_element_type3A_149, %get3A_156, %dot_general3A_157 {dimension_numbers = #tpu.dot_dimension_numbers<[1], [0], [0], [1], [0, 0, 1, 1], [], []>, transpose_lhs_hint = false} : vector<2000x128xf32>, vector<128x128xf32>, vector<2000x128xf32> -> vector<2000x128xf32>
    %add3A_159 = arith.addf %add3A_139, %dot_general3A_158 : vector<2000x128xf32>
    %get3A_160 = arith.constant 8 : index
    %get3A_161 = arith.constant 0 : index
    %get3A_162 = vector.load %arg1[%get3A_160, %get3A_161] : memref<16x128xi32, #tpu.memory_space<vmem>>, vector<1x128xi32>
    %get3A_163 = vector.shape_cast %get3A_162 : vector<1x128xi32> to vector<128xi32>
    %broadcast_in_dim3A_164 = vector.shape_cast %get3A_163 : vector<128xi32> to vector<1x128xi32>
    %eq3A_165 = vector.broadcast %add3A_1 : vector<2000x1xi32> to vector<2000x128xi32>
    %eq3A_166 = vector.broadcast %broadcast_in_dim3A_164 : vector<1x128xi32> to vector<2000x128xi32>
    %eq3A_167 = arith.cmpi eq, %eq3A_165, %eq3A_166 : vector<2000x128xi32>
    %convert_element_type3A_168 = arith.extui %eq3A_167 : vector<2000x128xi1> to vector<2000x128xi32>
    %convert_element_type3A_169 = arith.sitofp %convert_element_type3A_168 : vector<2000x128xi32> to vector<2000x128xf32>
    %reduce_sum3A_170 = arith.constant dense<0.000000e+00> : vector<2000xf32>
    %reduce_sum3A_171 = vector.multi_reduction <add>, %convert_element_type3A_169, %reduce_sum3A_170 [1] : vector<2000x128xf32> to vector<2000xf32>
    %broadcast_in_dim3A_172 = vector.shape_cast %reduce_sum3A_171 : vector<2000xf32> to vector<2000x1xf32>
    %add3A_173 = arith.addf %add3A_153, %broadcast_in_dim3A_172 : vector<2000x1xf32>
    %get3A_174 = arith.constant 1024 : index
    %get3A_175 = arith.constant 0 : index
    %get3A_176 = vector.load %arg2[%get3A_174, %get3A_175] : memref<2048x128xf32, #tpu.memory_space<vmem>>, vector<128x128xf32>
    %dot_general3A_177 = arith.constant dense<0.000000e+00> : vector<2000x128xf32>
    %dot_general3A_178 = tpu.matmul %convert_element_type3A_169, %get3A_176, %dot_general3A_177 {dimension_numbers = #tpu.dot_dimension_numbers<[1], [0], [0], [1], [0, 0, 1, 1], [], []>, transpose_lhs_hint = false} : vector<2000x128xf32>, vector<128x128xf32>, vector<2000x128xf32> -> vector<2000x128xf32>
    %add3A_179 = arith.addf %add3A_159, %dot_general3A_178 : vector<2000x128xf32>
    %get3A_180 = arith.constant 9 : index
    %get3A_181 = arith.constant 0 : index
    %get3A_182 = vector.load %arg1[%get3A_180, %get3A_181] : memref<16x128xi32, #tpu.memory_space<vmem>>, vector<1x128xi32>
    %get3A_183 = vector.shape_cast %get3A_182 : vector<1x128xi32> to vector<128xi32>
    %broadcast_in_dim3A_184 = vector.shape_cast %get3A_183 : vector<128xi32> to vector<1x128xi32>
    %eq3A_185 = vector.broadcast %add3A_1 : vector<2000x1xi32> to vector<2000x128xi32>
    %eq3A_186 = vector.broadcast %broadcast_in_dim3A_184 : vector<1x128xi32> to vector<2000x128xi32>
    %eq3A_187 = arith.cmpi eq, %eq3A_185, %eq3A_186 : vector<2000x128xi32>
    %convert_element_type3A_188 = arith.extui %eq3A_187 : vector<2000x128xi1> to vector<2000x128xi32>
    %convert_element_type3A_189 = arith.sitofp %convert_element_type3A_188 : vector<2000x128xi32> to vector<2000x128xf32>
    %reduce_sum3A_190 = arith.constant dense<0.000000e+00> : vector<2000xf32>
    %reduce_sum3A_191 = vector.multi_reduction <add>, %convert_element_type3A_189, %reduce_sum3A_190 [1] : vector<2000x128xf32> to vector<2000xf32>
    %broadcast_in_dim3A_192 = vector.shape_cast %reduce_sum3A_191 : vector<2000xf32> to vector<2000x1xf32>
    %add3A_193 = arith.addf %add3A_173, %broadcast_in_dim3A_192 : vector<2000x1xf32>
    %get3A_194 = arith.constant 1152 : index
    %get3A_195 = arith.constant 0 : index
    %get3A_196 = vector.load %arg2[%get3A_194, %get3A_195] : memref<2048x128xf32, #tpu.memory_space<vmem>>, vector<128x128xf32>
    %dot_general3A_197 = arith.constant dense<0.000000e+00> : vector<2000x128xf32>
    %dot_general3A_198 = tpu.matmul %convert_element_type3A_189, %get3A_196, %dot_general3A_197 {dimension_numbers = #tpu.dot_dimension_numbers<[1], [0], [0], [1], [0, 0, 1, 1], [], []>, transpose_lhs_hint = false} : vector<2000x128xf32>, vector<128x128xf32>, vector<2000x128xf32> -> vector<2000x128xf32>
    %add3A_199 = arith.addf %add3A_179, %dot_general3A_198 : vector<2000x128xf32>
    %get3A_200 = arith.constant 10 : index
    %get3A_201 = arith.constant 0 : index
    %get3A_202 = vector.load %arg1[%get3A_200, %get3A_201] : memref<16x128xi32, #tpu.memory_space<vmem>>, vector<1x128xi32>
    %get3A_203 = vector.shape_cast %get3A_202 : vector<1x128xi32> to vector<128xi32>
    %broadcast_in_dim3A_204 = vector.shape_cast %get3A_203 : vector<128xi32> to vector<1x128xi32>
    %eq3A_205 = vector.broadcast %add3A_1 : vector<2000x1xi32> to vector<2000x128xi32>
    %eq3A_206 = vector.broadcast %broadcast_in_dim3A_204 : vector<1x128xi32> to vector<2000x128xi32>
    %eq3A_207 = arith.cmpi eq, %eq3A_205, %eq3A_206 : vector<2000x128xi32>
    %convert_element_type3A_208 = arith.extui %eq3A_207 : vector<2000x128xi1> to vector<2000x128xi32>
    %convert_element_type3A_209 = arith.sitofp %convert_element_type3A_208 : vector<2000x128xi32> to vector<2000x128xf32>
    %reduce_sum3A_210 = arith.constant dense<0.000000e+00> : vector<2000xf32>
    %reduce_sum3A_211 = vector.multi_reduction <add>, %convert_element_type3A_209, %reduce_sum3A_210 [1] : vector<2000x128xf32> to vector<2000xf32>
    %broadcast_in_dim3A_212 = vector.shape_cast %reduce_sum3A_211 : vector<2000xf32> to vector<2000x1xf32>
    %add3A_213 = arith.addf %add3A_193, %broadcast_in_dim3A_212 : vector<2000x1xf32>
    %get3A_214 = arith.constant 1280 : index
    %get3A_215 = arith.constant 0 : index
    %get3A_216 = vector.load %arg2[%get3A_214, %get3A_215] : memref<2048x128xf32, #tpu.memory_space<vmem>>, vector<128x128xf32>
    %dot_general3A_217 = arith.constant dense<0.000000e+00> : vector<2000x128xf32>
    %dot_general3A_218 = tpu.matmul %convert_element_type3A_209, %get3A_216, %dot_general3A_217 {dimension_numbers = #tpu.dot_dimension_numbers<[1], [0], [0], [1], [0, 0, 1, 1], [], []>, transpose_lhs_hint = false} : vector<2000x128xf32>, vector<128x128xf32>, vector<2000x128xf32> -> vector<2000x128xf32>
    %add3A_219 = arith.addf %add3A_199, %dot_general3A_218 : vector<2000x128xf32>
    %get3A_220 = arith.constant 11 : index
    %get3A_221 = arith.constant 0 : index
    %get3A_222 = vector.load %arg1[%get3A_220, %get3A_221] : memref<16x128xi32, #tpu.memory_space<vmem>>, vector<1x128xi32>
    %get3A_223 = vector.shape_cast %get3A_222 : vector<1x128xi32> to vector<128xi32>
    %broadcast_in_dim3A_224 = vector.shape_cast %get3A_223 : vector<128xi32> to vector<1x128xi32>
    %eq3A_225 = vector.broadcast %add3A_1 : vector<2000x1xi32> to vector<2000x128xi32>
    %eq3A_226 = vector.broadcast %broadcast_in_dim3A_224 : vector<1x128xi32> to vector<2000x128xi32>
    %eq3A_227 = arith.cmpi eq, %eq3A_225, %eq3A_226 : vector<2000x128xi32>
    %convert_element_type3A_228 = arith.extui %eq3A_227 : vector<2000x128xi1> to vector<2000x128xi32>
    %convert_element_type3A_229 = arith.sitofp %convert_element_type3A_228 : vector<2000x128xi32> to vector<2000x128xf32>
    %reduce_sum3A_230 = arith.constant dense<0.000000e+00> : vector<2000xf32>
    %reduce_sum3A_231 = vector.multi_reduction <add>, %convert_element_type3A_229, %reduce_sum3A_230 [1] : vector<2000x128xf32> to vector<2000xf32>
    %broadcast_in_dim3A_232 = vector.shape_cast %reduce_sum3A_231 : vector<2000xf32> to vector<2000x1xf32>
    %add3A_233 = arith.addf %add3A_213, %broadcast_in_dim3A_232 : vector<2000x1xf32>
    %get3A_234 = arith.constant 1408 : index
    %get3A_235 = arith.constant 0 : index
    %get3A_236 = vector.load %arg2[%get3A_234, %get3A_235] : memref<2048x128xf32, #tpu.memory_space<vmem>>, vector<128x128xf32>
    %dot_general3A_237 = arith.constant dense<0.000000e+00> : vector<2000x128xf32>
    %dot_general3A_238 = tpu.matmul %convert_element_type3A_229, %get3A_236, %dot_general3A_237 {dimension_numbers = #tpu.dot_dimension_numbers<[1], [0], [0], [1], [0, 0, 1, 1], [], []>, transpose_lhs_hint = false} : vector<2000x128xf32>, vector<128x128xf32>, vector<2000x128xf32> -> vector<2000x128xf32>
    %add3A_239 = arith.addf %add3A_219, %dot_general3A_238 : vector<2000x128xf32>
    %get3A_240 = arith.constant 12 : index
    %get3A_241 = arith.constant 0 : index
    %get3A_242 = vector.load %arg1[%get3A_240, %get3A_241] : memref<16x128xi32, #tpu.memory_space<vmem>>, vector<1x128xi32>
    %get3A_243 = vector.shape_cast %get3A_242 : vector<1x128xi32> to vector<128xi32>
    %broadcast_in_dim3A_244 = vector.shape_cast %get3A_243 : vector<128xi32> to vector<1x128xi32>
    %eq3A_245 = vector.broadcast %add3A_1 : vector<2000x1xi32> to vector<2000x128xi32>
    %eq3A_246 = vector.broadcast %broadcast_in_dim3A_244 : vector<1x128xi32> to vector<2000x128xi32>
    %eq3A_247 = arith.cmpi eq, %eq3A_245, %eq3A_246 : vector<2000x128xi32>
    %convert_element_type3A_248 = arith.extui %eq3A_247 : vector<2000x128xi1> to vector<2000x128xi32>
    %convert_element_type3A_249 = arith.sitofp %convert_element_type3A_248 : vector<2000x128xi32> to vector<2000x128xf32>
    %reduce_sum3A_250 = arith.constant dense<0.000000e+00> : vector<2000xf32>
    %reduce_sum3A_251 = vector.multi_reduction <add>, %convert_element_type3A_249, %reduce_sum3A_250 [1] : vector<2000x128xf32> to vector<2000xf32>
    %broadcast_in_dim3A_252 = vector.shape_cast %reduce_sum3A_251 : vector<2000xf32> to vector<2000x1xf32>
    %add3A_253 = arith.addf %add3A_233, %broadcast_in_dim3A_252 : vector<2000x1xf32>
    %get3A_254 = arith.constant 1536 : index
    %get3A_255 = arith.constant 0 : index
    %get3A_256 = vector.load %arg2[%get3A_254, %get3A_255] : memref<2048x128xf32, #tpu.memory_space<vmem>>, vector<128x128xf32>
    %dot_general3A_257 = arith.constant dense<0.000000e+00> : vector<2000x128xf32>
    %dot_general3A_258 = tpu.matmul %convert_element_type3A_249, %get3A_256, %dot_general3A_257 {dimension_numbers = #tpu.dot_dimension_numbers<[1], [0], [0], [1], [0, 0, 1, 1], [], []>, transpose_lhs_hint = false} : vector<2000x128xf32>, vector<128x128xf32>, vector<2000x128xf32> -> vector<2000x128xf32>
    %add3A_259 = arith.addf %add3A_239, %dot_general3A_258 : vector<2000x128xf32>
    %get3A_260 = arith.constant 13 : index
    %get3A_261 = arith.constant 0 : index
    %get3A_262 = vector.load %arg1[%get3A_260, %get3A_261] : memref<16x128xi32, #tpu.memory_space<vmem>>, vector<1x128xi32>
    %get3A_263 = vector.shape_cast %get3A_262 : vector<1x128xi32> to vector<128xi32>
    %broadcast_in_dim3A_264 = vector.shape_cast %get3A_263 : vector<128xi32> to vector<1x128xi32>
    %eq3A_265 = vector.broadcast %add3A_1 : vector<2000x1xi32> to vector<2000x128xi32>
    %eq3A_266 = vector.broadcast %broadcast_in_dim3A_264 : vector<1x128xi32> to vector<2000x128xi32>
    %eq3A_267 = arith.cmpi eq, %eq3A_265, %eq3A_266 : vector<2000x128xi32>
    %convert_element_type3A_268 = arith.extui %eq3A_267 : vector<2000x128xi1> to vector<2000x128xi32>
    %convert_element_type3A_269 = arith.sitofp %convert_element_type3A_268 : vector<2000x128xi32> to vector<2000x128xf32>
    %reduce_sum3A_270 = arith.constant dense<0.000000e+00> : vector<2000xf32>
    %reduce_sum3A_271 = vector.multi_reduction <add>, %convert_element_type3A_269, %reduce_sum3A_270 [1] : vector<2000x128xf32> to vector<2000xf32>
    %broadcast_in_dim3A_272 = vector.shape_cast %reduce_sum3A_271 : vector<2000xf32> to vector<2000x1xf32>
    %add3A_273 = arith.addf %add3A_253, %broadcast_in_dim3A_272 : vector<2000x1xf32>
    %get3A_274 = arith.constant 1664 : index
    %get3A_275 = arith.constant 0 : index
    %get3A_276 = vector.load %arg2[%get3A_274, %get3A_275] : memref<2048x128xf32, #tpu.memory_space<vmem>>, vector<128x128xf32>
    %dot_general3A_277 = arith.constant dense<0.000000e+00> : vector<2000x128xf32>
    %dot_general3A_278 = tpu.matmul %convert_element_type3A_269, %get3A_276, %dot_general3A_277 {dimension_numbers = #tpu.dot_dimension_numbers<[1], [0], [0], [1], [0, 0, 1, 1], [], []>, transpose_lhs_hint = false} : vector<2000x128xf32>, vector<128x128xf32>, vector<2000x128xf32> -> vector<2000x128xf32>
    %add3A_279 = arith.addf %add3A_259, %dot_general3A_278 : vector<2000x128xf32>
    %get3A_280 = arith.constant 14 : index
    %get3A_281 = arith.constant 0 : index
    %get3A_282 = vector.load %arg1[%get3A_280, %get3A_281] : memref<16x128xi32, #tpu.memory_space<vmem>>, vector<1x128xi32>
    %get3A_283 = vector.shape_cast %get3A_282 : vector<1x128xi32> to vector<128xi32>
    %broadcast_in_dim3A_284 = vector.shape_cast %get3A_283 : vector<128xi32> to vector<1x128xi32>
    %eq3A_285 = vector.broadcast %add3A_1 : vector<2000x1xi32> to vector<2000x128xi32>
    %eq3A_286 = vector.broadcast %broadcast_in_dim3A_284 : vector<1x128xi32> to vector<2000x128xi32>
    %eq3A_287 = arith.cmpi eq, %eq3A_285, %eq3A_286 : vector<2000x128xi32>
    %convert_element_type3A_288 = arith.extui %eq3A_287 : vector<2000x128xi1> to vector<2000x128xi32>
    %convert_element_type3A_289 = arith.sitofp %convert_element_type3A_288 : vector<2000x128xi32> to vector<2000x128xf32>
    %reduce_sum3A_290 = arith.constant dense<0.000000e+00> : vector<2000xf32>
    %reduce_sum3A_291 = vector.multi_reduction <add>, %convert_element_type3A_289, %reduce_sum3A_290 [1] : vector<2000x128xf32> to vector<2000xf32>
    %broadcast_in_dim3A_292 = vector.shape_cast %reduce_sum3A_291 : vector<2000xf32> to vector<2000x1xf32>
    %add3A_293 = arith.addf %add3A_273, %broadcast_in_dim3A_292 : vector<2000x1xf32>
    %get3A_294 = arith.constant 1792 : index
    %get3A_295 = arith.constant 0 : index
    %get3A_296 = vector.load %arg2[%get3A_294, %get3A_295] : memref<2048x128xf32, #tpu.memory_space<vmem>>, vector<128x128xf32>
    %dot_general3A_297 = arith.constant dense<0.000000e+00> : vector<2000x128xf32>
    %dot_general3A_298 = tpu.matmul %convert_element_type3A_289, %get3A_296, %dot_general3A_297 {dimension_numbers = #tpu.dot_dimension_numbers<[1], [0], [0], [1], [0, 0, 1, 1], [], []>, transpose_lhs_hint = false} : vector<2000x128xf32>, vector<128x128xf32>, vector<2000x128xf32> -> vector<2000x128xf32>
    %add3A_299 = arith.addf %add3A_279, %dot_general3A_298 : vector<2000x128xf32>
    %get3A_300 = arith.constant 15 : index
    %get3A_301 = arith.constant 0 : index
    %get3A_302 = vector.load %arg1[%get3A_300, %get3A_301] : memref<16x128xi32, #tpu.memory_space<vmem>>, vector<1x128xi32>
    %get3A_303 = vector.shape_cast %get3A_302 : vector<1x128xi32> to vector<128xi32>
    %broadcast_in_dim3A_304 = vector.shape_cast %get3A_303 : vector<128xi32> to vector<1x128xi32>
    %eq3A_305 = vector.broadcast %add3A_1 : vector<2000x1xi32> to vector<2000x128xi32>
    %eq3A_306 = vector.broadcast %broadcast_in_dim3A_304 : vector<1x128xi32> to vector<2000x128xi32>
    %eq3A_307 = arith.cmpi eq, %eq3A_305, %eq3A_306 : vector<2000x128xi32>
    %convert_element_type3A_308 = arith.extui %eq3A_307 : vector<2000x128xi1> to vector<2000x128xi32>
    %convert_element_type3A_309 = arith.sitofp %convert_element_type3A_308 : vector<2000x128xi32> to vector<2000x128xf32>
    %reduce_sum3A_310 = arith.constant dense<0.000000e+00> : vector<2000xf32>
    %reduce_sum3A_311 = vector.multi_reduction <add>, %convert_element_type3A_309, %reduce_sum3A_310 [1] : vector<2000x128xf32> to vector<2000xf32>
    %broadcast_in_dim3A_312 = vector.shape_cast %reduce_sum3A_311 : vector<2000xf32> to vector<2000x1xf32>
    %add3A_313 = arith.addf %add3A_293, %broadcast_in_dim3A_312 : vector<2000x1xf32>
    %get3A_314 = arith.constant 1920 : index
    %get3A_315 = arith.constant 0 : index
    %get3A_316 = vector.load %arg2[%get3A_314, %get3A_315] : memref<2048x128xf32, #tpu.memory_space<vmem>>, vector<128x128xf32>
    %dot_general3A_317 = arith.constant dense<0.000000e+00> : vector<2000x128xf32>
    %dot_general3A_318 = tpu.matmul %convert_element_type3A_309, %get3A_316, %dot_general3A_317 {dimension_numbers = #tpu.dot_dimension_numbers<[1], [0], [0], [1], [0, 0, 1, 1], [], []>, transpose_lhs_hint = false} : vector<2000x128xf32>, vector<128x128xf32>, vector<2000x128xf32> -> vector<2000x128xf32>
    %add3A_319 = arith.addf %add3A_299, %dot_general3A_318 : vector<2000x128xf32>
    %broadcast_in_dim3A_320 = vector.shape_cast %add3A_313 : vector<2000x1xf32> to vector<2000x1xf32>
    %broadcast_in_dim3A_321 = vector.broadcast %broadcast_in_dim3A_320 : vector<2000x1xf32> to vector<2000x128xf32>
    %swap3A = arith.constant 0 : index
    %swap3A_322 = arith.constant 0 : index
    %swap3A_323 = vector.load %arg3[%swap3A, %swap3A_322] : memref<2000x128xf32, #tpu.memory_space<vmem>>, vector<2000x128xf32>
    tpu.vector_store %arg3[%swap3A, %swap3A_322], %broadcast_in_dim3A_321 {strides = array<i32>} : memref<2000x128xf32, #tpu.memory_space<vmem>>, vector<2000x128xf32>,
    %swap3A_324 = arith.constant 0 : index
    %swap3A_325 = arith.constant 0 : index
    %swap3A_326 = vector.load %arg4[%swap3A_324, %swap3A_325] : memref<2000x128xf32, #tpu.memory_space<vmem>>, vector<2000x128xf32>
    tpu.vector_store %arg4[%swap3A_324, %swap3A_325], %add3A_319 {strides = array<i32>} : memref<2000x128xf32, #tpu.memory_space<vmem>>, vector<2000x128xf32>,
    return
  }
  func.func @transform_0(%arg0: i32) -> (i32, i32) {
    %c0_i32 = arith.constant 0 : i32
    %c0_i32_0 = arith.constant 0 : i32
    %c0_i32_1 = arith.constant 0 : i32
    return %c0_i32, %c0_i32_0 : i32, i32
  }
  func.func @transform_1(%arg0: i32) -> (i32, i32) {
    %c0_i32 = arith.constant 0 : i32
    %c0_i32_0 = arith.constant 0 : i32
    %c0_i32_1 = arith.constant 0 : i32
    return %c0_i32, %c0_i32_0 : i32, i32
  }
  func.func @transform_2(%arg0: i32) -> (i32, i32) {
    %c0_i32 = arith.constant 0 : i32
    %c0_i32_0 = arith.constant 0 : i32
    return %arg0, %c0_i32 : i32, i32
  }
  func.func @transform_3(%arg0: i32) -> (i32, i32) {
    %c0_i32 = arith.constant 0 : i32
    %c0_i32_0 = arith.constant 0 : i32
    return %arg0, %c0_i32 : i32, i32
  }
}

module attributes {stable_mosaic.version = 14 : i64} {
  func.func @_upd_last_body(%arg0: i32, %arg1: memref<2000x128xf32, #tpu.memory_space<vmem>>, %arg2: memref<2x2000x128xf32, #tpu.memory_space<vmem>>, %arg3: memref<2000x128xf32, #tpu.memory_space<vmem>>, %arg4: memref<128x128xf32, #tpu.memory_space<vmem>>, %arg5: memref<128x128xf32, #tpu.memory_space<vmem>>, %arg6: memref<1x128xf32, #tpu.memory_space<vmem>>, %arg7: memref<1x128xf32, #tpu.memory_space<vmem>>, %arg8: memref<1x128xf32, #tpu.memory_space<vmem>>, %arg9: memref<128x128xf32, #tpu.memory_space<vmem>>, %arg10: memref<2000x128xf32, #tpu.memory_space<vmem>>, %arg11: memref<2000x128xf32, #tpu.memory_space<vmem>>, %arg12: memref<2000x128xf32, #tpu.memory_space<vmem>>) attributes {dimension_semantics = [#tpu.dimension_semantics<arbitrary>], iteration_bounds = array<i64: 5>, scalar_prefetch = 0 : i64, scratch_operands = 0 : i64, tpu.core_type = #tpu.core_type<tc>, window_params = [{transform_indices = @transform_0, window_bounds = array<i64: 2000, 128>}, {transform_indices = @transform_1, window_bounds = array<i64: 2, 2000, 128>}, {transform_indices = @transform_2, window_bounds = array<i64: 2000, 128>}, {pipeline_mode = #tpu.pipeline_mode<synchronous>, transform_indices = @transform_3, window_bounds = array<i64: 128, 128>}, {pipeline_mode = #tpu.pipeline_mode<synchronous>, transform_indices = @transform_4, window_bounds = array<i64: 128, 128>}, {pipeline_mode = #tpu.pipeline_mode<synchronous>, transform_indices = @transform_5, window_bounds = array<i64: 1, 128>}, {pipeline_mode = #tpu.pipeline_mode<synchronous>, transform_indices = @transform_6, window_bounds = array<i64: 1, 128>}, {pipeline_mode = #tpu.pipeline_mode<synchronous>, transform_indices = @transform_7, window_bounds = array<i64: 1, 128>}, {pipeline_mode = #tpu.pipeline_mode<synchronous>, transform_indices = @transform_8, window_bounds = array<i64: 128, 128>}, {transform_indices = @transform_9, window_bounds = array<i64: 2000, 128>}, {transform_indices = @transform_10, window_bounds = array<i64: 2000, 128>}, {transform_indices = @transform_11, window_bounds = array<i64: 2000, 128>}]} {
    %get3A = arith.constant 0 : index
    %get3A_0 = arith.constant 0 : index
    %get3A_1 = vector.load %arg1[%get3A, %get3A_0] : memref<2000x128xf32, #tpu.memory_space<vmem>>, vector<2000x128xf32>
    %get3A_2 = arith.constant 0 : index
    %get3A_3 = arith.constant 0 : index
    %get3A_4 = arith.constant 0 : index
    %get3A_5 = vector.load %arg2[%get3A_2, %get3A_3, %get3A_4] : memref<2x2000x128xf32, #tpu.memory_space<vmem>>, vector<1x2000x128xf32>
    %get3A_6 = vector.shape_cast %get3A_5 : vector<1x2000x128xf32> to vector<2000x128xf32>
    %get3A_7 = arith.constant 1 : index
    %get3A_8 = arith.constant 0 : index
    %get3A_9 = arith.constant 0 : index
    %get3A_10 = vector.load %arg2[%get3A_7, %get3A_8, %get3A_9] : memref<2x2000x128xf32, #tpu.memory_space<vmem>>, vector<1x2000x128xf32>
    %get3A_11 = vector.shape_cast %get3A_10 : vector<1x2000x128xf32> to vector<2000x128xf32>
    %add3A = arith.addf %get3A_6, %get3A_11 : vector<2000x128xf32>
    %get3A_12 = arith.constant 0 : index
    %get3A_13 = arith.constant 0 : index
    %get3A_14 = vector.load %arg4[%get3A_12, %get3A_13] : memref<128x128xf32, #tpu.memory_space<vmem>>, vector<128x128xf32>
    %dot_general3A = arith.constant dense<0.000000e+00> : vector<2000x128xf32>
    %dot_general3A_15 = tpu.matmul %get3A_1, %get3A_14, %dot_general3A {dimension_numbers = #tpu.dot_dimension_numbers<[1], [0], [0], [1], [0, 0, 1, 1], [], []>, transpose_lhs_hint = false} : vector<2000x128xf32>, vector<128x128xf32>, vector<2000x128xf32> -> vector<2000x128xf32>
    %get3A_16 = arith.constant 0 : index
    %get3A_17 = arith.constant 0 : index
    %get3A_18 = vector.load %arg5[%get3A_16, %get3A_17] : memref<128x128xf32, #tpu.memory_space<vmem>>, vector<128x128xf32>
    %dot_general3A_19 = arith.constant dense<0.000000e+00> : vector<2000x128xf32>
    %dot_general3A_20 = tpu.matmul %add3A, %get3A_18, %dot_general3A_19 {dimension_numbers = #tpu.dot_dimension_numbers<[1], [0], [0], [1], [0, 0, 1, 1], [], []>, transpose_lhs_hint = false} : vector<2000x128xf32>, vector<128x128xf32>, vector<2000x128xf32> -> vector<2000x128xf32>
    %add3A_21 = arith.addf %dot_general3A_15, %dot_general3A_20 : vector<2000x128xf32>
    %get3A_22 = arith.constant 0 : index
    %get3A_23 = arith.constant 0 : index
    %get3A_24 = vector.load %arg6[%get3A_22, %get3A_23] : memref<1x128xf32, #tpu.memory_space<vmem>>, vector<1x128xf32>
    %add3A_25 = vector.broadcast %get3A_24 : vector<1x128xf32> to vector<2000x128xf32>
    %add3A_26 = arith.addf %add3A_21, %add3A_25 : vector<2000x128xf32>
    %max3A = arith.constant 0.000000e+00 : f32
    %max3A_27 = vector.broadcast %max3A : f32 to vector<2000x128xf32>
    %max3A_28 = arith.maximumf %add3A_26, %max3A_27 : vector<2000x128xf32>
    %add3A_29 = arith.addf %get3A_1, %max3A_28 : vector<2000x128xf32>
    %reduce_sum3A = arith.constant dense<0.000000e+00> : vector<2000xf32>
    %reduce_sum3A_30 = vector.multi_reduction <add>, %add3A_29, %reduce_sum3A [1] : vector<2000x128xf32> to vector<2000xf32>
    %broadcast_in_dim3A = vector.shape_cast %reduce_sum3A_30 : vector<2000xf32> to vector<2000x1xf32>
    %div3A = arith.constant 1.280000e+02 : f32
    %div3A_31 = vector.broadcast %div3A : f32 to vector<2000x1xf32>
    %div3A_32 = arith.divf %broadcast_in_dim3A, %div3A_31 : vector<2000x1xf32>
    %sub3A = vector.broadcast %div3A_32 : vector<2000x1xf32> to vector<2000x128xf32>
    %sub3A_33 = arith.subf %add3A_29, %sub3A : vector<2000x128xf32>
    %integer_pow3A = arith.mulf %sub3A_33, %sub3A_33 : vector<2000x128xf32>
    %reduce_sum3A_34 = arith.constant dense<0.000000e+00> : vector<2000xf32>
    %reduce_sum3A_35 = vector.multi_reduction <add>, %integer_pow3A, %reduce_sum3A_34 [1] : vector<2000x128xf32> to vector<2000xf32>
    %broadcast_in_dim3A_36 = vector.shape_cast %reduce_sum3A_35 : vector<2000xf32> to vector<2000x1xf32>
    %div3A_37 = arith.constant 1.280000e+02 : f32
    %div3A_38 = vector.broadcast %div3A_37 : f32 to vector<2000x1xf32>
    %div3A_39 = arith.divf %broadcast_in_dim3A_36, %div3A_38 : vector<2000x1xf32>
    %sub3A_40 = vector.broadcast %div3A_32 : vector<2000x1xf32> to vector<2000x128xf32>
    %sub3A_41 = arith.subf %add3A_29, %sub3A_40 : vector<2000x128xf32>
    %add3A_42 = arith.constant 9.99999974E-6 : f32
    %add3A_43 = vector.broadcast %add3A_42 : f32 to vector<2000x1xf32>
    %add3A_44 = arith.addf %div3A_39, %add3A_43 : vector<2000x1xf32>
    %sqrt3A = math.sqrt %add3A_44 : vector<2000x1xf32>
    %div3A_45 = vector.broadcast %sqrt3A : vector<2000x1xf32> to vector<2000x128xf32>
    %div3A_46 = arith.divf %sub3A_41, %div3A_45 : vector<2000x128xf32>
    %get3A_47 = arith.constant 0 : index
    %get3A_48 = arith.constant 0 : index
    %get3A_49 = vector.load %arg7[%get3A_47, %get3A_48] : memref<1x128xf32, #tpu.memory_space<vmem>>, vector<1x128xf32>
    %mul3A = vector.broadcast %get3A_49 : vector<1x128xf32> to vector<2000x128xf32>
    %mul3A_50 = arith.mulf %div3A_46, %mul3A : vector<2000x128xf32>
    %get3A_51 = arith.constant 0 : index
    %get3A_52 = arith.constant 0 : index
    %get3A_53 = vector.load %arg8[%get3A_51, %get3A_52] : memref<1x128xf32, #tpu.memory_space<vmem>>, vector<1x128xf32>
    %add3A_54 = vector.broadcast %get3A_53 : vector<1x128xf32> to vector<2000x128xf32>
    %add3A_55 = arith.addf %mul3A_50, %add3A_54 : vector<2000x128xf32>
    %get3A_56 = arith.constant 0 : index
    %get3A_57 = arith.constant 0 : index
    %get3A_58 = vector.load %arg3[%get3A_56, %get3A_57] : memref<2000x128xf32, #tpu.memory_space<vmem>>, vector<2000x128xf32>
    %get3A_59 = arith.constant 0 : index
    %get3A_60 = arith.constant 0 : index
    %get3A_61 = vector.load %arg9[%get3A_59, %get3A_60] : memref<128x128xf32, #tpu.memory_space<vmem>>, vector<128x128xf32>
    %dot_general3A_62 = arith.constant dense<0.000000e+00> : vector<2000x128xf32>
    %dot_general3A_63 = tpu.matmul %add3A_55, %get3A_61, %dot_general3A_62 {dimension_numbers = #tpu.dot_dimension_numbers<[1], [0], [0], [1], [0, 0, 1, 1], [], []>, transpose_lhs_hint = false} : vector<2000x128xf32>, vector<128x128xf32>, vector<2000x128xf32> -> vector<2000x128xf32>
    %max3A_64 = arith.constant 0.000000e+00 : f32
    %max3A_65 = vector.broadcast %max3A_64 : f32 to vector<2000x128xf32>
    %max3A_66 = arith.maximumf %dot_general3A_63, %max3A_65 : vector<2000x128xf32>
    %add3A_67 = arith.addf %get3A_58, %max3A_66 : vector<2000x128xf32>
    %get3A_68 = arith.constant 0 : index
    %get3A_69 = arith.constant 0 : index
    %get3A_70 = vector.load %arg10[%get3A_68, %get3A_69] : memref<2000x128xf32, #tpu.memory_space<vmem>>, vector<2000x128xf32>
    %add3A_71 = arith.addf %add3A_55, %get3A_70 : vector<2000x128xf32>
    %get3A_72 = arith.constant 0 : index
    %get3A_73 = arith.constant 0 : index
    %get3A_74 = vector.load %arg11[%get3A_72, %get3A_73] : memref<2000x128xf32, #tpu.memory_space<vmem>>, vector<2000x128xf32>
    %mul3A_75 = arith.mulf %get3A_74, %add3A_67 : vector<2000x128xf32>
    %add3A_76 = arith.addf %add3A_71, %mul3A_75 : vector<2000x128xf32>
    %swap3A = arith.constant 0 : index
    %swap3A_77 = arith.constant 0 : index
    %swap3A_78 = vector.load %arg12[%swap3A, %swap3A_77] : memref<2000x128xf32, #tpu.memory_space<vmem>>, vector<2000x128xf32>
    tpu.vector_store %arg12[%swap3A, %swap3A_77], %add3A_76 {strides = array<i32>} : memref<2000x128xf32, #tpu.memory_space<vmem>>, vector<2000x128xf32>,
    return
  }
  func.func @transform_0(%arg0: i32) -> (i32, i32) {
    %c0_i32 = arith.constant 0 : i32
    %c0_i32_0 = arith.constant 0 : i32
    return %arg0, %c0_i32 : i32, i32
  }
  func.func @transform_1(%arg0: i32) -> (i32, i32, i32) {
    %c0_i32 = arith.constant 0 : i32
    %c0_i32_0 = arith.constant 0 : i32
    %c0_i32_1 = arith.constant 0 : i32
    return %c0_i32, %arg0, %c0_i32_0 : i32, i32, i32
  }
  func.func @transform_2(%arg0: i32) -> (i32, i32) {
    %c0_i32 = arith.constant 0 : i32
    %c0_i32_0 = arith.constant 0 : i32
    return %arg0, %c0_i32 : i32, i32
  }
  func.func @transform_3(%arg0: i32) -> (i32, i32) {
    %c0_i32 = arith.constant 0 : i32
    %c0_i32_0 = arith.constant 0 : i32
    %c0_i32_1 = arith.constant 0 : i32
    return %c0_i32, %c0_i32_0 : i32, i32
  }
  func.func @transform_4(%arg0: i32) -> (i32, i32) {
    %c0_i32 = arith.constant 0 : i32
    %c0_i32_0 = arith.constant 0 : i32
    %c0_i32_1 = arith.constant 0 : i32
    return %c0_i32, %c0_i32_0 : i32, i32
  }
  func.func @transform_5(%arg0: i32) -> (i32, i32) {
    %c0_i32 = arith.constant 0 : i32
    %c0_i32_0 = arith.constant 0 : i32
    %c0_i32_1 = arith.constant 0 : i32
    return %c0_i32, %c0_i32_0 : i32, i32
  }
  func.func @transform_6(%arg0: i32) -> (i32, i32) {
    %c0_i32 = arith.constant 0 : i32
    %c0_i32_0 = arith.constant 0 : i32
    %c0_i32_1 = arith.constant 0 : i32
    return %c0_i32, %c0_i32_0 : i32, i32
  }
  func.func @transform_7(%arg0: i32) -> (i32, i32) {
    %c0_i32 = arith.constant 0 : i32
    %c0_i32_0 = arith.constant 0 : i32
    %c0_i32_1 = arith.constant 0 : i32
    return %c0_i32, %c0_i32_0 : i32, i32
  }
  func.func @transform_8(%arg0: i32) -> (i32, i32) {
    %c0_i32 = arith.constant 0 : i32
    %c0_i32_0 = arith.constant 0 : i32
    %c0_i32_1 = arith.constant 0 : i32
    return %c0_i32, %c0_i32_0 : i32, i32
  }
  func.func @transform_9(%arg0: i32) -> (i32, i32) {
    %c0_i32 = arith.constant 0 : i32
    %c0_i32_0 = arith.constant 0 : i32
    return %arg0, %c0_i32 : i32, i32
  }
  func.func @transform_10(%arg0: i32) -> (i32, i32) {
    %c0_i32 = arith.constant 0 : i32
    %c0_i32_0 = arith.constant 0 : i32
    return %arg0, %c0_i32 : i32, i32
  }
  func.func @transform_11(%arg0: i32) -> (i32, i32) {
    %c0_i32 = arith.constant 0 : i32
    %c0_i32_0 = arith.constant 0 : i32
    return %arg0, %c0_i32 : i32, i32
  }
}

</mosaic_0001>

<sc_bundles>
// kernel: kernel.17.cloned.1.call-start
scs
__scs_entry_jumppad:
0x0: {  	(pc) =	sbr.rel $0x88, $3  }
0x1: {  	(tag) =	ssettag $0x0;
	lr =	simm.s32 $0x1  }
0x2: {  	[smem:$0x3F8F] =	sst lr;
	_ =	strace $0xD0000000  }
0x3: {  	_ = 	snop  }
0x4: {  	_ = 	snop  }
0x5: {  	_ = 	snop  }
0x6: {  	_ = 	snop  }
0x7: {  	_ = 	snop  }
__scs_overlays_trampoline_lowered:
0x8: {  	[smem:$0x3F9E] =	sst s0  }
0x9: {  	[smem:$0x3F9F] =	sst s1  }
0xa: {  	[smem:$0x3FA0] =	sst s2  }
0xb: {  	[smem:$0x3FA1] =	sst s3  }
0xc: {  	[smem:$0x3FA2] =	sst s4  }
0xd: {  	[smem:$0x3FA3] =	sst s5  }
0xe: {  	[smem:$0x3FA4] =	sst s6  }
0xf: {  	[smem:$0x3FA5] =	sst s7  }
0x10: {  	[smem:$0x3FA6] =	sst s8  }
0x11: {  	[smem:$0x3FA7] =	sst s9;
	s0 =	simm.s32 @!p0 $0x0  }
0x12: {  	s1 =	sld [smem:$0x3F8D];
	s0 =	simm.s32 @p0 $0x1  }
0x13: {  	[smem:$0x3FA8] =	sst s0;
	s0 =	simm.s32 @!p1 $0x0  }
0x14: {  	s2 =	sld [smem:$0x3F8C];
	s0 =	simm.s32 @p1 $0x1  }
0x15: {  	[smem:$0x3FA9] =	sst s0;
	s0 =	simm.s32 @!p2 $0x0  }
0x16: {  	s3 =	sld [smem:$0x3FDB];
	s0 =	simm.s32 @p2 $0x1  }
0x17: {  	s4 =	simm.s32 $0x1BF5;
	[smem:$0x3FAB] =	sst s0  }
0x18: {  	s0 =	sld [smem:$0x3F8E];
	_ =	swait.ge [sflag:s4], $0x0  }
0x19: {  	s7 =	sld [smem:$0x3F8F]  }
0x1a: {  	s8 =	sadd.s32 $0xFFFFE003, lr  }
0x1b: {  	s9 =	sadd.s32 $0xFFFFFEF7, lr;
	s5 =	simm.s32 $0xFFFFFFFF;
	p2 =	slt.u32 s8, $0xFFFFF086  }
0x1c: {  	p1 =	slt.u32 s9, $0xF7A;
	s5 =	simm.s32 @!p2 $0x0  }
0x1d: {  	s5 =	simm.s32 @p1 $0x1;
	p0 =	seq.s32 s7, s2  }
0x1e: {  	s7 =	smul.u32 @!p0 $0xF7A, s2;
	p2 =	seq.s32 @!p0 s5, $0x0  }
0x1f: {  	s9 =	smul.u32 $0xF7A, s1;
	s8 =	simm.s32 @!p0 $0x1BF5;
	p2 =	por !p2, p0  }
0x20: {  	[sflag:s8] =	ssyncset.s32 @!p0 $0xFFFFF086;
	s6 =	sadd.s32 @!p0 s3, s7;
	s7 =	simm.s32 @!p0 $0x108  }
0x21: {  	s3 =	sadd.s32 s3, s9;
	s6 =	sadd.s32 @!p0 $0x88, s6;
	s7 =	simm.s32 @p2 $0x1082  }
0x22: {  	[simem:s7], [sflag:s8] =	dma.local @!p0 [hbm:s6], $0xF7A  }
0x23: {  	s9 =	sor.u32 $0xD0000000, s2;
	s6 =	simm.s32 $0x108;
	_ =	swait.ge @!p0 [sflag:s8], $0x0  }
0x24: {  	s3 =	sadd.s32 $0x88, s3;
	s6 =	simm.s32 @!p1 $0x1082;
	[sflag:s4] =	ssyncset.s32 $0xFFFFF086  }
0x25: {  	[simem:s6], [sflag:s4] =	dma.local [hbm:s3], $0xF7A  }
0x26: {  	[smem:$0x3F8F] =	sst s1;
	(tag) =	ssettag s2;
	_ =	strace s9  }
0x27: {  	s1 =	sld [smem:$0x3F9F]  }
0x28: {  	s2 =	sld [smem:$0x3FA0]  }
0x29: {  	s4 =	sld [smem:$0x3FA2]  }
0x2a: {  	p0 =	seq.s32 s5, $0x0;
	s5 =	sld [smem:$0x3FA3]  }
0x2b: {  	s6 =	sld [smem:$0x3FA4]  }
0x2c: {  	s7 =	sld [smem:$0x3FA5]  }
0x2d: {  	s3 =	simm.s32 $0x108;
	s8 =	sld [smem:$0x3FA6]  }
0x2e: {  	s3 =	simm.s32 @!p0 $0x1082;
	s9 =	sld [smem:$0x3FA7]  }
0x2f: {  	lr =	sadd.s32 s0, s3;
	s0 =	sld [smem:$0x3F9E]  }
0x30: {  	s3 =	sld [smem:$0x3FA1]  }
0x31: {  	[smem:$0x3FAA] =	sst s10  }
0x32: {  	s10 =	sld [smem:$0x3FA8];
	_ =	sdelay $0x3  }
0x33: {  	p0 =	seq.s32 s10, $0x1;
	s10 =	sld [smem:$0x3FAA];
	_ =	sdelay $0x3  }
0x34: {  	[smem:$0x3FAA] =	sst s10  }
0x35: {  	s10 =	sld [smem:$0x3FA9];
	_ =	sdelay $0x3  }
0x36: {  	p1 =	seq.s32 s10, $0x1;
	s10 =	sld [smem:$0x3FAA];
	_ =	sdelay $0x3  }
0x37: {  	[smem:$0x3FAA] =	sst s10  }
0x38: {  	s10 =	sld [smem:$0x3FAB]  }
0x39: {  	_ = 	snop;
	(pc) =	sbr.ind lr, $3  }
0x3a: {  	_ = 	snop  }
0x3b: {  	_ = 	snop  }
0x3c: {  	p2 =	seq.s32 s10, $0x1;
	s10 =	sld [smem:$0x3FAA]  }
0x3d: {  	_ =	shalt  }
0x3e: {  	_ =	shalt  }
0x3f: {  	_ =	shalt  }
0x40: {  	_ =	shalt  }
0x41: {  	_ =	shalt  }
0x42: {  	_ =	shalt  }
0x43: {  	_ =	shalt  }
0x44: {  	_ =	shalt  }
0x45: {  	_ =	shalt  }
0x46: {  	_ =	shalt  }
0x47: {  	_ =	shalt  }
0x48: {  	_ =	shalt  }
0x49: {  	_ =	shalt  }
0x4a: {  	_ =	shalt  }
0x4b: {  	_ =	shalt  }
0x4c: {  	_ =	shalt  }
0x4d: {  	_ =	shalt  }
0x4e: {  	_ =	shalt  }
0x4f: {  	_ =	shalt  }
0x50: {  	_ =	shalt  }
0x51: {  	_ =	shalt  }
0x52: {  	_ =	shalt  }
0x53: {  	_ =	shalt  }
0x54: {  	_ =	shalt  }
0x55: {  	_ =	shalt  }
0x56: {  	_ =	shalt  }
0x57: {  	_ =	shalt  }
0x58: {  	_ =	shalt  }
0x59: {  	_ =	shalt  }
0x5a: {  	_ =	shalt  }
0x5b: {  	_ =	shalt  }
0x5c: {  	_ =	shalt  }
0x5d: {  	_ =	shalt  }
0x5e: {  	_ =	shalt  }
0x5f: {  	_ =	shalt  }
0x60: {  	_ =	shalt  }
0x61: {  	_ =	shalt  }
0x62: {  	_ =	shalt  }
0x63: {  	_ =	shalt  }
0x64: {  	_ =	shalt  }
0x65: {  	_ =	shalt  }
0x66: {  	_ =	shalt  }
0x67: {  	_ =	shalt  }
0x68: {  	_ =	shalt  }
0x69: {  	_ =	shalt  }
0x6a: {  	_ =	shalt  }
0x6b: {  	_ =	shalt  }
0x6c: {  	_ =	shalt  }
0x6d: {  	_ =	shalt  }
0x6e: {  	_ =	shalt  }
0x6f: {  	_ =	shalt  }
0x70: {  	_ =	shalt  }
0x71: {  	_ =	shalt  }
0x72: {  	_ =	shalt  }
0x73: {  	_ =	shalt  }
0x74: {  	_ =	shalt  }
0x75: {  	_ =	shalt  }
0x76: {  	_ =	shalt  }
0x77: {  	_ =	shalt  }
0x78: {  	_ =	shalt  }
0x79: {  	_ =	shalt  }
0x7a: {  	_ =	shalt  }
0x7b: {  	_ =	shalt  }
0x7c: {  	_ =	shalt  }
0x7d: {  	_ =	shalt  }
0x7e: {  	_ =	shalt  }
0x7f: {  	_ =	shalt  }
0x80: {  	_ =	shalt  }
0x81: {  	_ =	shalt  }
0x82: {  	_ =	shalt  }
0x83: {  	_ =	shalt  }
0x84: {  	_ =	shalt  }
0x85: {  	_ =	shalt  }
0x86: {  	_ =	shalt  }
0x87: {  	_ =	shalt  }
.Lfunc_end0:
.L_simem_size_0:
called_computation_lowered:
.L_overlay_start_0:
0x88: {  	s2 =	sld [smem:$0x3FD9]  }
0x89: {  	s3 =	sld [smem:$0x3FFE];
	_ =	sdelay $0x1  }
0x8a: {  	s1 =	srdreg.scid  }
0x8b: {  	s0 =	sand.u32 $0x1, s1  }
0x8c: {  	s16 =	sshll.u32 s0, $0xA;
	s2 =	sadd.s32 s3, s2  }
0x8d: {  	s2 =	sadd.s32 s2, s16  }
0x8e: {  	[smem:$0x3FB6] =	sst s2  }
0x8f: {  	_ = 	snop  }
0x90: {  	(tm) =	ssettm $0x1  }
0x91: {  	s17 =	sld [smem:$0x3FFB];
	_ =	sdelay $0x3  }
0x92: {  	_ =	strace s17  }
0x93: {  	s2 =	sld [smem:$0x3FFC];
	_ =	sdelay $0x3  }
0x94: {  	_ =	strace s2  }
0x95: {  	s2 =	sld [smem:$0x3FFD];
	_ =	sdelay $0x3  }
0x96: {  	_ =	strace s2  }
0x97: {  	_ =	strace $0x8FFFFFFF  }
0x98: {  	s18 =	sld [smem:$0x3FDB];
	_ =	sdelay $0x1  }
0x99: {  	s19 =	simm.s32 $_scs_section_size  }
0x9a: {  	s4 =	simm.s32 $_size__tile_overlayer_lowered;
	s5 =	simm.s32 $_tile_overlayer_lowered  }
0x9b: {  	s22 =	simm.s32 $0x1BFF;
	s21 =	sshll.u32 s5, $0x1;
	s2 =	sadd.s32 s19, s18  }
0x9c: {  	s6 =	simm.s32 $0x0;
	s20 =	sshll.u32 s4, $0x1;
	s4 =	sadd.s32 s21, s2  }
0x9d: {  	[timem:s6], [sflag:s22] =	dma.local [hbm:s4], s20  }
0x9e: {  	_ =	swait.ge [sflag:s22], s20  }
0x9f: {  	s3 =	ssub.s32 $0x0, s20;
	[sflag:s22] =	ssyncset.done $0x0  }
0xa0: {  	[sflag:s22] =	ssyncadd.s32 s3;
	_ =	sdelay $0x1  }
0xa1: {  	s23 =	simm.s32 $0x1B8B  }
0xa2: {  	_ =	swait.ge [sflag:s23], $0x1  }
0xa3: {  	[sflag:s23] =	ssyncset.done $0x0  }
0xa4: {  	s25 =	simm.s32 $0x1B8E;
	s24 =	sld [smem:$0x3FFE];
	[sflag:s23] =	ssyncadd.s32 $0xFFFFFFFF  }
0xa5: {  	s26 =	simm.s32 $execute0_lowered;
	[smem:$0x3FD2] =	sst s25  }
0xa6: {  	s4 =	sshll.u32 s26, $0x1;
	_ =	strace $0x80000046;
	[dreg:$0x1] =	wrdreg $0xFFFFFFFF  }
0xa7: {  	s28 =	simm.s32 $_size_execute0_lowered;
	s2 =	sadd.s32 s2, s4;
	[dreg:$0x0] =	wrdreg $0x0  }
0xa8: {  	s4 =	sshll.u32 s28, $0x1;
	[dreg:$0x2] =	wrdreg s2  }
0xa9: {  	[dreg:$0x3] =	wrdreg s4  }
0xaa: {  	[dreg:$0x4] =	wrdreg $0xC0  }
0xab: {  	_ =	task [dreg:s6], $0x5FFFF  }
0xac: {  	[dreg:$0x1] =	wrdreg $0xFFFFFFFF  }
0xad: {  	[dreg:$0x0] =	wrdreg $0x60  }
0xae: {  	[dreg:$0x2] =	wrdreg s24  }
0xaf: {  	[dreg:$0x3] =	wrdreg $0xA4000  }
0xb0: {  	[dreg:$0x4] =	wrdreg $0x9  }
0xb1: {  	_ =	task.clear_ibuf [dreg:s6], $0x5FFFF;
	_ =	strace $0x90000046  }
0xb2: {  	s29 =	simm.s32 $0x9;
	_ =	strace $0x80000048  }
0xb3: {  	_ =	swait.ge [sflag:s29], $0x1  }
0xb4: {  	[sflag:s29] =	ssyncadd.s32 $0xFFFFFFFF  }
0xb5: {  	_ =	strace $0x90000048  }
0xb6: {  	_ =	sfence  }
0xb7: {  	s30 =	sld [smem:$0x0];
	_ =	sdelay $0x2  }
0xb8: {  	s31 =	sshll.u32 s1, $0xD;
	s1 =	sshrl.u32 s1, $0x2  }
0xb9: {  	s3 =	sand.u32 $0x4000, s31;
	s1 =	sadd.s32 s1, s30  }
0xba: {  	s0 =	sor.u32 s3, s0;
	s1 =	sshll.u32 s1, $0x11  }
0xbb: {  	s0 =	sor.u32 s1, s0  }
0xbc: {  	s0 =	sadd.s32 $0x8F2B, s0  }
0xbd: {  	[sflag:s0] =	ssyncadd.remote.s32 $0x1  }
0xbe: {  	_ =	sfence.sel $0xFFFF  }
0xbf: {  	[dreg:$0x0] =	wrdreg $0xFFFFFFFF;
	(pc) =	sbr.abs _section_cstart, $3  }
0xc0: {  	[dreg:$0x1] =	wrdreg $0xFFFFFFFF  }
0xc1: {  	_ =	task.clear_ibuf [dreg:s6], $0x2FFFF;
	_ =	strace $0x9FFFFFFF  }
0xc2: {  	(tm) =	ssettm $0x7FFFFFFF  }
0xc3: {  	_ =	shalt  }
tec
execute0_lowered:
.L_overlay_start_1:
0x0: {  	(tag) =	ssettag $0x1  }
0x1: {  	s0 =	rddreg [dreg:$0x0]  }
0x2: {  	s2 =	rddreg [dreg:$0x1];
	s3 =	simm.s32 $0x0  }
0x3: {  	s13 =	stileid.u32;
	s1 =	srdreg.scid;
	s19 =	simm.s32 $0x5  }
0x4: {  	s29 =	simm.s32 $0x3;
	s30 =	simm.s32 $0x4;
	s31 =	simm.s32 $0x0  }
0x5: {  	[smem:$0x7FF] =	sst s3;
	s7 =	smul.u32 $0x14000, s13;
	s1 =	sand.u32 $0x1, s1  }
0x6: {  	s4 =	sadd.s32 $0x503400, s0;
	s5 =	sadd.s32 $0x21400, s0;
	s6 =	sadd.s32 $0x16800, s0  }
0x7: {  	s11 =	sshll.u32 s13, $0x1;
	s12 =	smul.u32 $0x50000, s13;
	s25 =	sshll.u32 s13, $0x6  }
0x8: {  	_ =	strace $0x80000047;
	s8 =	smul.u32 $0x140000, s1;
	s10 =	ssub.s32 $0x2, s1  }
0x9: {  	s1 =	sor.u32 s1, s11;
	s9 =	sshrl.u32 s7, $0x3;
	s22 =	sshrl.u32 s10, $0x1  }
0xa: {  	s24 =	sshrl.u32 s12, $0x2;
	s8 =	sadd.s32 s7, s8;
	s7 =	sadd.s32 $0xCA00, s0  }
0xb: {  	s9 =	sadd.s32 s9, s0;
	s23 =	ssub.s32 s10, s22;
	s18 =	sadd.s32 s24, s2  }
0xc: {  	s10 =	sor.u32 $0x1C05, s25;
	s24 =	simm.s32 $0x2;
	s8 =	sshrl.u32 s8, $0x3  }
0xd: {  	s25 =	simm.s32 $0x50;
	s0 =	sadd.s32 s8, s0;
	s8 =	smul.u32 $0x2710, s1  }
0xe: {  	s9 =	sadd.s32 $0x52A600, s9;
	s17 =	smax.u32 s23, $0x1;
	s1 =	smul.u32 $0x27100, s1  }
0xf: {  	s18 =	sshrl.u32 s18, $0x3;
	s23 =	simm.s32 $0x1;
	[dreg:$0x3] =	wrdreg s9  }
0x10: {  	s16 =	sadd.s32 $0x552600, s0;
	s26 =	sshrl.u32 s8, $0x3;
	s15 =	sadd.s32 s5, s1  }
0x11: {  	s28 =	sadd.s32 s6, s26;
	s12 =	sadd.s32 s7, s26;
	s9 =	sadd.s32 $0xA, s26  }
0x12: {  	[dreg:$0x4] =	wrdreg s28;
	s13 =	sadd.s32 s6, s9;
	s14 =	sadd.s32 s7, s9  }
.LBB2_1:
0x13: {  	s0 =	rddreg [dreg:$0x3]  }
0x14: {  	[spmem:s18], [sflag:s10] =	dma.local [hbm:s0], $0x2800  }
0x15: {  	_ =	swait.ge [sflag:s19], $0x2800  }
0x16: {  	[sflag:s19] =	ssyncset.done $0x0  }
0x17: {  	[sflag:s19] =	ssyncadd.s32 $0xFFFFD800  }
0x18: {  	[bflag:$0x0] =	sbarrier.arrive $0xFFFF  }
0x19: {  	s11 =	rddreg [dreg:$0x4]  }
0x1a: {  	[tilespmem:s3], [sflag:$0x1] =	stream.linear.gather [hbm4b:s11+s3], $0x50, $0x38;
	[tilespmem:$0x1E400] =	vst v63  }
0x1b: {  	s20 =	simm.s32 $0x200  }
0x1c: {  	[tilespmem:s20], [sflag:$0x2] =	stream.linear.gather [hbm4b:s12+s3], $0x50, $0x38;
	[tilespmem:$0x1E400] =	vst v63  }
0x1d: {  	s21 =	simm.s32 $0x80  }
0x1e: {  	[tilespmem:s21], [sflag:$0x1] =	stream.linear.gather [hbm4b:s13+s3], $0x50, $0x38;
	[tilespmem:$0x1E400] =	vst v63  }
0x1f: {  	s22 =	simm.s32 $0x280  }
0x20: {  	[tilespmem:s22], [sflag:$0x2] =	stream.linear.gather [hbm4b:s14+s3], $0x50, $0x38;
	[tilespmem:$0x1E400] =	vst v63  }
0x21: {  	_ =	swait.ge [sflag:s23], $0x50  }
0x22: {  	[sflag:s23] =	ssyncset.done $0x0  }
0x23: {  	[sflag:s23] =	ssyncadd.s32 $0xFFFFFFB0  }
0x24: {  	_ =	swait.ge [sflag:s24], $0x50  }
0x25: {  	[sflag:s24] =	ssyncset.done $0x0  }
0x26: {  	s26 =	simm.s32 $0x400;
	[sflag:s24] =	ssyncadd.s32 $0xFFFFFFB0  }
0x27: {  	[tilespmem:s26], [sflag:$0x3] =	stream.indirect.gather [hbm4b:s4+s25], $0x80, s3, s25, $0xb8;
	[tilespmem:$0x1E400] =	vst v63  }
0x28: {  	s28 =	simm.s32 $0x5400;
	p0 =	por $0x0, $0x0;
	s0 =	simm.s32 $0x0  }
0x29: {  	[tilespmem:s28], [sflag:$0x4] =	stream.linear.gather [hbm4b:s15+s3], $0x2800, $0x38;
	[tilespmem:$0x1E400] =	vst v63  }
.LBB2_2:
0x2a: {  	s1 =	sadd.s32 $0x2, s0  }
0x2b: {  	s9 =	smin.u32 s1, $0x7C  }
0x2c: {  	s9 =	smul.u32 $0x50, s9;
	_ =	sdelay $0x1  }
0x2d: {  	s9 =	sadd.s32 s8, s9  }
0x2e: {  	s1 =	sshll.u32 s1, $0x7;
	s9 =	sshrl.u32 s9, $0x3  }
0x2f: {  	s1 =	sand.u32 $0x180, s1;
	s11 =	sadd.s32 s6, s9  }
0x30: {  	[tilespmem:s1], [sflag:$0x1] =	stream.linear.gather [hbm4b:s11+s3], $0x50, $0x38;
	[tilespmem:$0x1E400] =	vst v63  }
0x31: {  	s9 =	sadd.s32 s7, s9;
	s1 =	sor.u32 $0x200, s1  }
0x32: {  	[tilespmem:s1], [sflag:$0x2] =	stream.linear.gather [hbm4b:s9+s3], $0x50, $0x38;
	[tilespmem:$0x1E400] =	vst v63  }
0x33: {  	s1 =	sadd.s32 $0x1, s0  }
0x34: {  	_ =	swait.ge [sflag:s23], $0x50;
	s22 =	smin.u32 s1, $0x7C  }
0x35: {  	s26 =	sshll.u32 s1, $0x7;
	s20 =	sand.u32 $0x1, s1;
	[sflag:s23] =	ssyncset.done $0x0  }
0x36: {  	p1 =	seq.s32 s20, $0x1;
	s9 =	smul.u32 $0x50, s22;
	[sflag:s23] =	ssyncadd.s32 $0xFFFFFFB0  }
0x37: {  	s20 =	simm.s32 $0x2800;
	s11 =	sand.u32 $0x180, s26;
	_ =	swait.ge [sflag:s24], $0x50  }
0x38: {  	s20 =	simm.s32 @!p1 $0x0;
	s9 =	sadd.s32 s8, s9;
	[sflag:s24] =	ssyncset.done $0x0  }
0x39: {  	s21 =	sor.u32 $0x400, s20;
	s9 =	sshll.u32 s9, $0x4;
	[sflag:s24] =	ssyncadd.s32 $0xFFFFFFB0  }
0x3a: {  	[tilespmem:s21], [sflag:$0x3] =	stream.indirect.gather [hbm4b:s4+s25], $0x80, s11, s25, $0xb8;
	[tilespmem:$0x1E400] =	vst v63  }
0x3b: {  	s20 =	sor.u32 $0x5400, s20;
	s9 =	sadd.s32 s5, s9  }
0x3c: {  	[tilespmem:s20], [sflag:$0x4] =	stream.linear.gather [hbm4b:s9+s3], $0x2800, $0x38;
	[tilespmem:$0x1E400] =	vst v63  }
0x3d: {  	s11 =	simm.s32 $0x1;
	_ =	swait.ge [sflag:s29], $0x2800  }
0x3e: {  	s11 =	simm.s32 @!p0 $0x0;
	[sflag:s29] =	ssyncset.done $0x0  }
0x3f: {  	s21 =	smul.u32 $0xA000, s11;
	[sflag:s29] =	ssyncadd.s32 $0xFFFFD800  }
0x40: {  	_ =	swait.ge [sflag:s30], $0x2800  }
0x41: {  	s11 =	sshrl.u32 s21, $0x2;
	[sflag:s30] =	ssyncset.done $0x0  }
0x42: {  	s21 =	sor.u32 $0x500, s11;
	[sflag:s30] =	ssyncadd.s32 $0xFFFFD800  }
0x43: {  	s11 =	sadd.s32 $0x5500, s11;
	v0 =	vld [tilespmem:s21+$0x80]  }
0x44: {  	v1 =	vld [tilespmem:s11+$0x80]  }
0x45: {  	v2 =	vld [tilespmem:s11+$0xFFFFFF00]  }
0x46: {  	v3 =	vld [tilespmem:s21+$0xFFFFFF80]  }
0x47: {  	v4 =	vld [tilespmem:s11+$0xFFFFFF80]  }
0x48: {  	v5 =	vld [tilespmem:s11+$0x0]  }
0x49: {  	v0 =	vadd.f32 v1, v0;
	v1 =	vld [tilespmem:s21+$0x0]  }
0x4a: {  	v6 =	vld [tilespmem:s21+$0xFFFFFF00]  }
0x4b: {  	v0 =	vmax.f32 v0, $0.0e+00  }
0x4c: {  	v3 =	vadd.f32 v4, v3;
	[tilespmem:s21+$0x80] =	vst v0;
	v0 =	vld [tilespmem:s21+$0x90]  }
0x4d: {  	v7 =	vld [tilespmem:s11+$0x90]  }
0x4e: {  	v8 =	vld [tilespmem:s21+$0xFFFFFF90];
	v3 =	vmax.f32 v3, $0.0e+00;
	v1 =	vadd.f32 v5, v1  }
0x4f: {  	v4 =	vld [tilespmem:s21+$0xFFFFFF10];
	v2 =	vadd.f32 v2, v6;
	[tilespmem:s21+$0xFFFFFF80] =	vst v3  }
0x50: {  	v5 =	vld [tilespmem:s11+$0xFFFFFF90];
	v1 =	vmax.f32 v1, $0.0e+00  }
0x51: {  	v2 =	vmax.f32 v2, $0.0e+00;
	v3 =	vld [tilespmem:s21+$0x10];
	[tilespmem:s21+$0x0] =	vst v1  }
0x52: {  	[tilespmem:s21+$0xFFFFFF00] =	vst v2;
	v0 =	vadd.f32 v7, v0;
	v1 =	vld [tilespmem:s11+$0x10]  }
0x53: {  	v2 =	vld [tilespmem:s11+$0xFFFFFF10]  }
0x54: {  	v0 =	vmax.f32 v0, $0.0e+00  }
0x55: {  	v5 =	vadd.f32 v5, v8;
	[tilespmem:s21+$0x90] =	vst v0;
	v0 =	vld [tilespmem:s21+$0xA0]  }
0x56: {  	v7 =	vld [tilespmem:s11+$0xA0]  }
0x57: {  	v6 =	vld [tilespmem:s21+$0xFFFFFF20];
	v5 =	vmax.f32 v5, $0.0e+00;
	v1 =	vadd.f32 v1, v3  }
0x58: {  	v2 =	vadd.f32 v2, v4;
	v8 =	vld [tilespmem:s21+$0xFFFFFFA0];
	[tilespmem:s21+$0xFFFFFF90] =	vst v5  }
0x59: {  	v4 =	vld [tilespmem:s11+$0xFFFFFFA0];
	v1 =	vmax.f32 v1, $0.0e+00  }
0x5a: {  	v2 =	vmax.f32 v2, $0.0e+00;
	v3 =	vld [tilespmem:s21+$0x20];
	[tilespmem:s21+$0x10] =	vst v1  }
0x5b: {  	[tilespmem:s21+$0xFFFFFF10] =	vst v2;
	v0 =	vadd.f32 v7, v0;
	v1 =	vld [tilespmem:s11+$0x20]  }
0x5c: {  	v2 =	vld [tilespmem:s11+$0xFFFFFF20]  }
0x5d: {  	v0 =	vmax.f32 v0, $0.0e+00  }
0x5e: {  	v4 =	vadd.f32 v4, v8;
	[tilespmem:s21+$0xA0] =	vst v0;
	v0 =	vld [tilespmem:s21+$0xB0]  }
0x5f: {  	v7 =	vld [tilespmem:s11+$0xB0]  }
0x60: {  	v9 =	vld [tilespmem:s21+$0x30];
	v4 =	vmax.f32 v4, $0.0e+00;
	v1 =	vadd.f32 v1, v3  }
0x61: {  	v2 =	vadd.f32 v2, v6;
	v8 =	vld [tilespmem:s21+$0xFFFFFFB0];
	[tilespmem:s21+$0xFFFFFFA0] =	vst v4  }
0x62: {  	v3 =	vld [tilespmem:s11+$0xFFFFFFB0];
	v1 =	vmax.f32 v1, $0.0e+00  }
0x63: {  	v5 =	vld [tilespmem:s21+$0xFFFFFF30];
	[tilespmem:s21+$0x20] =	vst v1;
	v1 =	vmax.f32 v2, $0.0e+00  }
0x64: {  	v0 =	vadd.f32 v7, v0;
	[tilespmem:s21+$0xFFFFFF20] =	vst v1;
	v1 =	vld [tilespmem:s11+$0x30]  }
0x65: {  	v6 =	vld [tilespmem:s11+$0xFFFFFF30]  }
0x66: {  	v10 =	vld [tilespmem:s21+$0xFFFFFF40];
	v0 =	vmax.f32 v0, $0.0e+00  }
0x67: {  	v3 =	vadd.f32 v3, v8;
	[tilespmem:s21+$0xB0] =	vst v0;
	v0 =	vld [tilespmem:s21+$0xC0]  }
0x68: {  	v7 =	vld [tilespmem:s11+$0xC0]  }
0x69: {  	v11 =	vld [tilespmem:s21+$0xFFFFFFD0];
	v3 =	vmax.f32 v3, $0.0e+00;
	v1 =	vadd.f32 v1, v9  }
0x6a: {  	v4 =	vld [tilespmem:s21+$0xFFFFFFC0];
	[tilespmem:s21+$0xFFFFFFB0] =	vst v3;
	v5 =	vadd.f32 v6, v5  }
0x6b: {  	v6 =	vld [tilespmem:s11+$0xFFFFFFC0];
	v1 =	vmax.f32 v1, $0.0e+00  }
0x6c: {  	v2 =	vld [tilespmem:s21+$0x40];
	[tilespmem:s21+$0x30] =	vst v1;
	v1 =	vmax.f32 v5, $0.0e+00  }
0x6d: {  	v0 =	vadd.f32 v7, v0;
	v5 =	vld [tilespmem:s11+$0x40];
	[tilespmem:s21+$0xFFFFFF30] =	vst v1  }
0x6e: {  	v1 =	vld [tilespmem:s11+$0xFFFFFF40]  }
0x6f: {  	v8 =	vld [tilespmem:s21+$0xFFFFFF50];
	v0 =	vmax.f32 v0, $0.0e+00  }
0x70: {  	[tilespmem:s21+$0xC0] =	vst v0;
	v0 =	vadd.f32 v6, v4;
	v6 =	vld [tilespmem:s21+$0xD0]  }
0x71: {  	v7 =	vld [tilespmem:s11+$0xD0]  }
0x72: {  	v3 =	vld [tilespmem:s21+$0xFFFFFF60];
	v0 =	vmax.f32 v0, $0.0e+00;
	v2 =	vadd.f32 v5, v2  }
0x73: {  	v9 =	vld [tilespmem:s21+$0x50];
	[tilespmem:s21+$0xFFFFFFC0] =	vst v0;
	v0 =	vadd.f32 v1, v10  }
0x74: {  	v1 =	vld [tilespmem:s11+$0xFFFFFFD0];
	v2 =	vmax.f32 v2, $0.0e+00  }
0x75: {  	v4 =	vld [tilespmem:s21+$0xFFFFFFE0];
	[tilespmem:s21+$0x40] =	vst v2;
	v0 =	vmax.f32 v0, $0.0e+00  }
0x76: {  	v2 =	vld [tilespmem:s11+$0x50];
	v6 =	vadd.f32 v7, v6;
	[tilespmem:s21+$0xFFFFFF40] =	vst v0  }
0x77: {  	v0 =	vld [tilespmem:s11+$0xFFFFFF50]  }
0x78: {  	s20 =	sand.u32 $0x1, s0;
	v5 =	vld [tilespmem:s21+$0x60];
	v6 =	vmax.f32 v6, $0.0e+00  }
0x79: {  	s22 =	smul.u32 $0x50, s20;
	v1 =	vadd.f32 v1, v11;
	[tilespmem:s21+$0xD0] =	vst v6;
	v6 =	vld [tilespmem:s21+$0xE0]  }
0x7a: {  	v10 =	vld [tilespmem:s11+$0xE0]  }
0x7b: {  	s26 =	sadd.s32 $0x50, s22;
	s28 =	sadd.s32 $0x4, s22;
	v1 =	vmax.f32 v1, $0.0e+00;
	v7 =	vadd.f32 v2, v9;
	v2 =	vld [tilespmem:s21+$0xFFFFFF70]  }
0x7c: {  	p1 =	slt.u32 s28, s26;
	[tilespmem:s21+$0xFFFFFFD0] =	vst v1;
	v0 =	vadd.f32 v0, v8;
	v1 =	vld [tilespmem:s21+$0xFFFFFFF0]  }
.Ltmp0:
0x7d: {  	v8 =	vmax.f32 v7, $0.0e+00;
	v7 =	vld [tilespmem:s11+$0xFFFFFFE0];
	(pc) =	sbr.rel @!p1 .LBB2_4-.Ltmp0, $4  }
0x7e: {  	[tilespmem:s21+$0x50] =	vst v8;
	v8 =	vmax.f32 v0, $0.0e+00;
	v0 =	vld [tilespmem:s21+$0x70]  }
0x7f: {  	[tilespmem:s21+$0xFFFFFF50] =	vst v8;
	v8 =	vld [tilespmem:s11+$0x60];
	v6 =	vadd.f32 v10, v6  }
0x80: {  	v9 =	vld [tilespmem:s11+$0xFFFFFF60]  }
0x81: {  	s9 =	sadd.s32 $0x200, s21;
	s22 =	smov.u32 s11;
	v10 =	vmax.f32 v6, $0.0e+00;
	v6 =	vld [tilespmem:s21+$0xF0]  }
.LBB2_3:
0x82: {  	v11 =	vld [tilespmem:s9+$0x80];
	v4 =	vadd.f32 v7, v4;
	[tilespmem:s21+$0xE0] =	vst v10  }
0x83: {  	s22 =	sadd.s32 $0x200, s22;
	v7 =	vld [tilespmem:s11+$0xF0]  }
0x84: {  	s28 =	sadd.s32 $0x4, s28;
	v10 =	vld [tilespmem:s22+$0x80];
	v4 =	vmax.f32 v4, $0.0e+00;
	v5 =	vadd.f32 v8, v5  }
0x85: {  	p1 =	slt.u32 s28, s26;
	v8 =	vld [tilespmem:s22+$0xFFFFFF00];
	v3 =	vadd.f32 v9, v3;
	[tilespmem:s21+$0xFFFFFFE0] =	vst v4  }
0x86: {  	v4 =	vld [tilespmem:s9+$0xFFFFFF80];
	v5 =	vmax.f32 v5, $0.0e+00  }
0x87: {  	v9 =	vld [tilespmem:s22+$0xFFFFFF80];
	v3 =	vmax.f32 v3, $0.0e+00;
	[tilespmem:s21+$0x60] =	vst v5  }
0x88: {  	v5 =	vld [tilespmem:s9+$0x0];
	[tilespmem:s21+$0xFFFFFF60] =	vst v3;
	v3 =	vadd.f32 v7, v6  }
0x89: {  	v6 =	vld [tilespmem:s22+$0x0];
	v7 =	vadd.f32 v10, v11  }
0x8a: {  	v10 =	vld [tilespmem:s9+$0xFFFFFF00];
	v3 =	vmax.f32 v3, $0.0e+00  }
0x8b: {  	v11 =	vld [tilespmem:s9+$0xFFFFFF10];
	v7 =	vmax.f32 v7, $0.0e+00;
	[tilespmem:s21+$0xF0] =	vst v3  }
0x8c: {  	v3 =	vadd.f32 v9, v4;
	[tilespmem:s9+$0x80] =	vst v7;
	v4 =	vld [tilespmem:s9+$0x90]  }
0x8d: {  	v7 =	vld [tilespmem:s22+$0x90]  }
0x8e: {  	v3 =	vmax.f32 v3, $0.0e+00;
	v9 =	vld [tilespmem:s9+$0xFFFFFF90];
	v5 =	vadd.f32 v6, v5  }
0x8f: {  	v6 =	vadd.f32 v8, v10;
	[tilespmem:s9+$0xFFFFFF80] =	vst v3;
	v3 =	vld [tilespmem:s9+$0x10]  }
0x90: {  	v8 =	vld [tilespmem:s22+$0xFFFFFF90];
	v5 =	vmax.f32 v5, $0.0e+00  }
0x91: {  	v6 =	vmax.f32 v6, $0.0e+00;
	v10 =	vld [tilespmem:s9+$0xFFFFFF20];
	[tilespmem:s9+$0x0] =	vst v5  }
0x92: {  	[tilespmem:s9+$0xFFFFFF00] =	vst v6;
	v5 =	vld [tilespmem:s22+$0x10];
	v4 =	vadd.f32 v7, v4  }
0x93: {  	v6 =	vld [tilespmem:s22+$0xFFFFFF10]  }
0x94: {  	v7 =	vld [tilespmem:s9+$0xFFFFFFA0];
	v4 =	vmax.f32 v4, $0.0e+00  }
0x95: {  	v8 =	vadd.f32 v8, v9;
	[tilespmem:s9+$0x90] =	vst v4;
	v4 =	vld [tilespmem:s9+$0xA0]  }
0x96: {  	v9 =	vld [tilespmem:s22+$0xA0]  }
0x97: {  	v8 =	vmax.f32 v8, $0.0e+00;
	v3 =	vadd.f32 v5, v3;
	v5 =	vld [tilespmem:s9+$0x20]  }
0x98: {  	v6 =	vadd.f32 v6, v11;
	v11 =	vld [tilespmem:s9+$0xFFFFFF30];
	[tilespmem:s9+$0xFFFFFF90] =	vst v8  }
0x99: {  	v8 =	vld [tilespmem:s22+$0xFFFFFFA0];
	v3 =	vmax.f32 v3, $0.0e+00  }
0x9a: {  	v6 =	vmax.f32 v6, $0.0e+00;
	v12 =	vld [tilespmem:s9+$0xFFFFFFB0];
	[tilespmem:s9+$0x10] =	vst v3  }
0x9b: {  	[tilespmem:s9+$0xFFFFFF10] =	vst v6;
	v3 =	vld [tilespmem:s22+$0x20];
	v4 =	vadd.f32 v9, v4  }
0x9c: {  	v6 =	vld [tilespmem:s22+$0xFFFFFF20]  }
0x9d: {  	v9 =	vld [tilespmem:s9+$0x30];
	v4 =	vmax.f32 v4, $0.0e+00  }
0x9e: {  	v7 =	vadd.f32 v8, v7;
	[tilespmem:s9+$0xA0] =	vst v4;
	v4 =	vld [tilespmem:s9+$0xB0]  }
0x9f: {  	v8 =	vld [tilespmem:s22+$0xB0]  }
0xa0: {  	v13 =	vld [tilespmem:s9+$0xFFFFFF40];
	v7 =	vmax.f32 v7, $0.0e+00;
	v3 =	vadd.f32 v3, v5  }
0xa1: {  	v5 =	vadd.f32 v6, v10;
	[tilespmem:s9+$0xFFFFFFA0] =	vst v7;
	v6 =	vld [tilespmem:s9+$0xFFFFFFC0]  }
0xa2: {  	v7 =	vld [tilespmem:s22+$0xFFFFFFB0];
	v3 =	vmax.f32 v3, $0.0e+00  }
0xa3: {  	v5 =	vmax.f32 v5, $0.0e+00;
	[tilespmem:s9+$0x20] =	vst v3;
	v10 =	vld [tilespmem:s9+$0x40]  }
0xa4: {  	[tilespmem:s9+$0xFFFFFF20] =	vst v5;
	v3 =	vld [tilespmem:s22+$0x30];
	v4 =	vadd.f32 v8, v4  }
0xa5: {  	v5 =	vld [tilespmem:s22+$0xFFFFFF30]  }
0xa6: {  	v8 =	vld [tilespmem:s9+$0xFFFFFF50];
	v4 =	vmax.f32 v4, $0.0e+00  }
0xa7: {  	v7 =	vadd.f32 v7, v12;
	[tilespmem:s9+$0xB0] =	vst v4;
	v4 =	vld [tilespmem:s9+$0xC0]  }
0xa8: {  	v12 =	vld [tilespmem:s22+$0xC0]  }
0xa9: {  	v7 =	vmax.f32 v7, $0.0e+00;
	v14 =	vld [tilespmem:s9+$0xFFFFFFD0];
	v3 =	vadd.f32 v3, v9  }
0xaa: {  	v5 =	vadd.f32 v5, v11;
	[tilespmem:s9+$0xFFFFFFB0] =	vst v7;
	v7 =	vld [tilespmem:s9+$0x50]  }
0xab: {  	v9 =	vld [tilespmem:s22+$0xFFFFFFC0];
	v11 =	vmax.f32 v3, $0.0e+00  }
0xac: {  	v5 =	vmax.f32 v5, $0.0e+00;
	v3 =	vld [tilespmem:s9+$0xFFFFFF60];
	[tilespmem:s9+$0x30] =	vst v11  }
0xad: {  	[tilespmem:s9+$0xFFFFFF30] =	vst v5;
	v5 =	vld [tilespmem:s22+$0x40];
	v11 =	vadd.f32 v12, v4  }
0xae: {  	v12 =	vld [tilespmem:s22+$0xFFFFFF40]  }
0xaf: {  	v4 =	vld [tilespmem:s9+$0xFFFFFFE0];
	v11 =	vmax.f32 v11, $0.0e+00  }
0xb0: {  	v6 =	vadd.f32 v9, v6;
	[tilespmem:s9+$0xC0] =	vst v11;
	v9 =	vld [tilespmem:s9+$0xD0]  }
0xb1: {  	v11 =	vld [tilespmem:s22+$0xD0]  }
0xb2: {  	v6 =	vmax.f32 v6, $0.0e+00;
	v10 =	vadd.f32 v5, v10;
	v5 =	vld [tilespmem:s9+$0x60]  }
0xb3: {  	v12 =	vadd.f32 v12, v13;
	[tilespmem:s9+$0xFFFFFFC0] =	vst v6;
	v6 =	vld [tilespmem:s11+$0xFFFFFF70]  }
0xb4: {  	v13 =	vld [tilespmem:s22+$0xFFFFFFD0];
	v10 =	vmax.f32 v10, $0.0e+00  }
0xb5: {  	v12 =	vmax.f32 v12, $0.0e+00;
	[tilespmem:s9+$0x40] =	vst v10;
	v10 =	vld [tilespmem:s11+$0xFFFFFFF0]  }
0xb6: {  	[tilespmem:s9+$0xFFFFFF40] =	vst v12;
	v12 =	vld [tilespmem:s22+$0x50];
	v9 =	vadd.f32 v11, v9  }
0xb7: {  	v11 =	vld [tilespmem:s22+$0xFFFFFF50]  }
0xb8: {  	v9 =	vmax.f32 v9, $0.0e+00;
	v2 =	vadd.f32 v6, v2;
	v6 =	vld [tilespmem:s11+$0x70];
	s11 =	smov.u32 s22  }
0xb9: {  	v13 =	vadd.f32 v13, v14;
	[tilespmem:s9+$0xD0] =	vst v9;
	v9 =	vld [tilespmem:s9+$0xE0]  }
0xba: {  	v14 =	vld [tilespmem:s22+$0xE0];
	v15 =	vmax.f32 v2, $0.0e+00;
	v10 =	vadd.f32 v10, v1  }
0xbb: {  	v2 =	vld [tilespmem:s9+$0xFFFFFF70];
	v1 =	vmax.f32 v13, $0.0e+00;
	v12 =	vadd.f32 v12, v7;
	[tilespmem:s21+$0xFFFFFF70] =	vst v15  }
0xbc: {  	v8 =	vadd.f32 v11, v8;
	[tilespmem:s9+$0xFFFFFFD0] =	vst v1;
	v1 =	vld [tilespmem:s9+$0xFFFFFFF0];
	v10 =	vmax.f32 v10, $0.0e+00  }
.Ltmp1:
0xbd: {  	v7 =	vld [tilespmem:s22+$0xFFFFFFE0];
	v11 =	vmax.f32 v12, $0.0e+00;
	[tilespmem:s21+$0xFFFFFFF0] =	vst v10;
	v6 =	vadd.f32 v6, v0;
	(pc) =	sbr.rel @p1 .LBB2_3-.Ltmp1, $4  }
0xbe: {  	v8 =	vmax.f32 v8, $0.0e+00;
	[tilespmem:s9+$0x50] =	vst v11;
	v0 =	vld [tilespmem:s9+$0x70]  }
0xbf: {  	[tilespmem:s9+$0xFFFFFF50] =	vst v8;
	v8 =	vld [tilespmem:s22+$0x60];
	v10 =	vadd.f32 v14, v9;
	v6 =	vmax.f32 v6, $0.0e+00  }
0xc0: {  	v9 =	vld [tilespmem:s22+$0xFFFFFF60];
	[tilespmem:s21+$0x70] =	vst v6;
	s21 =	smov.u32 s9  }
0xc1: {  	s9 =	sadd.s32 $0x200, s9;
	v10 =	vmax.f32 v10, $0.0e+00;
	v6 =	vld [tilespmem:s21+$0xF0]  }
.LBB2_4:
0xc2: {  	_ = 	snop  }
0xc3: {  	v4 =	vadd.f32 v7, v4  }
0xc4: {  	v5 =	vadd.f32 v8, v5  }
0xc5: {  	[tilespmem:s21+$0xE0] =	vst v10;
	v4 =	vmax.f32 v4, $0.0e+00;
	v3 =	vadd.f32 v9, v3  }
0xc6: {  	v58 =	vld [tilespmem:s11+$0xF0];
	[tilespmem:s21+$0xFFFFFFE0] =	vst v4;
	v59 =	vmax.f32 v5, $0.0e+00  }
0xc7: {  	v61 =	vld [tilespmem:s11+$0xFFFFFFF0];
	v3 =	vmax.f32 v3, $0.0e+00;
	[tilespmem:s21+$0x60] =	vst v59  }
0xc8: {  	[tilespmem:s21+$0xFFFFFF60] =	vst v3;
	v62 =	vld [tilespmem:s11+$0x70]  }
0xc9: {  	v60 =	vld [tilespmem:s11+$0xFFFFFF70];
	_ =	sdelay $0x1  }
0xca: {  	v6 =	vadd.f32 v58, v6  }
0xcb: {  	v1 =	vadd.f32 v61, v1  }
0xcc: {  	v63 =	vmax.f32 v6, $0.0e+00;
	v0 =	vadd.f32 v62, v0  }
0xcd: {  	s9 =	smul.u32 $0xA000, s20;
	[tilespmem:s21+$0xF0] =	vst v63;
	v1 =	vmax.f32 v1, $0.0e+00;
	v2 =	vadd.f32 v60, v2  }
0xce: {  	s0 =	sshll.u32 s0, $0x7;
	[tilespmem:s21+$0xFFFFFFF0] =	vst v1;
	v0 =	vmax.f32 v0, $0.0e+00  }
0xcf: {  	p1 =	seq.s32 s1, $0x7D;
	s0 =	sand.u32 $0x180, s0;
	s9 =	sshrl.u32 s9, $0x2;
	v2 =	vmax.f32 v2, $0.0e+00;
	[tilespmem:s21+$0x70] =	vst v0  }
.Ltmp2:
0xd0: {  	s0 =	sor.u32 $0x200, s0;
	s9 =	sor.u32 $0x400, s9;
	[tilespmem:s21+$0xFFFFFF70] =	vst v2;
	(pc) =	sbr.rel @!p1 .LBB2_2-.Ltmp2, $4  }
0xd1: {  	[spmem:s2] =	stream.indirect.scatter.add.f32 [tilespmem:s9], [sflag:$0x5], $0x80, s0, s25, $0xb8;
	[tilespmem:$0x1E400] =	vst v63  }
0xd2: {  	_ =	swait.ge [sflag:s19], $0x2800  }
0xd3: {  	[sflag:s19] =	ssyncset.done $0x0  }
0xd4: {  	p0 =	por !p0, !p0;
	s0 =	smov.u32 s1;
	[sflag:s19] =	ssyncadd.s32 $0xFFFFD800  }
0xd5: {  	_ =	swait.ge [sflag:s23], $0x50  }
0xd6: {  	[sflag:s23] =	ssyncset.done $0x0  }
0xd7: {  	[sflag:s23] =	ssyncadd.s32 $0xFFFFFFB0  }
0xd8: {  	_ =	swait.ge [sflag:s24], $0x50  }
0xd9: {  	[sflag:s24] =	ssyncset.done $0x0  }
0xda: {  	[sflag:s24] =	ssyncadd.s32 $0xFFFFFFB0  }
0xdb: {  	_ =	swait.ge [sflag:s29], $0x2800  }
0xdc: {  	[sflag:s29] =	ssyncset.done $0x0  }
0xdd: {  	[sflag:s29] =	ssyncadd.s32 $0xFFFFD800  }
0xde: {  	_ =	swait.ge [sflag:s30], $0x2800  }
0xdf: {  	s31 =	sadd.s32 $0x1, s31;
	[sflag:s30] =	ssyncset.done $0x0  }
0xe0: {  	p0 =	sne.s32 s31, s17;
	[sflag:s30] =	ssyncadd.s32 $0xFFFFD800  }
.Ltmp3:
0xe1: {  	[bflag:$0x0] =	sbarrier.arrive $0xFFFF;
	(pc) =	sbr.rel @p0 .LBB2_1-.Ltmp3, $4  }
0xe2: {  	[hbm:s16], [sflag:s10] =	dma.local [spmem:s18], $0x2800  }
0xe3: {  	_ =	swait.ge [sflag:s19], $0x2800  }
0xe4: {  	[sflag:s19] =	ssyncset.done $0x0  }
0xe5: {  	[sflag:s19] =	ssyncadd.s32 $0xFFFFD800  }
0xe6: {  	_ =	sfence.sel $0x180000  }
0xe7: {  	[bflag:$0x0] =	sbarrier.arrive $0xFFFF  }
0xe8: {  	_ =	strace $0x90000047  }
0xe9: {  	s0 =	stileid.u32;
	[bflag:$0x2] =	sbarrier.arrive $0xFFFF  }
0xea: {  	p0 =	sne.s32 s0, $0x0;
	s0 =	rddreg [dreg:$0x2]  }
0xeb: {  	s0 =	sadd.s32 @!p0 $0x100000, s0  }
0xec: {  	[sflag:s0] =	ssyncadd.tile.s32 @!p0 $0x1;
	_ =	shalt  }
.Lfunc_end2:
_tile_overlayer_lowered:
.L_overlay_start_2:
0xed: {  	(tag) =	ssettag $0x2  }
0xee: {  	s0 =	rddreg [dreg:$0x0];
	s2 =	stileid.u32  }
0xef: {  	s1 =	rddreg [dreg:$0x1];
	p0 =	sne.s32 s2, $0x0  }
0xf0: {  	s3 =	rddreg [dreg:$0x2];
	[bflag:$0x3] =	sbarrier.arrive $0xFFFF;
	s2 =	simm.s32 @!p0 $0x1C05  }
0xf1: {  	[timem:s3], [sflag:s2] =	dma.local @!p0 [hbm:s0], s1  }
0xf2: {  	s0 =	simm.s32 @!p0 $0x5  }
0xf3: {  	_ =	swait.ge @!p0 [sflag:s0], s1  }
0xf4: {  	s1 =	ssub.s32 @!p0 $0x0, s1;
	[sflag:s0] =	ssyncset.done @!p0 $0x0  }
0xf5: {  	[sflag:s0] =	ssyncadd.s32 @!p0 s1  }
0xf6: {  	[bflag:$0x3] =	sbarrier.arrive $0xFFFF  }
0xf7: {  	_ =	shalt  }

// kernel: kernel.20.cloned.1.call-start
scs
__scs_entry_jumppad:
0x0: {  	(pc) =	sbr.rel $0x88, $3  }
0x1: {  	(tag) =	ssettag $0x0;
	lr =	simm.s32 $0x1  }
0x2: {  	[smem:$0x3F8F] =	sst lr;
	_ =	strace $0xD0000000  }
0x3: {  	_ = 	snop  }
0x4: {  	_ = 	snop  }
0x5: {  	_ = 	snop  }
0x6: {  	_ = 	snop  }
0x7: {  	_ = 	snop  }
__scs_overlays_trampoline_lowered:
0x8: {  	[smem:$0x3F9E] =	sst s0  }
0x9: {  	[smem:$0x3F9F] =	sst s1  }
0xa: {  	[smem:$0x3FA0] =	sst s2  }
0xb: {  	[smem:$0x3FA1] =	sst s3  }
0xc: {  	[smem:$0x3FA2] =	sst s4  }
0xd: {  	[smem:$0x3FA3] =	sst s5  }
0xe: {  	[smem:$0x3FA4] =	sst s6  }
0xf: {  	[smem:$0x3FA5] =	sst s7  }
0x10: {  	[smem:$0x3FA6] =	sst s8  }
0x11: {  	[smem:$0x3FA7] =	sst s9;
	s0 =	simm.s32 @!p0 $0x0  }
0x12: {  	s1 =	sld [smem:$0x3F8D];
	s0 =	simm.s32 @p0 $0x1  }
0x13: {  	[smem:$0x3FA8] =	sst s0;
	s0 =	simm.s32 @!p1 $0x0  }
0x14: {  	s2 =	sld [smem:$0x3F8C];
	s0 =	simm.s32 @p1 $0x1  }
0x15: {  	[smem:$0x3FA9] =	sst s0;
	s0 =	simm.s32 @!p2 $0x0  }
0x16: {  	s3 =	sld [smem:$0x3FDB];
	s0 =	simm.s32 @p2 $0x1  }
0x17: {  	s4 =	simm.s32 $0x1BF5;
	[smem:$0x3FAB] =	sst s0  }
0x18: {  	s0 =	sld [smem:$0x3F8E];
	_ =	swait.ge [sflag:s4], $0x0  }
0x19: {  	s7 =	sld [smem:$0x3F8F]  }
0x1a: {  	s8 =	sadd.s32 $0xFFFFE003, lr  }
0x1b: {  	s9 =	sadd.s32 $0xFFFFFEF7, lr;
	s5 =	simm.s32 $0xFFFFFFFF;
	p2 =	slt.u32 s8, $0xFFFFF086  }
0x1c: {  	p1 =	slt.u32 s9, $0xF7A;
	s5 =	simm.s32 @!p2 $0x0  }
0x1d: {  	s5 =	simm.s32 @p1 $0x1;
	p0 =	seq.s32 s7, s2  }
0x1e: {  	s7 =	smul.u32 @!p0 $0xF7A, s2;
	p2 =	seq.s32 @!p0 s5, $0x0  }
0x1f: {  	s9 =	smul.u32 $0xF7A, s1;
	s8 =	simm.s32 @!p0 $0x1BF5;
	p2 =	por !p2, p0  }
0x20: {  	[sflag:s8] =	ssyncset.s32 @!p0 $0xFFFFF086;
	s6 =	sadd.s32 @!p0 s3, s7;
	s7 =	simm.s32 @!p0 $0x108  }
0x21: {  	s3 =	sadd.s32 s3, s9;
	s6 =	sadd.s32 @!p0 $0x88, s6;
	s7 =	simm.s32 @p2 $0x1082  }
0x22: {  	[simem:s7], [sflag:s8] =	dma.local @!p0 [hbm:s6], $0xF7A  }
0x23: {  	s9 =	sor.u32 $0xD0000000, s2;
	s6 =	simm.s32 $0x108;
	_ =	swait.ge @!p0 [sflag:s8], $0x0  }
0x24: {  	s3 =	sadd.s32 $0x88, s3;
	s6 =	simm.s32 @!p1 $0x1082;
	[sflag:s4] =	ssyncset.s32 $0xFFFFF086  }
0x25: {  	[simem:s6], [sflag:s4] =	dma.local [hbm:s3], $0xF7A  }
0x26: {  	[smem:$0x3F8F] =	sst s1;
	(tag) =	ssettag s2;
	_ =	strace s9  }
0x27: {  	s1 =	sld [smem:$0x3F9F]  }
0x28: {  	s2 =	sld [smem:$0x3FA0]  }
0x29: {  	s4 =	sld [smem:$0x3FA2]  }
0x2a: {  	p0 =	seq.s32 s5, $0x0;
	s5 =	sld [smem:$0x3FA3]  }
0x2b: {  	s6 =	sld [smem:$0x3FA4]  }
0x2c: {  	s7 =	sld [smem:$0x3FA5]  }
0x2d: {  	s3 =	simm.s32 $0x108;
	s8 =	sld [smem:$0x3FA6]  }
0x2e: {  	s3 =	simm.s32 @!p0 $0x1082;
	s9 =	sld [smem:$0x3FA7]  }
0x2f: {  	lr =	sadd.s32 s0, s3;
	s0 =	sld [smem:$0x3F9E]  }
0x30: {  	s3 =	sld [smem:$0x3FA1]  }
0x31: {  	[smem:$0x3FAA] =	sst s10  }
0x32: {  	s10 =	sld [smem:$0x3FA8];
	_ =	sdelay $0x3  }
0x33: {  	p0 =	seq.s32 s10, $0x1;
	s10 =	sld [smem:$0x3FAA];
	_ =	sdelay $0x3  }
0x34: {  	[smem:$0x3FAA] =	sst s10  }
0x35: {  	s10 =	sld [smem:$0x3FA9];
	_ =	sdelay $0x3  }
0x36: {  	p1 =	seq.s32 s10, $0x1;
	s10 =	sld [smem:$0x3FAA];
	_ =	sdelay $0x3  }
0x37: {  	[smem:$0x3FAA] =	sst s10  }
0x38: {  	s10 =	sld [smem:$0x3FAB]  }
0x39: {  	_ = 	snop;
	(pc) =	sbr.ind lr, $3  }
0x3a: {  	_ = 	snop  }
0x3b: {  	_ = 	snop  }
0x3c: {  	p2 =	seq.s32 s10, $0x1;
	s10 =	sld [smem:$0x3FAA]  }
0x3d: {  	_ =	shalt  }
0x3e: {  	_ =	shalt  }
0x3f: {  	_ =	shalt  }
0x40: {  	_ =	shalt  }
0x41: {  	_ =	shalt  }
0x42: {  	_ =	shalt  }
0x43: {  	_ =	shalt  }
0x44: {  	_ =	shalt  }
0x45: {  	_ =	shalt  }
0x46: {  	_ =	shalt  }
0x47: {  	_ =	shalt  }
0x48: {  	_ =	shalt  }
0x49: {  	_ =	shalt  }
0x4a: {  	_ =	shalt  }
0x4b: {  	_ =	shalt  }
0x4c: {  	_ =	shalt  }
0x4d: {  	_ =	shalt  }
0x4e: {  	_ =	shalt  }
0x4f: {  	_ =	shalt  }
0x50: {  	_ =	shalt  }
0x51: {  	_ =	shalt  }
0x52: {  	_ =	shalt  }
0x53: {  	_ =	shalt  }
0x54: {  	_ =	shalt  }
0x55: {  	_ =	shalt  }
0x56: {  	_ =	shalt  }
0x57: {  	_ =	shalt  }
0x58: {  	_ =	shalt  }
0x59: {  	_ =	shalt  }
0x5a: {  	_ =	shalt  }
0x5b: {  	_ =	shalt  }
0x5c: {  	_ =	shalt  }
0x5d: {  	_ =	shalt  }
0x5e: {  	_ =	shalt  }
0x5f: {  	_ =	shalt  }
0x60: {  	_ =	shalt  }
0x61: {  	_ =	shalt  }
0x62: {  	_ =	shalt  }
0x63: {  	_ =	shalt  }
0x64: {  	_ =	shalt  }
0x65: {  	_ =	shalt  }
0x66: {  	_ =	shalt  }
0x67: {  	_ =	shalt  }
0x68: {  	_ =	shalt  }
0x69: {  	_ =	shalt  }
0x6a: {  	_ =	shalt  }
0x6b: {  	_ =	shalt  }
0x6c: {  	_ =	shalt  }
0x6d: {  	_ =	shalt  }
0x6e: {  	_ =	shalt  }
0x6f: {  	_ =	shalt  }
0x70: {  	_ =	shalt  }
0x71: {  	_ =	shalt  }
0x72: {  	_ =	shalt  }
0x73: {  	_ =	shalt  }
0x74: {  	_ =	shalt  }
0x75: {  	_ =	shalt  }
0x76: {  	_ =	shalt  }
0x77: {  	_ =	shalt  }
0x78: {  	_ =	shalt  }
0x79: {  	_ =	shalt  }
0x7a: {  	_ =	shalt  }
0x7b: {  	_ =	shalt  }
0x7c: {  	_ =	shalt  }
0x7d: {  	_ =	shalt  }
0x7e: {  	_ =	shalt  }
0x7f: {  	_ =	shalt  }
0x80: {  	_ =	shalt  }
0x81: {  	_ =	shalt  }
0x82: {  	_ =	shalt  }
0x83: {  	_ =	shalt  }
0x84: {  	_ =	shalt  }
0x85: {  	_ =	shalt  }
0x86: {  	_ =	shalt  }
0x87: {  	_ =	shalt  }
.Lfunc_end0:
.L_simem_size_0:
called_computation.1_lowered:
.L_overlay_start_0:
0x88: {  	s2 =	sld [smem:$0x3FD9]  }
0x89: {  	s3 =	sld [smem:$0x3FFE];
	_ =	sdelay $0x1  }
0x8a: {  	s1 =	srdreg.scid  }
0x8b: {  	s0 =	sand.u32 $0x1, s1  }
0x8c: {  	s16 =	sshll.u32 s0, $0xA;
	s2 =	sadd.s32 s3, s2  }
0x8d: {  	s2 =	sadd.s32 s2, s16  }
0x8e: {  	[smem:$0x3FB6] =	sst s2  }
0x8f: {  	_ = 	snop  }
0x90: {  	(tm) =	ssettm $0x1  }
0x91: {  	s17 =	sld [smem:$0x3FFB];
	_ =	sdelay $0x3  }
0x92: {  	_ =	strace s17  }
0x93: {  	s2 =	sld [smem:$0x3FFC];
	_ =	sdelay $0x3  }
0x94: {  	_ =	strace s2  }
0x95: {  	s2 =	sld [smem:$0x3FFD];
	_ =	sdelay $0x3  }
0x96: {  	_ =	strace s2  }
0x97: {  	_ =	strace $0x8FFFFFFF  }
0x98: {  	s18 =	sld [smem:$0x3FDB];
	_ =	sdelay $0x1  }
0x99: {  	s19 =	simm.s32 $_scs_section_size  }
0x9a: {  	s4 =	simm.s32 $_size__tile_overlayer_lowered;
	s5 =	simm.s32 $_tile_overlayer_lowered  }
0x9b: {  	s22 =	simm.s32 $0x1BFF;
	s21 =	sshll.u32 s5, $0x1;
	s2 =	sadd.s32 s19, s18  }
0x9c: {  	s6 =	simm.s32 $0x0;
	s20 =	sshll.u32 s4, $0x1;
	s4 =	sadd.s32 s21, s2  }
0x9d: {  	[timem:s6], [sflag:s22] =	dma.local [hbm:s4], s20  }
0x9e: {  	_ =	swait.ge [sflag:s22], s20  }
0x9f: {  	s3 =	ssub.s32 $0x0, s20;
	[sflag:s22] =	ssyncset.done $0x0  }
0xa0: {  	[sflag:s22] =	ssyncadd.s32 s3;
	_ =	sdelay $0x1  }
0xa1: {  	s23 =	simm.s32 $0x1B8B  }
0xa2: {  	_ =	swait.ge [sflag:s23], $0x1  }
0xa3: {  	[sflag:s23] =	ssyncset.done $0x0  }
0xa4: {  	s25 =	simm.s32 $0x1B8E;
	s24 =	sld [smem:$0x3FFE];
	[sflag:s23] =	ssyncadd.s32 $0xFFFFFFFF  }
0xa5: {  	s26 =	simm.s32 $execute0_lowered;
	[smem:$0x3FD2] =	sst s25  }
0xa6: {  	s4 =	sshll.u32 s26, $0x1;
	_ =	strace $0x80000049;
	[dreg:$0x1] =	wrdreg $0xFFFFFFFF  }
0xa7: {  	s28 =	simm.s32 $_size_execute0_lowered;
	s2 =	sadd.s32 s2, s4;
	[dreg:$0x0] =	wrdreg $0x0  }
0xa8: {  	s4 =	sshll.u32 s28, $0x1;
	[dreg:$0x2] =	wrdreg s2  }
0xa9: {  	[dreg:$0x3] =	wrdreg s4  }
0xaa: {  	[dreg:$0x4] =	wrdreg $0xC0  }
0xab: {  	_ =	task [dreg:s6], $0x5FFFF  }
0xac: {  	[dreg:$0x1] =	wrdreg $0xFFFFFFFF  }
0xad: {  	[dreg:$0x0] =	wrdreg $0x60  }
0xae: {  	[dreg:$0x2] =	wrdreg s24  }
0xaf: {  	[dreg:$0x3] =	wrdreg $0xA4000  }
0xb0: {  	[dreg:$0x4] =	wrdreg $0x9  }
0xb1: {  	_ =	task.clear_ibuf [dreg:s6], $0x5FFFF;
	_ =	strace $0x90000049  }
0xb2: {  	s29 =	simm.s32 $0x9;
	_ =	strace $0x8000004B  }
0xb3: {  	_ =	swait.ge [sflag:s29], $0x1  }
0xb4: {  	[sflag:s29] =	ssyncadd.s32 $0xFFFFFFFF  }
0xb5: {  	_ =	strace $0x9000004B  }
0xb6: {  	_ =	sfence  }
0xb7: {  	s30 =	sld [smem:$0x0];
	_ =	sdelay $0x2  }
0xb8: {  	s31 =	sshll.u32 s1, $0xD;
	s1 =	sshrl.u32 s1, $0x2  }
0xb9: {  	s3 =	sand.u32 $0x4000, s31;
	s1 =	sadd.s32 s1, s30  }
0xba: {  	s0 =	sor.u32 s3, s0;
	s1 =	sshll.u32 s1, $0x11  }
0xbb: {  	s0 =	sor.u32 s1, s0  }
0xbc: {  	s0 =	sadd.s32 $0x8F2B, s0  }
0xbd: {  	[sflag:s0] =	ssyncadd.remote.s32 $0x1  }
0xbe: {  	_ =	sfence.sel $0xFFFF  }
0xbf: {  	[dreg:$0x0] =	wrdreg $0xFFFFFFFF;
	(pc) =	sbr.abs _section_cstart, $3  }
0xc0: {  	[dreg:$0x1] =	wrdreg $0xFFFFFFFF  }
0xc1: {  	_ =	task.clear_ibuf [dreg:s6], $0x2FFFF;
	_ =	strace $0x9FFFFFFF  }
0xc2: {  	(tm) =	ssettm $0x7FFFFFFF  }
0xc3: {  	_ =	shalt  }
tec
execute0_lowered:
.L_overlay_start_1:
0x0: {  	(tag) =	ssettag $0x1  }
0x1: {  	s0 =	rddreg [dreg:$0x0]  }
0x2: {  	s2 =	rddreg [dreg:$0x1];
	s3 =	simm.s32 $0x0  }
0x3: {  	s13 =	stileid.u32;
	s1 =	srdreg.scid;
	s19 =	simm.s32 $0x5  }
0x4: {  	s29 =	simm.s32 $0x3;
	s30 =	simm.s32 $0x4;
	s31 =	simm.s32 $0x0  }
0x5: {  	[smem:$0x7FF] =	sst s3;
	s7 =	smul.u32 $0x14000, s13;
	s4 =	sadd.s32 $0x552600, s0  }
0x6: {  	s1 =	sand.u32 $0x1, s1;
	s5 =	sadd.s32 $0x5A2600, s0;
	s6 =	sadd.s32 $0x16800, s0  }
0x7: {  	s11 =	sshll.u32 s13, $0x1;
	s12 =	smul.u32 $0x50000, s13;
	s25 =	sshll.u32 s13, $0x6  }
0x8: {  	_ =	strace $0x8000004A;
	s8 =	smul.u32 $0x140000, s1;
	s10 =	ssub.s32 $0x2, s1  }
0x9: {  	s1 =	sor.u32 s1, s11;
	s9 =	sshrl.u32 s7, $0x3;
	s22 =	sshrl.u32 s10, $0x1  }
0xa: {  	s24 =	sshrl.u32 s12, $0x2;
	s8 =	sadd.s32 s7, s8;
	s7 =	sadd.s32 $0xCA00, s0  }
0xb: {  	s9 =	sadd.s32 s9, s0;
	s23 =	ssub.s32 s10, s22;
	s18 =	sadd.s32 s24, s2  }
0xc: {  	s10 =	sor.u32 $0x1C05, s25;
	s24 =	simm.s32 $0x2;
	s8 =	sshrl.u32 s8, $0x3  }
0xd: {  	s25 =	simm.s32 $0x50;
	s0 =	sadd.s32 s8, s0;
	s8 =	smul.u32 $0x2710, s1  }
0xe: {  	s9 =	sadd.s32 $0x52A600, s9;
	s17 =	smax.u32 s23, $0x1;
	s1 =	smul.u32 $0x27100, s1  }
0xf: {  	s18 =	sshrl.u32 s18, $0x3;
	s23 =	simm.s32 $0x1;
	[dreg:$0x3] =	wrdreg s9  }
0x10: {  	s16 =	sadd.s32 $0x21400, s0;
	s26 =	sshrl.u32 s8, $0x3;
	s15 =	sadd.s32 s5, s1  }
0x11: {  	s28 =	sadd.s32 s6, s26;
	s12 =	sadd.s32 s7, s26;
	s9 =	sadd.s32 $0xA, s26  }
0x12: {  	[dreg:$0x4] =	wrdreg s28;
	s13 =	sadd.s32 s6, s9;
	s14 =	sadd.s32 s7, s9  }
.LBB2_1:
0x13: {  	s0 =	rddreg [dreg:$0x3]  }
0x14: {  	[spmem:s18], [sflag:s10] =	dma.local [hbm:s0], $0x2800  }
0x15: {  	_ =	swait.ge [sflag:s19], $0x2800  }
0x16: {  	[sflag:s19] =	ssyncset.done $0x0  }
0x17: {  	[sflag:s19] =	ssyncadd.s32 $0xFFFFD800  }
0x18: {  	[bflag:$0x0] =	sbarrier.arrive $0xFFFF  }
0x19: {  	s11 =	rddreg [dreg:$0x4]  }
0x1a: {  	[tilespmem:s3], [sflag:$0x1] =	stream.linear.gather [hbm4b:s11+s3], $0x50, $0x38;
	[tilespmem:$0x1E400] =	vst v63  }
0x1b: {  	s20 =	simm.s32 $0x200  }
0x1c: {  	[tilespmem:s20], [sflag:$0x2] =	stream.linear.gather [hbm4b:s12+s3], $0x50, $0x38;
	[tilespmem:$0x1E400] =	vst v63  }
0x1d: {  	s21 =	simm.s32 $0x80  }
0x1e: {  	[tilespmem:s21], [sflag:$0x1] =	stream.linear.gather [hbm4b:s13+s3], $0x50, $0x38;
	[tilespmem:$0x1E400] =	vst v63  }
0x1f: {  	s22 =	simm.s32 $0x280  }
0x20: {  	[tilespmem:s22], [sflag:$0x2] =	stream.linear.gather [hbm4b:s14+s3], $0x50, $0x38;
	[tilespmem:$0x1E400] =	vst v63  }
0x21: {  	_ =	swait.ge [sflag:s23], $0x50  }
0x22: {  	[sflag:s23] =	ssyncset.done $0x0  }
0x23: {  	[sflag:s23] =	ssyncadd.s32 $0xFFFFFFB0  }
0x24: {  	_ =	swait.ge [sflag:s24], $0x50  }
0x25: {  	[sflag:s24] =	ssyncset.done $0x0  }
0x26: {  	s26 =	simm.s32 $0x400;
	[sflag:s24] =	ssyncadd.s32 $0xFFFFFFB0  }
0x27: {  	[tilespmem:s26], [sflag:$0x3] =	stream.indirect.gather [hbm4b:s4+s25], $0x80, s3, s25, $0xb8;
	[tilespmem:$0x1E400] =	vst v63  }
0x28: {  	s28 =	simm.s32 $0x5400;
	p0 =	por $0x0, $0x0;
	s0 =	simm.s32 $0x0  }
0x29: {  	[tilespmem:s28], [sflag:$0x4] =	stream.linear.gather [hbm4b:s15+s3], $0x2800, $0x38;
	[tilespmem:$0x1E400] =	vst v63  }
.LBB2_2:
0x2a: {  	s1 =	sadd.s32 $0x2, s0  }
0x2b: {  	s9 =	smin.u32 s1, $0x7C  }
0x2c: {  	s9 =	smul.u32 $0x50, s9;
	_ =	sdelay $0x1  }
0x2d: {  	s9 =	sadd.s32 s8, s9  }
0x2e: {  	s1 =	sshll.u32 s1, $0x7;
	s9 =	sshrl.u32 s9, $0x3  }
0x2f: {  	s1 =	sand.u32 $0x180, s1;
	s11 =	sadd.s32 s6, s9  }
0x30: {  	[tilespmem:s1], [sflag:$0x1] =	stream.linear.gather [hbm4b:s11+s3], $0x50, $0x38;
	[tilespmem:$0x1E400] =	vst v63  }
0x31: {  	s9 =	sadd.s32 s7, s9;
	s1 =	sor.u32 $0x200, s1  }
0x32: {  	[tilespmem:s1], [sflag:$0x2] =	stream.linear.gather [hbm4b:s9+s3], $0x50, $0x38;
	[tilespmem:$0x1E400] =	vst v63  }
0x33: {  	s1 =	sadd.s32 $0x1, s0  }
0x34: {  	_ =	swait.ge [sflag:s23], $0x50;
	s22 =	smin.u32 s1, $0x7C  }
0x35: {  	s26 =	sshll.u32 s1, $0x7;
	s20 =	sand.u32 $0x1, s1;
	[sflag:s23] =	ssyncset.done $0x0  }
0x36: {  	p1 =	seq.s32 s20, $0x1;
	s9 =	smul.u32 $0x50, s22;
	[sflag:s23] =	ssyncadd.s32 $0xFFFFFFB0  }
0x37: {  	s20 =	simm.s32 $0x2800;
	s11 =	sand.u32 $0x180, s26;
	_ =	swait.ge [sflag:s24], $0x50  }
0x38: {  	s20 =	simm.s32 @!p1 $0x0;
	s9 =	sadd.s32 s8, s9;
	[sflag:s24] =	ssyncset.done $0x0  }
0x39: {  	s21 =	sor.u32 $0x400, s20;
	s9 =	sshll.u32 s9, $0x4;
	[sflag:s24] =	ssyncadd.s32 $0xFFFFFFB0  }
0x3a: {  	[tilespmem:s21], [sflag:$0x3] =	stream.indirect.gather [hbm4b:s4+s25], $0x80, s11, s25, $0xb8;
	[tilespmem:$0x1E400] =	vst v63  }
0x3b: {  	s20 =	sor.u32 $0x5400, s20;
	s9 =	sadd.s32 s5, s9  }
0x3c: {  	[tilespmem:s20], [sflag:$0x4] =	stream.linear.gather [hbm4b:s9+s3], $0x2800, $0x38;
	[tilespmem:$0x1E400] =	vst v63  }
0x3d: {  	s11 =	simm.s32 $0x1;
	_ =	swait.ge [sflag:s29], $0x2800  }
0x3e: {  	s11 =	simm.s32 @!p0 $0x0;
	[sflag:s29] =	ssyncset.done $0x0  }
0x3f: {  	s21 =	smul.u32 $0xA000, s11;
	[sflag:s29] =	ssyncadd.s32 $0xFFFFD800  }
0x40: {  	_ =	swait.ge [sflag:s30], $0x2800  }
0x41: {  	s11 =	sshrl.u32 s21, $0x2;
	[sflag:s30] =	ssyncset.done $0x0  }
0x42: {  	s21 =	sor.u32 $0x500, s11;
	[sflag:s30] =	ssyncadd.s32 $0xFFFFD800  }
0x43: {  	s11 =	sadd.s32 $0x5500, s11;
	v0 =	vld [tilespmem:s21+$0x80]  }
0x44: {  	v1 =	vld [tilespmem:s11+$0x80]  }
0x45: {  	v2 =	vld [tilespmem:s11+$0xFFFFFF00]  }
0x46: {  	v3 =	vld [tilespmem:s21+$0xFFFFFF80]  }
0x47: {  	v4 =	vld [tilespmem:s11+$0xFFFFFF80]  }
0x48: {  	v5 =	vld [tilespmem:s11+$0x0]  }
0x49: {  	v0 =	vadd.f32 v1, v0;
	v1 =	vld [tilespmem:s21+$0x0]  }
0x4a: {  	v6 =	vld [tilespmem:s21+$0xFFFFFF00]  }
0x4b: {  	v0 =	vmax.f32 v0, $0.0e+00  }
0x4c: {  	v3 =	vadd.f32 v4, v3;
	[tilespmem:s21+$0x80] =	vst v0;
	v0 =	vld [tilespmem:s21+$0x90]  }
0x4d: {  	v7 =	vld [tilespmem:s11+$0x90]  }
0x4e: {  	v8 =	vld [tilespmem:s21+$0xFFFFFF90];
	v3 =	vmax.f32 v3, $0.0e+00;
	v1 =	vadd.f32 v5, v1  }
0x4f: {  	v4 =	vld [tilespmem:s21+$0xFFFFFF10];
	v2 =	vadd.f32 v2, v6;
	[tilespmem:s21+$0xFFFFFF80] =	vst v3  }
0x50: {  	v5 =	vld [tilespmem:s11+$0xFFFFFF90];
	v1 =	vmax.f32 v1, $0.0e+00  }
0x51: {  	v2 =	vmax.f32 v2, $0.0e+00;
	v3 =	vld [tilespmem:s21+$0x10];
	[tilespmem:s21+$0x0] =	vst v1  }
0x52: {  	[tilespmem:s21+$0xFFFFFF00] =	vst v2;
	v0 =	vadd.f32 v7, v0;
	v1 =	vld [tilespmem:s11+$0x10]  }
0x53: {  	v2 =	vld [tilespmem:s11+$0xFFFFFF10]  }
0x54: {  	v0 =	vmax.f32 v0, $0.0e+00  }
0x55: {  	v5 =	vadd.f32 v5, v8;
	[tilespmem:s21+$0x90] =	vst v0;
	v0 =	vld [tilespmem:s21+$0xA0]  }
0x56: {  	v7 =	vld [tilespmem:s11+$0xA0]  }
0x57: {  	v6 =	vld [tilespmem:s21+$0xFFFFFF20];
	v5 =	vmax.f32 v5, $0.0e+00;
	v1 =	vadd.f32 v1, v3  }
0x58: {  	v2 =	vadd.f32 v2, v4;
	v8 =	vld [tilespmem:s21+$0xFFFFFFA0];
	[tilespmem:s21+$0xFFFFFF90] =	vst v5  }
0x59: {  	v4 =	vld [tilespmem:s11+$0xFFFFFFA0];
	v1 =	vmax.f32 v1, $0.0e+00  }
0x5a: {  	v2 =	vmax.f32 v2, $0.0e+00;
	v3 =	vld [tilespmem:s21+$0x20];
	[tilespmem:s21+$0x10] =	vst v1  }
0x5b: {  	[tilespmem:s21+$0xFFFFFF10] =	vst v2;
	v0 =	vadd.f32 v7, v0;
	v1 =	vld [tilespmem:s11+$0x20]  }
0x5c: {  	v2 =	vld [tilespmem:s11+$0xFFFFFF20]  }
0x5d: {  	v0 =	vmax.f32 v0, $0.0e+00  }
0x5e: {  	v4 =	vadd.f32 v4, v8;
	[tilespmem:s21+$0xA0] =	vst v0;
	v0 =	vld [tilespmem:s21+$0xB0]  }
0x5f: {  	v7 =	vld [tilespmem:s11+$0xB0]  }
0x60: {  	v9 =	vld [tilespmem:s21+$0x30];
	v4 =	vmax.f32 v4, $0.0e+00;
	v1 =	vadd.f32 v1, v3  }
0x61: {  	v2 =	vadd.f32 v2, v6;
	v8 =	vld [tilespmem:s21+$0xFFFFFFB0];
	[tilespmem:s21+$0xFFFFFFA0] =	vst v4  }
0x62: {  	v3 =	vld [tilespmem:s11+$0xFFFFFFB0];
	v1 =	vmax.f32 v1, $0.0e+00  }
0x63: {  	v5 =	vld [tilespmem:s21+$0xFFFFFF30];
	[tilespmem:s21+$0x20] =	vst v1;
	v1 =	vmax.f32 v2, $0.0e+00  }
0x64: {  	v0 =	vadd.f32 v7, v0;
	[tilespmem:s21+$0xFFFFFF20] =	vst v1;
	v1 =	vld [tilespmem:s11+$0x30]  }
0x65: {  	v6 =	vld [tilespmem:s11+$0xFFFFFF30]  }
0x66: {  	v10 =	vld [tilespmem:s21+$0xFFFFFF40];
	v0 =	vmax.f32 v0, $0.0e+00  }
0x67: {  	v3 =	vadd.f32 v3, v8;
	[tilespmem:s21+$0xB0] =	vst v0;
	v0 =	vld [tilespmem:s21+$0xC0]  }
0x68: {  	v7 =	vld [tilespmem:s11+$0xC0]  }
0x69: {  	v11 =	vld [tilespmem:s21+$0xFFFFFFD0];
	v3 =	vmax.f32 v3, $0.0e+00;
	v1 =	vadd.f32 v1, v9  }
0x6a: {  	v4 =	vld [tilespmem:s21+$0xFFFFFFC0];
	[tilespmem:s21+$0xFFFFFFB0] =	vst v3;
	v5 =	vadd.f32 v6, v5  }
0x6b: {  	v6 =	vld [tilespmem:s11+$0xFFFFFFC0];
	v1 =	vmax.f32 v1, $0.0e+00  }
0x6c: {  	v2 =	vld [tilespmem:s21+$0x40];
	[tilespmem:s21+$0x30] =	vst v1;
	v1 =	vmax.f32 v5, $0.0e+00  }
0x6d: {  	v0 =	vadd.f32 v7, v0;
	v5 =	vld [tilespmem:s11+$0x40];
	[tilespmem:s21+$0xFFFFFF30] =	vst v1  }
0x6e: {  	v1 =	vld [tilespmem:s11+$0xFFFFFF40]  }
0x6f: {  	v8 =	vld [tilespmem:s21+$0xFFFFFF50];
	v0 =	vmax.f32 v0, $0.0e+00  }
0x70: {  	[tilespmem:s21+$0xC0] =	vst v0;
	v0 =	vadd.f32 v6, v4;
	v6 =	vld [tilespmem:s21+$0xD0]  }
0x71: {  	v7 =	vld [tilespmem:s11+$0xD0]  }
0x72: {  	v3 =	vld [tilespmem:s21+$0xFFFFFF60];
	v0 =	vmax.f32 v0, $0.0e+00;
	v2 =	vadd.f32 v5, v2  }
0x73: {  	v9 =	vld [tilespmem:s21+$0x50];
	[tilespmem:s21+$0xFFFFFFC0] =	vst v0;
	v0 =	vadd.f32 v1, v10  }
0x74: {  	v1 =	vld [tilespmem:s11+$0xFFFFFFD0];
	v2 =	vmax.f32 v2, $0.0e+00  }
0x75: {  	v4 =	vld [tilespmem:s21+$0xFFFFFFE0];
	[tilespmem:s21+$0x40] =	vst v2;
	v0 =	vmax.f32 v0, $0.0e+00  }
0x76: {  	v2 =	vld [tilespmem:s11+$0x50];
	v6 =	vadd.f32 v7, v6;
	[tilespmem:s21+$0xFFFFFF40] =	vst v0  }
0x77: {  	v0 =	vld [tilespmem:s11+$0xFFFFFF50]  }
0x78: {  	s20 =	sand.u32 $0x1, s0;
	v5 =	vld [tilespmem:s21+$0x60];
	v6 =	vmax.f32 v6, $0.0e+00  }
0x79: {  	s22 =	smul.u32 $0x50, s20;
	v1 =	vadd.f32 v1, v11;
	[tilespmem:s21+$0xD0] =	vst v6;
	v6 =	vld [tilespmem:s21+$0xE0]  }
0x7a: {  	v10 =	vld [tilespmem:s11+$0xE0]  }
0x7b: {  	s26 =	sadd.s32 $0x50, s22;
	s28 =	sadd.s32 $0x4, s22;
	v1 =	vmax.f32 v1, $0.0e+00;
	v7 =	vadd.f32 v2, v9;
	v2 =	vld [tilespmem:s21+$0xFFFFFF70]  }
0x7c: {  	p1 =	slt.u32 s28, s26;
	[tilespmem:s21+$0xFFFFFFD0] =	vst v1;
	v0 =	vadd.f32 v0, v8;
	v1 =	vld [tilespmem:s21+$0xFFFFFFF0]  }
.Ltmp0:
0x7d: {  	v8 =	vmax.f32 v7, $0.0e+00;
	v7 =	vld [tilespmem:s11+$0xFFFFFFE0];
	(pc) =	sbr.rel @!p1 .LBB2_4-.Ltmp0, $4  }
0x7e: {  	[tilespmem:s21+$0x50] =	vst v8;
	v8 =	vmax.f32 v0, $0.0e+00;
	v0 =	vld [tilespmem:s21+$0x70]  }
0x7f: {  	[tilespmem:s21+$0xFFFFFF50] =	vst v8;
	v8 =	vld [tilespmem:s11+$0x60];
	v6 =	vadd.f32 v10, v6  }
0x80: {  	v9 =	vld [tilespmem:s11+$0xFFFFFF60]  }
0x81: {  	s9 =	sadd.s32 $0x200, s21;
	s22 =	smov.u32 s11;
	v10 =	vmax.f32 v6, $0.0e+00;
	v6 =	vld [tilespmem:s21+$0xF0]  }
.LBB2_3:
0x82: {  	v11 =	vld [tilespmem:s9+$0x80];
	v4 =	vadd.f32 v7, v4;
	[tilespmem:s21+$0xE0] =	vst v10  }
0x83: {  	s22 =	sadd.s32 $0x200, s22;
	v7 =	vld [tilespmem:s11+$0xF0]  }
0x84: {  	s28 =	sadd.s32 $0x4, s28;
	v10 =	vld [tilespmem:s22+$0x80];
	v4 =	vmax.f32 v4, $0.0e+00;
	v5 =	vadd.f32 v8, v5  }
0x85: {  	p1 =	slt.u32 s28, s26;
	v8 =	vld [tilespmem:s22+$0xFFFFFF00];
	v3 =	vadd.f32 v9, v3;
	[tilespmem:s21+$0xFFFFFFE0] =	vst v4  }
0x86: {  	v4 =	vld [tilespmem:s9+$0xFFFFFF80];
	v5 =	vmax.f32 v5, $0.0e+00  }
0x87: {  	v9 =	vld [tilespmem:s22+$0xFFFFFF80];
	v3 =	vmax.f32 v3, $0.0e+00;
	[tilespmem:s21+$0x60] =	vst v5  }
0x88: {  	v5 =	vld [tilespmem:s9+$0x0];
	[tilespmem:s21+$0xFFFFFF60] =	vst v3;
	v3 =	vadd.f32 v7, v6  }
0x89: {  	v6 =	vld [tilespmem:s22+$0x0];
	v7 =	vadd.f32 v10, v11  }
0x8a: {  	v10 =	vld [tilespmem:s9+$0xFFFFFF00];
	v3 =	vmax.f32 v3, $0.0e+00  }
0x8b: {  	v11 =	vld [tilespmem:s9+$0xFFFFFF10];
	v7 =	vmax.f32 v7, $0.0e+00;
	[tilespmem:s21+$0xF0] =	vst v3  }
0x8c: {  	v3 =	vadd.f32 v9, v4;
	[tilespmem:s9+$0x80] =	vst v7;
	v4 =	vld [tilespmem:s9+$0x90]  }
0x8d: {  	v7 =	vld [tilespmem:s22+$0x90]  }
0x8e: {  	v3 =	vmax.f32 v3, $0.0e+00;
	v9 =	vld [tilespmem:s9+$0xFFFFFF90];
	v5 =	vadd.f32 v6, v5  }
0x8f: {  	v6 =	vadd.f32 v8, v10;
	[tilespmem:s9+$0xFFFFFF80] =	vst v3;
	v3 =	vld [tilespmem:s9+$0x10]  }
0x90: {  	v8 =	vld [tilespmem:s22+$0xFFFFFF90];
	v5 =	vmax.f32 v5, $0.0e+00  }
0x91: {  	v6 =	vmax.f32 v6, $0.0e+00;
	v10 =	vld [tilespmem:s9+$0xFFFFFF20];
	[tilespmem:s9+$0x0] =	vst v5  }
0x92: {  	[tilespmem:s9+$0xFFFFFF00] =	vst v6;
	v5 =	vld [tilespmem:s22+$0x10];
	v4 =	vadd.f32 v7, v4  }
0x93: {  	v6 =	vld [tilespmem:s22+$0xFFFFFF10]  }
0x94: {  	v7 =	vld [tilespmem:s9+$0xFFFFFFA0];
	v4 =	vmax.f32 v4, $0.0e+00  }
0x95: {  	v8 =	vadd.f32 v8, v9;
	[tilespmem:s9+$0x90] =	vst v4;
	v4 =	vld [tilespmem:s9+$0xA0]  }
0x96: {  	v9 =	vld [tilespmem:s22+$0xA0]  }
0x97: {  	v8 =	vmax.f32 v8, $0.0e+00;
	v3 =	vadd.f32 v5, v3;
	v5 =	vld [tilespmem:s9+$0x20]  }
0x98: {  	v6 =	vadd.f32 v6, v11;
	v11 =	vld [tilespmem:s9+$0xFFFFFF30];
	[tilespmem:s9+$0xFFFFFF90] =	vst v8  }
0x99: {  	v8 =	vld [tilespmem:s22+$0xFFFFFFA0];
	v3 =	vmax.f32 v3, $0.0e+00  }
0x9a: {  	v6 =	vmax.f32 v6, $0.0e+00;
	v12 =	vld [tilespmem:s9+$0xFFFFFFB0];
	[tilespmem:s9+$0x10] =	vst v3  }
0x9b: {  	[tilespmem:s9+$0xFFFFFF10] =	vst v6;
	v3 =	vld [tilespmem:s22+$0x20];
	v4 =	vadd.f32 v9, v4  }
0x9c: {  	v6 =	vld [tilespmem:s22+$0xFFFFFF20]  }
0x9d: {  	v9 =	vld [tilespmem:s9+$0x30];
	v4 =	vmax.f32 v4, $0.0e+00  }
0x9e: {  	v7 =	vadd.f32 v8, v7;
	[tilespmem:s9+$0xA0] =	vst v4;
	v4 =	vld [tilespmem:s9+$0xB0]  }
0x9f: {  	v8 =	vld [tilespmem:s22+$0xB0]  }
0xa0: {  	v13 =	vld [tilespmem:s9+$0xFFFFFF40];
	v7 =	vmax.f32 v7, $0.0e+00;
	v3 =	vadd.f32 v3, v5  }
0xa1: {  	v5 =	vadd.f32 v6, v10;
	[tilespmem:s9+$0xFFFFFFA0] =	vst v7;
	v6 =	vld [tilespmem:s9+$0xFFFFFFC0]  }
0xa2: {  	v7 =	vld [tilespmem:s22+$0xFFFFFFB0];
	v3 =	vmax.f32 v3, $0.0e+00  }
0xa3: {  	v5 =	vmax.f32 v5, $0.0e+00;
	[tilespmem:s9+$0x20] =	vst v3;
	v10 =	vld [tilespmem:s9+$0x40]  }
0xa4: {  	[tilespmem:s9+$0xFFFFFF20] =	vst v5;
	v3 =	vld [tilespmem:s22+$0x30];
	v4 =	vadd.f32 v8, v4  }
0xa5: {  	v5 =	vld [tilespmem:s22+$0xFFFFFF30]  }
0xa6: {  	v8 =	vld [tilespmem:s9+$0xFFFFFF50];
	v4 =	vmax.f32 v4, $0.0e+00  }
0xa7: {  	v7 =	vadd.f32 v7, v12;
	[tilespmem:s9+$0xB0] =	vst v4;
	v4 =	vld [tilespmem:s9+$0xC0]  }
0xa8: {  	v12 =	vld [tilespmem:s22+$0xC0]  }
0xa9: {  	v7 =	vmax.f32 v7, $0.0e+00;
	v14 =	vld [tilespmem:s9+$0xFFFFFFD0];
	v3 =	vadd.f32 v3, v9  }
0xaa: {  	v5 =	vadd.f32 v5, v11;
	[tilespmem:s9+$0xFFFFFFB0] =	vst v7;
	v7 =	vld [tilespmem:s9+$0x50]  }
0xab: {  	v9 =	vld [tilespmem:s22+$0xFFFFFFC0];
	v11 =	vmax.f32 v3, $0.0e+00  }
0xac: {  	v5 =	vmax.f32 v5, $0.0e+00;
	v3 =	vld [tilespmem:s9+$0xFFFFFF60];
	[tilespmem:s9+$0x30] =	vst v11  }
0xad: {  	[tilespmem:s9+$0xFFFFFF30] =	vst v5;
	v5 =	vld [tilespmem:s22+$0x40];
	v11 =	vadd.f32 v12, v4  }
0xae: {  	v12 =	vld [tilespmem:s22+$0xFFFFFF40]  }
0xaf: {  	v4 =	vld [tilespmem:s9+$0xFFFFFFE0];
	v11 =	vmax.f32 v11, $0.0e+00  }
0xb0: {  	v6 =	vadd.f32 v9, v6;
	[tilespmem:s9+$0xC0] =	vst v11;
	v9 =	vld [tilespmem:s9+$0xD0]  }
0xb1: {  	v11 =	vld [tilespmem:s22+$0xD0]  }
0xb2: {  	v6 =	vmax.f32 v6, $0.0e+00;
	v10 =	vadd.f32 v5, v10;
	v5 =	vld [tilespmem:s9+$0x60]  }
0xb3: {  	v12 =	vadd.f32 v12, v13;
	[tilespmem:s9+$0xFFFFFFC0] =	vst v6;
	v6 =	vld [tilespmem:s11+$0xFFFFFF70]  }
0xb4: {  	v13 =	vld [tilespmem:s22+$0xFFFFFFD0];
	v10 =	vmax.f32 v10, $0.0e+00  }
0xb5: {  	v12 =	vmax.f32 v12, $0.0e+00;
	[tilespmem:s9+$0x40] =	vst v10;
	v10 =	vld [tilespmem:s11+$0xFFFFFFF0]  }
0xb6: {  	[tilespmem:s9+$0xFFFFFF40] =	vst v12;
	v12 =	vld [tilespmem:s22+$0x50];
	v9 =	vadd.f32 v11, v9  }
0xb7: {  	v11 =	vld [tilespmem:s22+$0xFFFFFF50]  }
0xb8: {  	v9 =	vmax.f32 v9, $0.0e+00;
	v2 =	vadd.f32 v6, v2;
	v6 =	vld [tilespmem:s11+$0x70];
	s11 =	smov.u32 s22  }
0xb9: {  	v13 =	vadd.f32 v13, v14;
	[tilespmem:s9+$0xD0] =	vst v9;
	v9 =	vld [tilespmem:s9+$0xE0]  }
0xba: {  	v14 =	vld [tilespmem:s22+$0xE0];
	v15 =	vmax.f32 v2, $0.0e+00;
	v10 =	vadd.f32 v10, v1  }
0xbb: {  	v2 =	vld [tilespmem:s9+$0xFFFFFF70];
	v1 =	vmax.f32 v13, $0.0e+00;
	v12 =	vadd.f32 v12, v7;
	[tilespmem:s21+$0xFFFFFF70] =	vst v15  }
0xbc: {  	v8 =	vadd.f32 v11, v8;
	[tilespmem:s9+$0xFFFFFFD0] =	vst v1;
	v1 =	vld [tilespmem:s9+$0xFFFFFFF0];
	v10 =	vmax.f32 v10, $0.0e+00  }
.Ltmp1:
0xbd: {  	v7 =	vld [tilespmem:s22+$0xFFFFFFE0];
	v11 =	vmax.f32 v12, $0.0e+00;
	[tilespmem:s21+$0xFFFFFFF0] =	vst v10;
	v6 =	vadd.f32 v6, v0;
	(pc) =	sbr.rel @p1 .LBB2_3-.Ltmp1, $4  }
0xbe: {  	v8 =	vmax.f32 v8, $0.0e+00;
	[tilespmem:s9+$0x50] =	vst v11;
	v0 =	vld [tilespmem:s9+$0x70]  }
0xbf: {  	[tilespmem:s9+$0xFFFFFF50] =	vst v8;
	v8 =	vld [tilespmem:s22+$0x60];
	v10 =	vadd.f32 v14, v9;
	v6 =	vmax.f32 v6, $0.0e+00  }
0xc0: {  	v9 =	vld [tilespmem:s22+$0xFFFFFF60];
	[tilespmem:s21+$0x70] =	vst v6;
	s21 =	smov.u32 s9  }
0xc1: {  	s9 =	sadd.s32 $0x200, s9;
	v10 =	vmax.f32 v10, $0.0e+00;
	v6 =	vld [tilespmem:s21+$0xF0]  }
.LBB2_4:
0xc2: {  	_ = 	snop  }
0xc3: {  	v4 =	vadd.f32 v7, v4  }
0xc4: {  	v5 =	vadd.f32 v8, v5  }
0xc5: {  	[tilespmem:s21+$0xE0] =	vst v10;
	v4 =	vmax.f32 v4, $0.0e+00;
	v3 =	vadd.f32 v9, v3  }
0xc6: {  	v58 =	vld [tilespmem:s11+$0xF0];
	[tilespmem:s21+$0xFFFFFFE0] =	vst v4;
	v59 =	vmax.f32 v5, $0.0e+00  }
0xc7: {  	v61 =	vld [tilespmem:s11+$0xFFFFFFF0];
	v3 =	vmax.f32 v3, $0.0e+00;
	[tilespmem:s21+$0x60] =	vst v59  }
0xc8: {  	[tilespmem:s21+$0xFFFFFF60] =	vst v3;
	v62 =	vld [tilespmem:s11+$0x70]  }
0xc9: {  	v60 =	vld [tilespmem:s11+$0xFFFFFF70];
	_ =	sdelay $0x1  }
0xca: {  	v6 =	vadd.f32 v58, v6  }
0xcb: {  	v1 =	vadd.f32 v61, v1  }
0xcc: {  	v63 =	vmax.f32 v6, $0.0e+00;
	v0 =	vadd.f32 v62, v0  }
0xcd: {  	s9 =	smul.u32 $0xA000, s20;
	[tilespmem:s21+$0xF0] =	vst v63;
	v1 =	vmax.f32 v1, $0.0e+00;
	v2 =	vadd.f32 v60, v2  }
0xce: {  	s0 =	sshll.u32 s0, $0x7;
	[tilespmem:s21+$0xFFFFFFF0] =	vst v1;
	v0 =	vmax.f32 v0, $0.0e+00  }
0xcf: {  	p1 =	seq.s32 s1, $0x7D;
	s0 =	sand.u32 $0x180, s0;
	s9 =	sshrl.u32 s9, $0x2;
	v2 =	vmax.f32 v2, $0.0e+00;
	[tilespmem:s21+$0x70] =	vst v0  }
.Ltmp2:
0xd0: {  	s0 =	sor.u32 $0x200, s0;
	s9 =	sor.u32 $0x400, s9;
	[tilespmem:s21+$0xFFFFFF70] =	vst v2;
	(pc) =	sbr.rel @!p1 .LBB2_2-.Ltmp2, $4  }
0xd1: {  	[spmem:s2] =	stream.indirect.scatter.add.f32 [tilespmem:s9], [sflag:$0x5], $0x80, s0, s25, $0xb8;
	[tilespmem:$0x1E400] =	vst v63  }
0xd2: {  	_ =	swait.ge [sflag:s19], $0x2800  }
0xd3: {  	[sflag:s19] =	ssyncset.done $0x0  }
0xd4: {  	p0 =	por !p0, !p0;
	s0 =	smov.u32 s1;
	[sflag:s19] =	ssyncadd.s32 $0xFFFFD800  }
0xd5: {  	_ =	swait.ge [sflag:s23], $0x50  }
0xd6: {  	[sflag:s23] =	ssyncset.done $0x0  }
0xd7: {  	[sflag:s23] =	ssyncadd.s32 $0xFFFFFFB0  }
0xd8: {  	_ =	swait.ge [sflag:s24], $0x50  }
0xd9: {  	[sflag:s24] =	ssyncset.done $0x0  }
0xda: {  	[sflag:s24] =	ssyncadd.s32 $0xFFFFFFB0  }
0xdb: {  	_ =	swait.ge [sflag:s29], $0x2800  }
0xdc: {  	[sflag:s29] =	ssyncset.done $0x0  }
0xdd: {  	[sflag:s29] =	ssyncadd.s32 $0xFFFFD800  }
0xde: {  	_ =	swait.ge [sflag:s30], $0x2800  }
0xdf: {  	s31 =	sadd.s32 $0x1, s31;
	[sflag:s30] =	ssyncset.done $0x0  }
0xe0: {  	p0 =	sne.s32 s31, s17;
	[sflag:s30] =	ssyncadd.s32 $0xFFFFD800  }
.Ltmp3:
0xe1: {  	[bflag:$0x0] =	sbarrier.arrive $0xFFFF;
	(pc) =	sbr.rel @p0 .LBB2_1-.Ltmp3, $4  }
0xe2: {  	[hbm:s16], [sflag:s10] =	dma.local [spmem:s18], $0x2800  }
0xe3: {  	_ =	swait.ge [sflag:s19], $0x2800  }
0xe4: {  	[sflag:s19] =	ssyncset.done $0x0  }
0xe5: {  	[sflag:s19] =	ssyncadd.s32 $0xFFFFD800  }
0xe6: {  	_ =	sfence.sel $0x180000  }
0xe7: {  	[bflag:$0x0] =	sbarrier.arrive $0xFFFF  }
0xe8: {  	_ =	strace $0x9000004A  }
0xe9: {  	s0 =	stileid.u32;
	[bflag:$0x2] =	sbarrier.arrive $0xFFFF  }
0xea: {  	p0 =	sne.s32 s0, $0x0;
	s0 =	rddreg [dreg:$0x2]  }
0xeb: {  	s0 =	sadd.s32 @!p0 $0x100000, s0  }
0xec: {  	[sflag:s0] =	ssyncadd.tile.s32 @!p0 $0x1;
	_ =	shalt  }
.Lfunc_end2:
_tile_overlayer_lowered:
.L_overlay_start_2:
0xed: {  	(tag) =	ssettag $0x2  }
0xee: {  	s0 =	rddreg [dreg:$0x0];
	s2 =	stileid.u32  }
0xef: {  	s1 =	rddreg [dreg:$0x1];
	p0 =	sne.s32 s2, $0x0  }
0xf0: {  	s3 =	rddreg [dreg:$0x2];
	[bflag:$0x3] =	sbarrier.arrive $0xFFFF;
	s2 =	simm.s32 @!p0 $0x1C05  }
0xf1: {  	[timem:s3], [sflag:s2] =	dma.local @!p0 [hbm:s0], s1  }
0xf2: {  	s0 =	simm.s32 @!p0 $0x5  }
0xf3: {  	_ =	swait.ge @!p0 [sflag:s0], s1  }
0xf4: {  	s1 =	ssub.s32 @!p0 $0x0, s1;
	[sflag:s0] =	ssyncset.done @!p0 $0x0  }
0xf5: {  	[sflag:s0] =	ssyncadd.s32 @!p0 s1  }
0xf6: {  	[bflag:$0x3] =	sbarrier.arrive $0xFFFF  }
0xf7: {  	_ =	shalt  }

// kernel: kernel.23.cloned.1.call-start
scs
__scs_entry_jumppad:
0x0: {  	(pc) =	sbr.rel $0x88, $3  }
0x1: {  	(tag) =	ssettag $0x0;
	lr =	simm.s32 $0x1  }
0x2: {  	[smem:$0x3F8F] =	sst lr;
	_ =	strace $0xD0000000  }
0x3: {  	_ = 	snop  }
0x4: {  	_ = 	snop  }
0x5: {  	_ = 	snop  }
0x6: {  	_ = 	snop  }
0x7: {  	_ = 	snop  }
__scs_overlays_trampoline_lowered:
0x8: {  	[smem:$0x3F9E] =	sst s0  }
0x9: {  	[smem:$0x3F9F] =	sst s1  }
0xa: {  	[smem:$0x3FA0] =	sst s2  }
0xb: {  	[smem:$0x3FA1] =	sst s3  }
0xc: {  	[smem:$0x3FA2] =	sst s4  }
0xd: {  	[smem:$0x3FA3] =	sst s5  }
0xe: {  	[smem:$0x3FA4] =	sst s6  }
0xf: {  	[smem:$0x3FA5] =	sst s7  }
0x10: {  	[smem:$0x3FA6] =	sst s8  }
0x11: {  	[smem:$0x3FA7] =	sst s9;
	s0 =	simm.s32 @!p0 $0x0  }
0x12: {  	s1 =	sld [smem:$0x3F8D];
	s0 =	simm.s32 @p0 $0x1  }
0x13: {  	[smem:$0x3FA8] =	sst s0;
	s0 =	simm.s32 @!p1 $0x0  }
0x14: {  	s2 =	sld [smem:$0x3F8C];
	s0 =	simm.s32 @p1 $0x1  }
0x15: {  	[smem:$0x3FA9] =	sst s0;
	s0 =	simm.s32 @!p2 $0x0  }
0x16: {  	s3 =	sld [smem:$0x3FDB];
	s0 =	simm.s32 @p2 $0x1  }
0x17: {  	s4 =	simm.s32 $0x1BF5;
	[smem:$0x3FAB] =	sst s0  }
0x18: {  	s0 =	sld [smem:$0x3F8E];
	_ =	swait.ge [sflag:s4], $0x0  }
0x19: {  	s7 =	sld [smem:$0x3F8F]  }
0x1a: {  	s8 =	sadd.s32 $0xFFFFE003, lr  }
0x1b: {  	s9 =	sadd.s32 $0xFFFFFEF7, lr;
	s5 =	simm.s32 $0xFFFFFFFF;
	p2 =	slt.u32 s8, $0xFFFFF086  }
0x1c: {  	p1 =	slt.u32 s9, $0xF7A;
	s5 =	simm.s32 @!p2 $0x0  }
0x1d: {  	s5 =	simm.s32 @p1 $0x1;
	p0 =	seq.s32 s7, s2  }
0x1e: {  	s7 =	smul.u32 @!p0 $0xF7A, s2;
	p2 =	seq.s32 @!p0 s5, $0x0  }
0x1f: {  	s9 =	smul.u32 $0xF7A, s1;
	s8 =	simm.s32 @!p0 $0x1BF5;
	p2 =	por !p2, p0  }
0x20: {  	[sflag:s8] =	ssyncset.s32 @!p0 $0xFFFFF086;
	s6 =	sadd.s32 @!p0 s3, s7;
	s7 =	simm.s32 @!p0 $0x108  }
0x21: {  	s3 =	sadd.s32 s3, s9;
	s6 =	sadd.s32 @!p0 $0x88, s6;
	s7 =	simm.s32 @p2 $0x1082  }
0x22: {  	[simem:s7], [sflag:s8] =	dma.local @!p0 [hbm:s6], $0xF7A  }
0x23: {  	s9 =	sor.u32 $0xD0000000, s2;
	s6 =	simm.s32 $0x108;
	_ =	swait.ge @!p0 [sflag:s8], $0x0  }
0x24: {  	s3 =	sadd.s32 $0x88, s3;
	s6 =	simm.s32 @!p1 $0x1082;
	[sflag:s4] =	ssyncset.s32 $0xFFFFF086  }
0x25: {  	[simem:s6], [sflag:s4] =	dma.local [hbm:s3], $0xF7A  }
0x26: {  	[smem:$0x3F8F] =	sst s1;
	(tag) =	ssettag s2;
	_ =	strace s9  }
0x27: {  	s1 =	sld [smem:$0x3F9F]  }
0x28: {  	s2 =	sld [smem:$0x3FA0]  }
0x29: {  	s4 =	sld [smem:$0x3FA2]  }
0x2a: {  	p0 =	seq.s32 s5, $0x0;
	s5 =	sld [smem:$0x3FA3]  }
0x2b: {  	s6 =	sld [smem:$0x3FA4]  }
0x2c: {  	s7 =	sld [smem:$0x3FA5]  }
0x2d: {  	s3 =	simm.s32 $0x108;
	s8 =	sld [smem:$0x3FA6]  }
0x2e: {  	s3 =	simm.s32 @!p0 $0x1082;
	s9 =	sld [smem:$0x3FA7]  }
0x2f: {  	lr =	sadd.s32 s0, s3;
	s0 =	sld [smem:$0x3F9E]  }
0x30: {  	s3 =	sld [smem:$0x3FA1]  }
0x31: {  	[smem:$0x3FAA] =	sst s10  }
0x32: {  	s10 =	sld [smem:$0x3FA8];
	_ =	sdelay $0x3  }
0x33: {  	p0 =	seq.s32 s10, $0x1;
	s10 =	sld [smem:$0x3FAA];
	_ =	sdelay $0x3  }
0x34: {  	[smem:$0x3FAA] =	sst s10  }
0x35: {  	s10 =	sld [smem:$0x3FA9];
	_ =	sdelay $0x3  }
0x36: {  	p1 =	seq.s32 s10, $0x1;
	s10 =	sld [smem:$0x3FAA];
	_ =	sdelay $0x3  }
0x37: {  	[smem:$0x3FAA] =	sst s10  }
0x38: {  	s10 =	sld [smem:$0x3FAB]  }
0x39: {  	_ = 	snop;
	(pc) =	sbr.ind lr, $3  }
0x3a: {  	_ = 	snop  }
0x3b: {  	_ = 	snop  }
0x3c: {  	p2 =	seq.s32 s10, $0x1;
	s10 =	sld [smem:$0x3FAA]  }
0x3d: {  	_ =	shalt  }
0x3e: {  	_ =	shalt  }
0x3f: {  	_ =	shalt  }
0x40: {  	_ =	shalt  }
0x41: {  	_ =	shalt  }
0x42: {  	_ =	shalt  }
0x43: {  	_ =	shalt  }
0x44: {  	_ =	shalt  }
0x45: {  	_ =	shalt  }
0x46: {  	_ =	shalt  }
0x47: {  	_ =	shalt  }
0x48: {  	_ =	shalt  }
0x49: {  	_ =	shalt  }
0x4a: {  	_ =	shalt  }
0x4b: {  	_ =	shalt  }
0x4c: {  	_ =	shalt  }
0x4d: {  	_ =	shalt  }
0x4e: {  	_ =	shalt  }
0x4f: {  	_ =	shalt  }
0x50: {  	_ =	shalt  }
0x51: {  	_ =	shalt  }
0x52: {  	_ =	shalt  }
0x53: {  	_ =	shalt  }
0x54: {  	_ =	shalt  }
0x55: {  	_ =	shalt  }
0x56: {  	_ =	shalt  }
0x57: {  	_ =	shalt  }
0x58: {  	_ =	shalt  }
0x59: {  	_ =	shalt  }
0x5a: {  	_ =	shalt  }
0x5b: {  	_ =	shalt  }
0x5c: {  	_ =	shalt  }
0x5d: {  	_ =	shalt  }
0x5e: {  	_ =	shalt  }
0x5f: {  	_ =	shalt  }
0x60: {  	_ =	shalt  }
0x61: {  	_ =	shalt  }
0x62: {  	_ =	shalt  }
0x63: {  	_ =	shalt  }
0x64: {  	_ =	shalt  }
0x65: {  	_ =	shalt  }
0x66: {  	_ =	shalt  }
0x67: {  	_ =	shalt  }
0x68: {  	_ =	shalt  }
0x69: {  	_ =	shalt  }
0x6a: {  	_ =	shalt  }
0x6b: {  	_ =	shalt  }
0x6c: {  	_ =	shalt  }
0x6d: {  	_ =	shalt  }
0x6e: {  	_ =	shalt  }
0x6f: {  	_ =	shalt  }
0x70: {  	_ =	shalt  }
0x71: {  	_ =	shalt  }
0x72: {  	_ =	shalt  }
0x73: {  	_ =	shalt  }
0x74: {  	_ =	shalt  }
0x75: {  	_ =	shalt  }
0x76: {  	_ =	shalt  }
0x77: {  	_ =	shalt  }
0x78: {  	_ =	shalt  }
0x79: {  	_ =	shalt  }
0x7a: {  	_ =	shalt  }
0x7b: {  	_ =	shalt  }
0x7c: {  	_ =	shalt  }
0x7d: {  	_ =	shalt  }
0x7e: {  	_ =	shalt  }
0x7f: {  	_ =	shalt  }
0x80: {  	_ =	shalt  }
0x81: {  	_ =	shalt  }
0x82: {  	_ =	shalt  }
0x83: {  	_ =	shalt  }
0x84: {  	_ =	shalt  }
0x85: {  	_ =	shalt  }
0x86: {  	_ =	shalt  }
0x87: {  	_ =	shalt  }
.Lfunc_end0:
.L_simem_size_0:
called_computation.2_lowered:
.L_overlay_start_0:
0x88: {  	s2 =	sld [smem:$0x3FD9]  }
0x89: {  	s3 =	sld [smem:$0x3FFE];
	_ =	sdelay $0x1  }
0x8a: {  	s1 =	srdreg.scid  }
0x8b: {  	s0 =	sand.u32 $0x1, s1  }
0x8c: {  	s16 =	sshll.u32 s0, $0xA;
	s2 =	sadd.s32 s3, s2  }
0x8d: {  	s2 =	sadd.s32 s2, s16  }
0x8e: {  	[smem:$0x3FB6] =	sst s2  }
0x8f: {  	_ = 	snop  }
0x90: {  	(tm) =	ssettm $0x1  }
0x91: {  	s17 =	sld [smem:$0x3FFB];
	_ =	sdelay $0x3  }
0x92: {  	_ =	strace s17  }
0x93: {  	s2 =	sld [smem:$0x3FFC];
	_ =	sdelay $0x3  }
0x94: {  	_ =	strace s2  }
0x95: {  	s2 =	sld [smem:$0x3FFD];
	_ =	sdelay $0x3  }
0x96: {  	_ =	strace s2  }
0x97: {  	_ =	strace $0x8FFFFFFF  }
0x98: {  	s18 =	sld [smem:$0x3FDB];
	_ =	sdelay $0x1  }
0x99: {  	s19 =	simm.s32 $_scs_section_size  }
0x9a: {  	s4 =	simm.s32 $_size__tile_overlayer_lowered;
	s5 =	simm.s32 $_tile_overlayer_lowered  }
0x9b: {  	s22 =	simm.s32 $0x1BFF;
	s21 =	sshll.u32 s5, $0x1;
	s2 =	sadd.s32 s19, s18  }
0x9c: {  	s6 =	simm.s32 $0x0;
	s20 =	sshll.u32 s4, $0x1;
	s4 =	sadd.s32 s21, s2  }
0x9d: {  	[timem:s6], [sflag:s22] =	dma.local [hbm:s4], s20  }
0x9e: {  	_ =	swait.ge [sflag:s22], s20  }
0x9f: {  	s3 =	ssub.s32 $0x0, s20;
	[sflag:s22] =	ssyncset.done $0x0  }
0xa0: {  	[sflag:s22] =	ssyncadd.s32 s3;
	_ =	sdelay $0x1  }
0xa1: {  	s23 =	simm.s32 $0x1B8B  }
0xa2: {  	_ =	swait.ge [sflag:s23], $0x1  }
0xa3: {  	[sflag:s23] =	ssyncset.done $0x0  }
0xa4: {  	s25 =	simm.s32 $0x1B8E;
	s24 =	sld [smem:$0x3FFE];
	[sflag:s23] =	ssyncadd.s32 $0xFFFFFFFF  }
0xa5: {  	s26 =	simm.s32 $execute0_lowered;
	[smem:$0x3FD2] =	sst s25  }
0xa6: {  	s4 =	sshll.u32 s26, $0x1;
	_ =	strace $0x8000004C;
	[dreg:$0x1] =	wrdreg $0xFFFFFFFF  }
0xa7: {  	s28 =	simm.s32 $_size_execute0_lowered;
	s2 =	sadd.s32 s2, s4;
	[dreg:$0x0] =	wrdreg $0x0  }
0xa8: {  	s4 =	sshll.u32 s28, $0x1;
	[dreg:$0x2] =	wrdreg s2  }
0xa9: {  	[dreg:$0x3] =	wrdreg s4  }
0xaa: {  	[dreg:$0x4] =	wrdreg $0xC0  }
0xab: {  	_ =	task [dreg:s6], $0x5FFFF  }
0xac: {  	[dreg:$0x1] =	wrdreg $0xFFFFFFFF  }
0xad: {  	[dreg:$0x0] =	wrdreg $0x60  }
0xae: {  	[dreg:$0x2] =	wrdreg s24  }
0xaf: {  	[dreg:$0x3] =	wrdreg $0xA4000  }
0xb0: {  	[dreg:$0x4] =	wrdreg $0x9  }
0xb1: {  	_ =	task.clear_ibuf [dreg:s6], $0x5FFFF;
	_ =	strace $0x9000004C  }
0xb2: {  	s29 =	simm.s32 $0x9;
	_ =	strace $0x8000004E  }
0xb3: {  	_ =	swait.ge [sflag:s29], $0x1  }
0xb4: {  	[sflag:s29] =	ssyncadd.s32 $0xFFFFFFFF  }
0xb5: {  	_ =	strace $0x9000004E  }
0xb6: {  	_ =	sfence  }
0xb7: {  	s30 =	sld [smem:$0x0];
	_ =	sdelay $0x2  }
0xb8: {  	s31 =	sshll.u32 s1, $0xD;
	s1 =	sshrl.u32 s1, $0x2  }
0xb9: {  	s3 =	sand.u32 $0x4000, s31;
	s1 =	sadd.s32 s1, s30  }
0xba: {  	s0 =	sor.u32 s3, s0;
	s1 =	sshll.u32 s1, $0x11  }
0xbb: {  	s0 =	sor.u32 s1, s0  }
0xbc: {  	s0 =	sadd.s32 $0x8F2B, s0  }
0xbd: {  	[sflag:s0] =	ssyncadd.remote.s32 $0x1  }
0xbe: {  	_ =	sfence.sel $0xFFFF  }
0xbf: {  	[dreg:$0x0] =	wrdreg $0xFFFFFFFF;
	(pc) =	sbr.abs _section_cstart, $3  }
0xc0: {  	[dreg:$0x1] =	wrdreg $0xFFFFFFFF  }
0xc1: {  	_ =	task.clear_ibuf [dreg:s6], $0x2FFFF;
	_ =	strace $0x9FFFFFFF  }
0xc2: {  	(tm) =	ssettm $0x7FFFFFFF  }
0xc3: {  	_ =	shalt  }
tec
execute0_lowered:
.L_overlay_start_1:
0x0: {  	(tag) =	ssettag $0x1  }
0x1: {  	s0 =	rddreg [dreg:$0x0]  }
0x2: {  	s2 =	rddreg [dreg:$0x1];
	s3 =	simm.s32 $0x0  }
0x3: {  	s13 =	stileid.u32;
	s1 =	srdreg.scid;
	s19 =	simm.s32 $0x5  }
0x4: {  	s29 =	simm.s32 $0x3;
	s30 =	simm.s32 $0x4;
	s31 =	simm.s32 $0x0  }
0x5: {  	[smem:$0x7FF] =	sst s3;
	s7 =	smul.u32 $0x14000, s13;
	s1 =	sand.u32 $0x1, s1  }
0x6: {  	s4 =	sadd.s32 $0x21400, s0;
	s5 =	sadd.s32 $0xA89800, s0;
	s6 =	sadd.s32 $0x16800, s0  }
0x7: {  	s11 =	sshll.u32 s13, $0x1;
	s12 =	smul.u32 $0x50000, s13;
	s25 =	sshll.u32 s13, $0x6  }
0x8: {  	_ =	strace $0x8000004D;
	s8 =	smul.u32 $0x140000, s1;
	s10 =	ssub.s32 $0x2, s1  }
0x9: {  	s1 =	sor.u32 s1, s11;
	s9 =	sshrl.u32 s7, $0x3;
	s22 =	sshrl.u32 s10, $0x1  }
0xa: {  	s24 =	sshrl.u32 s12, $0x2;
	s8 =	sadd.s32 s7, s8;
	s7 =	sadd.s32 $0xCA00, s0  }
0xb: {  	s9 =	sadd.s32 s9, s0;
	s23 =	ssub.s32 s10, s22;
	s18 =	sadd.s32 s24, s2  }
0xc: {  	s10 =	sor.u32 $0x1C05, s25;
	s24 =	simm.s32 $0x2;
	s8 =	sshrl.u32 s8, $0x3  }
0xd: {  	s25 =	simm.s32 $0x50;
	s0 =	sadd.s32 s8, s0;
	s8 =	smul.u32 $0x2710, s1  }
0xe: {  	s9 =	sadd.s32 $0x52A600, s9;
	s17 =	smax.u32 s23, $0x1;
	s1 =	smul.u32 $0x27100, s1  }
0xf: {  	s18 =	sshrl.u32 s18, $0x3;
	s23 =	simm.s32 $0x1;
	[dreg:$0x3] =	wrdreg s9  }
0x10: {  	s16 =	sadd.s32 $0x6F800, s0;
	s26 =	sshrl.u32 s8, $0x3;
	s15 =	sadd.s32 s5, s1  }
0x11: {  	s28 =	sadd.s32 s6, s26;
	s12 =	sadd.s32 s7, s26;
	s9 =	sadd.s32 $0xA, s26  }
0x12: {  	[dreg:$0x4] =	wrdreg s28;
	s13 =	sadd.s32 s6, s9;
	s14 =	sadd.s32 s7, s9  }
.LBB2_1:
0x13: {  	s0 =	rddreg [dreg:$0x3]  }
0x14: {  	[spmem:s18], [sflag:s10] =	dma.local [hbm:s0], $0x2800  }
0x15: {  	_ =	swait.ge [sflag:s19], $0x2800  }
0x16: {  	[sflag:s19] =	ssyncset.done $0x0  }
0x17: {  	[sflag:s19] =	ssyncadd.s32 $0xFFFFD800  }
0x18: {  	[bflag:$0x0] =	sbarrier.arrive $0xFFFF  }
0x19: {  	s11 =	rddreg [dreg:$0x4]  }
0x1a: {  	[tilespmem:s3], [sflag:$0x1] =	stream.linear.gather [hbm4b:s11+s3], $0x50, $0x38;
	[tilespmem:$0x1E400] =	vst v63  }
0x1b: {  	s20 =	simm.s32 $0x200  }
0x1c: {  	[tilespmem:s20], [sflag:$0x2] =	stream.linear.gather [hbm4b:s12+s3], $0x50, $0x38;
	[tilespmem:$0x1E400] =	vst v63  }
0x1d: {  	s21 =	simm.s32 $0x80  }
0x1e: {  	[tilespmem:s21], [sflag:$0x1] =	stream.linear.gather [hbm4b:s13+s3], $0x50, $0x38;
	[tilespmem:$0x1E400] =	vst v63  }
0x1f: {  	s22 =	simm.s32 $0x280  }
0x20: {  	[tilespmem:s22], [sflag:$0x2] =	stream.linear.gather [hbm4b:s14+s3], $0x50, $0x38;
	[tilespmem:$0x1E400] =	vst v63  }
0x21: {  	_ =	swait.ge [sflag:s23], $0x50  }
0x22: {  	[sflag:s23] =	ssyncset.done $0x0  }
0x23: {  	[sflag:s23] =	ssyncadd.s32 $0xFFFFFFB0  }
0x24: {  	_ =	swait.ge [sflag:s24], $0x50  }
0x25: {  	[sflag:s24] =	ssyncset.done $0x0  }
0x26: {  	s26 =	simm.s32 $0x400;
	[sflag:s24] =	ssyncadd.s32 $0xFFFFFFB0  }
0x27: {  	[tilespmem:s26], [sflag:$0x3] =	stream.indirect.gather [hbm4b:s4+s25], $0x80, s3, s25, $0xb8;
	[tilespmem:$0x1E400] =	vst v63  }
0x28: {  	s28 =	simm.s32 $0x5400;
	p0 =	por $0x0, $0x0;
	s0 =	simm.s32 $0x0  }
0x29: {  	[tilespmem:s28], [sflag:$0x4] =	stream.linear.gather [hbm4b:s15+s3], $0x2800, $0x38;
	[tilespmem:$0x1E400] =	vst v63  }
.LBB2_2:
0x2a: {  	s1 =	sadd.s32 $0x2, s0  }
0x2b: {  	s9 =	smin.u32 s1, $0x7C  }
0x2c: {  	s9 =	smul.u32 $0x50, s9;
	_ =	sdelay $0x1  }
0x2d: {  	s9 =	sadd.s32 s8, s9  }
0x2e: {  	s1 =	sshll.u32 s1, $0x7;
	s9 =	sshrl.u32 s9, $0x3  }
0x2f: {  	s1 =	sand.u32 $0x180, s1;
	s11 =	sadd.s32 s6, s9  }
0x30: {  	[tilespmem:s1], [sflag:$0x1] =	stream.linear.gather [hbm4b:s11+s3], $0x50, $0x38;
	[tilespmem:$0x1E400] =	vst v63  }
0x31: {  	s9 =	sadd.s32 s7, s9;
	s1 =	sor.u32 $0x200, s1  }
0x32: {  	[tilespmem:s1], [sflag:$0x2] =	stream.linear.gather [hbm4b:s9+s3], $0x50, $0x38;
	[tilespmem:$0x1E400] =	vst v63  }
0x33: {  	s1 =	sadd.s32 $0x1, s0  }
0x34: {  	_ =	swait.ge [sflag:s23], $0x50;
	s22 =	smin.u32 s1, $0x7C  }
0x35: {  	s26 =	sshll.u32 s1, $0x7;
	s20 =	sand.u32 $0x1, s1;
	[sflag:s23] =	ssyncset.done $0x0  }
0x36: {  	p1 =	seq.s32 s20, $0x1;
	s9 =	smul.u32 $0x50, s22;
	[sflag:s23] =	ssyncadd.s32 $0xFFFFFFB0  }
0x37: {  	s20 =	simm.s32 $0x2800;
	s11 =	sand.u32 $0x180, s26;
	_ =	swait.ge [sflag:s24], $0x50  }
0x38: {  	s20 =	simm.s32 @!p1 $0x0;
	s9 =	sadd.s32 s8, s9;
	[sflag:s24] =	ssyncset.done $0x0  }
0x39: {  	s21 =	sor.u32 $0x400, s20;
	s9 =	sshll.u32 s9, $0x4;
	[sflag:s24] =	ssyncadd.s32 $0xFFFFFFB0  }
0x3a: {  	[tilespmem:s21], [sflag:$0x3] =	stream.indirect.gather [hbm4b:s4+s25], $0x80, s11, s25, $0xb8;
	[tilespmem:$0x1E400] =	vst v63  }
0x3b: {  	s20 =	sor.u32 $0x5400, s20;
	s9 =	sadd.s32 s5, s9  }
0x3c: {  	[tilespmem:s20], [sflag:$0x4] =	stream.linear.gather [hbm4b:s9+s3], $0x2800, $0x38;
	[tilespmem:$0x1E400] =	vst v63  }
0x3d: {  	s11 =	simm.s32 $0x1;
	_ =	swait.ge [sflag:s29], $0x2800  }
0x3e: {  	s11 =	simm.s32 @!p0 $0x0;
	[sflag:s29] =	ssyncset.done $0x0  }
0x3f: {  	s21 =	smul.u32 $0xA000, s11;
	[sflag:s29] =	ssyncadd.s32 $0xFFFFD800  }
0x40: {  	_ =	swait.ge [sflag:s30], $0x2800  }
0x41: {  	s11 =	sshrl.u32 s21, $0x2;
	[sflag:s30] =	ssyncset.done $0x0  }
0x42: {  	s21 =	sor.u32 $0x500, s11;
	[sflag:s30] =	ssyncadd.s32 $0xFFFFD800  }
0x43: {  	s11 =	sadd.s32 $0x5500, s11;
	v0 =	vld [tilespmem:s21+$0x80]  }
0x44: {  	v1 =	vld [tilespmem:s11+$0x80]  }
0x45: {  	v2 =	vld [tilespmem:s11+$0xFFFFFF00]  }
0x46: {  	v3 =	vld [tilespmem:s21+$0xFFFFFF80]  }
0x47: {  	v4 =	vld [tilespmem:s11+$0xFFFFFF80]  }
0x48: {  	v5 =	vld [tilespmem:s11+$0x0]  }
0x49: {  	v0 =	vadd.f32 v1, v0;
	v1 =	vld [tilespmem:s21+$0x0]  }
0x4a: {  	v6 =	vld [tilespmem:s21+$0xFFFFFF00]  }
0x4b: {  	v0 =	vmax.f32 v0, $0.0e+00  }
0x4c: {  	v3 =	vadd.f32 v4, v3;
	[tilespmem:s21+$0x80] =	vst v0;
	v0 =	vld [tilespmem:s21+$0x90]  }
0x4d: {  	v7 =	vld [tilespmem:s11+$0x90]  }
0x4e: {  	v8 =	vld [tilespmem:s21+$0xFFFFFF90];
	v3 =	vmax.f32 v3, $0.0e+00;
	v1 =	vadd.f32 v5, v1  }
0x4f: {  	v4 =	vld [tilespmem:s21+$0xFFFFFF10];
	v2 =	vadd.f32 v2, v6;
	[tilespmem:s21+$0xFFFFFF80] =	vst v3  }
0x50: {  	v5 =	vld [tilespmem:s11+$0xFFFFFF90];
	v1 =	vmax.f32 v1, $0.0e+00  }
0x51: {  	v2 =	vmax.f32 v2, $0.0e+00;
	v3 =	vld [tilespmem:s21+$0x10];
	[tilespmem:s21+$0x0] =	vst v1  }
0x52: {  	[tilespmem:s21+$0xFFFFFF00] =	vst v2;
	v0 =	vadd.f32 v7, v0;
	v1 =	vld [tilespmem:s11+$0x10]  }
0x53: {  	v2 =	vld [tilespmem:s11+$0xFFFFFF10]  }
0x54: {  	v0 =	vmax.f32 v0, $0.0e+00  }
0x55: {  	v5 =	vadd.f32 v5, v8;
	[tilespmem:s21+$0x90] =	vst v0;
	v0 =	vld [tilespmem:s21+$0xA0]  }
0x56: {  	v7 =	vld [tilespmem:s11+$0xA0]  }
0x57: {  	v6 =	vld [tilespmem:s21+$0xFFFFFF20];
	v5 =	vmax.f32 v5, $0.0e+00;
	v1 =	vadd.f32 v1, v3  }
0x58: {  	v2 =	vadd.f32 v2, v4;
	v8 =	vld [tilespmem:s21+$0xFFFFFFA0];
	[tilespmem:s21+$0xFFFFFF90] =	vst v5  }
0x59: {  	v4 =	vld [tilespmem:s11+$0xFFFFFFA0];
	v1 =	vmax.f32 v1, $0.0e+00  }
0x5a: {  	v2 =	vmax.f32 v2, $0.0e+00;
	v3 =	vld [tilespmem:s21+$0x20];
	[tilespmem:s21+$0x10] =	vst v1  }
0x5b: {  	[tilespmem:s21+$0xFFFFFF10] =	vst v2;
	v0 =	vadd.f32 v7, v0;
	v1 =	vld [tilespmem:s11+$0x20]  }
0x5c: {  	v2 =	vld [tilespmem:s11+$0xFFFFFF20]  }
0x5d: {  	v0 =	vmax.f32 v0, $0.0e+00  }
0x5e: {  	v4 =	vadd.f32 v4, v8;
	[tilespmem:s21+$0xA0] =	vst v0;
	v0 =	vld [tilespmem:s21+$0xB0]  }
0x5f: {  	v7 =	vld [tilespmem:s11+$0xB0]  }
0x60: {  	v9 =	vld [tilespmem:s21+$0x30];
	v4 =	vmax.f32 v4, $0.0e+00;
	v1 =	vadd.f32 v1, v3  }
0x61: {  	v2 =	vadd.f32 v2, v6;
	v8 =	vld [tilespmem:s21+$0xFFFFFFB0];
	[tilespmem:s21+$0xFFFFFFA0] =	vst v4  }
0x62: {  	v3 =	vld [tilespmem:s11+$0xFFFFFFB0];
	v1 =	vmax.f32 v1, $0.0e+00  }
0x63: {  	v5 =	vld [tilespmem:s21+$0xFFFFFF30];
	[tilespmem:s21+$0x20] =	vst v1;
	v1 =	vmax.f32 v2, $0.0e+00  }
0x64: {  	v0 =	vadd.f32 v7, v0;
	[tilespmem:s21+$0xFFFFFF20] =	vst v1;
	v1 =	vld [tilespmem:s11+$0x30]  }
0x65: {  	v6 =	vld [tilespmem:s11+$0xFFFFFF30]  }
0x66: {  	v10 =	vld [tilespmem:s21+$0xFFFFFF40];
	v0 =	vmax.f32 v0, $0.0e+00  }
0x67: {  	v3 =	vadd.f32 v3, v8;
	[tilespmem:s21+$0xB0] =	vst v0;
	v0 =	vld [tilespmem:s21+$0xC0]  }
0x68: {  	v7 =	vld [tilespmem:s11+$0xC0]  }
0x69: {  	v11 =	vld [tilespmem:s21+$0xFFFFFFD0];
	v3 =	vmax.f32 v3, $0.0e+00;
	v1 =	vadd.f32 v1, v9  }
0x6a: {  	v4 =	vld [tilespmem:s21+$0xFFFFFFC0];
	[tilespmem:s21+$0xFFFFFFB0] =	vst v3;
	v5 =	vadd.f32 v6, v5  }
0x6b: {  	v6 =	vld [tilespmem:s11+$0xFFFFFFC0];
	v1 =	vmax.f32 v1, $0.0e+00  }
0x6c: {  	v2 =	vld [tilespmem:s21+$0x40];
	[tilespmem:s21+$0x30] =	vst v1;
	v1 =	vmax.f32 v5, $0.0e+00  }
0x6d: {  	v0 =	vadd.f32 v7, v0;
	v5 =	vld [tilespmem:s11+$0x40];
	[tilespmem:s21+$0xFFFFFF30] =	vst v1  }
0x6e: {  	v1 =	vld [tilespmem:s11+$0xFFFFFF40]  }
0x6f: {  	v8 =	vld [tilespmem:s21+$0xFFFFFF50];
	v0 =	vmax.f32 v0, $0.0e+00  }
0x70: {  	[tilespmem:s21+$0xC0] =	vst v0;
	v0 =	vadd.f32 v6, v4;
	v6 =	vld [tilespmem:s21+$0xD0]  }
0x71: {  	v7 =	vld [tilespmem:s11+$0xD0]  }
0x72: {  	v3 =	vld [tilespmem:s21+$0xFFFFFF60];
	v0 =	vmax.f32 v0, $0.0e+00;
	v2 =	vadd.f32 v5, v2  }
0x73: {  	v9 =	vld [tilespmem:s21+$0x50];
	[tilespmem:s21+$0xFFFFFFC0] =	vst v0;
	v0 =	vadd.f32 v1, v10  }
0x74: {  	v1 =	vld [tilespmem:s11+$0xFFFFFFD0];
	v2 =	vmax.f32 v2, $0.0e+00  }
0x75: {  	v4 =	vld [tilespmem:s21+$0xFFFFFFE0];
	[tilespmem:s21+$0x40] =	vst v2;
	v0 =	vmax.f32 v0, $0.0e+00  }
0x76: {  	v2 =	vld [tilespmem:s11+$0x50];
	v6 =	vadd.f32 v7, v6;
	[tilespmem:s21+$0xFFFFFF40] =	vst v0  }
0x77: {  	v0 =	vld [tilespmem:s11+$0xFFFFFF50]  }
0x78: {  	s20 =	sand.u32 $0x1, s0;
	v5 =	vld [tilespmem:s21+$0x60];
	v6 =	vmax.f32 v6, $0.0e+00  }
0x79: {  	s22 =	smul.u32 $0x50, s20;
	v1 =	vadd.f32 v1, v11;
	[tilespmem:s21+$0xD0] =	vst v6;
	v6 =	vld [tilespmem:s21+$0xE0]  }
0x7a: {  	v10 =	vld [tilespmem:s11+$0xE0]  }
0x7b: {  	s26 =	sadd.s32 $0x50, s22;
	s28 =	sadd.s32 $0x4, s22;
	v1 =	vmax.f32 v1, $0.0e+00;
	v7 =	vadd.f32 v2, v9;
	v2 =	vld [tilespmem:s21+$0xFFFFFF70]  }
0x7c: {  	p1 =	slt.u32 s28, s26;
	[tilespmem:s21+$0xFFFFFFD0] =	vst v1;
	v0 =	vadd.f32 v0, v8;
	v1 =	vld [tilespmem:s21+$0xFFFFFFF0]  }
.Ltmp0:
0x7d: {  	v8 =	vmax.f32 v7, $0.0e+00;
	v7 =	vld [tilespmem:s11+$0xFFFFFFE0];
	(pc) =	sbr.rel @!p1 .LBB2_4-.Ltmp0, $4  }
0x7e: {  	[tilespmem:s21+$0x50] =	vst v8;
	v8 =	vmax.f32 v0, $0.0e+00;
	v0 =	vld [tilespmem:s21+$0x70]  }
0x7f: {  	[tilespmem:s21+$0xFFFFFF50] =	vst v8;
	v8 =	vld [tilespmem:s11+$0x60];
	v6 =	vadd.f32 v10, v6  }
0x80: {  	v9 =	vld [tilespmem:s11+$0xFFFFFF60]  }
0x81: {  	s9 =	sadd.s32 $0x200, s21;
	s22 =	smov.u32 s11;
	v10 =	vmax.f32 v6, $0.0e+00;
	v6 =	vld [tilespmem:s21+$0xF0]  }
.LBB2_3:
0x82: {  	v11 =	vld [tilespmem:s9+$0x80];
	v4 =	vadd.f32 v7, v4;
	[tilespmem:s21+$0xE0] =	vst v10  }
0x83: {  	s22 =	sadd.s32 $0x200, s22;
	v7 =	vld [tilespmem:s11+$0xF0]  }
0x84: {  	s28 =	sadd.s32 $0x4, s28;
	v10 =	vld [tilespmem:s22+$0x80];
	v4 =	vmax.f32 v4, $0.0e+00;
	v5 =	vadd.f32 v8, v5  }
0x85: {  	p1 =	slt.u32 s28, s26;
	v8 =	vld [tilespmem:s22+$0xFFFFFF00];
	v3 =	vadd.f32 v9, v3;
	[tilespmem:s21+$0xFFFFFFE0] =	vst v4  }
0x86: {  	v4 =	vld [tilespmem:s9+$0xFFFFFF80];
	v5 =	vmax.f32 v5, $0.0e+00  }
0x87: {  	v9 =	vld [tilespmem:s22+$0xFFFFFF80];
	v3 =	vmax.f32 v3, $0.0e+00;
	[tilespmem:s21+$0x60] =	vst v5  }
0x88: {  	v5 =	vld [tilespmem:s9+$0x0];
	[tilespmem:s21+$0xFFFFFF60] =	vst v3;
	v3 =	vadd.f32 v7, v6  }
0x89: {  	v6 =	vld [tilespmem:s22+$0x0];
	v7 =	vadd.f32 v10, v11  }
0x8a: {  	v10 =	vld [tilespmem:s9+$0xFFFFFF00];
	v3 =	vmax.f32 v3, $0.0e+00  }
0x8b: {  	v11 =	vld [tilespmem:s9+$0xFFFFFF10];
	v7 =	vmax.f32 v7, $0.0e+00;
	[tilespmem:s21+$0xF0] =	vst v3  }
0x8c: {  	v3 =	vadd.f32 v9, v4;
	[tilespmem:s9+$0x80] =	vst v7;
	v4 =	vld [tilespmem:s9+$0x90]  }
0x8d: {  	v7 =	vld [tilespmem:s22+$0x90]  }
0x8e: {  	v3 =	vmax.f32 v3, $0.0e+00;
	v9 =	vld [tilespmem:s9+$0xFFFFFF90];
	v5 =	vadd.f32 v6, v5  }
0x8f: {  	v6 =	vadd.f32 v8, v10;
	[tilespmem:s9+$0xFFFFFF80] =	vst v3;
	v3 =	vld [tilespmem:s9+$0x10]  }
0x90: {  	v8 =	vld [tilespmem:s22+$0xFFFFFF90];
	v5 =	vmax.f32 v5, $0.0e+00  }
0x91: {  	v6 =	vmax.f32 v6, $0.0e+00;
	v10 =	vld [tilespmem:s9+$0xFFFFFF20];
	[tilespmem:s9+$0x0] =	vst v5  }
0x92: {  	[tilespmem:s9+$0xFFFFFF00] =	vst v6;
	v5 =	vld [tilespmem:s22+$0x10];
	v4 =	vadd.f32 v7, v4  }
0x93: {  	v6 =	vld [tilespmem:s22+$0xFFFFFF10]  }
0x94: {  	v7 =	vld [tilespmem:s9+$0xFFFFFFA0];
	v4 =	vmax.f32 v4, $0.0e+00  }
0x95: {  	v8 =	vadd.f32 v8, v9;
	[tilespmem:s9+$0x90] =	vst v4;
	v4 =	vld [tilespmem:s9+$0xA0]  }
0x96: {  	v9 =	vld [tilespmem:s22+$0xA0]  }
0x97: {  	v8 =	vmax.f32 v8, $0.0e+00;
	v3 =	vadd.f32 v5, v3;
	v5 =	vld [tilespmem:s9+$0x20]  }
0x98: {  	v6 =	vadd.f32 v6, v11;
	v11 =	vld [tilespmem:s9+$0xFFFFFF30];
	[tilespmem:s9+$0xFFFFFF90] =	vst v8  }
0x99: {  	v8 =	vld [tilespmem:s22+$0xFFFFFFA0];
	v3 =	vmax.f32 v3, $0.0e+00  }
0x9a: {  	v6 =	vmax.f32 v6, $0.0e+00;
	v12 =	vld [tilespmem:s9+$0xFFFFFFB0];
	[tilespmem:s9+$0x10] =	vst v3  }
0x9b: {  	[tilespmem:s9+$0xFFFFFF10] =	vst v6;
	v3 =	vld [tilespmem:s22+$0x20];
	v4 =	vadd.f32 v9, v4  }
0x9c: {  	v6 =	vld [tilespmem:s22+$0xFFFFFF20]  }
0x9d: {  	v9 =	vld [tilespmem:s9+$0x30];
	v4 =	vmax.f32 v4, $0.0e+00  }
0x9e: {  	v7 =	vadd.f32 v8, v7;
	[tilespmem:s9+$0xA0] =	vst v4;
	v4 =	vld [tilespmem:s9+$0xB0]  }
0x9f: {  	v8 =	vld [tilespmem:s22+$0xB0]  }
0xa0: {  	v13 =	vld [tilespmem:s9+$0xFFFFFF40];
	v7 =	vmax.f32 v7, $0.0e+00;
	v3 =	vadd.f32 v3, v5  }
0xa1: {  	v5 =	vadd.f32 v6, v10;
	[tilespmem:s9+$0xFFFFFFA0] =	vst v7;
	v6 =	vld [tilespmem:s9+$0xFFFFFFC0]  }
0xa2: {  	v7 =	vld [tilespmem:s22+$0xFFFFFFB0];
	v3 =	vmax.f32 v3, $0.0e+00  }
0xa3: {  	v5 =	vmax.f32 v5, $0.0e+00;
	[tilespmem:s9+$0x20] =	vst v3;
	v10 =	vld [tilespmem:s9+$0x40]  }
0xa4: {  	[tilespmem:s9+$0xFFFFFF20] =	vst v5;
	v3 =	vld [tilespmem:s22+$0x30];
	v4 =	vadd.f32 v8, v4  }
0xa5: {  	v5 =	vld [tilespmem:s22+$0xFFFFFF30]  }
0xa6: {  	v8 =	vld [tilespmem:s9+$0xFFFFFF50];
	v4 =	vmax.f32 v4, $0.0e+00  }
0xa7: {  	v7 =	vadd.f32 v7, v12;
	[tilespmem:s9+$0xB0] =	vst v4;
	v4 =	vld [tilespmem:s9+$0xC0]  }
0xa8: {  	v12 =	vld [tilespmem:s22+$0xC0]  }
0xa9: {  	v7 =	vmax.f32 v7, $0.0e+00;
	v14 =	vld [tilespmem:s9+$0xFFFFFFD0];
	v3 =	vadd.f32 v3, v9  }
0xaa: {  	v5 =	vadd.f32 v5, v11;
	[tilespmem:s9+$0xFFFFFFB0] =	vst v7;
	v7 =	vld [tilespmem:s9+$0x50]  }
0xab: {  	v9 =	vld [tilespmem:s22+$0xFFFFFFC0];
	v11 =	vmax.f32 v3, $0.0e+00  }
0xac: {  	v5 =	vmax.f32 v5, $0.0e+00;
	v3 =	vld [tilespmem:s9+$0xFFFFFF60];
	[tilespmem:s9+$0x30] =	vst v11  }
0xad: {  	[tilespmem:s9+$0xFFFFFF30] =	vst v5;
	v5 =	vld [tilespmem:s22+$0x40];
	v11 =	vadd.f32 v12, v4  }
0xae: {  	v12 =	vld [tilespmem:s22+$0xFFFFFF40]  }
0xaf: {  	v4 =	vld [tilespmem:s9+$0xFFFFFFE0];
	v11 =	vmax.f32 v11, $0.0e+00  }
0xb0: {  	v6 =	vadd.f32 v9, v6;
	[tilespmem:s9+$0xC0] =	vst v11;
	v9 =	vld [tilespmem:s9+$0xD0]  }
0xb1: {  	v11 =	vld [tilespmem:s22+$0xD0]  }
0xb2: {  	v6 =	vmax.f32 v6, $0.0e+00;
	v10 =	vadd.f32 v5, v10;
	v5 =	vld [tilespmem:s9+$0x60]  }
0xb3: {  	v12 =	vadd.f32 v12, v13;
	[tilespmem:s9+$0xFFFFFFC0] =	vst v6;
	v6 =	vld [tilespmem:s11+$0xFFFFFF70]  }
0xb4: {  	v13 =	vld [tilespmem:s22+$0xFFFFFFD0];
	v10 =	vmax.f32 v10, $0.0e+00  }
0xb5: {  	v12 =	vmax.f32 v12, $0.0e+00;
	[tilespmem:s9+$0x40] =	vst v10;
	v10 =	vld [tilespmem:s11+$0xFFFFFFF0]  }
0xb6: {  	[tilespmem:s9+$0xFFFFFF40] =	vst v12;
	v12 =	vld [tilespmem:s22+$0x50];
	v9 =	vadd.f32 v11, v9  }
0xb7: {  	v11 =	vld [tilespmem:s22+$0xFFFFFF50]  }
0xb8: {  	v9 =	vmax.f32 v9, $0.0e+00;
	v2 =	vadd.f32 v6, v2;
	v6 =	vld [tilespmem:s11+$0x70];
	s11 =	smov.u32 s22  }
0xb9: {  	v13 =	vadd.f32 v13, v14;
	[tilespmem:s9+$0xD0] =	vst v9;
	v9 =	vld [tilespmem:s9+$0xE0]  }
0xba: {  	v14 =	vld [tilespmem:s22+$0xE0];
	v15 =	vmax.f32 v2, $0.0e+00;
	v10 =	vadd.f32 v10, v1  }
0xbb: {  	v2 =	vld [tilespmem:s9+$0xFFFFFF70];
	v1 =	vmax.f32 v13, $0.0e+00;
	v12 =	vadd.f32 v12, v7;
	[tilespmem:s21+$0xFFFFFF70] =	vst v15  }
0xbc: {  	v8 =	vadd.f32 v11, v8;
	[tilespmem:s9+$0xFFFFFFD0] =	vst v1;
	v1 =	vld [tilespmem:s9+$0xFFFFFFF0];
	v10 =	vmax.f32 v10, $0.0e+00  }
.Ltmp1:
0xbd: {  	v7 =	vld [tilespmem:s22+$0xFFFFFFE0];
	v11 =	vmax.f32 v12, $0.0e+00;
	[tilespmem:s21+$0xFFFFFFF0] =	vst v10;
	v6 =	vadd.f32 v6, v0;
	(pc) =	sbr.rel @p1 .LBB2_3-.Ltmp1, $4  }
0xbe: {  	v8 =	vmax.f32 v8, $0.0e+00;
	[tilespmem:s9+$0x50] =	vst v11;
	v0 =	vld [tilespmem:s9+$0x70]  }
0xbf: {  	[tilespmem:s9+$0xFFFFFF50] =	vst v8;
	v8 =	vld [tilespmem:s22+$0x60];
	v10 =	vadd.f32 v14, v9;
	v6 =	vmax.f32 v6, $0.0e+00  }
0xc0: {  	v9 =	vld [tilespmem:s22+$0xFFFFFF60];
	[tilespmem:s21+$0x70] =	vst v6;
	s21 =	smov.u32 s9  }
0xc1: {  	s9 =	sadd.s32 $0x200, s9;
	v10 =	vmax.f32 v10, $0.0e+00;
	v6 =	vld [tilespmem:s21+$0xF0]  }
.LBB2_4:
0xc2: {  	_ = 	snop  }
0xc3: {  	v4 =	vadd.f32 v7, v4  }
0xc4: {  	v5 =	vadd.f32 v8, v5  }
0xc5: {  	[tilespmem:s21+$0xE0] =	vst v10;
	v4 =	vmax.f32 v4, $0.0e+00;
	v3 =	vadd.f32 v9, v3  }
0xc6: {  	v58 =	vld [tilespmem:s11+$0xF0];
	[tilespmem:s21+$0xFFFFFFE0] =	vst v4;
	v59 =	vmax.f32 v5, $0.0e+00  }
0xc7: {  	v61 =	vld [tilespmem:s11+$0xFFFFFFF0];
	v3 =	vmax.f32 v3, $0.0e+00;
	[tilespmem:s21+$0x60] =	vst v59  }
0xc8: {  	[tilespmem:s21+$0xFFFFFF60] =	vst v3;
	v62 =	vld [tilespmem:s11+$0x70]  }
0xc9: {  	v60 =	vld [tilespmem:s11+$0xFFFFFF70];
	_ =	sdelay $0x1  }
0xca: {  	v6 =	vadd.f32 v58, v6  }
0xcb: {  	v1 =	vadd.f32 v61, v1  }
0xcc: {  	v63 =	vmax.f32 v6, $0.0e+00;
	v0 =	vadd.f32 v62, v0  }
0xcd: {  	s9 =	smul.u32 $0xA000, s20;
	[tilespmem:s21+$0xF0] =	vst v63;
	v1 =	vmax.f32 v1, $0.0e+00;
	v2 =	vadd.f32 v60, v2  }
0xce: {  	s0 =	sshll.u32 s0, $0x7;
	[tilespmem:s21+$0xFFFFFFF0] =	vst v1;
	v0 =	vmax.f32 v0, $0.0e+00  }
0xcf: {  	p1 =	seq.s32 s1, $0x7D;
	s0 =	sand.u32 $0x180, s0;
	s9 =	sshrl.u32 s9, $0x2;
	v2 =	vmax.f32 v2, $0.0e+00;
	[tilespmem:s21+$0x70] =	vst v0  }
.Ltmp2:
0xd0: {  	s0 =	sor.u32 $0x200, s0;
	s9 =	sor.u32 $0x400, s9;
	[tilespmem:s21+$0xFFFFFF70] =	vst v2;
	(pc) =	sbr.rel @!p1 .LBB2_2-.Ltmp2, $4  }
0xd1: {  	[spmem:s2] =	stream.indirect.scatter.add.f32 [tilespmem:s9], [sflag:$0x5], $0x80, s0, s25, $0xb8;
	[tilespmem:$0x1E400] =	vst v63  }
0xd2: {  	_ =	swait.ge [sflag:s19], $0x2800  }
0xd3: {  	[sflag:s19] =	ssyncset.done $0x0  }
0xd4: {  	p0 =	por !p0, !p0;
	s0 =	smov.u32 s1;
	[sflag:s19] =	ssyncadd.s32 $0xFFFFD800  }
0xd5: {  	_ =	swait.ge [sflag:s23], $0x50  }
0xd6: {  	[sflag:s23] =	ssyncset.done $0x0  }
0xd7: {  	[sflag:s23] =	ssyncadd.s32 $0xFFFFFFB0  }
0xd8: {  	_ =	swait.ge [sflag:s24], $0x50  }
0xd9: {  	[sflag:s24] =	ssyncset.done $0x0  }
0xda: {  	[sflag:s24] =	ssyncadd.s32 $0xFFFFFFB0  }
0xdb: {  	_ =	swait.ge [sflag:s29], $0x2800  }
0xdc: {  	[sflag:s29] =	ssyncset.done $0x0  }
0xdd: {  	[sflag:s29] =	ssyncadd.s32 $0xFFFFD800  }
0xde: {  	_ =	swait.ge [sflag:s30], $0x2800  }
0xdf: {  	s31 =	sadd.s32 $0x1, s31;
	[sflag:s30] =	ssyncset.done $0x0  }
0xe0: {  	p0 =	sne.s32 s31, s17;
	[sflag:s30] =	ssyncadd.s32 $0xFFFFD800  }
.Ltmp3:
0xe1: {  	[bflag:$0x0] =	sbarrier.arrive $0xFFFF;
	(pc) =	sbr.rel @p0 .LBB2_1-.Ltmp3, $4  }
0xe2: {  	[hbm:s16], [sflag:s10] =	dma.local [spmem:s18], $0x2800  }
0xe3: {  	_ =	swait.ge [sflag:s19], $0x2800  }
0xe4: {  	[sflag:s19] =	ssyncset.done $0x0  }
0xe5: {  	[sflag:s19] =	ssyncadd.s32 $0xFFFFD800  }
0xe6: {  	_ =	sfence.sel $0x180000  }
0xe7: {  	[bflag:$0x0] =	sbarrier.arrive $0xFFFF  }
0xe8: {  	_ =	strace $0x9000004D  }
0xe9: {  	s0 =	stileid.u32;
	[bflag:$0x2] =	sbarrier.arrive $0xFFFF  }
0xea: {  	p0 =	sne.s32 s0, $0x0;
	s0 =	rddreg [dreg:$0x2]  }
0xeb: {  	s0 =	sadd.s32 @!p0 $0x100000, s0  }
0xec: {  	[sflag:s0] =	ssyncadd.tile.s32 @!p0 $0x1;
	_ =	shalt  }
.Lfunc_end2:
_tile_overlayer_lowered:
.L_overlay_start_2:
0xed: {  	(tag) =	ssettag $0x2  }
0xee: {  	s0 =	rddreg [dreg:$0x0];
	s2 =	stileid.u32  }
0xef: {  	s1 =	rddreg [dreg:$0x1];
	p0 =	sne.s32 s2, $0x0  }
0xf0: {  	s3 =	rddreg [dreg:$0x2];
	[bflag:$0x3] =	sbarrier.arrive $0xFFFF;
	s2 =	simm.s32 @!p0 $0x1C05  }
0xf1: {  	[timem:s3], [sflag:s2] =	dma.local @!p0 [hbm:s0], s1  }
0xf2: {  	s0 =	simm.s32 @!p0 $0x5  }
0xf3: {  	_ =	swait.ge @!p0 [sflag:s0], s1  }
0xf4: {  	s1 =	ssub.s32 @!p0 $0x0, s1;
	[sflag:s0] =	ssyncset.done @!p0 $0x0  }
0xf5: {  	[sflag:s0] =	ssyncadd.s32 @!p0 s1  }
0xf6: {  	[bflag:$0x3] =	sbarrier.arrive $0xFFFF  }
0xf7: {  	_ =	shalt  }

// kernel: kernel.26.cloned.1.call-start
scs
__scs_entry_jumppad:
0x0: {  	(pc) =	sbr.rel $0x88, $3  }
0x1: {  	(tag) =	ssettag $0x0;
	lr =	simm.s32 $0x1  }
0x2: {  	[smem:$0x3F8F] =	sst lr;
	_ =	strace $0xD0000000  }
0x3: {  	_ = 	snop  }
0x4: {  	_ = 	snop  }
0x5: {  	_ = 	snop  }
0x6: {  	_ = 	snop  }
0x7: {  	_ = 	snop  }
__scs_overlays_trampoline_lowered:
0x8: {  	[smem:$0x3F9E] =	sst s0  }
0x9: {  	[smem:$0x3F9F] =	sst s1  }
0xa: {  	[smem:$0x3FA0] =	sst s2  }
0xb: {  	[smem:$0x3FA1] =	sst s3  }
0xc: {  	[smem:$0x3FA2] =	sst s4  }
0xd: {  	[smem:$0x3FA3] =	sst s5  }
0xe: {  	[smem:$0x3FA4] =	sst s6  }
0xf: {  	[smem:$0x3FA5] =	sst s7  }
0x10: {  	[smem:$0x3FA6] =	sst s8  }
0x11: {  	[smem:$0x3FA7] =	sst s9;
	s0 =	simm.s32 @!p0 $0x0  }
0x12: {  	s1 =	sld [smem:$0x3F8D];
	s0 =	simm.s32 @p0 $0x1  }
0x13: {  	[smem:$0x3FA8] =	sst s0;
	s0 =	simm.s32 @!p1 $0x0  }
0x14: {  	s2 =	sld [smem:$0x3F8C];
	s0 =	simm.s32 @p1 $0x1  }
0x15: {  	[smem:$0x3FA9] =	sst s0;
	s0 =	simm.s32 @!p2 $0x0  }
0x16: {  	s3 =	sld [smem:$0x3FDB];
	s0 =	simm.s32 @p2 $0x1  }
0x17: {  	s4 =	simm.s32 $0x1BF5;
	[smem:$0x3FAB] =	sst s0  }
0x18: {  	s0 =	sld [smem:$0x3F8E];
	_ =	swait.ge [sflag:s4], $0x0  }
0x19: {  	s7 =	sld [smem:$0x3F8F]  }
0x1a: {  	s8 =	sadd.s32 $0xFFFFE003, lr  }
0x1b: {  	s9 =	sadd.s32 $0xFFFFFEF7, lr;
	s5 =	simm.s32 $0xFFFFFFFF;
	p2 =	slt.u32 s8, $0xFFFFF086  }
0x1c: {  	p1 =	slt.u32 s9, $0xF7A;
	s5 =	simm.s32 @!p2 $0x0  }
0x1d: {  	s5 =	simm.s32 @p1 $0x1;
	p0 =	seq.s32 s7, s2  }
0x1e: {  	s7 =	smul.u32 @!p0 $0xF7A, s2;
	p2 =	seq.s32 @!p0 s5, $0x0  }
0x1f: {  	s9 =	smul.u32 $0xF7A, s1;
	s8 =	simm.s32 @!p0 $0x1BF5;
	p2 =	por !p2, p0  }
0x20: {  	[sflag:s8] =	ssyncset.s32 @!p0 $0xFFFFF086;
	s6 =	sadd.s32 @!p0 s3, s7;
	s7 =	simm.s32 @!p0 $0x108  }
0x21: {  	s3 =	sadd.s32 s3, s9;
	s6 =	sadd.s32 @!p0 $0x88, s6;
	s7 =	simm.s32 @p2 $0x1082  }
0x22: {  	[simem:s7], [sflag:s8] =	dma.local @!p0 [hbm:s6], $0xF7A  }
0x23: {  	s9 =	sor.u32 $0xD0000000, s2;
	s6 =	simm.s32 $0x108;
	_ =	swait.ge @!p0 [sflag:s8], $0x0  }
0x24: {  	s3 =	sadd.s32 $0x88, s3;
	s6 =	simm.s32 @!p1 $0x1082;
	[sflag:s4] =	ssyncset.s32 $0xFFFFF086  }
0x25: {  	[simem:s6], [sflag:s4] =	dma.local [hbm:s3], $0xF7A  }
0x26: {  	[smem:$0x3F8F] =	sst s1;
	(tag) =	ssettag s2;
	_ =	strace s9  }
0x27: {  	s1 =	sld [smem:$0x3F9F]  }
0x28: {  	s2 =	sld [smem:$0x3FA0]  }
0x29: {  	s4 =	sld [smem:$0x3FA2]  }
0x2a: {  	p0 =	seq.s32 s5, $0x0;
	s5 =	sld [smem:$0x3FA3]  }
0x2b: {  	s6 =	sld [smem:$0x3FA4]  }
0x2c: {  	s7 =	sld [smem:$0x3FA5]  }
0x2d: {  	s3 =	simm.s32 $0x108;
	s8 =	sld [smem:$0x3FA6]  }
0x2e: {  	s3 =	simm.s32 @!p0 $0x1082;
	s9 =	sld [smem:$0x3FA7]  }
0x2f: {  	lr =	sadd.s32 s0, s3;
	s0 =	sld [smem:$0x3F9E]  }
0x30: {  	s3 =	sld [smem:$0x3FA1]  }
0x31: {  	[smem:$0x3FAA] =	sst s10  }
0x32: {  	s10 =	sld [smem:$0x3FA8];
	_ =	sdelay $0x3  }
0x33: {  	p0 =	seq.s32 s10, $0x1;
	s10 =	sld [smem:$0x3FAA];
	_ =	sdelay $0x3  }
0x34: {  	[smem:$0x3FAA] =	sst s10  }
0x35: {  	s10 =	sld [smem:$0x3FA9];
	_ =	sdelay $0x3  }
0x36: {  	p1 =	seq.s32 s10, $0x1;
	s10 =	sld [smem:$0x3FAA];
	_ =	sdelay $0x3  }
0x37: {  	[smem:$0x3FAA] =	sst s10  }
0x38: {  	s10 =	sld [smem:$0x3FAB]  }
0x39: {  	_ = 	snop;
	(pc) =	sbr.ind lr, $3  }
0x3a: {  	_ = 	snop  }
0x3b: {  	_ = 	snop  }
0x3c: {  	p2 =	seq.s32 s10, $0x1;
	s10 =	sld [smem:$0x3FAA]  }
0x3d: {  	_ =	shalt  }
0x3e: {  	_ =	shalt  }
0x3f: {  	_ =	shalt  }
0x40: {  	_ =	shalt  }
0x41: {  	_ =	shalt  }
0x42: {  	_ =	shalt  }
0x43: {  	_ =	shalt  }
0x44: {  	_ =	shalt  }
0x45: {  	_ =	shalt  }
0x46: {  	_ =	shalt  }
0x47: {  	_ =	shalt  }
0x48: {  	_ =	shalt  }
0x49: {  	_ =	shalt  }
0x4a: {  	_ =	shalt  }
0x4b: {  	_ =	shalt  }
0x4c: {  	_ =	shalt  }
0x4d: {  	_ =	shalt  }
0x4e: {  	_ =	shalt  }
0x4f: {  	_ =	shalt  }
0x50: {  	_ =	shalt  }
0x51: {  	_ =	shalt  }
0x52: {  	_ =	shalt  }
0x53: {  	_ =	shalt  }
0x54: {  	_ =	shalt  }
0x55: {  	_ =	shalt  }
0x56: {  	_ =	shalt  }
0x57: {  	_ =	shalt  }
0x58: {  	_ =	shalt  }
0x59: {  	_ =	shalt  }
0x5a: {  	_ =	shalt  }
0x5b: {  	_ =	shalt  }
0x5c: {  	_ =	shalt  }
0x5d: {  	_ =	shalt  }
0x5e: {  	_ =	shalt  }
0x5f: {  	_ =	shalt  }
0x60: {  	_ =	shalt  }
0x61: {  	_ =	shalt  }
0x62: {  	_ =	shalt  }
0x63: {  	_ =	shalt  }
0x64: {  	_ =	shalt  }
0x65: {  	_ =	shalt  }
0x66: {  	_ =	shalt  }
0x67: {  	_ =	shalt  }
0x68: {  	_ =	shalt  }
0x69: {  	_ =	shalt  }
0x6a: {  	_ =	shalt  }
0x6b: {  	_ =	shalt  }
0x6c: {  	_ =	shalt  }
0x6d: {  	_ =	shalt  }
0x6e: {  	_ =	shalt  }
0x6f: {  	_ =	shalt  }
0x70: {  	_ =	shalt  }
0x71: {  	_ =	shalt  }
0x72: {  	_ =	shalt  }
0x73: {  	_ =	shalt  }
0x74: {  	_ =	shalt  }
0x75: {  	_ =	shalt  }
0x76: {  	_ =	shalt  }
0x77: {  	_ =	shalt  }
0x78: {  	_ =	shalt  }
0x79: {  	_ =	shalt  }
0x7a: {  	_ =	shalt  }
0x7b: {  	_ =	shalt  }
0x7c: {  	_ =	shalt  }
0x7d: {  	_ =	shalt  }
0x7e: {  	_ =	shalt  }
0x7f: {  	_ =	shalt  }
0x80: {  	_ =	shalt  }
0x81: {  	_ =	shalt  }
0x82: {  	_ =	shalt  }
0x83: {  	_ =	shalt  }
0x84: {  	_ =	shalt  }
0x85: {  	_ =	shalt  }
0x86: {  	_ =	shalt  }
0x87: {  	_ =	shalt  }
.Lfunc_end0:
.L_simem_size_0:
called_computation.3_lowered:
.L_overlay_start_0:
0x88: {  	s2 =	sld [smem:$0x3FD9]  }
0x89: {  	s3 =	sld [smem:$0x3FFE];
	_ =	sdelay $0x1  }
0x8a: {  	s1 =	srdreg.scid  }
0x8b: {  	s0 =	sand.u32 $0x1, s1  }
0x8c: {  	s16 =	sshll.u32 s0, $0xA;
	s2 =	sadd.s32 s3, s2  }
0x8d: {  	s2 =	sadd.s32 s2, s16  }
0x8e: {  	[smem:$0x3FB6] =	sst s2  }
0x8f: {  	_ = 	snop  }
0x90: {  	(tm) =	ssettm $0x1  }
0x91: {  	s17 =	sld [smem:$0x3FFB];
	_ =	sdelay $0x3  }
0x92: {  	_ =	strace s17  }
0x93: {  	s2 =	sld [smem:$0x3FFC];
	_ =	sdelay $0x3  }
0x94: {  	_ =	strace s2  }
0x95: {  	s2 =	sld [smem:$0x3FFD];
	_ =	sdelay $0x3  }
0x96: {  	_ =	strace s2  }
0x97: {  	_ =	strace $0x8FFFFFFF  }
0x98: {  	s18 =	sld [smem:$0x3FDB];
	_ =	sdelay $0x1  }
0x99: {  	s19 =	simm.s32 $_scs_section_size  }
0x9a: {  	s4 =	simm.s32 $_size__tile_overlayer_lowered;
	s5 =	simm.s32 $_tile_overlayer_lowered  }
0x9b: {  	s22 =	simm.s32 $0x1BFF;
	s21 =	sshll.u32 s5, $0x1;
	s2 =	sadd.s32 s19, s18  }
0x9c: {  	s6 =	simm.s32 $0x0;
	s20 =	sshll.u32 s4, $0x1;
	s4 =	sadd.s32 s21, s2  }
0x9d: {  	[timem:s6], [sflag:s22] =	dma.local [hbm:s4], s20  }
0x9e: {  	_ =	swait.ge [sflag:s22], s20  }
0x9f: {  	s3 =	ssub.s32 $0x0, s20;
	[sflag:s22] =	ssyncset.done $0x0  }
0xa0: {  	[sflag:s22] =	ssyncadd.s32 s3;
	_ =	sdelay $0x1  }
0xa1: {  	s23 =	simm.s32 $0x1B8B  }
0xa2: {  	_ =	swait.ge [sflag:s23], $0x1  }
0xa3: {  	[sflag:s23] =	ssyncset.done $0x0  }
0xa4: {  	s25 =	simm.s32 $0x1B8E;
	s24 =	sld [smem:$0x3FFE];
	[sflag:s23] =	ssyncadd.s32 $0xFFFFFFFF  }
0xa5: {  	s26 =	simm.s32 $execute0_lowered;
	[smem:$0x3FD2] =	sst s25  }
0xa6: {  	s4 =	sshll.u32 s26, $0x1;
	_ =	strace $0x8000004F;
	[dreg:$0x1] =	wrdreg $0xFFFFFFFF  }
0xa7: {  	s28 =	simm.s32 $_size_execute0_lowered;
	s2 =	sadd.s32 s2, s4;
	[dreg:$0x0] =	wrdreg $0x0  }
0xa8: {  	s4 =	sshll.u32 s28, $0x1;
	[dreg:$0x2] =	wrdreg s2  }
0xa9: {  	[dreg:$0x3] =	wrdreg s4  }
0xaa: {  	[dreg:$0x4] =	wrdreg $0xC0  }
0xab: {  	_ =	task [dreg:s6], $0x5FFFF  }
0xac: {  	[dreg:$0x1] =	wrdreg $0xFFFFFFFF  }
0xad: {  	[dreg:$0x0] =	wrdreg $0x60  }
0xae: {  	[dreg:$0x2] =	wrdreg s24  }
0xaf: {  	[dreg:$0x3] =	wrdreg $0xA4000  }
0xb0: {  	[dreg:$0x4] =	wrdreg $0x9  }
0xb1: {  	_ =	task.clear_ibuf [dreg:s6], $0x5FFFF;
	_ =	strace $0x9000004F  }
0xb2: {  	s29 =	simm.s32 $0x9;
	_ =	strace $0x80000051  }
0xb3: {  	_ =	swait.ge [sflag:s29], $0x1  }
0xb4: {  	[sflag:s29] =	ssyncadd.s32 $0xFFFFFFFF  }
0xb5: {  	_ =	strace $0x90000051  }
0xb6: {  	_ =	sfence  }
0xb7: {  	s30 =	sld [smem:$0x0];
	_ =	sdelay $0x2  }
0xb8: {  	s31 =	sshll.u32 s1, $0xD;
	s1 =	sshrl.u32 s1, $0x2  }
0xb9: {  	s3 =	sand.u32 $0x4000, s31;
	s1 =	sadd.s32 s1, s30  }
0xba: {  	s0 =	sor.u32 s3, s0;
	s1 =	sshll.u32 s1, $0x11  }
0xbb: {  	s0 =	sor.u32 s1, s0  }
0xbc: {  	s0 =	sadd.s32 $0x8F2B, s0  }
0xbd: {  	[sflag:s0] =	ssyncadd.remote.s32 $0x1  }
0xbe: {  	_ =	sfence.sel $0xFFFF  }
0xbf: {  	[dreg:$0x0] =	wrdreg $0xFFFFFFFF;
	(pc) =	sbr.abs _section_cstart, $3  }
0xc0: {  	[dreg:$0x1] =	wrdreg $0xFFFFFFFF  }
0xc1: {  	_ =	task.clear_ibuf [dreg:s6], $0x2FFFF;
	_ =	strace $0x9FFFFFFF  }
0xc2: {  	(tm) =	ssettm $0x7FFFFFFF  }
0xc3: {  	_ =	shalt  }
tec
execute0_lowered:
.L_overlay_start_1:
0x0: {  	(tag) =	ssettag $0x1  }
0x1: {  	s0 =	rddreg [dreg:$0x0]  }
0x2: {  	s2 =	rddreg [dreg:$0x1];
	s3 =	simm.s32 $0x0  }
0x3: {  	s13 =	stileid.u32;
	s1 =	srdreg.scid;
	s19 =	simm.s32 $0x5  }
0x4: {  	s29 =	simm.s32 $0x3;
	s30 =	simm.s32 $0x4;
	s31 =	simm.s32 $0x0  }
0x5: {  	[smem:$0x7FF] =	sst s3;
	s7 =	smul.u32 $0x14000, s13;
	s4 =	sadd.s32 $0xA34600, s0  }
0x6: {  	s1 =	sand.u32 $0x1, s1;
	s5 =	sadd.s32 $0x552600, s0;
	s6 =	sadd.s32 $0x16800, s0  }
0x7: {  	s11 =	sshll.u32 s13, $0x1;
	s12 =	smul.u32 $0x50000, s13;
	s25 =	sshll.u32 s13, $0x6  }
0x8: {  	_ =	strace $0x80000050;
	s8 =	smul.u32 $0x140000, s1;
	s10 =	ssub.s32 $0x2, s1  }
0x9: {  	s1 =	sor.u32 s1, s11;
	s9 =	sshrl.u32 s7, $0x3;
	s22 =	sshrl.u32 s10, $0x1  }
0xa: {  	s24 =	sshrl.u32 s12, $0x2;
	s8 =	sadd.s32 s7, s8;
	s7 =	sadd.s32 $0xCA00, s0  }
0xb: {  	s9 =	sadd.s32 s9, s0;
	s23 =	ssub.s32 s10, s22;
	s18 =	sadd.s32 s24, s2  }
0xc: {  	s10 =	sor.u32 $0x1C05, s25;
	s24 =	simm.s32 $0x2;
	s8 =	sshrl.u32 s8, $0x3  }
0xd: {  	s25 =	simm.s32 $0x50;
	s0 =	sadd.s32 s8, s0;
	s8 =	smul.u32 $0x2710, s1  }
0xe: {  	s9 =	sadd.s32 $0x52A600, s9;
	s17 =	smax.u32 s23, $0x1;
	s1 =	smul.u32 $0x27100, s1  }
0xf: {  	s18 =	sshrl.u32 s18, $0x3;
	s23 =	simm.s32 $0x1;
	[dreg:$0x3] =	wrdreg s9  }
0x10: {  	s16 =	sadd.s32 $0x21400, s0;
	s26 =	sshrl.u32 s8, $0x3;
	s15 =	sadd.s32 s5, s1  }
0x11: {  	s28 =	sadd.s32 s6, s26;
	s12 =	sadd.s32 s7, s26;
	s9 =	sadd.s32 $0xA, s26  }
0x12: {  	[dreg:$0x4] =	wrdreg s28;
	s13 =	sadd.s32 s6, s9;
	s14 =	sadd.s32 s7, s9  }
.LBB2_1:
0x13: {  	s0 =	rddreg [dreg:$0x3]  }
0x14: {  	[spmem:s18], [sflag:s10] =	dma.local [hbm:s0], $0x2800  }
0x15: {  	_ =	swait.ge [sflag:s19], $0x2800  }
0x16: {  	[sflag:s19] =	ssyncset.done $0x0  }
0x17: {  	[sflag:s19] =	ssyncadd.s32 $0xFFFFD800  }
0x18: {  	[bflag:$0x0] =	sbarrier.arrive $0xFFFF  }
0x19: {  	s11 =	rddreg [dreg:$0x4]  }
0x1a: {  	[tilespmem:s3], [sflag:$0x1] =	stream.linear.gather [hbm4b:s11+s3], $0x50, $0x38;
	[tilespmem:$0x1E400] =	vst v63  }
0x1b: {  	s20 =	simm.s32 $0x200  }
0x1c: {  	[tilespmem:s20], [sflag:$0x2] =	stream.linear.gather [hbm4b:s12+s3], $0x50, $0x38;
	[tilespmem:$0x1E400] =	vst v63  }
0x1d: {  	s21 =	simm.s32 $0x80  }
0x1e: {  	[tilespmem:s21], [sflag:$0x1] =	stream.linear.gather [hbm4b:s13+s3], $0x50, $0x38;
	[tilespmem:$0x1E400] =	vst v63  }
0x1f: {  	s22 =	simm.s32 $0x280  }
0x20: {  	[tilespmem:s22], [sflag:$0x2] =	stream.linear.gather [hbm4b:s14+s3], $0x50, $0x38;
	[tilespmem:$0x1E400] =	vst v63  }
0x21: {  	_ =	swait.ge [sflag:s23], $0x50  }
0x22: {  	[sflag:s23] =	ssyncset.done $0x0  }
0x23: {  	[sflag:s23] =	ssyncadd.s32 $0xFFFFFFB0  }
0x24: {  	_ =	swait.ge [sflag:s24], $0x50  }
0x25: {  	[sflag:s24] =	ssyncset.done $0x0  }
0x26: {  	s26 =	simm.s32 $0x400;
	[sflag:s24] =	ssyncadd.s32 $0xFFFFFFB0  }
0x27: {  	[tilespmem:s26], [sflag:$0x3] =	stream.indirect.gather [hbm4b:s4+s25], $0x80, s3, s25, $0xb8;
	[tilespmem:$0x1E400] =	vst v63  }
0x28: {  	s28 =	simm.s32 $0x5400;
	p0 =	por $0x0, $0x0;
	s0 =	simm.s32 $0x0  }
0x29: {  	[tilespmem:s28], [sflag:$0x4] =	stream.linear.gather [hbm4b:s15+s3], $0x2800, $0x38;
	[tilespmem:$0x1E400] =	vst v63  }
.LBB2_2:
0x2a: {  	s1 =	sadd.s32 $0x2, s0  }
0x2b: {  	s9 =	smin.u32 s1, $0x7C  }
0x2c: {  	s9 =	smul.u32 $0x50, s9;
	_ =	sdelay $0x1  }
0x2d: {  	s9 =	sadd.s32 s8, s9  }
0x2e: {  	s1 =	sshll.u32 s1, $0x7;
	s9 =	sshrl.u32 s9, $0x3  }
0x2f: {  	s1 =	sand.u32 $0x180, s1;
	s11 =	sadd.s32 s6, s9  }
0x30: {  	[tilespmem:s1], [sflag:$0x1] =	stream.linear.gather [hbm4b:s11+s3], $0x50, $0x38;
	[tilespmem:$0x1E400] =	vst v63  }
0x31: {  	s9 =	sadd.s32 s7, s9;
	s1 =	sor.u32 $0x200, s1  }
0x32: {  	[tilespmem:s1], [sflag:$0x2] =	stream.linear.gather [hbm4b:s9+s3], $0x50, $0x38;
	[tilespmem:$0x1E400] =	vst v63  }
0x33: {  	s1 =	sadd.s32 $0x1, s0  }
0x34: {  	_ =	swait.ge [sflag:s23], $0x50;
	s22 =	smin.u32 s1, $0x7C  }
0x35: {  	s26 =	sshll.u32 s1, $0x7;
	s20 =	sand.u32 $0x1, s1;
	[sflag:s23] =	ssyncset.done $0x0  }
0x36: {  	p1 =	seq.s32 s20, $0x1;
	s9 =	smul.u32 $0x50, s22;
	[sflag:s23] =	ssyncadd.s32 $0xFFFFFFB0  }
0x37: {  	s20 =	simm.s32 $0x2800;
	s11 =	sand.u32 $0x180, s26;
	_ =	swait.ge [sflag:s24], $0x50  }
0x38: {  	s20 =	simm.s32 @!p1 $0x0;
	s9 =	sadd.s32 s8, s9;
	[sflag:s24] =	ssyncset.done $0x0  }
0x39: {  	s21 =	sor.u32 $0x400, s20;
	s9 =	sshll.u32 s9, $0x4;
	[sflag:s24] =	ssyncadd.s32 $0xFFFFFFB0  }
0x3a: {  	[tilespmem:s21], [sflag:$0x3] =	stream.indirect.gather [hbm4b:s4+s25], $0x80, s11, s25, $0xb8;
	[tilespmem:$0x1E400] =	vst v63  }
0x3b: {  	s20 =	sor.u32 $0x5400, s20;
	s9 =	sadd.s32 s5, s9  }
0x3c: {  	[tilespmem:s20], [sflag:$0x4] =	stream.linear.gather [hbm4b:s9+s3], $0x2800, $0x38;
	[tilespmem:$0x1E400] =	vst v63  }
0x3d: {  	s11 =	simm.s32 $0x1;
	_ =	swait.ge [sflag:s29], $0x2800  }
0x3e: {  	s11 =	simm.s32 @!p0 $0x0;
	[sflag:s29] =	ssyncset.done $0x0  }
0x3f: {  	s21 =	smul.u32 $0xA000, s11;
	[sflag:s29] =	ssyncadd.s32 $0xFFFFD800  }
0x40: {  	_ =	swait.ge [sflag:s30], $0x2800  }
0x41: {  	s11 =	sshrl.u32 s21, $0x2;
	[sflag:s30] =	ssyncset.done $0x0  }
0x42: {  	s21 =	sor.u32 $0x500, s11;
	[sflag:s30] =	ssyncadd.s32 $0xFFFFD800  }
0x43: {  	s11 =	sadd.s32 $0x5500, s11;
	v0 =	vld [tilespmem:s21+$0x80]  }
0x44: {  	v1 =	vld [tilespmem:s11+$0x80]  }
0x45: {  	v2 =	vld [tilespmem:s11+$0xFFFFFF00]  }
0x46: {  	v3 =	vld [tilespmem:s21+$0xFFFFFF80]  }
0x47: {  	v4 =	vld [tilespmem:s11+$0xFFFFFF80]  }
0x48: {  	v5 =	vld [tilespmem:s11+$0x0]  }
0x49: {  	v0 =	vadd.f32 v1, v0;
	v1 =	vld [tilespmem:s21+$0x0]  }
0x4a: {  	v6 =	vld [tilespmem:s21+$0xFFFFFF00]  }
0x4b: {  	v0 =	vmax.f32 v0, $0.0e+00  }
0x4c: {  	v3 =	vadd.f32 v4, v3;
	[tilespmem:s21+$0x80] =	vst v0;
	v0 =	vld [tilespmem:s21+$0x90]  }
0x4d: {  	v7 =	vld [tilespmem:s11+$0x90]  }
0x4e: {  	v8 =	vld [tilespmem:s21+$0xFFFFFF90];
	v3 =	vmax.f32 v3, $0.0e+00;
	v1 =	vadd.f32 v5, v1  }
0x4f: {  	v4 =	vld [tilespmem:s21+$0xFFFFFF10];
	v2 =	vadd.f32 v2, v6;
	[tilespmem:s21+$0xFFFFFF80] =	vst v3  }
0x50: {  	v5 =	vld [tilespmem:s11+$0xFFFFFF90];
	v1 =	vmax.f32 v1, $0.0e+00  }
0x51: {  	v2 =	vmax.f32 v2, $0.0e+00;
	v3 =	vld [tilespmem:s21+$0x10];
	[tilespmem:s21+$0x0] =	vst v1  }
0x52: {  	[tilespmem:s21+$0xFFFFFF00] =	vst v2;
	v0 =	vadd.f32 v7, v0;
	v1 =	vld [tilespmem:s11+$0x10]  }
0x53: {  	v2 =	vld [tilespmem:s11+$0xFFFFFF10]  }
0x54: {  	v0 =	vmax.f32 v0, $0.0e+00  }
0x55: {  	v5 =	vadd.f32 v5, v8;
	[tilespmem:s21+$0x90] =	vst v0;
	v0 =	vld [tilespmem:s21+$0xA0]  }
0x56: {  	v7 =	vld [tilespmem:s11+$0xA0]  }
0x57: {  	v6 =	vld [tilespmem:s21+$0xFFFFFF20];
	v5 =	vmax.f32 v5, $0.0e+00;
	v1 =	vadd.f32 v1, v3  }
0x58: {  	v2 =	vadd.f32 v2, v4;
	v8 =	vld [tilespmem:s21+$0xFFFFFFA0];
	[tilespmem:s21+$0xFFFFFF90] =	vst v5  }
0x59: {  	v4 =	vld [tilespmem:s11+$0xFFFFFFA0];
	v1 =	vmax.f32 v1, $0.0e+00  }
0x5a: {  	v2 =	vmax.f32 v2, $0.0e+00;
	v3 =	vld [tilespmem:s21+$0x20];
	[tilespmem:s21+$0x10] =	vst v1  }
0x5b: {  	[tilespmem:s21+$0xFFFFFF10] =	vst v2;
	v0 =	vadd.f32 v7, v0;
	v1 =	vld [tilespmem:s11+$0x20]  }
0x5c: {  	v2 =	vld [tilespmem:s11+$0xFFFFFF20]  }
0x5d: {  	v0 =	vmax.f32 v0, $0.0e+00  }
0x5e: {  	v4 =	vadd.f32 v4, v8;
	[tilespmem:s21+$0xA0] =	vst v0;
	v0 =	vld [tilespmem:s21+$0xB0]  }
0x5f: {  	v7 =	vld [tilespmem:s11+$0xB0]  }
0x60: {  	v9 =	vld [tilespmem:s21+$0x30];
	v4 =	vmax.f32 v4, $0.0e+00;
	v1 =	vadd.f32 v1, v3  }
0x61: {  	v2 =	vadd.f32 v2, v6;
	v8 =	vld [tilespmem:s21+$0xFFFFFFB0];
	[tilespmem:s21+$0xFFFFFFA0] =	vst v4  }
0x62: {  	v3 =	vld [tilespmem:s11+$0xFFFFFFB0];
	v1 =	vmax.f32 v1, $0.0e+00  }
0x63: {  	v5 =	vld [tilespmem:s21+$0xFFFFFF30];
	[tilespmem:s21+$0x20] =	vst v1;
	v1 =	vmax.f32 v2, $0.0e+00  }
0x64: {  	v0 =	vadd.f32 v7, v0;
	[tilespmem:s21+$0xFFFFFF20] =	vst v1;
	v1 =	vld [tilespmem:s11+$0x30]  }
0x65: {  	v6 =	vld [tilespmem:s11+$0xFFFFFF30]  }
0x66: {  	v10 =	vld [tilespmem:s21+$0xFFFFFF40];
	v0 =	vmax.f32 v0, $0.0e+00  }
0x67: {  	v3 =	vadd.f32 v3, v8;
	[tilespmem:s21+$0xB0] =	vst v0;
	v0 =	vld [tilespmem:s21+$0xC0]  }
0x68: {  	v7 =	vld [tilespmem:s11+$0xC0]  }
0x69: {  	v11 =	vld [tilespmem:s21+$0xFFFFFFD0];
	v3 =	vmax.f32 v3, $0.0e+00;
	v1 =	vadd.f32 v1, v9  }
0x6a: {  	v4 =	vld [tilespmem:s21+$0xFFFFFFC0];
	[tilespmem:s21+$0xFFFFFFB0] =	vst v3;
	v5 =	vadd.f32 v6, v5  }
0x6b: {  	v6 =	vld [tilespmem:s11+$0xFFFFFFC0];
	v1 =	vmax.f32 v1, $0.0e+00  }
0x6c: {  	v2 =	vld [tilespmem:s21+$0x40];
	[tilespmem:s21+$0x30] =	vst v1;
	v1 =	vmax.f32 v5, $0.0e+00  }
0x6d: {  	v0 =	vadd.f32 v7, v0;
	v5 =	vld [tilespmem:s11+$0x40];
	[tilespmem:s21+$0xFFFFFF30] =	vst v1  }
0x6e: {  	v1 =	vld [tilespmem:s11+$0xFFFFFF40]  }
0x6f: {  	v8 =	vld [tilespmem:s21+$0xFFFFFF50];
	v0 =	vmax.f32 v0, $0.0e+00  }
0x70: {  	[tilespmem:s21+$0xC0] =	vst v0;
	v0 =	vadd.f32 v6, v4;
	v6 =	vld [tilespmem:s21+$0xD0]  }
0x71: {  	v7 =	vld [tilespmem:s11+$0xD0]  }
0x72: {  	v3 =	vld [tilespmem:s21+$0xFFFFFF60];
	v0 =	vmax.f32 v0, $0.0e+00;
	v2 =	vadd.f32 v5, v2  }
0x73: {  	v9 =	vld [tilespmem:s21+$0x50];
	[tilespmem:s21+$0xFFFFFFC0] =	vst v0;
	v0 =	vadd.f32 v1, v10  }
0x74: {  	v1 =	vld [tilespmem:s11+$0xFFFFFFD0];
	v2 =	vmax.f32 v2, $0.0e+00  }
0x75: {  	v4 =	vld [tilespmem:s21+$0xFFFFFFE0];
	[tilespmem:s21+$0x40] =	vst v2;
	v0 =	vmax.f32 v0, $0.0e+00  }
0x76: {  	v2 =	vld [tilespmem:s11+$0x50];
	v6 =	vadd.f32 v7, v6;
	[tilespmem:s21+$0xFFFFFF40] =	vst v0  }
0x77: {  	v0 =	vld [tilespmem:s11+$0xFFFFFF50]  }
0x78: {  	s20 =	sand.u32 $0x1, s0;
	v5 =	vld [tilespmem:s21+$0x60];
	v6 =	vmax.f32 v6, $0.0e+00  }
0x79: {  	s22 =	smul.u32 $0x50, s20;
	v1 =	vadd.f32 v1, v11;
	[tilespmem:s21+$0xD0] =	vst v6;
	v6 =	vld [tilespmem:s21+$0xE0]  }
0x7a: {  	v10 =	vld [tilespmem:s11+$0xE0]  }
0x7b: {  	s26 =	sadd.s32 $0x50, s22;
	s28 =	sadd.s32 $0x4, s22;
	v1 =	vmax.f32 v1, $0.0e+00;
	v7 =	vadd.f32 v2, v9;
	v2 =	vld [tilespmem:s21+$0xFFFFFF70]  }
0x7c: {  	p1 =	slt.u32 s28, s26;
	[tilespmem:s21+$0xFFFFFFD0] =	vst v1;
	v0 =	vadd.f32 v0, v8;
	v1 =	vld [tilespmem:s21+$0xFFFFFFF0]  }
.Ltmp0:
0x7d: {  	v8 =	vmax.f32 v7, $0.0e+00;
	v7 =	vld [tilespmem:s11+$0xFFFFFFE0];
	(pc) =	sbr.rel @!p1 .LBB2_4-.Ltmp0, $4  }
0x7e: {  	[tilespmem:s21+$0x50] =	vst v8;
	v8 =	vmax.f32 v0, $0.0e+00;
	v0 =	vld [tilespmem:s21+$0x70]  }
0x7f: {  	[tilespmem:s21+$0xFFFFFF50] =	vst v8;
	v8 =	vld [tilespmem:s11+$0x60];
	v6 =	vadd.f32 v10, v6  }
0x80: {  	v9 =	vld [tilespmem:s11+$0xFFFFFF60]  }
0x81: {  	s9 =	sadd.s32 $0x200, s21;
	s22 =	smov.u32 s11;
	v10 =	vmax.f32 v6, $0.0e+00;
	v6 =	vld [tilespmem:s21+$0xF0]  }
.LBB2_3:
0x82: {  	v11 =	vld [tilespmem:s9+$0x80];
	v4 =	vadd.f32 v7, v4;
	[tilespmem:s21+$0xE0] =	vst v10  }
0x83: {  	s22 =	sadd.s32 $0x200, s22;
	v7 =	vld [tilespmem:s11+$0xF0]  }
0x84: {  	s28 =	sadd.s32 $0x4, s28;
	v10 =	vld [tilespmem:s22+$0x80];
	v4 =	vmax.f32 v4, $0.0e+00;
	v5 =	vadd.f32 v8, v5  }
0x85: {  	p1 =	slt.u32 s28, s26;
	v8 =	vld [tilespmem:s22+$0xFFFFFF00];
	v3 =	vadd.f32 v9, v3;
	[tilespmem:s21+$0xFFFFFFE0] =	vst v4  }
0x86: {  	v4 =	vld [tilespmem:s9+$0xFFFFFF80];
	v5 =	vmax.f32 v5, $0.0e+00  }
0x87: {  	v9 =	vld [tilespmem:s22+$0xFFFFFF80];
	v3 =	vmax.f32 v3, $0.0e+00;
	[tilespmem:s21+$0x60] =	vst v5  }
0x88: {  	v5 =	vld [tilespmem:s9+$0x0];
	[tilespmem:s21+$0xFFFFFF60] =	vst v3;
	v3 =	vadd.f32 v7, v6  }
0x89: {  	v6 =	vld [tilespmem:s22+$0x0];
	v7 =	vadd.f32 v10, v11  }
0x8a: {  	v10 =	vld [tilespmem:s9+$0xFFFFFF00];
	v3 =	vmax.f32 v3, $0.0e+00  }
0x8b: {  	v11 =	vld [tilespmem:s9+$0xFFFFFF10];
	v7 =	vmax.f32 v7, $0.0e+00;
	[tilespmem:s21+$0xF0] =	vst v3  }
0x8c: {  	v3 =	vadd.f32 v9, v4;
	[tilespmem:s9+$0x80] =	vst v7;
	v4 =	vld [tilespmem:s9+$0x90]  }
0x8d: {  	v7 =	vld [tilespmem:s22+$0x90]  }
0x8e: {  	v3 =	vmax.f32 v3, $0.0e+00;
	v9 =	vld [tilespmem:s9+$0xFFFFFF90];
	v5 =	vadd.f32 v6, v5  }
0x8f: {  	v6 =	vadd.f32 v8, v10;
	[tilespmem:s9+$0xFFFFFF80] =	vst v3;
	v3 =	vld [tilespmem:s9+$0x10]  }
0x90: {  	v8 =	vld [tilespmem:s22+$0xFFFFFF90];
	v5 =	vmax.f32 v5, $0.0e+00  }
0x91: {  	v6 =	vmax.f32 v6, $0.0e+00;
	v10 =	vld [tilespmem:s9+$0xFFFFFF20];
	[tilespmem:s9+$0x0] =	vst v5  }
0x92: {  	[tilespmem:s9+$0xFFFFFF00] =	vst v6;
	v5 =	vld [tilespmem:s22+$0x10];
	v4 =	vadd.f32 v7, v4  }
0x93: {  	v6 =	vld [tilespmem:s22+$0xFFFFFF10]  }
0x94: {  	v7 =	vld [tilespmem:s9+$0xFFFFFFA0];
	v4 =	vmax.f32 v4, $0.0e+00  }
0x95: {  	v8 =	vadd.f32 v8, v9;
	[tilespmem:s9+$0x90] =	vst v4;
	v4 =	vld [tilespmem:s9+$0xA0]  }
0x96: {  	v9 =	vld [tilespmem:s22+$0xA0]  }
0x97: {  	v8 =	vmax.f32 v8, $0.0e+00;
	v3 =	vadd.f32 v5, v3;
	v5 =	vld [tilespmem:s9+$0x20]  }
0x98: {  	v6 =	vadd.f32 v6, v11;
	v11 =	vld [tilespmem:s9+$0xFFFFFF30];
	[tilespmem:s9+$0xFFFFFF90] =	vst v8  }
0x99: {  	v8 =	vld [tilespmem:s22+$0xFFFFFFA0];
	v3 =	vmax.f32 v3, $0.0e+00  }
0x9a: {  	v6 =	vmax.f32 v6, $0.0e+00;
	v12 =	vld [tilespmem:s9+$0xFFFFFFB0];
	[tilespmem:s9+$0x10] =	vst v3  }
0x9b: {  	[tilespmem:s9+$0xFFFFFF10] =	vst v6;
	v3 =	vld [tilespmem:s22+$0x20];
	v4 =	vadd.f32 v9, v4  }
0x9c: {  	v6 =	vld [tilespmem:s22+$0xFFFFFF20]  }
0x9d: {  	v9 =	vld [tilespmem:s9+$0x30];
	v4 =	vmax.f32 v4, $0.0e+00  }
0x9e: {  	v7 =	vadd.f32 v8, v7;
	[tilespmem:s9+$0xA0] =	vst v4;
	v4 =	vld [tilespmem:s9+$0xB0]  }
0x9f: {  	v8 =	vld [tilespmem:s22+$0xB0]  }
0xa0: {  	v13 =	vld [tilespmem:s9+$0xFFFFFF40];
	v7 =	vmax.f32 v7, $0.0e+00;
	v3 =	vadd.f32 v3, v5  }
0xa1: {  	v5 =	vadd.f32 v6, v10;
	[tilespmem:s9+$0xFFFFFFA0] =	vst v7;
	v6 =	vld [tilespmem:s9+$0xFFFFFFC0]  }
0xa2: {  	v7 =	vld [tilespmem:s22+$0xFFFFFFB0];
	v3 =	vmax.f32 v3, $0.0e+00  }
0xa3: {  	v5 =	vmax.f32 v5, $0.0e+00;
	[tilespmem:s9+$0x20] =	vst v3;
	v10 =	vld [tilespmem:s9+$0x40]  }
0xa4: {  	[tilespmem:s9+$0xFFFFFF20] =	vst v5;
	v3 =	vld [tilespmem:s22+$0x30];
	v4 =	vadd.f32 v8, v4  }
0xa5: {  	v5 =	vld [tilespmem:s22+$0xFFFFFF30]  }
0xa6: {  	v8 =	vld [tilespmem:s9+$0xFFFFFF50];
	v4 =	vmax.f32 v4, $0.0e+00  }
0xa7: {  	v7 =	vadd.f32 v7, v12;
	[tilespmem:s9+$0xB0] =	vst v4;
	v4 =	vld [tilespmem:s9+$0xC0]  }
0xa8: {  	v12 =	vld [tilespmem:s22+$0xC0]  }
0xa9: {  	v7 =	vmax.f32 v7, $0.0e+00;
	v14 =	vld [tilespmem:s9+$0xFFFFFFD0];
	v3 =	vadd.f32 v3, v9  }
0xaa: {  	v5 =	vadd.f32 v5, v11;
	[tilespmem:s9+$0xFFFFFFB0] =	vst v7;
	v7 =	vld [tilespmem:s9+$0x50]  }
0xab: {  	v9 =	vld [tilespmem:s22+$0xFFFFFFC0];
	v11 =	vmax.f32 v3, $0.0e+00  }
0xac: {  	v5 =	vmax.f32 v5, $0.0e+00;
	v3 =	vld [tilespmem:s9+$0xFFFFFF60];
	[tilespmem:s9+$0x30] =	vst v11  }
0xad: {  	[tilespmem:s9+$0xFFFFFF30] =	vst v5;
	v5 =	vld [tilespmem:s22+$0x40];
	v11 =	vadd.f32 v12, v4  }
0xae: {  	v12 =	vld [tilespmem:s22+$0xFFFFFF40]  }
0xaf: {  	v4 =	vld [tilespmem:s9+$0xFFFFFFE0];
	v11 =	vmax.f32 v11, $0.0e+00  }
0xb0: {  	v6 =	vadd.f32 v9, v6;
	[tilespmem:s9+$0xC0] =	vst v11;
	v9 =	vld [tilespmem:s9+$0xD0]  }
0xb1: {  	v11 =	vld [tilespmem:s22+$0xD0]  }
0xb2: {  	v6 =	vmax.f32 v6, $0.0e+00;
	v10 =	vadd.f32 v5, v10;
	v5 =	vld [tilespmem:s9+$0x60]  }
0xb3: {  	v12 =	vadd.f32 v12, v13;
	[tilespmem:s9+$0xFFFFFFC0] =	vst v6;
	v6 =	vld [tilespmem:s11+$0xFFFFFF70]  }
0xb4: {  	v13 =	vld [tilespmem:s22+$0xFFFFFFD0];
	v10 =	vmax.f32 v10, $0.0e+00  }
0xb5: {  	v12 =	vmax.f32 v12, $0.0e+00;
	[tilespmem:s9+$0x40] =	vst v10;
	v10 =	vld [tilespmem:s11+$0xFFFFFFF0]  }
0xb6: {  	[tilespmem:s9+$0xFFFFFF40] =	vst v12;
	v12 =	vld [tilespmem:s22+$0x50];
	v9 =	vadd.f32 v11, v9  }
0xb7: {  	v11 =	vld [tilespmem:s22+$0xFFFFFF50]  }
0xb8: {  	v9 =	vmax.f32 v9, $0.0e+00;
	v2 =	vadd.f32 v6, v2;
	v6 =	vld [tilespmem:s11+$0x70];
	s11 =	smov.u32 s22  }
0xb9: {  	v13 =	vadd.f32 v13, v14;
	[tilespmem:s9+$0xD0] =	vst v9;
	v9 =	vld [tilespmem:s9+$0xE0]  }
0xba: {  	v14 =	vld [tilespmem:s22+$0xE0];
	v15 =	vmax.f32 v2, $0.0e+00;
	v10 =	vadd.f32 v10, v1  }
0xbb: {  	v2 =	vld [tilespmem:s9+$0xFFFFFF70];
	v1 =	vmax.f32 v13, $0.0e+00;
	v12 =	vadd.f32 v12, v7;
	[tilespmem:s21+$0xFFFFFF70] =	vst v15  }
0xbc: {  	v8 =	vadd.f32 v11, v8;
	[tilespmem:s9+$0xFFFFFFD0] =	vst v1;
	v1 =	vld [tilespmem:s9+$0xFFFFFFF0];
	v10 =	vmax.f32 v10, $0.0e+00  }
.Ltmp1:
0xbd: {  	v7 =	vld [tilespmem:s22+$0xFFFFFFE0];
	v11 =	vmax.f32 v12, $0.0e+00;
	[tilespmem:s21+$0xFFFFFFF0] =	vst v10;
	v6 =	vadd.f32 v6, v0;
	(pc) =	sbr.rel @p1 .LBB2_3-.Ltmp1, $4  }
0xbe: {  	v8 =	vmax.f32 v8, $0.0e+00;
	[tilespmem:s9+$0x50] =	vst v11;
	v0 =	vld [tilespmem:s9+$0x70]  }
0xbf: {  	[tilespmem:s9+$0xFFFFFF50] =	vst v8;
	v8 =	vld [tilespmem:s22+$0x60];
	v10 =	vadd.f32 v14, v9;
	v6 =	vmax.f32 v6, $0.0e+00  }
0xc0: {  	v9 =	vld [tilespmem:s22+$0xFFFFFF60];
	[tilespmem:s21+$0x70] =	vst v6;
	s21 =	smov.u32 s9  }
0xc1: {  	s9 =	sadd.s32 $0x200, s9;
	v10 =	vmax.f32 v10, $0.0e+00;
	v6 =	vld [tilespmem:s21+$0xF0]  }
.LBB2_4:
0xc2: {  	_ = 	snop  }
0xc3: {  	v4 =	vadd.f32 v7, v4  }
0xc4: {  	v5 =	vadd.f32 v8, v5  }
0xc5: {  	[tilespmem:s21+$0xE0] =	vst v10;
	v4 =	vmax.f32 v4, $0.0e+00;
	v3 =	vadd.f32 v9, v3  }
0xc6: {  	v58 =	vld [tilespmem:s11+$0xF0];
	[tilespmem:s21+$0xFFFFFFE0] =	vst v4;
	v59 =	vmax.f32 v5, $0.0e+00  }
0xc7: {  	v61 =	vld [tilespmem:s11+$0xFFFFFFF0];
	v3 =	vmax.f32 v3, $0.0e+00;
	[tilespmem:s21+$0x60] =	vst v59  }
0xc8: {  	[tilespmem:s21+$0xFFFFFF60] =	vst v3;
	v62 =	vld [tilespmem:s11+$0x70]  }
0xc9: {  	v60 =	vld [tilespmem:s11+$0xFFFFFF70];
	_ =	sdelay $0x1  }
0xca: {  	v6 =	vadd.f32 v58, v6  }
0xcb: {  	v1 =	vadd.f32 v61, v1  }
0xcc: {  	v63 =	vmax.f32 v6, $0.0e+00;
	v0 =	vadd.f32 v62, v0  }
0xcd: {  	s9 =	smul.u32 $0xA000, s20;
	[tilespmem:s21+$0xF0] =	vst v63;
	v1 =	vmax.f32 v1, $0.0e+00;
	v2 =	vadd.f32 v60, v2  }
0xce: {  	s0 =	sshll.u32 s0, $0x7;
	[tilespmem:s21+$0xFFFFFFF0] =	vst v1;
	v0 =	vmax.f32 v0, $0.0e+00  }
0xcf: {  	p1 =	seq.s32 s1, $0x7D;
	s0 =	sand.u32 $0x180, s0;
	s9 =	sshrl.u32 s9, $0x2;
	v2 =	vmax.f32 v2, $0.0e+00;
	[tilespmem:s21+$0x70] =	vst v0  }
.Ltmp2:
0xd0: {  	s0 =	sor.u32 $0x200, s0;
	s9 =	sor.u32 $0x400, s9;
	[tilespmem:s21+$0xFFFFFF70] =	vst v2;
	(pc) =	sbr.rel @!p1 .LBB2_2-.Ltmp2, $4  }
0xd1: {  	[spmem:s2] =	stream.indirect.scatter.add.f32 [tilespmem:s9], [sflag:$0x5], $0x80, s0, s25, $0xb8;
	[tilespmem:$0x1E400] =	vst v63  }
0xd2: {  	_ =	swait.ge [sflag:s19], $0x2800  }
0xd3: {  	[sflag:s19] =	ssyncset.done $0x0  }
0xd4: {  	p0 =	por !p0, !p0;
	s0 =	smov.u32 s1;
	[sflag:s19] =	ssyncadd.s32 $0xFFFFD800  }
0xd5: {  	_ =	swait.ge [sflag:s23], $0x50  }
0xd6: {  	[sflag:s23] =	ssyncset.done $0x0  }
0xd7: {  	[sflag:s23] =	ssyncadd.s32 $0xFFFFFFB0  }
0xd8: {  	_ =	swait.ge [sflag:s24], $0x50  }
0xd9: {  	[sflag:s24] =	ssyncset.done $0x0  }
0xda: {  	[sflag:s24] =	ssyncadd.s32 $0xFFFFFFB0  }
0xdb: {  	_ =	swait.ge [sflag:s29], $0x2800  }
0xdc: {  	[sflag:s29] =	ssyncset.done $0x0  }
0xdd: {  	[sflag:s29] =	ssyncadd.s32 $0xFFFFD800  }
0xde: {  	_ =	swait.ge [sflag:s30], $0x2800  }
0xdf: {  	s31 =	sadd.s32 $0x1, s31;
	[sflag:s30] =	ssyncset.done $0x0  }
0xe0: {  	p0 =	sne.s32 s31, s17;
	[sflag:s30] =	ssyncadd.s32 $0xFFFFD800  }
.Ltmp3:
0xe1: {  	[bflag:$0x0] =	sbarrier.arrive $0xFFFF;
	(pc) =	sbr.rel @p0 .LBB2_1-.Ltmp3, $4  }
0xe2: {  	[hbm:s16], [sflag:s10] =	dma.local [spmem:s18], $0x2800  }
0xe3: {  	_ =	swait.ge [sflag:s19], $0x2800  }
0xe4: {  	[sflag:s19] =	ssyncset.done $0x0  }
0xe5: {  	[sflag:s19] =	ssyncadd.s32 $0xFFFFD800  }
0xe6: {  	_ =	sfence.sel $0x180000  }
0xe7: {  	[bflag:$0x0] =	sbarrier.arrive $0xFFFF  }
0xe8: {  	_ =	strace $0x90000050  }
0xe9: {  	s0 =	stileid.u32;
	[bflag:$0x2] =	sbarrier.arrive $0xFFFF  }
0xea: {  	p0 =	sne.s32 s0, $0x0;
	s0 =	rddreg [dreg:$0x2]  }
0xeb: {  	s0 =	sadd.s32 @!p0 $0x100000, s0  }
0xec: {  	[sflag:s0] =	ssyncadd.tile.s32 @!p0 $0x1;
	_ =	shalt  }
.Lfunc_end2:
_tile_overlayer_lowered:
.L_overlay_start_2:
0xed: {  	(tag) =	ssettag $0x2  }
0xee: {  	s0 =	rddreg [dreg:$0x0];
	s2 =	stileid.u32  }
0xef: {  	s1 =	rddreg [dreg:$0x1];
	p0 =	sne.s32 s2, $0x0  }
0xf0: {  	s3 =	rddreg [dreg:$0x2];
	[bflag:$0x3] =	sbarrier.arrive $0xFFFF;
	s2 =	simm.s32 @!p0 $0x1C05  }
0xf1: {  	[timem:s3], [sflag:s2] =	dma.local @!p0 [hbm:s0], s1  }
0xf2: {  	s0 =	simm.s32 @!p0 $0x5  }
0xf3: {  	_ =	swait.ge @!p0 [sflag:s0], s1  }
0xf4: {  	s1 =	ssub.s32 @!p0 $0x0, s1;
	[sflag:s0] =	ssyncset.done @!p0 $0x0  }
0xf5: {  	[sflag:s0] =	ssyncadd.s32 @!p0 s1  }
0xf6: {  	[bflag:$0x3] =	sbarrier.arrive $0xFFFF  }
0xf7: {  	_ =	shalt  }

</sc_bundles>
